<compile_context>
chip_gen: v7x
topology: tpu7x:2x2x1
jax: 0.10.2.dev20260603
libtpu: 0.0.44.dev20260713+nightly
codegen_flags: <defaults>
</compile_context>

<pallas_src>
import jax
import jax.numpy as jnp
from jax import lax
from jax.experimental import pallas as pl
from jax.experimental.pallas import tpu as pltpu
from jax.experimental.pallas import tpu_sc as plsc

_S = 1000000
_N = 16384

_NC = 2
_NS = 16
_NW = _NC * _NS
_LANES = 16
_PW = _N // _NW
_GCH = 128
_NG = _PW // _GCH
_NSUB = _GCH // _LANES

_LN2_HI = 0.693359375
_LN2_LO = -2.12194440e-4
_LOG2PI = 1.8378770664093453
_SQRTHF = 0.70710678118654752440


def _poly_log(x):
  xi = plsc.bitcast(x, jnp.int32)
  e = (xi >> 23) - 126
  m = plsc.bitcast((xi & 0x007FFFFF) | 0x3F000000, jnp.float32)
  small = m < _SQRTHF
  e = jnp.where(small, e - 1, e)
  t = jnp.where(small, m + m, m) - 1.0
  z = t * t
  p = jnp.float32(7.0376836292e-2)
  p = p * t + jnp.float32(-1.1514610310e-1)
  p = p * t + jnp.float32(1.1676998740e-1)
  p = p * t + jnp.float32(-1.2420140846e-1)
  p = p * t + jnp.float32(1.4249322787e-1)
  p = p * t + jnp.float32(-1.6668057665e-1)
  p = p * t + jnp.float32(2.0000714765e-1)
  p = p * t + jnp.float32(-2.4999993993e-1)
  p = p * t + jnp.float32(3.3333331174e-1)
  ef = e.astype(jnp.float32)
  y = t * z * p
  y = y + ef * _LN2_LO
  y = y - 0.5 * z
  return t + y + ef * _LN2_HI


def _softplus(x):
  y = jnp.exp(-jnp.abs(x))
  return jnp.maximum(x, 0.0) + _poly_log(1.0 + y)


def _sc_mean_body(src_hbm, m0_hbm, m1_hbm, gm0_hbm, gm1_hbm,
                  idx_v, m0_v, m1_v, sem):
  wid = lax.axis_index("c") * _NS + lax.axis_index("s")
  grp = wid * _NG

  pltpu.sync_copy(src_hbm.at[pl.ds(grp, _NG)], idx_v)
  copies = []
  for g in range(_NG):
    idx_g = idx_v.at[g]
    copies.append(pltpu.async_copy(m0_hbm.at[idx_g], m0_v.at[g], sem))
    copies.append(pltpu.async_copy(m1_hbm.at[idx_g], m1_v.at[g], sem))
  for c in copies:
    c.wait()
  pltpu.sync_copy(m0_v, gm0_hbm.at[pl.ds(grp, _NG)])
  pltpu.sync_copy(m1_v, gm1_hbm.at[pl.ds(grp, _NG)])


def _sc_body(src_hbm, up_hbm, dn_hbm, gm0_hbm, gm1_hbm, a00_hbm, l10_hbm,
             a11_hbm, out_hbm,
             idx_v, m0_v, m1_v, a00_v, l10_v, a11_v, up_v, dn_v, out_v, sem,
             sem2):
  wid = lax.axis_index("c") * _NS + lax.axis_index("s")
  grp = wid * _NG

  pltpu.sync_copy(src_hbm.at[pl.ds(grp, _NG)], idx_v)
  ud_copies = [
      pltpu.async_copy(up_hbm.at[pl.ds(grp, _NG)], up_v, sem2),
      pltpu.async_copy(dn_hbm.at[pl.ds(grp, _NG)], dn_v, sem2),
      pltpu.async_copy(gm0_hbm.at[pl.ds(grp, _NG)], m0_v, sem2),
      pltpu.async_copy(gm1_hbm.at[pl.ds(grp, _NG)], m1_v, sem2),
  ]

  copies = []
  for g in range(_NG):
    idx_g = idx_v.at[g]
    copies.append((
        pltpu.async_copy(a00_hbm.at[idx_g], a00_v.at[g], sem.at[g]),
        pltpu.async_copy(l10_hbm.at[idx_g], l10_v.at[g], sem.at[g]),
        pltpu.async_copy(a11_hbm.at[idx_g], a11_v.at[g], sem.at[g]),
    ))
  for c in ud_copies:
    c.wait()

  for g in range(_NG):
    for c in copies[g]:
      c.wait()

    @pl.loop(0, _NSUB)
    def _(k, g=g):
      sl = pl.ds(k * _LANES, _LANES)
      m0 = m0_v[g, sl]
      m1 = m1_v[g, sl]
      a00 = a00_v[g, sl]
      l10 = l10_v[g, sl]
      a11 = a11_v[g, sl]
      u = up_v[g, sl]
      dn = dn_v[g, sl]

      l00 = _softplus(a00) + 1e-6
      l11 = _softplus(a11) + 1e-6
      z0 = (u - m0) / l00
      z1 = (dn - m1 - l10 * z0) / l11
      maha = z0 * z0 + z1 * z1
      logdet = _poly_log(l00 * l11)
      out_v[g, sl] = -0.5 * maha - _LOG2PI - logdet

  pltpu.sync_copy(out_v, out_hbm.at[pl.ds(grp, _NG)])


@jax.jit
def _gmm_logprob_sc(src2d, up2d, dn2d, m0t, m1t, a00t, l10t, a11t):
  mesh = plsc.VectorSubcoreMesh(core_axis_name="c", subcore_axis_name="s")
  cp = pltpu.CompilerParams(
      needs_layout_passes=False, use_tc_tiling_on_sc=False)
  shape2d = jax.ShapeDtypeStruct((_N // _GCH, _GCH), jnp.float32)
  kmean = pl.kernel(
      _sc_mean_body,
      out_type=(shape2d, shape2d),
      mesh=mesh,
      scratch_types=[
          pltpu.VMEM((_NG, _GCH), jnp.int32),
          pltpu.VMEM((_NG, _GCH), jnp.float32),
          pltpu.VMEM((_NG, _GCH), jnp.float32),
          pltpu.SemaphoreType.DMA,
      ],
      compiler_params=cp,
  )
  gm0, gm1 = kmean(src2d, m0t, m1t)
  kfn = pl.kernel(
      _sc_body,
      out_type=shape2d,
      mesh=mesh,
      scratch_types=[
          pltpu.VMEM((_NG, _GCH), jnp.int32),
          pltpu.VMEM((_NG, _GCH), jnp.float32),
          pltpu.VMEM((_NG, _GCH), jnp.float32),
          pltpu.VMEM((_NG, _GCH), jnp.float32),
          pltpu.VMEM((_NG, _GCH), jnp.float32),
          pltpu.VMEM((_NG, _GCH), jnp.float32),
          pltpu.VMEM((_NG, _GCH), jnp.float32),
          pltpu.VMEM((_NG, _GCH), jnp.float32),
          pltpu.VMEM((_NG, _GCH), jnp.float32),
          pltpu.SemaphoreType.DMA((_NG,)),
          pltpu.SemaphoreType.DMA,
      ],
      compiler_params=cp,
  )
  return kfn(src2d, up2d, dn2d, gm0, gm1, a00t, l10t, a11t)


def kernel(source, upstream, downstream, mean, raw_L):
  src2d = source.astype(jnp.int32).reshape(_N // _GCH, _GCH)
  up2d = upstream.reshape(_N // _GCH, _GCH)
  dn2d = downstream.reshape(_N // _GCH, _GCH)
  m0t = mean[:, 0]
  m1t = mean[:, 1]
  a00t = raw_L[:, 0, 0]
  l10t = raw_L[:, 1, 0]
  a11t = raw_L[:, 1, 1]
  out = _gmm_logprob_sc(src2d, up2d, dn2d, m0t, m1t, a00t, l10t, a11t)
  return out.reshape(_N)

# --- scband reference (transcript-rebuilt; emitter-appended) ---
"""Pipeline reference for scband-gmmmodel-20358144983234 (READ-ONLY COPY).

The authoritative reference and input builder live on the scoring server;
editing this copy changes nothing except your own understanding.
"""

import jax, jax.numpy as jnp
import numpy as np

S = 1000000
N = 16384


def setup_inputs(seed: int = 0) -> dict:
    key = jax.random.key(seed)
    k1, k2, k3, k4, k5 = jax.random.split(key, 5)
    source = jax.random.randint(k1, (N,), 0, S)
    upstream = jax.random.normal(k2, (N,), dtype=jnp.float32)
    downstream = jax.random.normal(k3, (N,), dtype=jnp.float32)
    # learned parameters per init_kwargs: mean (S, 2), raw_L (S, 2, 2)
    mean = 0.1 * jax.random.normal(k4, (S, 2), dtype=jnp.float32)
    raw_L = jnp.broadcast_to(jnp.eye(2, dtype=jnp.float32), (S, 2, 2)) + 0.01 * jax.random.normal(k5, (S, 2, 2), dtype=jnp.float32)
    return {"source": source, "upstream": upstream, "downstream": downstream, "mean": mean, "raw_L": raw_L}


def _scale_tril(raw_L):
    L = jnp.tril(raw_L)
    d0 = jax.nn.softplus(L[..., 0, 0]) + 1e-06
    d1 = jax.nn.softplus(L[..., 1, 1]) + 1e-06
    L = L.at[..., 0, 0].set(d0)
    L = L.at[..., 1, 1].set(d1)
    return L


def reference(source, upstream, downstream, mean, raw_L):
    # log_prob of 2D MVN with per-source mean and scale_tril (embedding-style gather)
    x = jnp.stack([upstream, downstream], axis=-1)  # (N, 2)
    m = jnp.take(mean, source, axis=0)  # (N, 2) gather from big table
    L_all = _scale_tril(raw_L)  # (S, 2, 2)
    L = jnp.take(L_all, source, axis=0)  # (N, 2, 2) gather
    d = x - m
    # solve L z = d for lower-triangular 2x2
    z0 = d[..., 0] / L[..., 0, 0]
    z1 = (d[..., 1] - L[..., 1, 0] * z0) / L[..., 1, 1]
    maha = z0 * z0 + z1 * z1
    logdet = jnp.log(L[..., 0, 0]) + jnp.log(L[..., 1, 1])
    # MVN log_prob, dim=2: -0.5*maha - (2/2)*log(2*pi) - log|L|
    return -0.5 * maha - jnp.log(2.0 * jnp.pi) - logdet

if __name__ == "__main__":
    import jax
    _d = setup_inputs()
    print(jax.jit(kernel)(*tuple(_d.values())))

</pallas_src>

<mosaic_0001>
#map = affine_map<(d0, d1) -> (0, 0)>
#map1 = affine_map<(d0, d1) -> (0)>
module attributes {stable_mosaic.version = 14 : i64} {
  func.func @_sc_body(%arg0: i32, %arg1: i32, %arg2: memref<128x128xi32, #tpu.memory_space<hbm>>, %arg3: memref<128x128xf32, #tpu.memory_space<hbm>>, %arg4: memref<128x128xf32, #tpu.memory_space<hbm>>, %arg5: memref<128x128xf32, #tpu.memory_space<hbm>>, %arg6: memref<128x128xf32, #tpu.memory_space<hbm>>, %arg7: memref<1000000xf32, #tpu.memory_space<hbm>>, %arg8: memref<1000000xf32, #tpu.memory_space<hbm>>, %arg9: memref<1000000xf32, #tpu.memory_space<hbm>>, %arg10: memref<128x128xf32, #tpu.memory_space<hbm>>, %arg11: memref<4x128xi32, #tpu.memory_space<vmem>>, %arg12: memref<4x128xf32, #tpu.memory_space<vmem>>, %arg13: memref<4x128xf32, #tpu.memory_space<vmem>>, %arg14: memref<4x128xf32, #tpu.memory_space<vmem>>, %arg15: memref<4x128xf32, #tpu.memory_space<vmem>>, %arg16: memref<4x128xf32, #tpu.memory_space<vmem>>, %arg17: memref<4x128xf32, #tpu.memory_space<vmem>>, %arg18: memref<4x128xf32, #tpu.memory_space<vmem>>, %arg19: memref<4x128xf32, #tpu.memory_space<vmem>>, %arg20: memref<4x!tpu.dma_semaphore, #tpu.memory_space<semaphore_mem>>, %arg21: memref<!tpu.dma_semaphore, #tpu.memory_space<semaphore_mem>>) attributes {dimension_semantics = [#tpu.dimension_semantics<core_parallel>, #tpu.dimension_semantics<subcore_parallel>], iteration_bounds = array<i64: 2, 16>, scalar_prefetch = 0 : i64, scratch_operands = 11 : i64, tpu.core_type = #tpu.core_type<sc_vector_subcore>, window_params = [{transform_indices = #map}, {transform_indices = #map}, {transform_indices = #map}, {transform_indices = #map}, {transform_indices = #map}, {transform_indices = #map1}, {transform_indices = #map1}, {transform_indices = #map1}, {transform_indices = #map}]} {
    %mul3A = arith.constant 16 : i32
    %mul3A_0 = arith.muli %arg0, %mul3A : i32
    %add3A = arith.addi %mul3A_0, %arg1 : i32
    %mul3A_1 = arith.constant 4 : i32
    %mul3A_2 = arith.muli %add3A, %mul3A_1 : i32
    "tpu.region"() ({
      %run_scoped3A = tpu.sem_alloc : memref<!tpu.dma_semaphore, #tpu.memory_space<semaphore_mem>>
      %dma_start3A_364 = arith.constant 0 : i32
      %dma_start3A_365 = tpu.memref_slice %arg2[%mul3A_2, %dma_start3A_364] : memref<128x128xi32, #tpu.memory_space<hbm>> -> memref<4x128xi32, #tpu.memory_space<hbm>>
      %dma_start3A_366 = arith.constant 0 : i32
      %dma_start3A_367 = tpu.memref_slice %arg2[%mul3A_2, %dma_start3A_366] : memref<128x128xi32, #tpu.memory_space<hbm>> -> memref<4x128xi32, #tpu.memory_space<hbm>>
      tpu.enqueue_dma source(%dma_start3A_367 : memref<4x128xi32, #tpu.memory_space<hbm>>) target(%arg11 : memref<4x128xi32, #tpu.memory_space<vmem>>) target_semaphore(%run_scoped3A : memref<!tpu.dma_semaphore, #tpu.memory_space<semaphore_mem>>)
      %dma_wait3A_368 = arith.constant 0 : i32
      %dma_wait3A_369 = tpu.memref_slice %arg2[%mul3A_2, %dma_wait3A_368] : memref<128x128xi32, #tpu.memory_space<hbm>> -> memref<4x128xi32, #tpu.memory_space<hbm>>
      %dma_wait3A_370 = arith.constant 0 : i32
      %dma_wait3A_371 = tpu.memref_slice %arg2[%mul3A_2, %dma_wait3A_370] : memref<128x128xi32, #tpu.memory_space<hbm>> -> memref<4x128xi32, #tpu.memory_space<hbm>>
      tpu.wait_dma2 semaphore(%run_scoped3A : memref<!tpu.dma_semaphore, #tpu.memory_space<semaphore_mem>>) src(%dma_wait3A_371 : memref<4x128xi32, #tpu.memory_space<hbm>>) dst(%arg11 : memref<4x128xi32, #tpu.memory_space<vmem>>)
      tpu.yield
    }) : () -> ()
    %dma_start3A = arith.constant 0 : i32
    %dma_start3A_3 = tpu.memref_slice %arg3[%mul3A_2, %dma_start3A] : memref<128x128xf32, #tpu.memory_space<hbm>> -> memref<4x128xf32, #tpu.memory_space<hbm>>
    %dma_start3A_4 = arith.constant 0 : i32
    %dma_start3A_5 = tpu.memref_slice %arg3[%mul3A_2, %dma_start3A_4] : memref<128x128xf32, #tpu.memory_space<hbm>> -> memref<4x128xf32, #tpu.memory_space<hbm>>
    tpu.enqueue_dma source(%dma_start3A_5 : memref<4x128xf32, #tpu.memory_space<hbm>>) target(%arg17 : memref<4x128xf32, #tpu.memory_space<vmem>>) target_semaphore(%arg21 : memref<!tpu.dma_semaphore, #tpu.memory_space<semaphore_mem>>)
    %dma_start3A_6 = arith.constant 0 : i32
    %dma_start3A_7 = tpu.memref_slice %arg4[%mul3A_2, %dma_start3A_6] : memref<128x128xf32, #tpu.memory_space<hbm>> -> memref<4x128xf32, #tpu.memory_space<hbm>>
    %dma_start3A_8 = arith.constant 0 : i32
    %dma_start3A_9 = tpu.memref_slice %arg4[%mul3A_2, %dma_start3A_8] : memref<128x128xf32, #tpu.memory_space<hbm>> -> memref<4x128xf32, #tpu.memory_space<hbm>>
    tpu.enqueue_dma source(%dma_start3A_9 : memref<4x128xf32, #tpu.memory_space<hbm>>) target(%arg18 : memref<4x128xf32, #tpu.memory_space<vmem>>) target_semaphore(%arg21 : memref<!tpu.dma_semaphore, #tpu.memory_space<semaphore_mem>>)
    %dma_start3A_10 = arith.constant 0 : i32
    %dma_start3A_11 = tpu.memref_slice %arg5[%mul3A_2, %dma_start3A_10] : memref<128x128xf32, #tpu.memory_space<hbm>> -> memref<4x128xf32, #tpu.memory_space<hbm>>
    %dma_start3A_12 = arith.constant 0 : i32
    %dma_start3A_13 = tpu.memref_slice %arg5[%mul3A_2, %dma_start3A_12] : memref<128x128xf32, #tpu.memory_space<hbm>> -> memref<4x128xf32, #tpu.memory_space<hbm>>
    tpu.enqueue_dma source(%dma_start3A_13 : memref<4x128xf32, #tpu.memory_space<hbm>>) target(%arg12 : memref<4x128xf32, #tpu.memory_space<vmem>>) target_semaphore(%arg21 : memref<!tpu.dma_semaphore, #tpu.memory_space<semaphore_mem>>)
    %dma_start3A_14 = arith.constant 0 : i32
    %dma_start3A_15 = tpu.memref_slice %arg6[%mul3A_2, %dma_start3A_14] : memref<128x128xf32, #tpu.memory_space<hbm>> -> memref<4x128xf32, #tpu.memory_space<hbm>>
    %dma_start3A_16 = arith.constant 0 : i32
    %dma_start3A_17 = tpu.memref_slice %arg6[%mul3A_2, %dma_start3A_16] : memref<128x128xf32, #tpu.memory_space<hbm>> -> memref<4x128xf32, #tpu.memory_space<hbm>>
    tpu.enqueue_dma source(%dma_start3A_17 : memref<4x128xf32, #tpu.memory_space<hbm>>) target(%arg13 : memref<4x128xf32, #tpu.memory_space<vmem>>) target_semaphore(%arg21 : memref<!tpu.dma_semaphore, #tpu.memory_space<semaphore_mem>>)
    %dma_start3A_18 = arith.constant 0 : i32
    %dma_start3A_19 = arith.constant 0 : i32
    %dma_start3A_20 = arith.constant 0 : i32
    %dma_start3A_21 = arith.constant 0 : i32
    %dma_start3A_22 = tpu.memref_slice %arg14[%dma_start3A_19, %dma_start3A_21] : memref<4x128xf32, #tpu.memory_space<vmem>> -> memref<1x128xf32, #tpu.memory_space<vmem>>
    %dma_start3A_23 = tpu.memref_squeeze %dma_start3A_22 : memref<1x128xf32, #tpu.memory_space<vmem>> -> memref<128xf32, #tpu.memory_space<vmem>>
    %dma_start3A_24 = arith.constant 0 : i32
    %dma_start3A_25 = tpu.memref_slice %arg11[%dma_start3A_18, %dma_start3A_24] : memref<4x128xi32, #tpu.memory_space<vmem>> -> memref<1x128xi32, #tpu.memory_space<vmem>>
    %dma_start3A_26 = tpu.memref_squeeze %dma_start3A_25 : memref<1x128xi32, #tpu.memory_space<vmem>> -> memref<128xi32, #tpu.memory_space<vmem>>
    %dma_start3A_27 = arith.constant 0 : i32
    %dma_start3A_28 = tpu.memref_slice %arg7[%dma_start3A_27] : memref<1000000xf32, #tpu.memory_space<hbm>> -> memref<1000000xf32, #tpu.memory_space<hbm>>
    %dma_start3A_29 = tpu.memref_slice %arg20[%dma_start3A_20] : memref<4x!tpu.dma_semaphore, #tpu.memory_space<semaphore_mem>> -> memref<1x!tpu.dma_semaphore, #tpu.memory_space<semaphore_mem>>
    %dma_start3A_30 = tpu.memref_squeeze %dma_start3A_29 : memref<1x!tpu.dma_semaphore, #tpu.memory_space<semaphore_mem>> -> memref<!tpu.dma_semaphore, #tpu.memory_space<semaphore_mem>>
    tpu.enqueue_indirect_dma source(%dma_start3A_28 : memref<1000000xf32, #tpu.memory_space<hbm>>) target(%dma_start3A_23 : memref<128xf32, #tpu.memory_space<vmem>>) offsets(%dma_start3A_26 : memref<128xi32, #tpu.memory_space<vmem>>) semaphore(%dma_start3A_30 : memref<!tpu.dma_semaphore, #tpu.memory_space<semaphore_mem>>)
    %dma_start3A_31 = arith.constant 0 : i32
    %dma_start3A_32 = arith.constant 0 : i32
    %dma_start3A_33 = arith.constant 0 : i32
    %dma_start3A_34 = arith.constant 0 : i32
    %dma_start3A_35 = tpu.memref_slice %arg15[%dma_start3A_32, %dma_start3A_34] : memref<4x128xf32, #tpu.memory_space<vmem>> -> memref<1x128xf32, #tpu.memory_space<vmem>>
    %dma_start3A_36 = tpu.memref_squeeze %dma_start3A_35 : memref<1x128xf32, #tpu.memory_space<vmem>> -> memref<128xf32, #tpu.memory_space<vmem>>
    %dma_start3A_37 = arith.constant 0 : i32
    %dma_start3A_38 = tpu.memref_slice %arg11[%dma_start3A_31, %dma_start3A_37] : memref<4x128xi32, #tpu.memory_space<vmem>> -> memref<1x128xi32, #tpu.memory_space<vmem>>
    %dma_start3A_39 = tpu.memref_squeeze %dma_start3A_38 : memref<1x128xi32, #tpu.memory_space<vmem>> -> memref<128xi32, #tpu.memory_space<vmem>>
    %dma_start3A_40 = arith.constant 0 : i32
    %dma_start3A_41 = tpu.memref_slice %arg8[%dma_start3A_40] : memref<1000000xf32, #tpu.memory_space<hbm>> -> memref<1000000xf32, #tpu.memory_space<hbm>>
    %dma_start3A_42 = tpu.memref_slice %arg20[%dma_start3A_33] : memref<4x!tpu.dma_semaphore, #tpu.memory_space<semaphore_mem>> -> memref<1x!tpu.dma_semaphore, #tpu.memory_space<semaphore_mem>>
    %dma_start3A_43 = tpu.memref_squeeze %dma_start3A_42 : memref<1x!tpu.dma_semaphore, #tpu.memory_space<semaphore_mem>> -> memref<!tpu.dma_semaphore, #tpu.memory_space<semaphore_mem>>
    tpu.enqueue_indirect_dma source(%dma_start3A_41 : memref<1000000xf32, #tpu.memory_space<hbm>>) target(%dma_start3A_36 : memref<128xf32, #tpu.memory_space<vmem>>) offsets(%dma_start3A_39 : memref<128xi32, #tpu.memory_space<vmem>>) semaphore(%dma_start3A_43 : memref<!tpu.dma_semaphore, #tpu.memory_space<semaphore_mem>>)
    %dma_start3A_44 = arith.constant 0 : i32
    %dma_start3A_45 = arith.constant 0 : i32
    %dma_start3A_46 = arith.constant 0 : i32
    %dma_start3A_47 = arith.constant 0 : i32
    %dma_start3A_48 = tpu.memref_slice %arg16[%dma_start3A_45, %dma_start3A_47] : memref<4x128xf32, #tpu.memory_space<vmem>> -> memref<1x128xf32, #tpu.memory_space<vmem>>
    %dma_start3A_49 = tpu.memref_squeeze %dma_start3A_48 : memref<1x128xf32, #tpu.memory_space<vmem>> -> memref<128xf32, #tpu.memory_space<vmem>>
    %dma_start3A_50 = arith.constant 0 : i32
    %dma_start3A_51 = tpu.memref_slice %arg11[%dma_start3A_44, %dma_start3A_50] : memref<4x128xi32, #tpu.memory_space<vmem>> -> memref<1x128xi32, #tpu.memory_space<vmem>>
    %dma_start3A_52 = tpu.memref_squeeze %dma_start3A_51 : memref<1x128xi32, #tpu.memory_space<vmem>> -> memref<128xi32, #tpu.memory_space<vmem>>
    %dma_start3A_53 = arith.constant 0 : i32
    %dma_start3A_54 = tpu.memref_slice %arg9[%dma_start3A_53] : memref<1000000xf32, #tpu.memory_space<hbm>> -> memref<1000000xf32, #tpu.memory_space<hbm>>
    %dma_start3A_55 = tpu.memref_slice %arg20[%dma_start3A_46] : memref<4x!tpu.dma_semaphore, #tpu.memory_space<semaphore_mem>> -> memref<1x!tpu.dma_semaphore, #tpu.memory_space<semaphore_mem>>
    %dma_start3A_56 = tpu.memref_squeeze %dma_start3A_55 : memref<1x!tpu.dma_semaphore, #tpu.memory_space<semaphore_mem>> -> memref<!tpu.dma_semaphore, #tpu.memory_space<semaphore_mem>>
    tpu.enqueue_indirect_dma source(%dma_start3A_54 : memref<1000000xf32, #tpu.memory_space<hbm>>) target(%dma_start3A_49 : memref<128xf32, #tpu.memory_space<vmem>>) offsets(%dma_start3A_52 : memref<128xi32, #tpu.memory_space<vmem>>) semaphore(%dma_start3A_56 : memref<!tpu.dma_semaphore, #tpu.memory_space<semaphore_mem>>)
    %dma_start3A_57 = arith.constant 1 : i32
    %dma_start3A_58 = arith.constant 1 : i32
    %dma_start3A_59 = arith.constant 1 : i32
    %dma_start3A_60 = arith.constant 0 : i32
    %dma_start3A_61 = tpu.memref_slice %arg14[%dma_start3A_58, %dma_start3A_60] : memref<4x128xf32, #tpu.memory_space<vmem>> -> memref<1x128xf32, #tpu.memory_space<vmem>>
    %dma_start3A_62 = tpu.memref_squeeze %dma_start3A_61 : memref<1x128xf32, #tpu.memory_space<vmem>> -> memref<128xf32, #tpu.memory_space<vmem>>
    %dma_start3A_63 = arith.constant 0 : i32
    %dma_start3A_64 = tpu.memref_slice %arg11[%dma_start3A_57, %dma_start3A_63] : memref<4x128xi32, #tpu.memory_space<vmem>> -> memref<1x128xi32, #tpu.memory_space<vmem>>
    %dma_start3A_65 = tpu.memref_squeeze %dma_start3A_64 : memref<1x128xi32, #tpu.memory_space<vmem>> -> memref<128xi32, #tpu.memory_space<vmem>>
    %dma_start3A_66 = arith.constant 0 : i32
    %dma_start3A_67 = tpu.memref_slice %arg7[%dma_start3A_66] : memref<1000000xf32, #tpu.memory_space<hbm>> -> memref<1000000xf32, #tpu.memory_space<hbm>>
    %dma_start3A_68 = tpu.memref_slice %arg20[%dma_start3A_59] : memref<4x!tpu.dma_semaphore, #tpu.memory_space<semaphore_mem>> -> memref<1x!tpu.dma_semaphore, #tpu.memory_space<semaphore_mem>>
    %dma_start3A_69 = tpu.memref_squeeze %dma_start3A_68 : memref<1x!tpu.dma_semaphore, #tpu.memory_space<semaphore_mem>> -> memref<!tpu.dma_semaphore, #tpu.memory_space<semaphore_mem>>
    tpu.enqueue_indirect_dma source(%dma_start3A_67 : memref<1000000xf32, #tpu.memory_space<hbm>>) target(%dma_start3A_62 : memref<128xf32, #tpu.memory_space<vmem>>) offsets(%dma_start3A_65 : memref<128xi32, #tpu.memory_space<vmem>>) semaphore(%dma_start3A_69 : memref<!tpu.dma_semaphore, #tpu.memory_space<semaphore_mem>>)
    %dma_start3A_70 = arith.constant 1 : i32
    %dma_start3A_71 = arith.constant 1 : i32
    %dma_start3A_72 = arith.constant 1 : i32
    %dma_start3A_73 = arith.constant 0 : i32
    %dma_start3A_74 = tpu.memref_slice %arg15[%dma_start3A_71, %dma_start3A_73] : memref<4x128xf32, #tpu.memory_space<vmem>> -> memref<1x128xf32, #tpu.memory_space<vmem>>
    %dma_start3A_75 = tpu.memref_squeeze %dma_start3A_74 : memref<1x128xf32, #tpu.memory_space<vmem>> -> memref<128xf32, #tpu.memory_space<vmem>>
    %dma_start3A_76 = arith.constant 0 : i32
    %dma_start3A_77 = tpu.memref_slice %arg11[%dma_start3A_70, %dma_start3A_76] : memref<4x128xi32, #tpu.memory_space<vmem>> -> memref<1x128xi32, #tpu.memory_space<vmem>>
    %dma_start3A_78 = tpu.memref_squeeze %dma_start3A_77 : memref<1x128xi32, #tpu.memory_space<vmem>> -> memref<128xi32, #tpu.memory_space<vmem>>
    %dma_start3A_79 = arith.constant 0 : i32
    %dma_start3A_80 = tpu.memref_slice %arg8[%dma_start3A_79] : memref<1000000xf32, #tpu.memory_space<hbm>> -> memref<1000000xf32, #tpu.memory_space<hbm>>
    %dma_start3A_81 = tpu.memref_slice %arg20[%dma_start3A_72] : memref<4x!tpu.dma_semaphore, #tpu.memory_space<semaphore_mem>> -> memref<1x!tpu.dma_semaphore, #tpu.memory_space<semaphore_mem>>
    %dma_start3A_82 = tpu.memref_squeeze %dma_start3A_81 : memref<1x!tpu.dma_semaphore, #tpu.memory_space<semaphore_mem>> -> memref<!tpu.dma_semaphore, #tpu.memory_space<semaphore_mem>>
    tpu.enqueue_indirect_dma source(%dma_start3A_80 : memref<1000000xf32, #tpu.memory_space<hbm>>) target(%dma_start3A_75 : memref<128xf32, #tpu.memory_space<vmem>>) offsets(%dma_start3A_78 : memref<128xi32, #tpu.memory_space<vmem>>) semaphore(%dma_start3A_82 : memref<!tpu.dma_semaphore, #tpu.memory_space<semaphore_mem>>)
    %dma_start3A_83 = arith.constant 1 : i32
    %dma_start3A_84 = arith.constant 1 : i32
    %dma_start3A_85 = arith.constant 1 : i32
    %dma_start3A_86 = arith.constant 0 : i32
    %dma_start3A_87 = tpu.memref_slice %arg16[%dma_start3A_84, %dma_start3A_86] : memref<4x128xf32, #tpu.memory_space<vmem>> -> memref<1x128xf32, #tpu.memory_space<vmem>>
    %dma_start3A_88 = tpu.memref_squeeze %dma_start3A_87 : memref<1x128xf32, #tpu.memory_space<vmem>> -> memref<128xf32, #tpu.memory_space<vmem>>
    %dma_start3A_89 = arith.constant 0 : i32
    %dma_start3A_90 = tpu.memref_slice %arg11[%dma_start3A_83, %dma_start3A_89] : memref<4x128xi32, #tpu.memory_space<vmem>> -> memref<1x128xi32, #tpu.memory_space<vmem>>
    %dma_start3A_91 = tpu.memref_squeeze %dma_start3A_90 : memref<1x128xi32, #tpu.memory_space<vmem>> -> memref<128xi32, #tpu.memory_space<vmem>>
    %dma_start3A_92 = arith.constant 0 : i32
    %dma_start3A_93 = tpu.memref_slice %arg9[%dma_start3A_92] : memref<1000000xf32, #tpu.memory_space<hbm>> -> memref<1000000xf32, #tpu.memory_space<hbm>>
    %dma_start3A_94 = tpu.memref_slice %arg20[%dma_start3A_85] : memref<4x!tpu.dma_semaphore, #tpu.memory_space<semaphore_mem>> -> memref<1x!tpu.dma_semaphore, #tpu.memory_space<semaphore_mem>>
    %dma_start3A_95 = tpu.memref_squeeze %dma_start3A_94 : memref<1x!tpu.dma_semaphore, #tpu.memory_space<semaphore_mem>> -> memref<!tpu.dma_semaphore, #tpu.memory_space<semaphore_mem>>
    tpu.enqueue_indirect_dma source(%dma_start3A_93 : memref<1000000xf32, #tpu.memory_space<hbm>>) target(%dma_start3A_88 : memref<128xf32, #tpu.memory_space<vmem>>) offsets(%dma_start3A_91 : memref<128xi32, #tpu.memory_space<vmem>>) semaphore(%dma_start3A_95 : memref<!tpu.dma_semaphore, #tpu.memory_space<semaphore_mem>>)
    %dma_start3A_96 = arith.constant 2 : i32
    %dma_start3A_97 = arith.constant 2 : i32
    %dma_start3A_98 = arith.constant 2 : i32
    %dma_start3A_99 = arith.constant 0 : i32
    %dma_start3A_100 = tpu.memref_slice %arg14[%dma_start3A_97, %dma_start3A_99] : memref<4x128xf32, #tpu.memory_space<vmem>> -> memref<1x128xf32, #tpu.memory_space<vmem>>
    %dma_start3A_101 = tpu.memref_squeeze %dma_start3A_100 : memref<1x128xf32, #tpu.memory_space<vmem>> -> memref<128xf32, #tpu.memory_space<vmem>>
    %dma_start3A_102 = arith.constant 0 : i32
    %dma_start3A_103 = tpu.memref_slice %arg11[%dma_start3A_96, %dma_start3A_102] : memref<4x128xi32, #tpu.memory_space<vmem>> -> memref<1x128xi32, #tpu.memory_space<vmem>>
    %dma_start3A_104 = tpu.memref_squeeze %dma_start3A_103 : memref<1x128xi32, #tpu.memory_space<vmem>> -> memref<128xi32, #tpu.memory_space<vmem>>
    %dma_start3A_105 = arith.constant 0 : i32
    %dma_start3A_106 = tpu.memref_slice %arg7[%dma_start3A_105] : memref<1000000xf32, #tpu.memory_space<hbm>> -> memref<1000000xf32, #tpu.memory_space<hbm>>
    %dma_start3A_107 = tpu.memref_slice %arg20[%dma_start3A_98] : memref<4x!tpu.dma_semaphore, #tpu.memory_space<semaphore_mem>> -> memref<1x!tpu.dma_semaphore, #tpu.memory_space<semaphore_mem>>
    %dma_start3A_108 = tpu.memref_squeeze %dma_start3A_107 : memref<1x!tpu.dma_semaphore, #tpu.memory_space<semaphore_mem>> -> memref<!tpu.dma_semaphore, #tpu.memory_space<semaphore_mem>>
    tpu.enqueue_indirect_dma source(%dma_start3A_106 : memref<1000000xf32, #tpu.memory_space<hbm>>) target(%dma_start3A_101 : memref<128xf32, #tpu.memory_space<vmem>>) offsets(%dma_start3A_104 : memref<128xi32, #tpu.memory_space<vmem>>) semaphore(%dma_start3A_108 : memref<!tpu.dma_semaphore, #tpu.memory_space<semaphore_mem>>)
    %dma_start3A_109 = arith.constant 2 : i32
    %dma_start3A_110 = arith.constant 2 : i32
    %dma_start3A_111 = arith.constant 2 : i32
    %dma_start3A_112 = arith.constant 0 : i32
    %dma_start3A_113 = tpu.memref_slice %arg15[%dma_start3A_110, %dma_start3A_112] : memref<4x128xf32, #tpu.memory_space<vmem>> -> memref<1x128xf32, #tpu.memory_space<vmem>>
    %dma_start3A_114 = tpu.memref_squeeze %dma_start3A_113 : memref<1x128xf32, #tpu.memory_space<vmem>> -> memref<128xf32, #tpu.memory_space<vmem>>
    %dma_start3A_115 = arith.constant 0 : i32
    %dma_start3A_116 = tpu.memref_slice %arg11[%dma_start3A_109, %dma_start3A_115] : memref<4x128xi32, #tpu.memory_space<vmem>> -> memref<1x128xi32, #tpu.memory_space<vmem>>
    %dma_start3A_117 = tpu.memref_squeeze %dma_start3A_116 : memref<1x128xi32, #tpu.memory_space<vmem>> -> memref<128xi32, #tpu.memory_space<vmem>>
    %dma_start3A_118 = arith.constant 0 : i32
    %dma_start3A_119 = tpu.memref_slice %arg8[%dma_start3A_118] : memref<1000000xf32, #tpu.memory_space<hbm>> -> memref<1000000xf32, #tpu.memory_space<hbm>>
    %dma_start3A_120 = tpu.memref_slice %arg20[%dma_start3A_111] : memref<4x!tpu.dma_semaphore, #tpu.memory_space<semaphore_mem>> -> memref<1x!tpu.dma_semaphore, #tpu.memory_space<semaphore_mem>>
    %dma_start3A_121 = tpu.memref_squeeze %dma_start3A_120 : memref<1x!tpu.dma_semaphore, #tpu.memory_space<semaphore_mem>> -> memref<!tpu.dma_semaphore, #tpu.memory_space<semaphore_mem>>
    tpu.enqueue_indirect_dma source(%dma_start3A_119 : memref<1000000xf32, #tpu.memory_space<hbm>>) target(%dma_start3A_114 : memref<128xf32, #tpu.memory_space<vmem>>) offsets(%dma_start3A_117 : memref<128xi32, #tpu.memory_space<vmem>>) semaphore(%dma_start3A_121 : memref<!tpu.dma_semaphore, #tpu.memory_space<semaphore_mem>>)
    %dma_start3A_122 = arith.constant 2 : i32
    %dma_start3A_123 = arith.constant 2 : i32
    %dma_start3A_124 = arith.constant 2 : i32
    %dma_start3A_125 = arith.constant 0 : i32
    %dma_start3A_126 = tpu.memref_slice %arg16[%dma_start3A_123, %dma_start3A_125] : memref<4x128xf32, #tpu.memory_space<vmem>> -> memref<1x128xf32, #tpu.memory_space<vmem>>
    %dma_start3A_127 = tpu.memref_squeeze %dma_start3A_126 : memref<1x128xf32, #tpu.memory_space<vmem>> -> memref<128xf32, #tpu.memory_space<vmem>>
    %dma_start3A_128 = arith.constant 0 : i32
    %dma_start3A_129 = tpu.memref_slice %arg11[%dma_start3A_122, %dma_start3A_128] : memref<4x128xi32, #tpu.memory_space<vmem>> -> memref<1x128xi32, #tpu.memory_space<vmem>>
    %dma_start3A_130 = tpu.memref_squeeze %dma_start3A_129 : memref<1x128xi32, #tpu.memory_space<vmem>> -> memref<128xi32, #tpu.memory_space<vmem>>
    %dma_start3A_131 = arith.constant 0 : i32
    %dma_start3A_132 = tpu.memref_slice %arg9[%dma_start3A_131] : memref<1000000xf32, #tpu.memory_space<hbm>> -> memref<1000000xf32, #tpu.memory_space<hbm>>
    %dma_start3A_133 = tpu.memref_slice %arg20[%dma_start3A_124] : memref<4x!tpu.dma_semaphore, #tpu.memory_space<semaphore_mem>> -> memref<1x!tpu.dma_semaphore, #tpu.memory_space<semaphore_mem>>
    %dma_start3A_134 = tpu.memref_squeeze %dma_start3A_133 : memref<1x!tpu.dma_semaphore, #tpu.memory_space<semaphore_mem>> -> memref<!tpu.dma_semaphore, #tpu.memory_space<semaphore_mem>>
    tpu.enqueue_indirect_dma source(%dma_start3A_132 : memref<1000000xf32, #tpu.memory_space<hbm>>) target(%dma_start3A_127 : memref<128xf32, #tpu.memory_space<vmem>>) offsets(%dma_start3A_130 : memref<128xi32, #tpu.memory_space<vmem>>) semaphore(%dma_start3A_134 : memref<!tpu.dma_semaphore, #tpu.memory_space<semaphore_mem>>)
    %dma_start3A_135 = arith.constant 3 : i32
    %dma_start3A_136 = arith.constant 3 : i32
    %dma_start3A_137 = arith.constant 3 : i32
    %dma_start3A_138 = arith.constant 0 : i32
    %dma_start3A_139 = tpu.memref_slice %arg14[%dma_start3A_136, %dma_start3A_138] : memref<4x128xf32, #tpu.memory_space<vmem>> -> memref<1x128xf32, #tpu.memory_space<vmem>>
    %dma_start3A_140 = tpu.memref_squeeze %dma_start3A_139 : memref<1x128xf32, #tpu.memory_space<vmem>> -> memref<128xf32, #tpu.memory_space<vmem>>
    %dma_start3A_141 = arith.constant 0 : i32
    %dma_start3A_142 = tpu.memref_slice %arg11[%dma_start3A_135, %dma_start3A_141] : memref<4x128xi32, #tpu.memory_space<vmem>> -> memref<1x128xi32, #tpu.memory_space<vmem>>
    %dma_start3A_143 = tpu.memref_squeeze %dma_start3A_142 : memref<1x128xi32, #tpu.memory_space<vmem>> -> memref<128xi32, #tpu.memory_space<vmem>>
    %dma_start3A_144 = arith.constant 0 : i32
    %dma_start3A_145 = tpu.memref_slice %arg7[%dma_start3A_144] : memref<1000000xf32, #tpu.memory_space<hbm>> -> memref<1000000xf32, #tpu.memory_space<hbm>>
    %dma_start3A_146 = tpu.memref_slice %arg20[%dma_start3A_137] : memref<4x!tpu.dma_semaphore, #tpu.memory_space<semaphore_mem>> -> memref<1x!tpu.dma_semaphore, #tpu.memory_space<semaphore_mem>>
    %dma_start3A_147 = tpu.memref_squeeze %dma_start3A_146 : memref<1x!tpu.dma_semaphore, #tpu.memory_space<semaphore_mem>> -> memref<!tpu.dma_semaphore, #tpu.memory_space<semaphore_mem>>
    tpu.enqueue_indirect_dma source(%dma_start3A_145 : memref<1000000xf32, #tpu.memory_space<hbm>>) target(%dma_start3A_140 : memref<128xf32, #tpu.memory_space<vmem>>) offsets(%dma_start3A_143 : memref<128xi32, #tpu.memory_space<vmem>>) semaphore(%dma_start3A_147 : memref<!tpu.dma_semaphore, #tpu.memory_space<semaphore_mem>>)
    %dma_start3A_148 = arith.constant 3 : i32
    %dma_start3A_149 = arith.constant 3 : i32
    %dma_start3A_150 = arith.constant 3 : i32
    %dma_start3A_151 = arith.constant 0 : i32
    %dma_start3A_152 = tpu.memref_slice %arg15[%dma_start3A_149, %dma_start3A_151] : memref<4x128xf32, #tpu.memory_space<vmem>> -> memref<1x128xf32, #tpu.memory_space<vmem>>
    %dma_start3A_153 = tpu.memref_squeeze %dma_start3A_152 : memref<1x128xf32, #tpu.memory_space<vmem>> -> memref<128xf32, #tpu.memory_space<vmem>>
    %dma_start3A_154 = arith.constant 0 : i32
    %dma_start3A_155 = tpu.memref_slice %arg11[%dma_start3A_148, %dma_start3A_154] : memref<4x128xi32, #tpu.memory_space<vmem>> -> memref<1x128xi32, #tpu.memory_space<vmem>>
    %dma_start3A_156 = tpu.memref_squeeze %dma_start3A_155 : memref<1x128xi32, #tpu.memory_space<vmem>> -> memref<128xi32, #tpu.memory_space<vmem>>
    %dma_start3A_157 = arith.constant 0 : i32
    %dma_start3A_158 = tpu.memref_slice %arg8[%dma_start3A_157] : memref<1000000xf32, #tpu.memory_space<hbm>> -> memref<1000000xf32, #tpu.memory_space<hbm>>
    %dma_start3A_159 = tpu.memref_slice %arg20[%dma_start3A_150] : memref<4x!tpu.dma_semaphore, #tpu.memory_space<semaphore_mem>> -> memref<1x!tpu.dma_semaphore, #tpu.memory_space<semaphore_mem>>
    %dma_start3A_160 = tpu.memref_squeeze %dma_start3A_159 : memref<1x!tpu.dma_semaphore, #tpu.memory_space<semaphore_mem>> -> memref<!tpu.dma_semaphore, #tpu.memory_space<semaphore_mem>>
    tpu.enqueue_indirect_dma source(%dma_start3A_158 : memref<1000000xf32, #tpu.memory_space<hbm>>) target(%dma_start3A_153 : memref<128xf32, #tpu.memory_space<vmem>>) offsets(%dma_start3A_156 : memref<128xi32, #tpu.memory_space<vmem>>) semaphore(%dma_start3A_160 : memref<!tpu.dma_semaphore, #tpu.memory_space<semaphore_mem>>)
    %dma_start3A_161 = arith.constant 3 : i32
    %dma_start3A_162 = arith.constant 3 : i32
    %dma_start3A_163 = arith.constant 3 : i32
    %dma_start3A_164 = arith.constant 0 : i32
    %dma_start3A_165 = tpu.memref_slice %arg16[%dma_start3A_162, %dma_start3A_164] : memref<4x128xf32, #tpu.memory_space<vmem>> -> memref<1x128xf32, #tpu.memory_space<vmem>>
    %dma_start3A_166 = tpu.memref_squeeze %dma_start3A_165 : memref<1x128xf32, #tpu.memory_space<vmem>> -> memref<128xf32, #tpu.memory_space<vmem>>
    %dma_start3A_167 = arith.constant 0 : i32
    %dma_start3A_168 = tpu.memref_slice %arg11[%dma_start3A_161, %dma_start3A_167] : memref<4x128xi32, #tpu.memory_space<vmem>> -> memref<1x128xi32, #tpu.memory_space<vmem>>
    %dma_start3A_169 = tpu.memref_squeeze %dma_start3A_168 : memref<1x128xi32, #tpu.memory_space<vmem>> -> memref<128xi32, #tpu.memory_space<vmem>>
    %dma_start3A_170 = arith.constant 0 : i32
    %dma_start3A_171 = tpu.memref_slice %arg9[%dma_start3A_170] : memref<1000000xf32, #tpu.memory_space<hbm>> -> memref<1000000xf32, #tpu.memory_space<hbm>>
    %dma_start3A_172 = tpu.memref_slice %arg20[%dma_start3A_163] : memref<4x!tpu.dma_semaphore, #tpu.memory_space<semaphore_mem>> -> memref<1x!tpu.dma_semaphore, #tpu.memory_space<semaphore_mem>>
    %dma_start3A_173 = tpu.memref_squeeze %dma_start3A_172 : memref<1x!tpu.dma_semaphore, #tpu.memory_space<semaphore_mem>> -> memref<!tpu.dma_semaphore, #tpu.memory_space<semaphore_mem>>
    tpu.enqueue_indirect_dma source(%dma_start3A_171 : memref<1000000xf32, #tpu.memory_space<hbm>>) target(%dma_start3A_166 : memref<128xf32, #tpu.memory_space<vmem>>) offsets(%dma_start3A_169 : memref<128xi32, #tpu.memory_space<vmem>>) semaphore(%dma_start3A_173 : memref<!tpu.dma_semaphore, #tpu.memory_space<semaphore_mem>>)
    %dma_wait3A = arith.constant 0 : i32
    %dma_wait3A_174 = tpu.memref_slice %arg3[%mul3A_2, %dma_wait3A] : memref<128x128xf32, #tpu.memory_space<hbm>> -> memref<4x128xf32, #tpu.memory_space<hbm>>
    %dma_wait3A_175 = arith.constant 0 : i32
    %dma_wait3A_176 = tpu.memref_slice %arg3[%mul3A_2, %dma_wait3A_175] : memref<128x128xf32, #tpu.memory_space<hbm>> -> memref<4x128xf32, #tpu.memory_space<hbm>>
    tpu.wait_dma2 semaphore(%arg21 : memref<!tpu.dma_semaphore, #tpu.memory_space<semaphore_mem>>) src(%dma_wait3A_176 : memref<4x128xf32, #tpu.memory_space<hbm>>) dst(%arg17 : memref<4x128xf32, #tpu.memory_space<vmem>>)
    %dma_wait3A_177 = arith.constant 0 : i32
    %dma_wait3A_178 = tpu.memref_slice %arg4[%mul3A_2, %dma_wait3A_177] : memref<128x128xf32, #tpu.memory_space<hbm>> -> memref<4x128xf32, #tpu.memory_space<hbm>>
    %dma_wait3A_179 = arith.constant 0 : i32
    %dma_wait3A_180 = tpu.memref_slice %arg4[%mul3A_2, %dma_wait3A_179] : memref<128x128xf32, #tpu.memory_space<hbm>> -> memref<4x128xf32, #tpu.memory_space<hbm>>
    tpu.wait_dma2 semaphore(%arg21 : memref<!tpu.dma_semaphore, #tpu.memory_space<semaphore_mem>>) src(%dma_wait3A_180 : memref<4x128xf32, #tpu.memory_space<hbm>>) dst(%arg18 : memref<4x128xf32, #tpu.memory_space<vmem>>)
    %dma_wait3A_181 = arith.constant 0 : i32
    %dma_wait3A_182 = tpu.memref_slice %arg5[%mul3A_2, %dma_wait3A_181] : memref<128x128xf32, #tpu.memory_space<hbm>> -> memref<4x128xf32, #tpu.memory_space<hbm>>
    %dma_wait3A_183 = arith.constant 0 : i32
    %dma_wait3A_184 = tpu.memref_slice %arg5[%mul3A_2, %dma_wait3A_183] : memref<128x128xf32, #tpu.memory_space<hbm>> -> memref<4x128xf32, #tpu.memory_space<hbm>>
    tpu.wait_dma2 semaphore(%arg21 : memref<!tpu.dma_semaphore, #tpu.memory_space<semaphore_mem>>) src(%dma_wait3A_184 : memref<4x128xf32, #tpu.memory_space<hbm>>) dst(%arg12 : memref<4x128xf32, #tpu.memory_space<vmem>>)
    %dma_wait3A_185 = arith.constant 0 : i32
    %dma_wait3A_186 = tpu.memref_slice %arg6[%mul3A_2, %dma_wait3A_185] : memref<128x128xf32, #tpu.memory_space<hbm>> -> memref<4x128xf32, #tpu.memory_space<hbm>>
    %dma_wait3A_187 = arith.constant 0 : i32
    %dma_wait3A_188 = tpu.memref_slice %arg6[%mul3A_2, %dma_wait3A_187] : memref<128x128xf32, #tpu.memory_space<hbm>> -> memref<4x128xf32, #tpu.memory_space<hbm>>
    tpu.wait_dma2 semaphore(%arg21 : memref<!tpu.dma_semaphore, #tpu.memory_space<semaphore_mem>>) src(%dma_wait3A_188 : memref<4x128xf32, #tpu.memory_space<hbm>>) dst(%arg13 : memref<4x128xf32, #tpu.memory_space<vmem>>)
    %dma_wait3A_189 = arith.constant 0 : i32
    %dma_wait3A_190 = arith.constant 0 : i32
    %dma_wait3A_191 = arith.constant 0 : i32
    %dma_wait3A_192 = arith.constant 0 : i32
    %dma_wait3A_193 = tpu.memref_slice %arg14[%dma_wait3A_190, %dma_wait3A_192] : memref<4x128xf32, #tpu.memory_space<vmem>> -> memref<1x128xf32, #tpu.memory_space<vmem>>
    %dma_wait3A_194 = tpu.memref_squeeze %dma_wait3A_193 : memref<1x128xf32, #tpu.memory_space<vmem>> -> memref<128xf32, #tpu.memory_space<vmem>>
    %dma_wait3A_195 = arith.constant 0 : i32
    %dma_wait3A_196 = tpu.memref_slice %arg11[%dma_wait3A_189, %dma_wait3A_195] : memref<4x128xi32, #tpu.memory_space<vmem>> -> memref<1x128xi32, #tpu.memory_space<vmem>>
    %dma_wait3A_197 = tpu.memref_squeeze %dma_wait3A_196 : memref<1x128xi32, #tpu.memory_space<vmem>> -> memref<128xi32, #tpu.memory_space<vmem>>
    %dma_wait3A_198 = arith.constant 0 : i32
    %dma_wait3A_199 = tpu.memref_slice %arg7[%dma_wait3A_198] : memref<1000000xf32, #tpu.memory_space<hbm>> -> memref<1000000xf32, #tpu.memory_space<hbm>>
    %dma_wait3A_200 = tpu.memref_slice %arg20[%dma_wait3A_191] : memref<4x!tpu.dma_semaphore, #tpu.memory_space<semaphore_mem>> -> memref<1x!tpu.dma_semaphore, #tpu.memory_space<semaphore_mem>>
    %dma_wait3A_201 = tpu.memref_squeeze %dma_wait3A_200 : memref<1x!tpu.dma_semaphore, #tpu.memory_space<semaphore_mem>> -> memref<!tpu.dma_semaphore, #tpu.memory_space<semaphore_mem>>
    tpu.wait_indirect_dma semaphore(%dma_wait3A_201 : memref<!tpu.dma_semaphore, #tpu.memory_space<semaphore_mem>>) src(%dma_wait3A_199 : memref<1000000xf32, #tpu.memory_space<hbm>>) dst(%dma_wait3A_194 : memref<128xf32, #tpu.memory_space<vmem>>)
    %dma_wait3A_202 = arith.constant 0 : i32
    %dma_wait3A_203 = arith.constant 0 : i32
    %dma_wait3A_204 = arith.constant 0 : i32
    %dma_wait3A_205 = arith.constant 0 : i32
    %dma_wait3A_206 = tpu.memref_slice %arg15[%dma_wait3A_203, %dma_wait3A_205] : memref<4x128xf32, #tpu.memory_space<vmem>> -> memref<1x128xf32, #tpu.memory_space<vmem>>
    %dma_wait3A_207 = tpu.memref_squeeze %dma_wait3A_206 : memref<1x128xf32, #tpu.memory_space<vmem>> -> memref<128xf32, #tpu.memory_space<vmem>>
    %dma_wait3A_208 = arith.constant 0 : i32
    %dma_wait3A_209 = tpu.memref_slice %arg11[%dma_wait3A_202, %dma_wait3A_208] : memref<4x128xi32, #tpu.memory_space<vmem>> -> memref<1x128xi32, #tpu.memory_space<vmem>>
    %dma_wait3A_210 = tpu.memref_squeeze %dma_wait3A_209 : memref<1x128xi32, #tpu.memory_space<vmem>> -> memref<128xi32, #tpu.memory_space<vmem>>
    %dma_wait3A_211 = arith.constant 0 : i32
    %dma_wait3A_212 = tpu.memref_slice %arg8[%dma_wait3A_211] : memref<1000000xf32, #tpu.memory_space<hbm>> -> memref<1000000xf32, #tpu.memory_space<hbm>>
    %dma_wait3A_213 = tpu.memref_slice %arg20[%dma_wait3A_204] : memref<4x!tpu.dma_semaphore, #tpu.memory_space<semaphore_mem>> -> memref<1x!tpu.dma_semaphore, #tpu.memory_space<semaphore_mem>>
    %dma_wait3A_214 = tpu.memref_squeeze %dma_wait3A_213 : memref<1x!tpu.dma_semaphore, #tpu.memory_space<semaphore_mem>> -> memref<!tpu.dma_semaphore, #tpu.memory_space<semaphore_mem>>
    tpu.wait_indirect_dma semaphore(%dma_wait3A_214 : memref<!tpu.dma_semaphore, #tpu.memory_space<semaphore_mem>>) src(%dma_wait3A_212 : memref<1000000xf32, #tpu.memory_space<hbm>>) dst(%dma_wait3A_207 : memref<128xf32, #tpu.memory_space<vmem>>)
    %dma_wait3A_215 = arith.constant 0 : i32
    %dma_wait3A_216 = arith.constant 0 : i32
    %dma_wait3A_217 = arith.constant 0 : i32
    %dma_wait3A_218 = arith.constant 0 : i32
    %dma_wait3A_219 = tpu.memref_slice %arg16[%dma_wait3A_216, %dma_wait3A_218] : memref<4x128xf32, #tpu.memory_space<vmem>> -> memref<1x128xf32, #tpu.memory_space<vmem>>
    %dma_wait3A_220 = tpu.memref_squeeze %dma_wait3A_219 : memref<1x128xf32, #tpu.memory_space<vmem>> -> memref<128xf32, #tpu.memory_space<vmem>>
    %dma_wait3A_221 = arith.constant 0 : i32
    %dma_wait3A_222 = tpu.memref_slice %arg11[%dma_wait3A_215, %dma_wait3A_221] : memref<4x128xi32, #tpu.memory_space<vmem>> -> memref<1x128xi32, #tpu.memory_space<vmem>>
    %dma_wait3A_223 = tpu.memref_squeeze %dma_wait3A_222 : memref<1x128xi32, #tpu.memory_space<vmem>> -> memref<128xi32, #tpu.memory_space<vmem>>
    %dma_wait3A_224 = arith.constant 0 : i32
    %dma_wait3A_225 = tpu.memref_slice %arg9[%dma_wait3A_224] : memref<1000000xf32, #tpu.memory_space<hbm>> -> memref<1000000xf32, #tpu.memory_space<hbm>>
    %dma_wait3A_226 = tpu.memref_slice %arg20[%dma_wait3A_217] : memref<4x!tpu.dma_semaphore, #tpu.memory_space<semaphore_mem>> -> memref<1x!tpu.dma_semaphore, #tpu.memory_space<semaphore_mem>>
    %dma_wait3A_227 = tpu.memref_squeeze %dma_wait3A_226 : memref<1x!tpu.dma_semaphore, #tpu.memory_space<semaphore_mem>> -> memref<!tpu.dma_semaphore, #tpu.memory_space<semaphore_mem>>
    tpu.wait_indirect_dma semaphore(%dma_wait3A_227 : memref<!tpu.dma_semaphore, #tpu.memory_space<semaphore_mem>>) src(%dma_wait3A_225 : memref<1000000xf32, #tpu.memory_space<hbm>>) dst(%dma_wait3A_220 : memref<128xf32, #tpu.memory_space<vmem>>)
    %scan3A = arith.constant 0 : i32
    %scan3A_228 = arith.constant 8 : i32
    %scan3A_229 = arith.addi %scan3A, %scan3A_228 : i32
    %scan3A_230 = arith.constant 1 : i32
    scf.for %scan3A_364 = %scan3A to %scan3A_229 step %scan3A_230  : i32 {
      %mul3A_365 = arith.constant 1 : i32
      %mul3A_366 = arith.muli %scan3A_364, %mul3A_365 : i32
      %add3A_367 = arith.constant 0 : i32
      %add3A_368 = arith.addi %add3A_367, %mul3A_366 : i32
      %mul3A_369 = arith.constant 16 : i32
      %mul3A_370 = arith.muli %add3A_368, %mul3A_369 : i32
      %get3A = arith.constant 0 : i32
      %get3A_371 = arith.index_cast %get3A : i32 to index
      %get3A_372 = arith.index_cast %mul3A_370 : i32 to index
      %get3A_373 = tpu.vector_load %arg12[%get3A_371, %get3A_372] {strides = array<i32>} : memref<4x128xf32, #tpu.memory_space<vmem>>, vector<16xf32>,
      %get3A_374 = arith.constant 0 : i32
      %get3A_375 = arith.index_cast %get3A_374 : i32 to index
      %get3A_376 = arith.index_cast %mul3A_370 : i32 to index
      %get3A_377 = tpu.vector_load %arg13[%get3A_375, %get3A_376] {strides = array<i32>} : memref<4x128xf32, #tpu.memory_space<vmem>>, vector<16xf32>,
      %get3A_378 = arith.constant 0 : i32
      %get3A_379 = arith.index_cast %get3A_378 : i32 to index
      %get3A_380 = arith.index_cast %mul3A_370 : i32 to index
      %get3A_381 = tpu.vector_load %arg14[%get3A_379, %get3A_380] {strides = array<i32>} : memref<4x128xf32, #tpu.memory_space<vmem>>, vector<16xf32>,
      %get3A_382 = arith.constant 0 : i32
      %get3A_383 = arith.index_cast %get3A_382 : i32 to index
      %get3A_384 = arith.index_cast %mul3A_370 : i32 to index
      %get3A_385 = tpu.vector_load %arg15[%get3A_383, %get3A_384] {strides = array<i32>} : memref<4x128xf32, #tpu.memory_space<vmem>>, vector<16xf32>,
      %get3A_386 = arith.constant 0 : i32
      %get3A_387 = arith.index_cast %get3A_386 : i32 to index
      %get3A_388 = arith.index_cast %mul3A_370 : i32 to index
      %get3A_389 = tpu.vector_load %arg16[%get3A_387, %get3A_388] {strides = array<i32>} : memref<4x128xf32, #tpu.memory_space<vmem>>, vector<16xf32>,
      %get3A_390 = arith.constant 0 : i32
      %get3A_391 = arith.index_cast %get3A_390 : i32 to index
      %get3A_392 = arith.index_cast %mul3A_370 : i32 to index
      %get3A_393 = tpu.vector_load %arg17[%get3A_391, %get3A_392] {strides = array<i32>} : memref<4x128xf32, #tpu.memory_space<vmem>>, vector<16xf32>,
      %get3A_394 = arith.constant 0 : i32
      %get3A_395 = arith.index_cast %get3A_394 : i32 to index
      %get3A_396 = arith.index_cast %mul3A_370 : i32 to index
      %get3A_397 = tpu.vector_load %arg18[%get3A_395, %get3A_396] {strides = array<i32>} : memref<4x128xf32, #tpu.memory_space<vmem>>, vector<16xf32>,
      %abs3A = math.absf %get3A_381 : vector<16xf32>
      %neg3A = arith.constant 0.000000e+00 : f32
      %neg3A_398 = vector.broadcast %neg3A : f32 to vector<16xf32>
      %neg3A_399 = arith.subf %neg3A_398, %abs3A : vector<16xf32>
      %exp3A = math.exp %neg3A_399 : vector<16xf32>
      %max3A = arith.constant 0.000000e+00 : f32
      %max3A_400 = vector.broadcast %max3A : f32 to vector<16xf32>
      %max3A_401 = arith.maximumf %get3A_381, %max3A_400 : vector<16xf32>
      %add3A_402 = arith.constant 1.000000e+00 : f32
      %add3A_403 = vector.broadcast %add3A_402 : f32 to vector<16xf32>
      %add3A_404 = arith.addf %add3A_403, %exp3A : vector<16xf32>
      %bitcast3A = vector.bitcast %add3A_404 : vector<16xf32> to vector<16xi32>
      %shift_right_arithmetic3A = arith.constant 23 : i32
      %shift_right_arithmetic3A_405 = vector.broadcast %shift_right_arithmetic3A : i32 to vector<16xi32>
      %shift_right_arithmetic3A_406 = arith.shrsi %bitcast3A, %shift_right_arithmetic3A_405 : vector<16xi32>
      %sub3A = arith.constant 126 : i32
      %sub3A_407 = vector.broadcast %sub3A : i32 to vector<16xi32>
      %sub3A_408 = arith.subi %shift_right_arithmetic3A_406, %sub3A_407 : vector<16xi32>
      %and3A = arith.constant 8388607 : i32
      %and3A_409 = vector.broadcast %and3A : i32 to vector<16xi32>
      %and3A_410 = arith.andi %bitcast3A, %and3A_409 : vector<16xi32>
      %or3A = arith.constant 1056964608 : i32
      %or3A_411 = vector.broadcast %or3A : i32 to vector<16xi32>
      %or3A_412 = arith.ori %and3A_410, %or3A_411 : vector<16xi32>
      %bitcast3A_413 = vector.bitcast %or3A_412 : vector<16xi32> to vector<16xf32>
      %lt3A = arith.constant 0.707106769 : f32
      %lt3A_414 = vector.broadcast %lt3A : f32 to vector<16xf32>
      %lt3A_415 = arith.cmpf olt, %bitcast3A_413, %lt3A_414 : vector<16xf32>
      %sub3A_416 = arith.constant 1 : i32
      %sub3A_417 = vector.broadcast %sub3A_416 : i32 to vector<16xi32>
      %sub3A_418 = arith.subi %sub3A_408, %sub3A_417 : vector<16xi32>
      %select_n3A = arith.select %lt3A_415, %sub3A_418, %sub3A_408 : vector<16xi1>, vector<16xi32>
      %add3A_419 = arith.addf %bitcast3A_413, %bitcast3A_413 : vector<16xf32>
      %select_n3A_420 = arith.select %lt3A_415, %add3A_419, %bitcast3A_413 : vector<16xi1>, vector<16xf32>
      %sub3A_421 = arith.constant 1.000000e+00 : f32
      %sub3A_422 = vector.broadcast %sub3A_421 : f32 to vector<16xf32>
      %sub3A_423 = arith.subf %select_n3A_420, %sub3A_422 : vector<16xf32>
      %mul3A_424 = arith.mulf %sub3A_423, %sub3A_423 : vector<16xf32>
      %mul3A_425 = arith.constant 0.0703768358 : f32
      %mul3A_426 = vector.broadcast %mul3A_425 : f32 to vector<16xf32>
      %mul3A_427 = arith.mulf %mul3A_426, %sub3A_423 : vector<16xf32>
      %add3A_428 = arith.constant -0.115146101 : f32
      %add3A_429 = vector.broadcast %add3A_428 : f32 to vector<16xf32>
      %add3A_430 = arith.addf %mul3A_427, %add3A_429 : vector<16xf32>
      %mul3A_431 = arith.mulf %add3A_430, %sub3A_423 : vector<16xf32>
      %add3A_432 = arith.constant 0.116769984 : f32
      %add3A_433 = vector.broadcast %add3A_432 : f32 to vector<16xf32>
      %add3A_434 = arith.addf %mul3A_431, %add3A_433 : vector<16xf32>
      %mul3A_435 = arith.mulf %add3A_434, %sub3A_423 : vector<16xf32>
      %add3A_436 = arith.constant -0.12420141 : f32
      %add3A_437 = vector.broadcast %add3A_436 : f32 to vector<16xf32>
      %add3A_438 = arith.addf %mul3A_435, %add3A_437 : vector<16xf32>
      %mul3A_439 = arith.mulf %add3A_438, %sub3A_423 : vector<16xf32>
      %add3A_440 = arith.constant 0.142493233 : f32
      %add3A_441 = vector.broadcast %add3A_440 : f32 to vector<16xf32>
      %add3A_442 = arith.addf %mul3A_439, %add3A_441 : vector<16xf32>
      %mul3A_443 = arith.mulf %add3A_442, %sub3A_423 : vector<16xf32>
      %add3A_444 = arith.constant -0.166680574 : f32
      %add3A_445 = vector.broadcast %add3A_444 : f32 to vector<16xf32>
      %add3A_446 = arith.addf %mul3A_443, %add3A_445 : vector<16xf32>
      %mul3A_447 = arith.mulf %add3A_446, %sub3A_423 : vector<16xf32>
      %add3A_448 = arith.constant 0.200007141 : f32
      %add3A_449 = vector.broadcast %add3A_448 : f32 to vector<16xf32>
      %add3A_450 = arith.addf %mul3A_447, %add3A_449 : vector<16xf32>
      %mul3A_451 = arith.mulf %add3A_450, %sub3A_423 : vector<16xf32>
      %add3A_452 = arith.constant -0.24999994 : f32
      %add3A_453 = vector.broadcast %add3A_452 : f32 to vector<16xf32>
      %add3A_454 = arith.addf %mul3A_451, %add3A_453 : vector<16xf32>
      %mul3A_455 = arith.mulf %add3A_454, %sub3A_423 : vector<16xf32>
      %add3A_456 = arith.constant 0.333333313 : f32
      %add3A_457 = vector.broadcast %add3A_456 : f32 to vector<16xf32>
      %add3A_458 = arith.addf %mul3A_455, %add3A_457 : vector<16xf32>
      %convert_element_type3A = arith.sitofp %select_n3A : vector<16xi32> to vector<16xf32>
      %mul3A_459 = arith.mulf %sub3A_423, %mul3A_424 : vector<16xf32>
      %mul3A_460 = arith.mulf %mul3A_459, %add3A_458 : vector<16xf32>
      %mul3A_461 = arith.constant -2.12194442E-4 : f32
      %mul3A_462 = vector.broadcast %mul3A_461 : f32 to vector<16xf32>
      %mul3A_463 = arith.mulf %convert_element_type3A, %mul3A_462 : vector<16xf32>
      %add3A_464 = arith.addf %mul3A_460, %mul3A_463 : vector<16xf32>
      %mul3A_465 = arith.constant 5.000000e-01 : f32
      %mul3A_466 = vector.broadcast %mul3A_465 : f32 to vector<16xf32>
      %mul3A_467 = arith.mulf %mul3A_466, %mul3A_424 : vector<16xf32>
      %sub3A_468 = arith.subf %add3A_464, %mul3A_467 : vector<16xf32>
      %add3A_469 = arith.addf %sub3A_423, %sub3A_468 : vector<16xf32>
      %mul3A_470 = arith.constant 0.693359375 : f32
      %mul3A_471 = vector.broadcast %mul3A_470 : f32 to vector<16xf32>
      %mul3A_472 = arith.mulf %convert_element_type3A, %mul3A_471 : vector<16xf32>
      %add3A_473 = arith.addf %add3A_469, %mul3A_472 : vector<16xf32>
      %add3A_474 = arith.addf %max3A_401, %add3A_473 : vector<16xf32>
      %add3A_475 = arith.constant 9.99999997E-7 : f32
      %add3A_476 = vector.broadcast %add3A_475 : f32 to vector<16xf32>
      %add3A_477 = arith.addf %add3A_474, %add3A_476 : vector<16xf32>
      %abs3A_478 = math.absf %get3A_389 : vector<16xf32>
      %neg3A_479 = arith.constant 0.000000e+00 : f32
      %neg3A_480 = vector.broadcast %neg3A_479 : f32 to vector<16xf32>
      %neg3A_481 = arith.subf %neg3A_480, %abs3A_478 : vector<16xf32>
      %exp3A_482 = math.exp %neg3A_481 : vector<16xf32>
      %max3A_483 = arith.constant 0.000000e+00 : f32
      %max3A_484 = vector.broadcast %max3A_483 : f32 to vector<16xf32>
      %max3A_485 = arith.maximumf %get3A_389, %max3A_484 : vector<16xf32>
      %add3A_486 = arith.constant 1.000000e+00 : f32
      %add3A_487 = vector.broadcast %add3A_486 : f32 to vector<16xf32>
      %add3A_488 = arith.addf %add3A_487, %exp3A_482 : vector<16xf32>
      %bitcast3A_489 = vector.bitcast %add3A_488 : vector<16xf32> to vector<16xi32>
      %shift_right_arithmetic3A_490 = arith.constant 23 : i32
      %shift_right_arithmetic3A_491 = vector.broadcast %shift_right_arithmetic3A_490 : i32 to vector<16xi32>
      %shift_right_arithmetic3A_492 = arith.shrsi %bitcast3A_489, %shift_right_arithmetic3A_491 : vector<16xi32>
      %sub3A_493 = arith.constant 126 : i32
      %sub3A_494 = vector.broadcast %sub3A_493 : i32 to vector<16xi32>
      %sub3A_495 = arith.subi %shift_right_arithmetic3A_492, %sub3A_494 : vector<16xi32>
      %and3A_496 = arith.constant 8388607 : i32
      %and3A_497 = vector.broadcast %and3A_496 : i32 to vector<16xi32>
      %and3A_498 = arith.andi %bitcast3A_489, %and3A_497 : vector<16xi32>
      %or3A_499 = arith.constant 1056964608 : i32
      %or3A_500 = vector.broadcast %or3A_499 : i32 to vector<16xi32>
      %or3A_501 = arith.ori %and3A_498, %or3A_500 : vector<16xi32>
      %bitcast3A_502 = vector.bitcast %or3A_501 : vector<16xi32> to vector<16xf32>
      %lt3A_503 = arith.constant 0.707106769 : f32
      %lt3A_504 = vector.broadcast %lt3A_503 : f32 to vector<16xf32>
      %lt3A_505 = arith.cmpf olt, %bitcast3A_502, %lt3A_504 : vector<16xf32>
      %sub3A_506 = arith.constant 1 : i32
      %sub3A_507 = vector.broadcast %sub3A_506 : i32 to vector<16xi32>
      %sub3A_508 = arith.subi %sub3A_495, %sub3A_507 : vector<16xi32>
      %select_n3A_509 = arith.select %lt3A_505, %sub3A_508, %sub3A_495 : vector<16xi1>, vector<16xi32>
      %add3A_510 = arith.addf %bitcast3A_502, %bitcast3A_502 : vector<16xf32>
      %select_n3A_511 = arith.select %lt3A_505, %add3A_510, %bitcast3A_502 : vector<16xi1>, vector<16xf32>
      %sub3A_512 = arith.constant 1.000000e+00 : f32
      %sub3A_513 = vector.broadcast %sub3A_512 : f32 to vector<16xf32>
      %sub3A_514 = arith.subf %select_n3A_511, %sub3A_513 : vector<16xf32>
      %mul3A_515 = arith.mulf %sub3A_514, %sub3A_514 : vector<16xf32>
      %mul3A_516 = arith.constant 0.0703768358 : f32
      %mul3A_517 = vector.broadcast %mul3A_516 : f32 to vector<16xf32>
      %mul3A_518 = arith.mulf %mul3A_517, %sub3A_514 : vector<16xf32>
      %add3A_519 = arith.constant -0.115146101 : f32
      %add3A_520 = vector.broadcast %add3A_519 : f32 to vector<16xf32>
      %add3A_521 = arith.addf %mul3A_518, %add3A_520 : vector<16xf32>
      %mul3A_522 = arith.mulf %add3A_521, %sub3A_514 : vector<16xf32>
      %add3A_523 = arith.constant 0.116769984 : f32
      %add3A_524 = vector.broadcast %add3A_523 : f32 to vector<16xf32>
      %add3A_525 = arith.addf %mul3A_522, %add3A_524 : vector<16xf32>
      %mul3A_526 = arith.mulf %add3A_525, %sub3A_514 : vector<16xf32>
      %add3A_527 = arith.constant -0.12420141 : f32
      %add3A_528 = vector.broadcast %add3A_527 : f32 to vector<16xf32>
      %add3A_529 = arith.addf %mul3A_526, %add3A_528 : vector<16xf32>
      %mul3A_530 = arith.mulf %add3A_529, %sub3A_514 : vector<16xf32>
      %add3A_531 = arith.constant 0.142493233 : f32
      %add3A_532 = vector.broadcast %add3A_531 : f32 to vector<16xf32>
      %add3A_533 = arith.addf %mul3A_530, %add3A_532 : vector<16xf32>
      %mul3A_534 = arith.mulf %add3A_533, %sub3A_514 : vector<16xf32>
      %add3A_535 = arith.constant -0.166680574 : f32
      %add3A_536 = vector.broadcast %add3A_535 : f32 to vector<16xf32>
      %add3A_537 = arith.addf %mul3A_534, %add3A_536 : vector<16xf32>
      %mul3A_538 = arith.mulf %add3A_537, %sub3A_514 : vector<16xf32>
      %add3A_539 = arith.constant 0.200007141 : f32
      %add3A_540 = vector.broadcast %add3A_539 : f32 to vector<16xf32>
      %add3A_541 = arith.addf %mul3A_538, %add3A_540 : vector<16xf32>
      %mul3A_542 = arith.mulf %add3A_541, %sub3A_514 : vector<16xf32>
      %add3A_543 = arith.constant -0.24999994 : f32
      %add3A_544 = vector.broadcast %add3A_543 : f32 to vector<16xf32>
      %add3A_545 = arith.addf %mul3A_542, %add3A_544 : vector<16xf32>
      %mul3A_546 = arith.mulf %add3A_545, %sub3A_514 : vector<16xf32>
      %add3A_547 = arith.constant 0.333333313 : f32
      %add3A_548 = vector.broadcast %add3A_547 : f32 to vector<16xf32>
      %add3A_549 = arith.addf %mul3A_546, %add3A_548 : vector<16xf32>
      %convert_element_type3A_550 = arith.sitofp %select_n3A_509 : vector<16xi32> to vector<16xf32>
      %mul3A_551 = arith.mulf %sub3A_514, %mul3A_515 : vector<16xf32>
      %mul3A_552 = arith.mulf %mul3A_551, %add3A_549 : vector<16xf32>
      %mul3A_553 = arith.constant -2.12194442E-4 : f32
      %mul3A_554 = vector.broadcast %mul3A_553 : f32 to vector<16xf32>
      %mul3A_555 = arith.mulf %convert_element_type3A_550, %mul3A_554 : vector<16xf32>
      %add3A_556 = arith.addf %mul3A_552, %mul3A_555 : vector<16xf32>
      %mul3A_557 = arith.constant 5.000000e-01 : f32
      %mul3A_558 = vector.broadcast %mul3A_557 : f32 to vector<16xf32>
      %mul3A_559 = arith.mulf %mul3A_558, %mul3A_515 : vector<16xf32>
      %sub3A_560 = arith.subf %add3A_556, %mul3A_559 : vector<16xf32>
      %add3A_561 = arith.addf %sub3A_514, %sub3A_560 : vector<16xf32>
      %mul3A_562 = arith.constant 0.693359375 : f32
      %mul3A_563 = vector.broadcast %mul3A_562 : f32 to vector<16xf32>
      %mul3A_564 = arith.mulf %convert_element_type3A_550, %mul3A_563 : vector<16xf32>
      %add3A_565 = arith.addf %add3A_561, %mul3A_564 : vector<16xf32>
      %add3A_566 = arith.addf %max3A_485, %add3A_565 : vector<16xf32>
      %add3A_567 = arith.constant 9.99999997E-7 : f32
      %add3A_568 = vector.broadcast %add3A_567 : f32 to vector<16xf32>
      %add3A_569 = arith.addf %add3A_566, %add3A_568 : vector<16xf32>
      %sub3A_570 = arith.subf %get3A_393, %get3A_373 : vector<16xf32>
      %div3A = arith.divf %sub3A_570, %add3A_477 : vector<16xf32>
      %sub3A_571 = arith.subf %get3A_397, %get3A_377 : vector<16xf32>
      %mul3A_572 = arith.mulf %get3A_385, %div3A : vector<16xf32>
      %sub3A_573 = arith.subf %sub3A_571, %mul3A_572 : vector<16xf32>
      %div3A_574 = arith.divf %sub3A_573, %add3A_569 : vector<16xf32>
      %mul3A_575 = arith.mulf %div3A, %div3A : vector<16xf32>
      %mul3A_576 = arith.mulf %div3A_574, %div3A_574 : vector<16xf32>
      %add3A_577 = arith.addf %mul3A_575, %mul3A_576 : vector<16xf32>
      %mul3A_578 = arith.mulf %add3A_477, %add3A_569 : vector<16xf32>
      %bitcast3A_579 = vector.bitcast %mul3A_578 : vector<16xf32> to vector<16xi32>
      %shift_right_arithmetic3A_580 = arith.constant 23 : i32
      %shift_right_arithmetic3A_581 = vector.broadcast %shift_right_arithmetic3A_580 : i32 to vector<16xi32>
      %shift_right_arithmetic3A_582 = arith.shrsi %bitcast3A_579, %shift_right_arithmetic3A_581 : vector<16xi32>
      %sub3A_583 = arith.constant 126 : i32
      %sub3A_584 = vector.broadcast %sub3A_583 : i32 to vector<16xi32>
      %sub3A_585 = arith.subi %shift_right_arithmetic3A_582, %sub3A_584 : vector<16xi32>
      %and3A_586 = arith.constant 8388607 : i32
      %and3A_587 = vector.broadcast %and3A_586 : i32 to vector<16xi32>
      %and3A_588 = arith.andi %bitcast3A_579, %and3A_587 : vector<16xi32>
      %or3A_589 = arith.constant 1056964608 : i32
      %or3A_590 = vector.broadcast %or3A_589 : i32 to vector<16xi32>
      %or3A_591 = arith.ori %and3A_588, %or3A_590 : vector<16xi32>
      %bitcast3A_592 = vector.bitcast %or3A_591 : vector<16xi32> to vector<16xf32>
      %lt3A_593 = arith.constant 0.707106769 : f32
      %lt3A_594 = vector.broadcast %lt3A_593 : f32 to vector<16xf32>
      %lt3A_595 = arith.cmpf olt, %bitcast3A_592, %lt3A_594 : vector<16xf32>
      %sub3A_596 = arith.constant 1 : i32
      %sub3A_597 = vector.broadcast %sub3A_596 : i32 to vector<16xi32>
      %sub3A_598 = arith.subi %sub3A_585, %sub3A_597 : vector<16xi32>
      %select_n3A_599 = arith.select %lt3A_595, %sub3A_598, %sub3A_585 : vector<16xi1>, vector<16xi32>
      %add3A_600 = arith.addf %bitcast3A_592, %bitcast3A_592 : vector<16xf32>
      %select_n3A_601 = arith.select %lt3A_595, %add3A_600, %bitcast3A_592 : vector<16xi1>, vector<16xf32>
      %sub3A_602 = arith.constant 1.000000e+00 : f32
      %sub3A_603 = vector.broadcast %sub3A_602 : f32 to vector<16xf32>
      %sub3A_604 = arith.subf %select_n3A_601, %sub3A_603 : vector<16xf32>
      %mul3A_605 = arith.mulf %sub3A_604, %sub3A_604 : vector<16xf32>
      %mul3A_606 = arith.constant 0.0703768358 : f32
      %mul3A_607 = vector.broadcast %mul3A_606 : f32 to vector<16xf32>
      %mul3A_608 = arith.mulf %mul3A_607, %sub3A_604 : vector<16xf32>
      %add3A_609 = arith.constant -0.115146101 : f32
      %add3A_610 = vector.broadcast %add3A_609 : f32 to vector<16xf32>
      %add3A_611 = arith.addf %mul3A_608, %add3A_610 : vector<16xf32>
      %mul3A_612 = arith.mulf %add3A_611, %sub3A_604 : vector<16xf32>
      %add3A_613 = arith.constant 0.116769984 : f32
      %add3A_614 = vector.broadcast %add3A_613 : f32 to vector<16xf32>
      %add3A_615 = arith.addf %mul3A_612, %add3A_614 : vector<16xf32>
      %mul3A_616 = arith.mulf %add3A_615, %sub3A_604 : vector<16xf32>
      %add3A_617 = arith.constant -0.12420141 : f32
      %add3A_618 = vector.broadcast %add3A_617 : f32 to vector<16xf32>
      %add3A_619 = arith.addf %mul3A_616, %add3A_618 : vector<16xf32>
      %mul3A_620 = arith.mulf %add3A_619, %sub3A_604 : vector<16xf32>
      %add3A_621 = arith.constant 0.142493233 : f32
      %add3A_622 = vector.broadcast %add3A_621 : f32 to vector<16xf32>
      %add3A_623 = arith.addf %mul3A_620, %add3A_622 : vector<16xf32>
      %mul3A_624 = arith.mulf %add3A_623, %sub3A_604 : vector<16xf32>
      %add3A_625 = arith.constant -0.166680574 : f32
      %add3A_626 = vector.broadcast %add3A_625 : f32 to vector<16xf32>
      %add3A_627 = arith.addf %mul3A_624, %add3A_626 : vector<16xf32>
      %mul3A_628 = arith.mulf %add3A_627, %sub3A_604 : vector<16xf32>
      %add3A_629 = arith.constant 0.200007141 : f32
      %add3A_630 = vector.broadcast %add3A_629 : f32 to vector<16xf32>
      %add3A_631 = arith.addf %mul3A_628, %add3A_630 : vector<16xf32>
      %mul3A_632 = arith.mulf %add3A_631, %sub3A_604 : vector<16xf32>
      %add3A_633 = arith.constant -0.24999994 : f32
      %add3A_634 = vector.broadcast %add3A_633 : f32 to vector<16xf32>
      %add3A_635 = arith.addf %mul3A_632, %add3A_634 : vector<16xf32>
      %mul3A_636 = arith.mulf %add3A_635, %sub3A_604 : vector<16xf32>
      %add3A_637 = arith.constant 0.333333313 : f32
      %add3A_638 = vector.broadcast %add3A_637 : f32 to vector<16xf32>
      %add3A_639 = arith.addf %mul3A_636, %add3A_638 : vector<16xf32>
      %convert_element_type3A_640 = arith.sitofp %select_n3A_599 : vector<16xi32> to vector<16xf32>
      %mul3A_641 = arith.mulf %sub3A_604, %mul3A_605 : vector<16xf32>
      %mul3A_642 = arith.mulf %mul3A_641, %add3A_639 : vector<16xf32>
      %mul3A_643 = arith.constant -2.12194442E-4 : f32
      %mul3A_644 = vector.broadcast %mul3A_643 : f32 to vector<16xf32>
      %mul3A_645 = arith.mulf %convert_element_type3A_640, %mul3A_644 : vector<16xf32>
      %add3A_646 = arith.addf %mul3A_642, %mul3A_645 : vector<16xf32>
      %mul3A_647 = arith.constant 5.000000e-01 : f32
      %mul3A_648 = vector.broadcast %mul3A_647 : f32 to vector<16xf32>
      %mul3A_649 = arith.mulf %mul3A_648, %mul3A_605 : vector<16xf32>
      %sub3A_650 = arith.subf %add3A_646, %mul3A_649 : vector<16xf32>
      %add3A_651 = arith.addf %sub3A_604, %sub3A_650 : vector<16xf32>
      %mul3A_652 = arith.constant 0.693359375 : f32
      %mul3A_653 = vector.broadcast %mul3A_652 : f32 to vector<16xf32>
      %mul3A_654 = arith.mulf %convert_element_type3A_640, %mul3A_653 : vector<16xf32>
      %add3A_655 = arith.addf %add3A_651, %mul3A_654 : vector<16xf32>
      %mul3A_656 = arith.constant -5.000000e-01 : f32
      %mul3A_657 = vector.broadcast %mul3A_656 : f32 to vector<16xf32>
      %mul3A_658 = arith.mulf %mul3A_657, %add3A_577 : vector<16xf32>
      %sub3A_659 = arith.constant 1.83787704 : f32
      %sub3A_660 = vector.broadcast %sub3A_659 : f32 to vector<16xf32>
      %sub3A_661 = arith.subf %mul3A_658, %sub3A_660 : vector<16xf32>
      %sub3A_662 = arith.subf %sub3A_661, %add3A_655 : vector<16xf32>
      %swap3A = arith.constant 0 : i32
      %swap3A_663 = arith.index_cast %swap3A : i32 to index
      %swap3A_664 = arith.index_cast %mul3A_370 : i32 to index
      %swap3A_665 = tpu.vector_load %arg19[%swap3A_663, %swap3A_664] {strides = array<i32>} : memref<4x128xf32, #tpu.memory_space<vmem>>, vector<16xf32>,
      tpu.vector_store %arg19[%swap3A_663, %swap3A_664], %sub3A_662 {strides = array<i32>} : memref<4x128xf32, #tpu.memory_space<vmem>>, vector<16xf32>,
    }
    %scan3A_231 = arith.constant 8 : i32
    %dma_wait3A_232 = arith.constant 1 : i32
    %dma_wait3A_233 = arith.constant 1 : i32
    %dma_wait3A_234 = arith.constant 1 : i32
    %dma_wait3A_235 = arith.constant 0 : i32
    %dma_wait3A_236 = tpu.memref_slice %arg14[%dma_wait3A_233, %dma_wait3A_235] : memref<4x128xf32, #tpu.memory_space<vmem>> -> memref<1x128xf32, #tpu.memory_space<vmem>>
    %dma_wait3A_237 = tpu.memref_squeeze %dma_wait3A_236 : memref<1x128xf32, #tpu.memory_space<vmem>> -> memref<128xf32, #tpu.memory_space<vmem>>
    %dma_wait3A_238 = arith.constant 0 : i32
    %dma_wait3A_239 = tpu.memref_slice %arg11[%dma_wait3A_232, %dma_wait3A_238] : memref<4x128xi32, #tpu.memory_space<vmem>> -> memref<1x128xi32, #tpu.memory_space<vmem>>
    %dma_wait3A_240 = tpu.memref_squeeze %dma_wait3A_239 : memref<1x128xi32, #tpu.memory_space<vmem>> -> memref<128xi32, #tpu.memory_space<vmem>>
    %dma_wait3A_241 = arith.constant 0 : i32
    %dma_wait3A_242 = tpu.memref_slice %arg7[%dma_wait3A_241] : memref<1000000xf32, #tpu.memory_space<hbm>> -> memref<1000000xf32, #tpu.memory_space<hbm>>
    %dma_wait3A_243 = tpu.memref_slice %arg20[%dma_wait3A_234] : memref<4x!tpu.dma_semaphore, #tpu.memory_space<semaphore_mem>> -> memref<1x!tpu.dma_semaphore, #tpu.memory_space<semaphore_mem>>
    %dma_wait3A_244 = tpu.memref_squeeze %dma_wait3A_243 : memref<1x!tpu.dma_semaphore, #tpu.memory_space<semaphore_mem>> -> memref<!tpu.dma_semaphore, #tpu.memory_space<semaphore_mem>>
    tpu.wait_indirect_dma semaphore(%dma_wait3A_244 : memref<!tpu.dma_semaphore, #tpu.memory_space<semaphore_mem>>) src(%dma_wait3A_242 : memref<1000000xf32, #tpu.memory_space<hbm>>) dst(%dma_wait3A_237 : memref<128xf32, #tpu.memory_space<vmem>>)
    %dma_wait3A_245 = arith.constant 1 : i32
    %dma_wait3A_246 = arith.constant 1 : i32
    %dma_wait3A_247 = arith.constant 1 : i32
    %dma_wait3A_248 = arith.constant 0 : i32
    %dma_wait3A_249 = tpu.memref_slice %arg15[%dma_wait3A_246, %dma_wait3A_248] : memref<4x128xf32, #tpu.memory_space<vmem>> -> memref<1x128xf32, #tpu.memory_space<vmem>>
    %dma_wait3A_250 = tpu.memref_squeeze %dma_wait3A_249 : memref<1x128xf32, #tpu.memory_space<vmem>> -> memref<128xf32, #tpu.memory_space<vmem>>
    %dma_wait3A_251 = arith.constant 0 : i32
    %dma_wait3A_252 = tpu.memref_slice %arg11[%dma_wait3A_245, %dma_wait3A_251] : memref<4x128xi32, #tpu.memory_space<vmem>> -> memref<1x128xi32, #tpu.memory_space<vmem>>
    %dma_wait3A_253 = tpu.memref_squeeze %dma_wait3A_252 : memref<1x128xi32, #tpu.memory_space<vmem>> -> memref<128xi32, #tpu.memory_space<vmem>>
    %dma_wait3A_254 = arith.constant 0 : i32
    %dma_wait3A_255 = tpu.memref_slice %arg8[%dma_wait3A_254] : memref<1000000xf32, #tpu.memory_space<hbm>> -> memref<1000000xf32, #tpu.memory_space<hbm>>
    %dma_wait3A_256 = tpu.memref_slice %arg20[%dma_wait3A_247] : memref<4x!tpu.dma_semaphore, #tpu.memory_space<semaphore_mem>> -> memref<1x!tpu.dma_semaphore, #tpu.memory_space<semaphore_mem>>
    %dma_wait3A_257 = tpu.memref_squeeze %dma_wait3A_256 : memref<1x!tpu.dma_semaphore, #tpu.memory_space<semaphore_mem>> -> memref<!tpu.dma_semaphore, #tpu.memory_space<semaphore_mem>>
    tpu.wait_indirect_dma semaphore(%dma_wait3A_257 : memref<!tpu.dma_semaphore, #tpu.memory_space<semaphore_mem>>) src(%dma_wait3A_255 : memref<1000000xf32, #tpu.memory_space<hbm>>) dst(%dma_wait3A_250 : memref<128xf32, #tpu.memory_space<vmem>>)
    %dma_wait3A_258 = arith.constant 1 : i32
    %dma_wait3A_259 = arith.constant 1 : i32
    %dma_wait3A_260 = arith.constant 1 : i32
    %dma_wait3A_261 = arith.constant 0 : i32
    %dma_wait3A_262 = tpu.memref_slice %arg16[%dma_wait3A_259, %dma_wait3A_261] : memref<4x128xf32, #tpu.memory_space<vmem>> -> memref<1x128xf32, #tpu.memory_space<vmem>>
    %dma_wait3A_263 = tpu.memref_squeeze %dma_wait3A_262 : memref<1x128xf32, #tpu.memory_space<vmem>> -> memref<128xf32, #tpu.memory_space<vmem>>
    %dma_wait3A_264 = arith.constant 0 : i32
    %dma_wait3A_265 = tpu.memref_slice %arg11[%dma_wait3A_258, %dma_wait3A_264] : memref<4x128xi32, #tpu.memory_space<vmem>> -> memref<1x128xi32, #tpu.memory_space<vmem>>
    %dma_wait3A_266 = tpu.memref_squeeze %dma_wait3A_265 : memref<1x128xi32, #tpu.memory_space<vmem>> -> memref<128xi32, #tpu.memory_space<vmem>>
    %dma_wait3A_267 = arith.constant 0 : i32
    %dma_wait3A_268 = tpu.memref_slice %arg9[%dma_wait3A_267] : memref<1000000xf32, #tpu.memory_space<hbm>> -> memref<1000000xf32, #tpu.memory_space<hbm>>
    %dma_wait3A_269 = tpu.memref_slice %arg20[%dma_wait3A_260] : memref<4x!tpu.dma_semaphore, #tpu.memory_space<semaphore_mem>> -> memref<1x!tpu.dma_semaphore, #tpu.memory_space<semaphore_mem>>
    %dma_wait3A_270 = tpu.memref_squeeze %dma_wait3A_269 : memref<1x!tpu.dma_semaphore, #tpu.memory_space<semaphore_mem>> -> memref<!tpu.dma_semaphore, #tpu.memory_space<semaphore_mem>>
    tpu.wait_indirect_dma semaphore(%dma_wait3A_270 : memref<!tpu.dma_semaphore, #tpu.memory_space<semaphore_mem>>) src(%dma_wait3A_268 : memref<1000000xf32, #tpu.memory_space<hbm>>) dst(%dma_wait3A_263 : memref<128xf32, #tpu.memory_space<vmem>>)
    %scan3A_271 = arith.constant 0 : i32
    %scan3A_272 = arith.constant 8 : i32
    %scan3A_273 = arith.addi %scan3A_271, %scan3A_272 : i32
    %scan3A_274 = arith.constant 1 : i32
    scf.for %scan3A_364 = %scan3A_271 to %scan3A_273 step %scan3A_274  : i32 {
      %mul3A_365 = arith.constant 1 : i32
      %mul3A_366 = arith.muli %scan3A_364, %mul3A_365 : i32
      %add3A_367 = arith.constant 0 : i32
      %add3A_368 = arith.addi %add3A_367, %mul3A_366 : i32
      %mul3A_369 = arith.constant 16 : i32
      %mul3A_370 = arith.muli %add3A_368, %mul3A_369 : i32
      %get3A = arith.constant 1 : i32
      %get3A_371 = arith.index_cast %get3A : i32 to index
      %get3A_372 = arith.index_cast %mul3A_370 : i32 to index
      %get3A_373 = tpu.vector_load %arg12[%get3A_371, %get3A_372] {strides = array<i32>} : memref<4x128xf32, #tpu.memory_space<vmem>>, vector<16xf32>,
      %get3A_374 = arith.constant 1 : i32
      %get3A_375 = arith.index_cast %get3A_374 : i32 to index
      %get3A_376 = arith.index_cast %mul3A_370 : i32 to index
      %get3A_377 = tpu.vector_load %arg13[%get3A_375, %get3A_376] {strides = array<i32>} : memref<4x128xf32, #tpu.memory_space<vmem>>, vector<16xf32>,
      %get3A_378 = arith.constant 1 : i32
      %get3A_379 = arith.index_cast %get3A_378 : i32 to index
      %get3A_380 = arith.index_cast %mul3A_370 : i32 to index
      %get3A_381 = tpu.vector_load %arg14[%get3A_379, %get3A_380] {strides = array<i32>} : memref<4x128xf32, #tpu.memory_space<vmem>>, vector<16xf32>,
      %get3A_382 = arith.constant 1 : i32
      %get3A_383 = arith.index_cast %get3A_382 : i32 to index
      %get3A_384 = arith.index_cast %mul3A_370 : i32 to index
      %get3A_385 = tpu.vector_load %arg15[%get3A_383, %get3A_384] {strides = array<i32>} : memref<4x128xf32, #tpu.memory_space<vmem>>, vector<16xf32>,
      %get3A_386 = arith.constant 1 : i32
      %get3A_387 = arith.index_cast %get3A_386 : i32 to index
      %get3A_388 = arith.index_cast %mul3A_370 : i32 to index
      %get3A_389 = tpu.vector_load %arg16[%get3A_387, %get3A_388] {strides = array<i32>} : memref<4x128xf32, #tpu.memory_space<vmem>>, vector<16xf32>,
      %get3A_390 = arith.constant 1 : i32
      %get3A_391 = arith.index_cast %get3A_390 : i32 to index
      %get3A_392 = arith.index_cast %mul3A_370 : i32 to index
      %get3A_393 = tpu.vector_load %arg17[%get3A_391, %get3A_392] {strides = array<i32>} : memref<4x128xf32, #tpu.memory_space<vmem>>, vector<16xf32>,
      %get3A_394 = arith.constant 1 : i32
      %get3A_395 = arith.index_cast %get3A_394 : i32 to index
      %get3A_396 = arith.index_cast %mul3A_370 : i32 to index
      %get3A_397 = tpu.vector_load %arg18[%get3A_395, %get3A_396] {strides = array<i32>} : memref<4x128xf32, #tpu.memory_space<vmem>>, vector<16xf32>,
      %abs3A = math.absf %get3A_381 : vector<16xf32>
      %neg3A = arith.constant 0.000000e+00 : f32
      %neg3A_398 = vector.broadcast %neg3A : f32 to vector<16xf32>
      %neg3A_399 = arith.subf %neg3A_398, %abs3A : vector<16xf32>
      %exp3A = math.exp %neg3A_399 : vector<16xf32>
      %max3A = arith.constant 0.000000e+00 : f32
      %max3A_400 = vector.broadcast %max3A : f32 to vector<16xf32>
      %max3A_401 = arith.maximumf %get3A_381, %max3A_400 : vector<16xf32>
      %add3A_402 = arith.constant 1.000000e+00 : f32
      %add3A_403 = vector.broadcast %add3A_402 : f32 to vector<16xf32>
      %add3A_404 = arith.addf %add3A_403, %exp3A : vector<16xf32>
      %bitcast3A = vector.bitcast %add3A_404 : vector<16xf32> to vector<16xi32>
      %shift_right_arithmetic3A = arith.constant 23 : i32
      %shift_right_arithmetic3A_405 = vector.broadcast %shift_right_arithmetic3A : i32 to vector<16xi32>
      %shift_right_arithmetic3A_406 = arith.shrsi %bitcast3A, %shift_right_arithmetic3A_405 : vector<16xi32>
      %sub3A = arith.constant 126 : i32
      %sub3A_407 = vector.broadcast %sub3A : i32 to vector<16xi32>
      %sub3A_408 = arith.subi %shift_right_arithmetic3A_406, %sub3A_407 : vector<16xi32>
      %and3A = arith.constant 8388607 : i32
      %and3A_409 = vector.broadcast %and3A : i32 to vector<16xi32>
      %and3A_410 = arith.andi %bitcast3A, %and3A_409 : vector<16xi32>
      %or3A = arith.constant 1056964608 : i32
      %or3A_411 = vector.broadcast %or3A : i32 to vector<16xi32>
      %or3A_412 = arith.ori %and3A_410, %or3A_411 : vector<16xi32>
      %bitcast3A_413 = vector.bitcast %or3A_412 : vector<16xi32> to vector<16xf32>
      %lt3A = arith.constant 0.707106769 : f32
      %lt3A_414 = vector.broadcast %lt3A : f32 to vector<16xf32>
      %lt3A_415 = arith.cmpf olt, %bitcast3A_413, %lt3A_414 : vector<16xf32>
      %sub3A_416 = arith.constant 1 : i32
      %sub3A_417 = vector.broadcast %sub3A_416 : i32 to vector<16xi32>
      %sub3A_418 = arith.subi %sub3A_408, %sub3A_417 : vector<16xi32>
      %select_n3A = arith.select %lt3A_415, %sub3A_418, %sub3A_408 : vector<16xi1>, vector<16xi32>
      %add3A_419 = arith.addf %bitcast3A_413, %bitcast3A_413 : vector<16xf32>
      %select_n3A_420 = arith.select %lt3A_415, %add3A_419, %bitcast3A_413 : vector<16xi1>, vector<16xf32>
      %sub3A_421 = arith.constant 1.000000e+00 : f32
      %sub3A_422 = vector.broadcast %sub3A_421 : f32 to vector<16xf32>
      %sub3A_423 = arith.subf %select_n3A_420, %sub3A_422 : vector<16xf32>
      %mul3A_424 = arith.mulf %sub3A_423, %sub3A_423 : vector<16xf32>
      %mul3A_425 = arith.constant 0.0703768358 : f32
      %mul3A_426 = vector.broadcast %mul3A_425 : f32 to vector<16xf32>
      %mul3A_427 = arith.mulf %mul3A_426, %sub3A_423 : vector<16xf32>
      %add3A_428 = arith.constant -0.115146101 : f32
      %add3A_429 = vector.broadcast %add3A_428 : f32 to vector<16xf32>
      %add3A_430 = arith.addf %mul3A_427, %add3A_429 : vector<16xf32>
      %mul3A_431 = arith.mulf %add3A_430, %sub3A_423 : vector<16xf32>
      %add3A_432 = arith.constant 0.116769984 : f32
      %add3A_433 = vector.broadcast %add3A_432 : f32 to vector<16xf32>
      %add3A_434 = arith.addf %mul3A_431, %add3A_433 : vector<16xf32>
      %mul3A_435 = arith.mulf %add3A_434, %sub3A_423 : vector<16xf32>
      %add3A_436 = arith.constant -0.12420141 : f32
      %add3A_437 = vector.broadcast %add3A_436 : f32 to vector<16xf32>
      %add3A_438 = arith.addf %mul3A_435, %add3A_437 : vector<16xf32>
      %mul3A_439 = arith.mulf %add3A_438, %sub3A_423 : vector<16xf32>
      %add3A_440 = arith.constant 0.142493233 : f32
      %add3A_441 = vector.broadcast %add3A_440 : f32 to vector<16xf32>
      %add3A_442 = arith.addf %mul3A_439, %add3A_441 : vector<16xf32>
      %mul3A_443 = arith.mulf %add3A_442, %sub3A_423 : vector<16xf32>
      %add3A_444 = arith.constant -0.166680574 : f32
      %add3A_445 = vector.broadcast %add3A_444 : f32 to vector<16xf32>
      %add3A_446 = arith.addf %mul3A_443, %add3A_445 : vector<16xf32>
      %mul3A_447 = arith.mulf %add3A_446, %sub3A_423 : vector<16xf32>
      %add3A_448 = arith.constant 0.200007141 : f32
      %add3A_449 = vector.broadcast %add3A_448 : f32 to vector<16xf32>
      %add3A_450 = arith.addf %mul3A_447, %add3A_449 : vector<16xf32>
      %mul3A_451 = arith.mulf %add3A_450, %sub3A_423 : vector<16xf32>
      %add3A_452 = arith.constant -0.24999994 : f32
      %add3A_453 = vector.broadcast %add3A_452 : f32 to vector<16xf32>
      %add3A_454 = arith.addf %mul3A_451, %add3A_453 : vector<16xf32>
      %mul3A_455 = arith.mulf %add3A_454, %sub3A_423 : vector<16xf32>
      %add3A_456 = arith.constant 0.333333313 : f32
      %add3A_457 = vector.broadcast %add3A_456 : f32 to vector<16xf32>
      %add3A_458 = arith.addf %mul3A_455, %add3A_457 : vector<16xf32>
      %convert_element_type3A = arith.sitofp %select_n3A : vector<16xi32> to vector<16xf32>
      %mul3A_459 = arith.mulf %sub3A_423, %mul3A_424 : vector<16xf32>
      %mul3A_460 = arith.mulf %mul3A_459, %add3A_458 : vector<16xf32>
      %mul3A_461 = arith.constant -2.12194442E-4 : f32
      %mul3A_462 = vector.broadcast %mul3A_461 : f32 to vector<16xf32>
      %mul3A_463 = arith.mulf %convert_element_type3A, %mul3A_462 : vector<16xf32>
      %add3A_464 = arith.addf %mul3A_460, %mul3A_463 : vector<16xf32>
      %mul3A_465 = arith.constant 5.000000e-01 : f32
      %mul3A_466 = vector.broadcast %mul3A_465 : f32 to vector<16xf32>
      %mul3A_467 = arith.mulf %mul3A_466, %mul3A_424 : vector<16xf32>
      %sub3A_468 = arith.subf %add3A_464, %mul3A_467 : vector<16xf32>
      %add3A_469 = arith.addf %sub3A_423, %sub3A_468 : vector<16xf32>
      %mul3A_470 = arith.constant 0.693359375 : f32
      %mul3A_471 = vector.broadcast %mul3A_470 : f32 to vector<16xf32>
      %mul3A_472 = arith.mulf %convert_element_type3A, %mul3A_471 : vector<16xf32>
      %add3A_473 = arith.addf %add3A_469, %mul3A_472 : vector<16xf32>
      %add3A_474 = arith.addf %max3A_401, %add3A_473 : vector<16xf32>
      %add3A_475 = arith.constant 9.99999997E-7 : f32
      %add3A_476 = vector.broadcast %add3A_475 : f32 to vector<16xf32>
      %add3A_477 = arith.addf %add3A_474, %add3A_476 : vector<16xf32>
      %abs3A_478 = math.absf %get3A_389 : vector<16xf32>
      %neg3A_479 = arith.constant 0.000000e+00 : f32
      %neg3A_480 = vector.broadcast %neg3A_479 : f32 to vector<16xf32>
      %neg3A_481 = arith.subf %neg3A_480, %abs3A_478 : vector<16xf32>
      %exp3A_482 = math.exp %neg3A_481 : vector<16xf32>
      %max3A_483 = arith.constant 0.000000e+00 : f32
      %max3A_484 = vector.broadcast %max3A_483 : f32 to vector<16xf32>
      %max3A_485 = arith.maximumf %get3A_389, %max3A_484 : vector<16xf32>
      %add3A_486 = arith.constant 1.000000e+00 : f32
      %add3A_487 = vector.broadcast %add3A_486 : f32 to vector<16xf32>
      %add3A_488 = arith.addf %add3A_487, %exp3A_482 : vector<16xf32>
      %bitcast3A_489 = vector.bitcast %add3A_488 : vector<16xf32> to vector<16xi32>
      %shift_right_arithmetic3A_490 = arith.constant 23 : i32
      %shift_right_arithmetic3A_491 = vector.broadcast %shift_right_arithmetic3A_490 : i32 to vector<16xi32>
      %shift_right_arithmetic3A_492 = arith.shrsi %bitcast3A_489, %shift_right_arithmetic3A_491 : vector<16xi32>
      %sub3A_493 = arith.constant 126 : i32
      %sub3A_494 = vector.broadcast %sub3A_493 : i32 to vector<16xi32>
      %sub3A_495 = arith.subi %shift_right_arithmetic3A_492, %sub3A_494 : vector<16xi32>
      %and3A_496 = arith.constant 8388607 : i32
      %and3A_497 = vector.broadcast %and3A_496 : i32 to vector<16xi32>
      %and3A_498 = arith.andi %bitcast3A_489, %and3A_497 : vector<16xi32>
      %or3A_499 = arith.constant 1056964608 : i32
      %or3A_500 = vector.broadcast %or3A_499 : i32 to vector<16xi32>
      %or3A_501 = arith.ori %and3A_498, %or3A_500 : vector<16xi32>
      %bitcast3A_502 = vector.bitcast %or3A_501 : vector<16xi32> to vector<16xf32>
      %lt3A_503 = arith.constant 0.707106769 : f32
      %lt3A_504 = vector.broadcast %lt3A_503 : f32 to vector<16xf32>
      %lt3A_505 = arith.cmpf olt, %bitcast3A_502, %lt3A_504 : vector<16xf32>
      %sub3A_506 = arith.constant 1 : i32
      %sub3A_507 = vector.broadcast %sub3A_506 : i32 to vector<16xi32>
      %sub3A_508 = arith.subi %sub3A_495, %sub3A_507 : vector<16xi32>
      %select_n3A_509 = arith.select %lt3A_505, %sub3A_508, %sub3A_495 : vector<16xi1>, vector<16xi32>
      %add3A_510 = arith.addf %bitcast3A_502, %bitcast3A_502 : vector<16xf32>
      %select_n3A_511 = arith.select %lt3A_505, %add3A_510, %bitcast3A_502 : vector<16xi1>, vector<16xf32>
      %sub3A_512 = arith.constant 1.000000e+00 : f32
      %sub3A_513 = vector.broadcast %sub3A_512 : f32 to vector<16xf32>
      %sub3A_514 = arith.subf %select_n3A_511, %sub3A_513 : vector<16xf32>
      %mul3A_515 = arith.mulf %sub3A_514, %sub3A_514 : vector<16xf32>
      %mul3A_516 = arith.constant 0.0703768358 : f32
      %mul3A_517 = vector.broadcast %mul3A_516 : f32 to vector<16xf32>
      %mul3A_518 = arith.mulf %mul3A_517, %sub3A_514 : vector<16xf32>
      %add3A_519 = arith.constant -0.115146101 : f32
      %add3A_520 = vector.broadcast %add3A_519 : f32 to vector<16xf32>
      %add3A_521 = arith.addf %mul3A_518, %add3A_520 : vector<16xf32>
      %mul3A_522 = arith.mulf %add3A_521, %sub3A_514 : vector<16xf32>
      %add3A_523 = arith.constant 0.116769984 : f32
      %add3A_524 = vector.broadcast %add3A_523 : f32 to vector<16xf32>
      %add3A_525 = arith.addf %mul3A_522, %add3A_524 : vector<16xf32>
      %mul3A_526 = arith.mulf %add3A_525, %sub3A_514 : vector<16xf32>
      %add3A_527 = arith.constant -0.12420141 : f32
      %add3A_528 = vector.broadcast %add3A_527 : f32 to vector<16xf32>
      %add3A_529 = arith.addf %mul3A_526, %add3A_528 : vector<16xf32>
      %mul3A_530 = arith.mulf %add3A_529, %sub3A_514 : vector<16xf32>
      %add3A_531 = arith.constant 0.142493233 : f32
      %add3A_532 = vector.broadcast %add3A_531 : f32 to vector<16xf32>
      %add3A_533 = arith.addf %mul3A_530, %add3A_532 : vector<16xf32>
      %mul3A_534 = arith.mulf %add3A_533, %sub3A_514 : vector<16xf32>
      %add3A_535 = arith.constant -0.166680574 : f32
      %add3A_536 = vector.broadcast %add3A_535 : f32 to vector<16xf32>
      %add3A_537 = arith.addf %mul3A_534, %add3A_536 : vector<16xf32>
      %mul3A_538 = arith.mulf %add3A_537, %sub3A_514 : vector<16xf32>
      %add3A_539 = arith.constant 0.200007141 : f32
      %add3A_540 = vector.broadcast %add3A_539 : f32 to vector<16xf32>
      %add3A_541 = arith.addf %mul3A_538, %add3A_540 : vector<16xf32>
      %mul3A_542 = arith.mulf %add3A_541, %sub3A_514 : vector<16xf32>
      %add3A_543 = arith.constant -0.24999994 : f32
      %add3A_544 = vector.broadcast %add3A_543 : f32 to vector<16xf32>
      %add3A_545 = arith.addf %mul3A_542, %add3A_544 : vector<16xf32>
      %mul3A_546 = arith.mulf %add3A_545, %sub3A_514 : vector<16xf32>
      %add3A_547 = arith.constant 0.333333313 : f32
      %add3A_548 = vector.broadcast %add3A_547 : f32 to vector<16xf32>
      %add3A_549 = arith.addf %mul3A_546, %add3A_548 : vector<16xf32>
      %convert_element_type3A_550 = arith.sitofp %select_n3A_509 : vector<16xi32> to vector<16xf32>
      %mul3A_551 = arith.mulf %sub3A_514, %mul3A_515 : vector<16xf32>
      %mul3A_552 = arith.mulf %mul3A_551, %add3A_549 : vector<16xf32>
      %mul3A_553 = arith.constant -2.12194442E-4 : f32
      %mul3A_554 = vector.broadcast %mul3A_553 : f32 to vector<16xf32>
      %mul3A_555 = arith.mulf %convert_element_type3A_550, %mul3A_554 : vector<16xf32>
      %add3A_556 = arith.addf %mul3A_552, %mul3A_555 : vector<16xf32>
      %mul3A_557 = arith.constant 5.000000e-01 : f32
      %mul3A_558 = vector.broadcast %mul3A_557 : f32 to vector<16xf32>
      %mul3A_559 = arith.mulf %mul3A_558, %mul3A_515 : vector<16xf32>
      %sub3A_560 = arith.subf %add3A_556, %mul3A_559 : vector<16xf32>
      %add3A_561 = arith.addf %sub3A_514, %sub3A_560 : vector<16xf32>
      %mul3A_562 = arith.constant 0.693359375 : f32
      %mul3A_563 = vector.broadcast %mul3A_562 : f32 to vector<16xf32>
      %mul3A_564 = arith.mulf %convert_element_type3A_550, %mul3A_563 : vector<16xf32>
      %add3A_565 = arith.addf %add3A_561, %mul3A_564 : vector<16xf32>
      %add3A_566 = arith.addf %max3A_485, %add3A_565 : vector<16xf32>
      %add3A_567 = arith.constant 9.99999997E-7 : f32
      %add3A_568 = vector.broadcast %add3A_567 : f32 to vector<16xf32>
      %add3A_569 = arith.addf %add3A_566, %add3A_568 : vector<16xf32>
      %sub3A_570 = arith.subf %get3A_393, %get3A_373 : vector<16xf32>
      %div3A = arith.divf %sub3A_570, %add3A_477 : vector<16xf32>
      %sub3A_571 = arith.subf %get3A_397, %get3A_377 : vector<16xf32>
      %mul3A_572 = arith.mulf %get3A_385, %div3A : vector<16xf32>
      %sub3A_573 = arith.subf %sub3A_571, %mul3A_572 : vector<16xf32>
      %div3A_574 = arith.divf %sub3A_573, %add3A_569 : vector<16xf32>
      %mul3A_575 = arith.mulf %div3A, %div3A : vector<16xf32>
      %mul3A_576 = arith.mulf %div3A_574, %div3A_574 : vector<16xf32>
      %add3A_577 = arith.addf %mul3A_575, %mul3A_576 : vector<16xf32>
      %mul3A_578 = arith.mulf %add3A_477, %add3A_569 : vector<16xf32>
      %bitcast3A_579 = vector.bitcast %mul3A_578 : vector<16xf32> to vector<16xi32>
      %shift_right_arithmetic3A_580 = arith.constant 23 : i32
      %shift_right_arithmetic3A_581 = vector.broadcast %shift_right_arithmetic3A_580 : i32 to vector<16xi32>
      %shift_right_arithmetic3A_582 = arith.shrsi %bitcast3A_579, %shift_right_arithmetic3A_581 : vector<16xi32>
      %sub3A_583 = arith.constant 126 : i32
      %sub3A_584 = vector.broadcast %sub3A_583 : i32 to vector<16xi32>
      %sub3A_585 = arith.subi %shift_right_arithmetic3A_582, %sub3A_584 : vector<16xi32>
      %and3A_586 = arith.constant 8388607 : i32
      %and3A_587 = vector.broadcast %and3A_586 : i32 to vector<16xi32>
      %and3A_588 = arith.andi %bitcast3A_579, %and3A_587 : vector<16xi32>
      %or3A_589 = arith.constant 1056964608 : i32
      %or3A_590 = vector.broadcast %or3A_589 : i32 to vector<16xi32>
      %or3A_591 = arith.ori %and3A_588, %or3A_590 : vector<16xi32>
      %bitcast3A_592 = vector.bitcast %or3A_591 : vector<16xi32> to vector<16xf32>
      %lt3A_593 = arith.constant 0.707106769 : f32
      %lt3A_594 = vector.broadcast %lt3A_593 : f32 to vector<16xf32>
      %lt3A_595 = arith.cmpf olt, %bitcast3A_592, %lt3A_594 : vector<16xf32>
      %sub3A_596 = arith.constant 1 : i32
      %sub3A_597 = vector.broadcast %sub3A_596 : i32 to vector<16xi32>
      %sub3A_598 = arith.subi %sub3A_585, %sub3A_597 : vector<16xi32>
      %select_n3A_599 = arith.select %lt3A_595, %sub3A_598, %sub3A_585 : vector<16xi1>, vector<16xi32>
      %add3A_600 = arith.addf %bitcast3A_592, %bitcast3A_592 : vector<16xf32>
      %select_n3A_601 = arith.select %lt3A_595, %add3A_600, %bitcast3A_592 : vector<16xi1>, vector<16xf32>
      %sub3A_602 = arith.constant 1.000000e+00 : f32
      %sub3A_603 = vector.broadcast %sub3A_602 : f32 to vector<16xf32>
      %sub3A_604 = arith.subf %select_n3A_601, %sub3A_603 : vector<16xf32>
      %mul3A_605 = arith.mulf %sub3A_604, %sub3A_604 : vector<16xf32>
      %mul3A_606 = arith.constant 0.0703768358 : f32
      %mul3A_607 = vector.broadcast %mul3A_606 : f32 to vector<16xf32>
      %mul3A_608 = arith.mulf %mul3A_607, %sub3A_604 : vector<16xf32>
      %add3A_609 = arith.constant -0.115146101 : f32
      %add3A_610 = vector.broadcast %add3A_609 : f32 to vector<16xf32>
      %add3A_611 = arith.addf %mul3A_608, %add3A_610 : vector<16xf32>
      %mul3A_612 = arith.mulf %add3A_611, %sub3A_604 : vector<16xf32>
      %add3A_613 = arith.constant 0.116769984 : f32
      %add3A_614 = vector.broadcast %add3A_613 : f32 to vector<16xf32>
      %add3A_615 = arith.addf %mul3A_612, %add3A_614 : vector<16xf32>
      %mul3A_616 = arith.mulf %add3A_615, %sub3A_604 : vector<16xf32>
      %add3A_617 = arith.constant -0.12420141 : f32
      %add3A_618 = vector.broadcast %add3A_617 : f32 to vector<16xf32>
      %add3A_619 = arith.addf %mul3A_616, %add3A_618 : vector<16xf32>
      %mul3A_620 = arith.mulf %add3A_619, %sub3A_604 : vector<16xf32>
      %add3A_621 = arith.constant 0.142493233 : f32
      %add3A_622 = vector.broadcast %add3A_621 : f32 to vector<16xf32>
      %add3A_623 = arith.addf %mul3A_620, %add3A_622 : vector<16xf32>
      %mul3A_624 = arith.mulf %add3A_623, %sub3A_604 : vector<16xf32>
      %add3A_625 = arith.constant -0.166680574 : f32
      %add3A_626 = vector.broadcast %add3A_625 : f32 to vector<16xf32>
      %add3A_627 = arith.addf %mul3A_624, %add3A_626 : vector<16xf32>
      %mul3A_628 = arith.mulf %add3A_627, %sub3A_604 : vector<16xf32>
      %add3A_629 = arith.constant 0.200007141 : f32
      %add3A_630 = vector.broadcast %add3A_629 : f32 to vector<16xf32>
      %add3A_631 = arith.addf %mul3A_628, %add3A_630 : vector<16xf32>
      %mul3A_632 = arith.mulf %add3A_631, %sub3A_604 : vector<16xf32>
      %add3A_633 = arith.constant -0.24999994 : f32
      %add3A_634 = vector.broadcast %add3A_633 : f32 to vector<16xf32>
      %add3A_635 = arith.addf %mul3A_632, %add3A_634 : vector<16xf32>
      %mul3A_636 = arith.mulf %add3A_635, %sub3A_604 : vector<16xf32>
      %add3A_637 = arith.constant 0.333333313 : f32
      %add3A_638 = vector.broadcast %add3A_637 : f32 to vector<16xf32>
      %add3A_639 = arith.addf %mul3A_636, %add3A_638 : vector<16xf32>
      %convert_element_type3A_640 = arith.sitofp %select_n3A_599 : vector<16xi32> to vector<16xf32>
      %mul3A_641 = arith.mulf %sub3A_604, %mul3A_605 : vector<16xf32>
      %mul3A_642 = arith.mulf %mul3A_641, %add3A_639 : vector<16xf32>
      %mul3A_643 = arith.constant -2.12194442E-4 : f32
      %mul3A_644 = vector.broadcast %mul3A_643 : f32 to vector<16xf32>
      %mul3A_645 = arith.mulf %convert_element_type3A_640, %mul3A_644 : vector<16xf32>
      %add3A_646 = arith.addf %mul3A_642, %mul3A_645 : vector<16xf32>
      %mul3A_647 = arith.constant 5.000000e-01 : f32
      %mul3A_648 = vector.broadcast %mul3A_647 : f32 to vector<16xf32>
      %mul3A_649 = arith.mulf %mul3A_648, %mul3A_605 : vector<16xf32>
      %sub3A_650 = arith.subf %add3A_646, %mul3A_649 : vector<16xf32>
      %add3A_651 = arith.addf %sub3A_604, %sub3A_650 : vector<16xf32>
      %mul3A_652 = arith.constant 0.693359375 : f32
      %mul3A_653 = vector.broadcast %mul3A_652 : f32 to vector<16xf32>
      %mul3A_654 = arith.mulf %convert_element_type3A_640, %mul3A_653 : vector<16xf32>
      %add3A_655 = arith.addf %add3A_651, %mul3A_654 : vector<16xf32>
      %mul3A_656 = arith.constant -5.000000e-01 : f32
      %mul3A_657 = vector.broadcast %mul3A_656 : f32 to vector<16xf32>
      %mul3A_658 = arith.mulf %mul3A_657, %add3A_577 : vector<16xf32>
      %sub3A_659 = arith.constant 1.83787704 : f32
      %sub3A_660 = vector.broadcast %sub3A_659 : f32 to vector<16xf32>
      %sub3A_661 = arith.subf %mul3A_658, %sub3A_660 : vector<16xf32>
      %sub3A_662 = arith.subf %sub3A_661, %add3A_655 : vector<16xf32>
      %swap3A = arith.constant 1 : i32
      %swap3A_663 = arith.index_cast %swap3A : i32 to index
      %swap3A_664 = arith.index_cast %mul3A_370 : i32 to index
      %swap3A_665 = tpu.vector_load %arg19[%swap3A_663, %swap3A_664] {strides = array<i32>} : memref<4x128xf32, #tpu.memory_space<vmem>>, vector<16xf32>,
      tpu.vector_store %arg19[%swap3A_663, %swap3A_664], %sub3A_662 {strides = array<i32>} : memref<4x128xf32, #tpu.memory_space<vmem>>, vector<16xf32>,
    }
    %scan3A_275 = arith.constant 8 : i32
    %dma_wait3A_276 = arith.constant 2 : i32
    %dma_wait3A_277 = arith.constant 2 : i32
    %dma_wait3A_278 = arith.constant 2 : i32
    %dma_wait3A_279 = arith.constant 0 : i32
    %dma_wait3A_280 = tpu.memref_slice %arg14[%dma_wait3A_277, %dma_wait3A_279] : memref<4x128xf32, #tpu.memory_space<vmem>> -> memref<1x128xf32, #tpu.memory_space<vmem>>
    %dma_wait3A_281 = tpu.memref_squeeze %dma_wait3A_280 : memref<1x128xf32, #tpu.memory_space<vmem>> -> memref<128xf32, #tpu.memory_space<vmem>>
    %dma_wait3A_282 = arith.constant 0 : i32
    %dma_wait3A_283 = tpu.memref_slice %arg11[%dma_wait3A_276, %dma_wait3A_282] : memref<4x128xi32, #tpu.memory_space<vmem>> -> memref<1x128xi32, #tpu.memory_space<vmem>>
    %dma_wait3A_284 = tpu.memref_squeeze %dma_wait3A_283 : memref<1x128xi32, #tpu.memory_space<vmem>> -> memref<128xi32, #tpu.memory_space<vmem>>
    %dma_wait3A_285 = arith.constant 0 : i32
    %dma_wait3A_286 = tpu.memref_slice %arg7[%dma_wait3A_285] : memref<1000000xf32, #tpu.memory_space<hbm>> -> memref<1000000xf32, #tpu.memory_space<hbm>>
    %dma_wait3A_287 = tpu.memref_slice %arg20[%dma_wait3A_278] : memref<4x!tpu.dma_semaphore, #tpu.memory_space<semaphore_mem>> -> memref<1x!tpu.dma_semaphore, #tpu.memory_space<semaphore_mem>>
    %dma_wait3A_288 = tpu.memref_squeeze %dma_wait3A_287 : memref<1x!tpu.dma_semaphore, #tpu.memory_space<semaphore_mem>> -> memref<!tpu.dma_semaphore, #tpu.memory_space<semaphore_mem>>
    tpu.wait_indirect_dma semaphore(%dma_wait3A_288 : memref<!tpu.dma_semaphore, #tpu.memory_space<semaphore_mem>>) src(%dma_wait3A_286 : memref<1000000xf32, #tpu.memory_space<hbm>>) dst(%dma_wait3A_281 : memref<128xf32, #tpu.memory_space<vmem>>)
    %dma_wait3A_289 = arith.constant 2 : i32
    %dma_wait3A_290 = arith.constant 2 : i32
    %dma_wait3A_291 = arith.constant 2 : i32
    %dma_wait3A_292 = arith.constant 0 : i32
    %dma_wait3A_293 = tpu.memref_slice %arg15[%dma_wait3A_290, %dma_wait3A_292] : memref<4x128xf32, #tpu.memory_space<vmem>> -> memref<1x128xf32, #tpu.memory_space<vmem>>
    %dma_wait3A_294 = tpu.memref_squeeze %dma_wait3A_293 : memref<1x128xf32, #tpu.memory_space<vmem>> -> memref<128xf32, #tpu.memory_space<vmem>>
    %dma_wait3A_295 = arith.constant 0 : i32
    %dma_wait3A_296 = tpu.memref_slice %arg11[%dma_wait3A_289, %dma_wait3A_295] : memref<4x128xi32, #tpu.memory_space<vmem>> -> memref<1x128xi32, #tpu.memory_space<vmem>>
    %dma_wait3A_297 = tpu.memref_squeeze %dma_wait3A_296 : memref<1x128xi32, #tpu.memory_space<vmem>> -> memref<128xi32, #tpu.memory_space<vmem>>
    %dma_wait3A_298 = arith.constant 0 : i32
    %dma_wait3A_299 = tpu.memref_slice %arg8[%dma_wait3A_298] : memref<1000000xf32, #tpu.memory_space<hbm>> -> memref<1000000xf32, #tpu.memory_space<hbm>>
    %dma_wait3A_300 = tpu.memref_slice %arg20[%dma_wait3A_291] : memref<4x!tpu.dma_semaphore, #tpu.memory_space<semaphore_mem>> -> memref<1x!tpu.dma_semaphore, #tpu.memory_space<semaphore_mem>>
    %dma_wait3A_301 = tpu.memref_squeeze %dma_wait3A_300 : memref<1x!tpu.dma_semaphore, #tpu.memory_space<semaphore_mem>> -> memref<!tpu.dma_semaphore, #tpu.memory_space<semaphore_mem>>
    tpu.wait_indirect_dma semaphore(%dma_wait3A_301 : memref<!tpu.dma_semaphore, #tpu.memory_space<semaphore_mem>>) src(%dma_wait3A_299 : memref<1000000xf32, #tpu.memory_space<hbm>>) dst(%dma_wait3A_294 : memref<128xf32, #tpu.memory_space<vmem>>)
    %dma_wait3A_302 = arith.constant 2 : i32
    %dma_wait3A_303 = arith.constant 2 : i32
    %dma_wait3A_304 = arith.constant 2 : i32
    %dma_wait3A_305 = arith.constant 0 : i32
    %dma_wait3A_306 = tpu.memref_slice %arg16[%dma_wait3A_303, %dma_wait3A_305] : memref<4x128xf32, #tpu.memory_space<vmem>> -> memref<1x128xf32, #tpu.memory_space<vmem>>
    %dma_wait3A_307 = tpu.memref_squeeze %dma_wait3A_306 : memref<1x128xf32, #tpu.memory_space<vmem>> -> memref<128xf32, #tpu.memory_space<vmem>>
    %dma_wait3A_308 = arith.constant 0 : i32
    %dma_wait3A_309 = tpu.memref_slice %arg11[%dma_wait3A_302, %dma_wait3A_308] : memref<4x128xi32, #tpu.memory_space<vmem>> -> memref<1x128xi32, #tpu.memory_space<vmem>>
    %dma_wait3A_310 = tpu.memref_squeeze %dma_wait3A_309 : memref<1x128xi32, #tpu.memory_space<vmem>> -> memref<128xi32, #tpu.memory_space<vmem>>
    %dma_wait3A_311 = arith.constant 0 : i32
    %dma_wait3A_312 = tpu.memref_slice %arg9[%dma_wait3A_311] : memref<1000000xf32, #tpu.memory_space<hbm>> -> memref<1000000xf32, #tpu.memory_space<hbm>>
    %dma_wait3A_313 = tpu.memref_slice %arg20[%dma_wait3A_304] : memref<4x!tpu.dma_semaphore, #tpu.memory_space<semaphore_mem>> -> memref<1x!tpu.dma_semaphore, #tpu.memory_space<semaphore_mem>>
    %dma_wait3A_314 = tpu.memref_squeeze %dma_wait3A_313 : memref<1x!tpu.dma_semaphore, #tpu.memory_space<semaphore_mem>> -> memref<!tpu.dma_semaphore, #tpu.memory_space<semaphore_mem>>
    tpu.wait_indirect_dma semaphore(%dma_wait3A_314 : memref<!tpu.dma_semaphore, #tpu.memory_space<semaphore_mem>>) src(%dma_wait3A_312 : memref<1000000xf32, #tpu.memory_space<hbm>>) dst(%dma_wait3A_307 : memref<128xf32, #tpu.memory_space<vmem>>)
    %scan3A_315 = arith.constant 0 : i32
    %scan3A_316 = arith.constant 8 : i32
    %scan3A_317 = arith.addi %scan3A_315, %scan3A_316 : i32
    %scan3A_318 = arith.constant 1 : i32
    scf.for %scan3A_364 = %scan3A_315 to %scan3A_317 step %scan3A_318  : i32 {
      %mul3A_365 = arith.constant 1 : i32
      %mul3A_366 = arith.muli %scan3A_364, %mul3A_365 : i32
      %add3A_367 = arith.constant 0 : i32
      %add3A_368 = arith.addi %add3A_367, %mul3A_366 : i32
      %mul3A_369 = arith.constant 16 : i32
      %mul3A_370 = arith.muli %add3A_368, %mul3A_369 : i32
      %get3A = arith.constant 2 : i32
      %get3A_371 = arith.index_cast %get3A : i32 to index
      %get3A_372 = arith.index_cast %mul3A_370 : i32 to index
      %get3A_373 = tpu.vector_load %arg12[%get3A_371, %get3A_372] {strides = array<i32>} : memref<4x128xf32, #tpu.memory_space<vmem>>, vector<16xf32>,
      %get3A_374 = arith.constant 2 : i32
      %get3A_375 = arith.index_cast %get3A_374 : i32 to index
      %get3A_376 = arith.index_cast %mul3A_370 : i32 to index
      %get3A_377 = tpu.vector_load %arg13[%get3A_375, %get3A_376] {strides = array<i32>} : memref<4x128xf32, #tpu.memory_space<vmem>>, vector<16xf32>,
      %get3A_378 = arith.constant 2 : i32
      %get3A_379 = arith.index_cast %get3A_378 : i32 to index
      %get3A_380 = arith.index_cast %mul3A_370 : i32 to index
      %get3A_381 = tpu.vector_load %arg14[%get3A_379, %get3A_380] {strides = array<i32>} : memref<4x128xf32, #tpu.memory_space<vmem>>, vector<16xf32>,
      %get3A_382 = arith.constant 2 : i32
      %get3A_383 = arith.index_cast %get3A_382 : i32 to index
      %get3A_384 = arith.index_cast %mul3A_370 : i32 to index
      %get3A_385 = tpu.vector_load %arg15[%get3A_383, %get3A_384] {strides = array<i32>} : memref<4x128xf32, #tpu.memory_space<vmem>>, vector<16xf32>,
      %get3A_386 = arith.constant 2 : i32
      %get3A_387 = arith.index_cast %get3A_386 : i32 to index
      %get3A_388 = arith.index_cast %mul3A_370 : i32 to index
      %get3A_389 = tpu.vector_load %arg16[%get3A_387, %get3A_388] {strides = array<i32>} : memref<4x128xf32, #tpu.memory_space<vmem>>, vector<16xf32>,
      %get3A_390 = arith.constant 2 : i32
      %get3A_391 = arith.index_cast %get3A_390 : i32 to index
      %get3A_392 = arith.index_cast %mul3A_370 : i32 to index
      %get3A_393 = tpu.vector_load %arg17[%get3A_391, %get3A_392] {strides = array<i32>} : memref<4x128xf32, #tpu.memory_space<vmem>>, vector<16xf32>,
      %get3A_394 = arith.constant 2 : i32
      %get3A_395 = arith.index_cast %get3A_394 : i32 to index
      %get3A_396 = arith.index_cast %mul3A_370 : i32 to index
      %get3A_397 = tpu.vector_load %arg18[%get3A_395, %get3A_396] {strides = array<i32>} : memref<4x128xf32, #tpu.memory_space<vmem>>, vector<16xf32>,
      %abs3A = math.absf %get3A_381 : vector<16xf32>
      %neg3A = arith.constant 0.000000e+00 : f32
      %neg3A_398 = vector.broadcast %neg3A : f32 to vector<16xf32>
      %neg3A_399 = arith.subf %neg3A_398, %abs3A : vector<16xf32>
      %exp3A = math.exp %neg3A_399 : vector<16xf32>
      %max3A = arith.constant 0.000000e+00 : f32
      %max3A_400 = vector.broadcast %max3A : f32 to vector<16xf32>
      %max3A_401 = arith.maximumf %get3A_381, %max3A_400 : vector<16xf32>
      %add3A_402 = arith.constant 1.000000e+00 : f32
      %add3A_403 = vector.broadcast %add3A_402 : f32 to vector<16xf32>
      %add3A_404 = arith.addf %add3A_403, %exp3A : vector<16xf32>
      %bitcast3A = vector.bitcast %add3A_404 : vector<16xf32> to vector<16xi32>
      %shift_right_arithmetic3A = arith.constant 23 : i32
      %shift_right_arithmetic3A_405 = vector.broadcast %shift_right_arithmetic3A : i32 to vector<16xi32>
      %shift_right_arithmetic3A_406 = arith.shrsi %bitcast3A, %shift_right_arithmetic3A_405 : vector<16xi32>
      %sub3A = arith.constant 126 : i32
      %sub3A_407 = vector.broadcast %sub3A : i32 to vector<16xi32>
      %sub3A_408 = arith.subi %shift_right_arithmetic3A_406, %sub3A_407 : vector<16xi32>
      %and3A = arith.constant 8388607 : i32
      %and3A_409 = vector.broadcast %and3A : i32 to vector<16xi32>
      %and3A_410 = arith.andi %bitcast3A, %and3A_409 : vector<16xi32>
      %or3A = arith.constant 1056964608 : i32
      %or3A_411 = vector.broadcast %or3A : i32 to vector<16xi32>
      %or3A_412 = arith.ori %and3A_410, %or3A_411 : vector<16xi32>
      %bitcast3A_413 = vector.bitcast %or3A_412 : vector<16xi32> to vector<16xf32>
      %lt3A = arith.constant 0.707106769 : f32
      %lt3A_414 = vector.broadcast %lt3A : f32 to vector<16xf32>
      %lt3A_415 = arith.cmpf olt, %bitcast3A_413, %lt3A_414 : vector<16xf32>
      %sub3A_416 = arith.constant 1 : i32
      %sub3A_417 = vector.broadcast %sub3A_416 : i32 to vector<16xi32>
      %sub3A_418 = arith.subi %sub3A_408, %sub3A_417 : vector<16xi32>
      %select_n3A = arith.select %lt3A_415, %sub3A_418, %sub3A_408 : vector<16xi1>, vector<16xi32>
      %add3A_419 = arith.addf %bitcast3A_413, %bitcast3A_413 : vector<16xf32>
      %select_n3A_420 = arith.select %lt3A_415, %add3A_419, %bitcast3A_413 : vector<16xi1>, vector<16xf32>
      %sub3A_421 = arith.constant 1.000000e+00 : f32
      %sub3A_422 = vector.broadcast %sub3A_421 : f32 to vector<16xf32>
      %sub3A_423 = arith.subf %select_n3A_420, %sub3A_422 : vector<16xf32>
      %mul3A_424 = arith.mulf %sub3A_423, %sub3A_423 : vector<16xf32>
      %mul3A_425 = arith.constant 0.0703768358 : f32
      %mul3A_426 = vector.broadcast %mul3A_425 : f32 to vector<16xf32>
      %mul3A_427 = arith.mulf %mul3A_426, %sub3A_423 : vector<16xf32>
      %add3A_428 = arith.constant -0.115146101 : f32
      %add3A_429 = vector.broadcast %add3A_428 : f32 to vector<16xf32>
      %add3A_430 = arith.addf %mul3A_427, %add3A_429 : vector<16xf32>
      %mul3A_431 = arith.mulf %add3A_430, %sub3A_423 : vector<16xf32>
      %add3A_432 = arith.constant 0.116769984 : f32
      %add3A_433 = vector.broadcast %add3A_432 : f32 to vector<16xf32>
      %add3A_434 = arith.addf %mul3A_431, %add3A_433 : vector<16xf32>
      %mul3A_435 = arith.mulf %add3A_434, %sub3A_423 : vector<16xf32>
      %add3A_436 = arith.constant -0.12420141 : f32
      %add3A_437 = vector.broadcast %add3A_436 : f32 to vector<16xf32>
      %add3A_438 = arith.addf %mul3A_435, %add3A_437 : vector<16xf32>
      %mul3A_439 = arith.mulf %add3A_438, %sub3A_423 : vector<16xf32>
      %add3A_440 = arith.constant 0.142493233 : f32
      %add3A_441 = vector.broadcast %add3A_440 : f32 to vector<16xf32>
      %add3A_442 = arith.addf %mul3A_439, %add3A_441 : vector<16xf32>
      %mul3A_443 = arith.mulf %add3A_442, %sub3A_423 : vector<16xf32>
      %add3A_444 = arith.constant -0.166680574 : f32
      %add3A_445 = vector.broadcast %add3A_444 : f32 to vector<16xf32>
      %add3A_446 = arith.addf %mul3A_443, %add3A_445 : vector<16xf32>
      %mul3A_447 = arith.mulf %add3A_446, %sub3A_423 : vector<16xf32>
      %add3A_448 = arith.constant 0.200007141 : f32
      %add3A_449 = vector.broadcast %add3A_448 : f32 to vector<16xf32>
      %add3A_450 = arith.addf %mul3A_447, %add3A_449 : vector<16xf32>
      %mul3A_451 = arith.mulf %add3A_450, %sub3A_423 : vector<16xf32>
      %add3A_452 = arith.constant -0.24999994 : f32
      %add3A_453 = vector.broadcast %add3A_452 : f32 to vector<16xf32>
      %add3A_454 = arith.addf %mul3A_451, %add3A_453 : vector<16xf32>
      %mul3A_455 = arith.mulf %add3A_454, %sub3A_423 : vector<16xf32>
      %add3A_456 = arith.constant 0.333333313 : f32
      %add3A_457 = vector.broadcast %add3A_456 : f32 to vector<16xf32>
      %add3A_458 = arith.addf %mul3A_455, %add3A_457 : vector<16xf32>
      %convert_element_type3A = arith.sitofp %select_n3A : vector<16xi32> to vector<16xf32>
      %mul3A_459 = arith.mulf %sub3A_423, %mul3A_424 : vector<16xf32>
      %mul3A_460 = arith.mulf %mul3A_459, %add3A_458 : vector<16xf32>
      %mul3A_461 = arith.constant -2.12194442E-4 : f32
      %mul3A_462 = vector.broadcast %mul3A_461 : f32 to vector<16xf32>
      %mul3A_463 = arith.mulf %convert_element_type3A, %mul3A_462 : vector<16xf32>
      %add3A_464 = arith.addf %mul3A_460, %mul3A_463 : vector<16xf32>
      %mul3A_465 = arith.constant 5.000000e-01 : f32
      %mul3A_466 = vector.broadcast %mul3A_465 : f32 to vector<16xf32>
      %mul3A_467 = arith.mulf %mul3A_466, %mul3A_424 : vector<16xf32>
      %sub3A_468 = arith.subf %add3A_464, %mul3A_467 : vector<16xf32>
      %add3A_469 = arith.addf %sub3A_423, %sub3A_468 : vector<16xf32>
      %mul3A_470 = arith.constant 0.693359375 : f32
      %mul3A_471 = vector.broadcast %mul3A_470 : f32 to vector<16xf32>
      %mul3A_472 = arith.mulf %convert_element_type3A, %mul3A_471 : vector<16xf32>
      %add3A_473 = arith.addf %add3A_469, %mul3A_472 : vector<16xf32>
      %add3A_474 = arith.addf %max3A_401, %add3A_473 : vector<16xf32>
      %add3A_475 = arith.constant 9.99999997E-7 : f32
      %add3A_476 = vector.broadcast %add3A_475 : f32 to vector<16xf32>
      %add3A_477 = arith.addf %add3A_474, %add3A_476 : vector<16xf32>
      %abs3A_478 = math.absf %get3A_389 : vector<16xf32>
      %neg3A_479 = arith.constant 0.000000e+00 : f32
      %neg3A_480 = vector.broadcast %neg3A_479 : f32 to vector<16xf32>
      %neg3A_481 = arith.subf %neg3A_480, %abs3A_478 : vector<16xf32>
      %exp3A_482 = math.exp %neg3A_481 : vector<16xf32>
      %max3A_483 = arith.constant 0.000000e+00 : f32
      %max3A_484 = vector.broadcast %max3A_483 : f32 to vector<16xf32>
      %max3A_485 = arith.maximumf %get3A_389, %max3A_484 : vector<16xf32>
      %add3A_486 = arith.constant 1.000000e+00 : f32
      %add3A_487 = vector.broadcast %add3A_486 : f32 to vector<16xf32>
      %add3A_488 = arith.addf %add3A_487, %exp3A_482 : vector<16xf32>
      %bitcast3A_489 = vector.bitcast %add3A_488 : vector<16xf32> to vector<16xi32>
      %shift_right_arithmetic3A_490 = arith.constant 23 : i32
      %shift_right_arithmetic3A_491 = vector.broadcast %shift_right_arithmetic3A_490 : i32 to vector<16xi32>
      %shift_right_arithmetic3A_492 = arith.shrsi %bitcast3A_489, %shift_right_arithmetic3A_491 : vector<16xi32>
      %sub3A_493 = arith.constant 126 : i32
      %sub3A_494 = vector.broadcast %sub3A_493 : i32 to vector<16xi32>
      %sub3A_495 = arith.subi %shift_right_arithmetic3A_492, %sub3A_494 : vector<16xi32>
      %and3A_496 = arith.constant 8388607 : i32
      %and3A_497 = vector.broadcast %and3A_496 : i32 to vector<16xi32>
      %and3A_498 = arith.andi %bitcast3A_489, %and3A_497 : vector<16xi32>
      %or3A_499 = arith.constant 1056964608 : i32
      %or3A_500 = vector.broadcast %or3A_499 : i32 to vector<16xi32>
      %or3A_501 = arith.ori %and3A_498, %or3A_500 : vector<16xi32>
      %bitcast3A_502 = vector.bitcast %or3A_501 : vector<16xi32> to vector<16xf32>
      %lt3A_503 = arith.constant 0.707106769 : f32
      %lt3A_504 = vector.broadcast %lt3A_503 : f32 to vector<16xf32>
      %lt3A_505 = arith.cmpf olt, %bitcast3A_502, %lt3A_504 : vector<16xf32>
      %sub3A_506 = arith.constant 1 : i32
      %sub3A_507 = vector.broadcast %sub3A_506 : i32 to vector<16xi32>
      %sub3A_508 = arith.subi %sub3A_495, %sub3A_507 : vector<16xi32>
      %select_n3A_509 = arith.select %lt3A_505, %sub3A_508, %sub3A_495 : vector<16xi1>, vector<16xi32>
      %add3A_510 = arith.addf %bitcast3A_502, %bitcast3A_502 : vector<16xf32>
      %select_n3A_511 = arith.select %lt3A_505, %add3A_510, %bitcast3A_502 : vector<16xi1>, vector<16xf32>
      %sub3A_512 = arith.constant 1.000000e+00 : f32
      %sub3A_513 = vector.broadcast %sub3A_512 : f32 to vector<16xf32>
      %sub3A_514 = arith.subf %select_n3A_511, %sub3A_513 : vector<16xf32>
      %mul3A_515 = arith.mulf %sub3A_514, %sub3A_514 : vector<16xf32>
      %mul3A_516 = arith.constant 0.0703768358 : f32
      %mul3A_517 = vector.broadcast %mul3A_516 : f32 to vector<16xf32>
      %mul3A_518 = arith.mulf %mul3A_517, %sub3A_514 : vector<16xf32>
      %add3A_519 = arith.constant -0.115146101 : f32
      %add3A_520 = vector.broadcast %add3A_519 : f32 to vector<16xf32>
      %add3A_521 = arith.addf %mul3A_518, %add3A_520 : vector<16xf32>
      %mul3A_522 = arith.mulf %add3A_521, %sub3A_514 : vector<16xf32>
      %add3A_523 = arith.constant 0.116769984 : f32
      %add3A_524 = vector.broadcast %add3A_523 : f32 to vector<16xf32>
      %add3A_525 = arith.addf %mul3A_522, %add3A_524 : vector<16xf32>
      %mul3A_526 = arith.mulf %add3A_525, %sub3A_514 : vector<16xf32>
      %add3A_527 = arith.constant -0.12420141 : f32
      %add3A_528 = vector.broadcast %add3A_527 : f32 to vector<16xf32>
      %add3A_529 = arith.addf %mul3A_526, %add3A_528 : vector<16xf32>
      %mul3A_530 = arith.mulf %add3A_529, %sub3A_514 : vector<16xf32>
      %add3A_531 = arith.constant 0.142493233 : f32
      %add3A_532 = vector.broadcast %add3A_531 : f32 to vector<16xf32>
      %add3A_533 = arith.addf %mul3A_530, %add3A_532 : vector<16xf32>
      %mul3A_534 = arith.mulf %add3A_533, %sub3A_514 : vector<16xf32>
      %add3A_535 = arith.constant -0.166680574 : f32
      %add3A_536 = vector.broadcast %add3A_535 : f32 to vector<16xf32>
      %add3A_537 = arith.addf %mul3A_534, %add3A_536 : vector<16xf32>
      %mul3A_538 = arith.mulf %add3A_537, %sub3A_514 : vector<16xf32>
      %add3A_539 = arith.constant 0.200007141 : f32
      %add3A_540 = vector.broadcast %add3A_539 : f32 to vector<16xf32>
      %add3A_541 = arith.addf %mul3A_538, %add3A_540 : vector<16xf32>
      %mul3A_542 = arith.mulf %add3A_541, %sub3A_514 : vector<16xf32>
      %add3A_543 = arith.constant -0.24999994 : f32
      %add3A_544 = vector.broadcast %add3A_543 : f32 to vector<16xf32>
      %add3A_545 = arith.addf %mul3A_542, %add3A_544 : vector<16xf32>
      %mul3A_546 = arith.mulf %add3A_545, %sub3A_514 : vector<16xf32>
      %add3A_547 = arith.constant 0.333333313 : f32
      %add3A_548 = vector.broadcast %add3A_547 : f32 to vector<16xf32>
      %add3A_549 = arith.addf %mul3A_546, %add3A_548 : vector<16xf32>
      %convert_element_type3A_550 = arith.sitofp %select_n3A_509 : vector<16xi32> to vector<16xf32>
      %mul3A_551 = arith.mulf %sub3A_514, %mul3A_515 : vector<16xf32>
      %mul3A_552 = arith.mulf %mul3A_551, %add3A_549 : vector<16xf32>
      %mul3A_553 = arith.constant -2.12194442E-4 : f32
      %mul3A_554 = vector.broadcast %mul3A_553 : f32 to vector<16xf32>
      %mul3A_555 = arith.mulf %convert_element_type3A_550, %mul3A_554 : vector<16xf32>
      %add3A_556 = arith.addf %mul3A_552, %mul3A_555 : vector<16xf32>
      %mul3A_557 = arith.constant 5.000000e-01 : f32
      %mul3A_558 = vector.broadcast %mul3A_557 : f32 to vector<16xf32>
      %mul3A_559 = arith.mulf %mul3A_558, %mul3A_515 : vector<16xf32>
      %sub3A_560 = arith.subf %add3A_556, %mul3A_559 : vector<16xf32>
      %add3A_561 = arith.addf %sub3A_514, %sub3A_560 : vector<16xf32>
      %mul3A_562 = arith.constant 0.693359375 : f32
      %mul3A_563 = vector.broadcast %mul3A_562 : f32 to vector<16xf32>
      %mul3A_564 = arith.mulf %convert_element_type3A_550, %mul3A_563 : vector<16xf32>
      %add3A_565 = arith.addf %add3A_561, %mul3A_564 : vector<16xf32>
      %add3A_566 = arith.addf %max3A_485, %add3A_565 : vector<16xf32>
      %add3A_567 = arith.constant 9.99999997E-7 : f32
      %add3A_568 = vector.broadcast %add3A_567 : f32 to vector<16xf32>
      %add3A_569 = arith.addf %add3A_566, %add3A_568 : vector<16xf32>
      %sub3A_570 = arith.subf %get3A_393, %get3A_373 : vector<16xf32>
      %div3A = arith.divf %sub3A_570, %add3A_477 : vector<16xf32>
      %sub3A_571 = arith.subf %get3A_397, %get3A_377 : vector<16xf32>
      %mul3A_572 = arith.mulf %get3A_385, %div3A : vector<16xf32>
      %sub3A_573 = arith.subf %sub3A_571, %mul3A_572 : vector<16xf32>
      %div3A_574 = arith.divf %sub3A_573, %add3A_569 : vector<16xf32>
      %mul3A_575 = arith.mulf %div3A, %div3A : vector<16xf32>
      %mul3A_576 = arith.mulf %div3A_574, %div3A_574 : vector<16xf32>
      %add3A_577 = arith.addf %mul3A_575, %mul3A_576 : vector<16xf32>
      %mul3A_578 = arith.mulf %add3A_477, %add3A_569 : vector<16xf32>
      %bitcast3A_579 = vector.bitcast %mul3A_578 : vector<16xf32> to vector<16xi32>
      %shift_right_arithmetic3A_580 = arith.constant 23 : i32
      %shift_right_arithmetic3A_581 = vector.broadcast %shift_right_arithmetic3A_580 : i32 to vector<16xi32>
      %shift_right_arithmetic3A_582 = arith.shrsi %bitcast3A_579, %shift_right_arithmetic3A_581 : vector<16xi32>
      %sub3A_583 = arith.constant 126 : i32
      %sub3A_584 = vector.broadcast %sub3A_583 : i32 to vector<16xi32>
      %sub3A_585 = arith.subi %shift_right_arithmetic3A_582, %sub3A_584 : vector<16xi32>
      %and3A_586 = arith.constant 8388607 : i32
      %and3A_587 = vector.broadcast %and3A_586 : i32 to vector<16xi32>
      %and3A_588 = arith.andi %bitcast3A_579, %and3A_587 : vector<16xi32>
      %or3A_589 = arith.constant 1056964608 : i32
      %or3A_590 = vector.broadcast %or3A_589 : i32 to vector<16xi32>
      %or3A_591 = arith.ori %and3A_588, %or3A_590 : vector<16xi32>
      %bitcast3A_592 = vector.bitcast %or3A_591 : vector<16xi32> to vector<16xf32>
      %lt3A_593 = arith.constant 0.707106769 : f32
      %lt3A_594 = vector.broadcast %lt3A_593 : f32 to vector<16xf32>
      %lt3A_595 = arith.cmpf olt, %bitcast3A_592, %lt3A_594 : vector<16xf32>
      %sub3A_596 = arith.constant 1 : i32
      %sub3A_597 = vector.broadcast %sub3A_596 : i32 to vector<16xi32>
      %sub3A_598 = arith.subi %sub3A_585, %sub3A_597 : vector<16xi32>
      %select_n3A_599 = arith.select %lt3A_595, %sub3A_598, %sub3A_585 : vector<16xi1>, vector<16xi32>
      %add3A_600 = arith.addf %bitcast3A_592, %bitcast3A_592 : vector<16xf32>
      %select_n3A_601 = arith.select %lt3A_595, %add3A_600, %bitcast3A_592 : vector<16xi1>, vector<16xf32>
      %sub3A_602 = arith.constant 1.000000e+00 : f32
      %sub3A_603 = vector.broadcast %sub3A_602 : f32 to vector<16xf32>
      %sub3A_604 = arith.subf %select_n3A_601, %sub3A_603 : vector<16xf32>
      %mul3A_605 = arith.mulf %sub3A_604, %sub3A_604 : vector<16xf32>
      %mul3A_606 = arith.constant 0.0703768358 : f32
      %mul3A_607 = vector.broadcast %mul3A_606 : f32 to vector<16xf32>
      %mul3A_608 = arith.mulf %mul3A_607, %sub3A_604 : vector<16xf32>
      %add3A_609 = arith.constant -0.115146101 : f32
      %add3A_610 = vector.broadcast %add3A_609 : f32 to vector<16xf32>
      %add3A_611 = arith.addf %mul3A_608, %add3A_610 : vector<16xf32>
      %mul3A_612 = arith.mulf %add3A_611, %sub3A_604 : vector<16xf32>
      %add3A_613 = arith.constant 0.116769984 : f32
      %add3A_614 = vector.broadcast %add3A_613 : f32 to vector<16xf32>
      %add3A_615 = arith.addf %mul3A_612, %add3A_614 : vector<16xf32>
      %mul3A_616 = arith.mulf %add3A_615, %sub3A_604 : vector<16xf32>
      %add3A_617 = arith.constant -0.12420141 : f32
      %add3A_618 = vector.broadcast %add3A_617 : f32 to vector<16xf32>
      %add3A_619 = arith.addf %mul3A_616, %add3A_618 : vector<16xf32>
      %mul3A_620 = arith.mulf %add3A_619, %sub3A_604 : vector<16xf32>
      %add3A_621 = arith.constant 0.142493233 : f32
      %add3A_622 = vector.broadcast %add3A_621 : f32 to vector<16xf32>
      %add3A_623 = arith.addf %mul3A_620, %add3A_622 : vector<16xf32>
      %mul3A_624 = arith.mulf %add3A_623, %sub3A_604 : vector<16xf32>
      %add3A_625 = arith.constant -0.166680574 : f32
      %add3A_626 = vector.broadcast %add3A_625 : f32 to vector<16xf32>
      %add3A_627 = arith.addf %mul3A_624, %add3A_626 : vector<16xf32>
      %mul3A_628 = arith.mulf %add3A_627, %sub3A_604 : vector<16xf32>
      %add3A_629 = arith.constant 0.200007141 : f32
      %add3A_630 = vector.broadcast %add3A_629 : f32 to vector<16xf32>
      %add3A_631 = arith.addf %mul3A_628, %add3A_630 : vector<16xf32>
      %mul3A_632 = arith.mulf %add3A_631, %sub3A_604 : vector<16xf32>
      %add3A_633 = arith.constant -0.24999994 : f32
      %add3A_634 = vector.broadcast %add3A_633 : f32 to vector<16xf32>
      %add3A_635 = arith.addf %mul3A_632, %add3A_634 : vector<16xf32>
      %mul3A_636 = arith.mulf %add3A_635, %sub3A_604 : vector<16xf32>
      %add3A_637 = arith.constant 0.333333313 : f32
      %add3A_638 = vector.broadcast %add3A_637 : f32 to vector<16xf32>
      %add3A_639 = arith.addf %mul3A_636, %add3A_638 : vector<16xf32>
      %convert_element_type3A_640 = arith.sitofp %select_n3A_599 : vector<16xi32> to vector<16xf32>
      %mul3A_641 = arith.mulf %sub3A_604, %mul3A_605 : vector<16xf32>
      %mul3A_642 = arith.mulf %mul3A_641, %add3A_639 : vector<16xf32>
      %mul3A_643 = arith.constant -2.12194442E-4 : f32
      %mul3A_644 = vector.broadcast %mul3A_643 : f32 to vector<16xf32>
      %mul3A_645 = arith.mulf %convert_element_type3A_640, %mul3A_644 : vector<16xf32>
      %add3A_646 = arith.addf %mul3A_642, %mul3A_645 : vector<16xf32>
      %mul3A_647 = arith.constant 5.000000e-01 : f32
      %mul3A_648 = vector.broadcast %mul3A_647 : f32 to vector<16xf32>
      %mul3A_649 = arith.mulf %mul3A_648, %mul3A_605 : vector<16xf32>
      %sub3A_650 = arith.subf %add3A_646, %mul3A_649 : vector<16xf32>
      %add3A_651 = arith.addf %sub3A_604, %sub3A_650 : vector<16xf32>
      %mul3A_652 = arith.constant 0.693359375 : f32
      %mul3A_653 = vector.broadcast %mul3A_652 : f32 to vector<16xf32>
      %mul3A_654 = arith.mulf %convert_element_type3A_640, %mul3A_653 : vector<16xf32>
      %add3A_655 = arith.addf %add3A_651, %mul3A_654 : vector<16xf32>
      %mul3A_656 = arith.constant -5.000000e-01 : f32
      %mul3A_657 = vector.broadcast %mul3A_656 : f32 to vector<16xf32>
      %mul3A_658 = arith.mulf %mul3A_657, %add3A_577 : vector<16xf32>
      %sub3A_659 = arith.constant 1.83787704 : f32
      %sub3A_660 = vector.broadcast %sub3A_659 : f32 to vector<16xf32>
      %sub3A_661 = arith.subf %mul3A_658, %sub3A_660 : vector<16xf32>
      %sub3A_662 = arith.subf %sub3A_661, %add3A_655 : vector<16xf32>
      %swap3A = arith.constant 2 : i32
      %swap3A_663 = arith.index_cast %swap3A : i32 to index
      %swap3A_664 = arith.index_cast %mul3A_370 : i32 to index
      %swap3A_665 = tpu.vector_load %arg19[%swap3A_663, %swap3A_664] {strides = array<i32>} : memref<4x128xf32, #tpu.memory_space<vmem>>, vector<16xf32>,
      tpu.vector_store %arg19[%swap3A_663, %swap3A_664], %sub3A_662 {strides = array<i32>} : memref<4x128xf32, #tpu.memory_space<vmem>>, vector<16xf32>,
    }
    %scan3A_319 = arith.constant 8 : i32
    %dma_wait3A_320 = arith.constant 3 : i32
    %dma_wait3A_321 = arith.constant 3 : i32
    %dma_wait3A_322 = arith.constant 3 : i32
    %dma_wait3A_323 = arith.constant 0 : i32
    %dma_wait3A_324 = tpu.memref_slice %arg14[%dma_wait3A_321, %dma_wait3A_323] : memref<4x128xf32, #tpu.memory_space<vmem>> -> memref<1x128xf32, #tpu.memory_space<vmem>>
    %dma_wait3A_325 = tpu.memref_squeeze %dma_wait3A_324 : memref<1x128xf32, #tpu.memory_space<vmem>> -> memref<128xf32, #tpu.memory_space<vmem>>
    %dma_wait3A_326 = arith.constant 0 : i32
    %dma_wait3A_327 = tpu.memref_slice %arg11[%dma_wait3A_320, %dma_wait3A_326] : memref<4x128xi32, #tpu.memory_space<vmem>> -> memref<1x128xi32, #tpu.memory_space<vmem>>
    %dma_wait3A_328 = tpu.memref_squeeze %dma_wait3A_327 : memref<1x128xi32, #tpu.memory_space<vmem>> -> memref<128xi32, #tpu.memory_space<vmem>>
    %dma_wait3A_329 = arith.constant 0 : i32
    %dma_wait3A_330 = tpu.memref_slice %arg7[%dma_wait3A_329] : memref<1000000xf32, #tpu.memory_space<hbm>> -> memref<1000000xf32, #tpu.memory_space<hbm>>
    %dma_wait3A_331 = tpu.memref_slice %arg20[%dma_wait3A_322] : memref<4x!tpu.dma_semaphore, #tpu.memory_space<semaphore_mem>> -> memref<1x!tpu.dma_semaphore, #tpu.memory_space<semaphore_mem>>
    %dma_wait3A_332 = tpu.memref_squeeze %dma_wait3A_331 : memref<1x!tpu.dma_semaphore, #tpu.memory_space<semaphore_mem>> -> memref<!tpu.dma_semaphore, #tpu.memory_space<semaphore_mem>>
    tpu.wait_indirect_dma semaphore(%dma_wait3A_332 : memref<!tpu.dma_semaphore, #tpu.memory_space<semaphore_mem>>) src(%dma_wait3A_330 : memref<1000000xf32, #tpu.memory_space<hbm>>) dst(%dma_wait3A_325 : memref<128xf32, #tpu.memory_space<vmem>>)
    %dma_wait3A_333 = arith.constant 3 : i32
    %dma_wait3A_334 = arith.constant 3 : i32
    %dma_wait3A_335 = arith.constant 3 : i32
    %dma_wait3A_336 = arith.constant 0 : i32
    %dma_wait3A_337 = tpu.memref_slice %arg15[%dma_wait3A_334, %dma_wait3A_336] : memref<4x128xf32, #tpu.memory_space<vmem>> -> memref<1x128xf32, #tpu.memory_space<vmem>>
    %dma_wait3A_338 = tpu.memref_squeeze %dma_wait3A_337 : memref<1x128xf32, #tpu.memory_space<vmem>> -> memref<128xf32, #tpu.memory_space<vmem>>
    %dma_wait3A_339 = arith.constant 0 : i32
    %dma_wait3A_340 = tpu.memref_slice %arg11[%dma_wait3A_333, %dma_wait3A_339] : memref<4x128xi32, #tpu.memory_space<vmem>> -> memref<1x128xi32, #tpu.memory_space<vmem>>
    %dma_wait3A_341 = tpu.memref_squeeze %dma_wait3A_340 : memref<1x128xi32, #tpu.memory_space<vmem>> -> memref<128xi32, #tpu.memory_space<vmem>>
    %dma_wait3A_342 = arith.constant 0 : i32
    %dma_wait3A_343 = tpu.memref_slice %arg8[%dma_wait3A_342] : memref<1000000xf32, #tpu.memory_space<hbm>> -> memref<1000000xf32, #tpu.memory_space<hbm>>
    %dma_wait3A_344 = tpu.memref_slice %arg20[%dma_wait3A_335] : memref<4x!tpu.dma_semaphore, #tpu.memory_space<semaphore_mem>> -> memref<1x!tpu.dma_semaphore, #tpu.memory_space<semaphore_mem>>
    %dma_wait3A_345 = tpu.memref_squeeze %dma_wait3A_344 : memref<1x!tpu.dma_semaphore, #tpu.memory_space<semaphore_mem>> -> memref<!tpu.dma_semaphore, #tpu.memory_space<semaphore_mem>>
    tpu.wait_indirect_dma semaphore(%dma_wait3A_345 : memref<!tpu.dma_semaphore, #tpu.memory_space<semaphore_mem>>) src(%dma_wait3A_343 : memref<1000000xf32, #tpu.memory_space<hbm>>) dst(%dma_wait3A_338 : memref<128xf32, #tpu.memory_space<vmem>>)
    %dma_wait3A_346 = arith.constant 3 : i32
    %dma_wait3A_347 = arith.constant 3 : i32
    %dma_wait3A_348 = arith.constant 3 : i32
    %dma_wait3A_349 = arith.constant 0 : i32
    %dma_wait3A_350 = tpu.memref_slice %arg16[%dma_wait3A_347, %dma_wait3A_349] : memref<4x128xf32, #tpu.memory_space<vmem>> -> memref<1x128xf32, #tpu.memory_space<vmem>>
    %dma_wait3A_351 = tpu.memref_squeeze %dma_wait3A_350 : memref<1x128xf32, #tpu.memory_space<vmem>> -> memref<128xf32, #tpu.memory_space<vmem>>
    %dma_wait3A_352 = arith.constant 0 : i32
    %dma_wait3A_353 = tpu.memref_slice %arg11[%dma_wait3A_346, %dma_wait3A_352] : memref<4x128xi32, #tpu.memory_space<vmem>> -> memref<1x128xi32, #tpu.memory_space<vmem>>
    %dma_wait3A_354 = tpu.memref_squeeze %dma_wait3A_353 : memref<1x128xi32, #tpu.memory_space<vmem>> -> memref<128xi32, #tpu.memory_space<vmem>>
    %dma_wait3A_355 = arith.constant 0 : i32
    %dma_wait3A_356 = tpu.memref_slice %arg9[%dma_wait3A_355] : memref<1000000xf32, #tpu.memory_space<hbm>> -> memref<1000000xf32, #tpu.memory_space<hbm>>
    %dma_wait3A_357 = tpu.memref_slice %arg20[%dma_wait3A_348] : memref<4x!tpu.dma_semaphore, #tpu.memory_space<semaphore_mem>> -> memref<1x!tpu.dma_semaphore, #tpu.memory_space<semaphore_mem>>
    %dma_wait3A_358 = tpu.memref_squeeze %dma_wait3A_357 : memref<1x!tpu.dma_semaphore, #tpu.memory_space<semaphore_mem>> -> memref<!tpu.dma_semaphore, #tpu.memory_space<semaphore_mem>>
    tpu.wait_indirect_dma semaphore(%dma_wait3A_358 : memref<!tpu.dma_semaphore, #tpu.memory_space<semaphore_mem>>) src(%dma_wait3A_356 : memref<1000000xf32, #tpu.memory_space<hbm>>) dst(%dma_wait3A_351 : memref<128xf32, #tpu.memory_space<vmem>>)
    %scan3A_359 = arith.constant 0 : i32
    %scan3A_360 = arith.constant 8 : i32
    %scan3A_361 = arith.addi %scan3A_359, %scan3A_360 : i32
    %scan3A_362 = arith.constant 1 : i32
    scf.for %scan3A_364 = %scan3A_359 to %scan3A_361 step %scan3A_362  : i32 {
      %mul3A_365 = arith.constant 1 : i32
      %mul3A_366 = arith.muli %scan3A_364, %mul3A_365 : i32
      %add3A_367 = arith.constant 0 : i32
      %add3A_368 = arith.addi %add3A_367, %mul3A_366 : i32
      %mul3A_369 = arith.constant 16 : i32
      %mul3A_370 = arith.muli %add3A_368, %mul3A_369 : i32
      %get3A = arith.constant 3 : i32
      %get3A_371 = arith.index_cast %get3A : i32 to index
      %get3A_372 = arith.index_cast %mul3A_370 : i32 to index
      %get3A_373 = tpu.vector_load %arg12[%get3A_371, %get3A_372] {strides = array<i32>} : memref<4x128xf32, #tpu.memory_space<vmem>>, vector<16xf32>,
      %get3A_374 = arith.constant 3 : i32
      %get3A_375 = arith.index_cast %get3A_374 : i32 to index
      %get3A_376 = arith.index_cast %mul3A_370 : i32 to index
      %get3A_377 = tpu.vector_load %arg13[%get3A_375, %get3A_376] {strides = array<i32>} : memref<4x128xf32, #tpu.memory_space<vmem>>, vector<16xf32>,
      %get3A_378 = arith.constant 3 : i32
      %get3A_379 = arith.index_cast %get3A_378 : i32 to index
      %get3A_380 = arith.index_cast %mul3A_370 : i32 to index
      %get3A_381 = tpu.vector_load %arg14[%get3A_379, %get3A_380] {strides = array<i32>} : memref<4x128xf32, #tpu.memory_space<vmem>>, vector<16xf32>,
      %get3A_382 = arith.constant 3 : i32
      %get3A_383 = arith.index_cast %get3A_382 : i32 to index
      %get3A_384 = arith.index_cast %mul3A_370 : i32 to index
      %get3A_385 = tpu.vector_load %arg15[%get3A_383, %get3A_384] {strides = array<i32>} : memref<4x128xf32, #tpu.memory_space<vmem>>, vector<16xf32>,
      %get3A_386 = arith.constant 3 : i32
      %get3A_387 = arith.index_cast %get3A_386 : i32 to index
      %get3A_388 = arith.index_cast %mul3A_370 : i32 to index
      %get3A_389 = tpu.vector_load %arg16[%get3A_387, %get3A_388] {strides = array<i32>} : memref<4x128xf32, #tpu.memory_space<vmem>>, vector<16xf32>,
      %get3A_390 = arith.constant 3 : i32
      %get3A_391 = arith.index_cast %get3A_390 : i32 to index
      %get3A_392 = arith.index_cast %mul3A_370 : i32 to index
      %get3A_393 = tpu.vector_load %arg17[%get3A_391, %get3A_392] {strides = array<i32>} : memref<4x128xf32, #tpu.memory_space<vmem>>, vector<16xf32>,
      %get3A_394 = arith.constant 3 : i32
      %get3A_395 = arith.index_cast %get3A_394 : i32 to index
      %get3A_396 = arith.index_cast %mul3A_370 : i32 to index
      %get3A_397 = tpu.vector_load %arg18[%get3A_395, %get3A_396] {strides = array<i32>} : memref<4x128xf32, #tpu.memory_space<vmem>>, vector<16xf32>,
      %abs3A = math.absf %get3A_381 : vector<16xf32>
      %neg3A = arith.constant 0.000000e+00 : f32
      %neg3A_398 = vector.broadcast %neg3A : f32 to vector<16xf32>
      %neg3A_399 = arith.subf %neg3A_398, %abs3A : vector<16xf32>
      %exp3A = math.exp %neg3A_399 : vector<16xf32>
      %max3A = arith.constant 0.000000e+00 : f32
      %max3A_400 = vector.broadcast %max3A : f32 to vector<16xf32>
      %max3A_401 = arith.maximumf %get3A_381, %max3A_400 : vector<16xf32>
      %add3A_402 = arith.constant 1.000000e+00 : f32
      %add3A_403 = vector.broadcast %add3A_402 : f32 to vector<16xf32>
      %add3A_404 = arith.addf %add3A_403, %exp3A : vector<16xf32>
      %bitcast3A = vector.bitcast %add3A_404 : vector<16xf32> to vector<16xi32>
      %shift_right_arithmetic3A = arith.constant 23 : i32
      %shift_right_arithmetic3A_405 = vector.broadcast %shift_right_arithmetic3A : i32 to vector<16xi32>
      %shift_right_arithmetic3A_406 = arith.shrsi %bitcast3A, %shift_right_arithmetic3A_405 : vector<16xi32>
      %sub3A = arith.constant 126 : i32
      %sub3A_407 = vector.broadcast %sub3A : i32 to vector<16xi32>
      %sub3A_408 = arith.subi %shift_right_arithmetic3A_406, %sub3A_407 : vector<16xi32>
      %and3A = arith.constant 8388607 : i32
      %and3A_409 = vector.broadcast %and3A : i32 to vector<16xi32>
      %and3A_410 = arith.andi %bitcast3A, %and3A_409 : vector<16xi32>
      %or3A = arith.constant 1056964608 : i32
      %or3A_411 = vector.broadcast %or3A : i32 to vector<16xi32>
      %or3A_412 = arith.ori %and3A_410, %or3A_411 : vector<16xi32>
      %bitcast3A_413 = vector.bitcast %or3A_412 : vector<16xi32> to vector<16xf32>
      %lt3A = arith.constant 0.707106769 : f32
      %lt3A_414 = vector.broadcast %lt3A : f32 to vector<16xf32>
      %lt3A_415 = arith.cmpf olt, %bitcast3A_413, %lt3A_414 : vector<16xf32>
      %sub3A_416 = arith.constant 1 : i32
      %sub3A_417 = vector.broadcast %sub3A_416 : i32 to vector<16xi32>
      %sub3A_418 = arith.subi %sub3A_408, %sub3A_417 : vector<16xi32>
      %select_n3A = arith.select %lt3A_415, %sub3A_418, %sub3A_408 : vector<16xi1>, vector<16xi32>
      %add3A_419 = arith.addf %bitcast3A_413, %bitcast3A_413 : vector<16xf32>
      %select_n3A_420 = arith.select %lt3A_415, %add3A_419, %bitcast3A_413 : vector<16xi1>, vector<16xf32>
      %sub3A_421 = arith.constant 1.000000e+00 : f32
      %sub3A_422 = vector.broadcast %sub3A_421 : f32 to vector<16xf32>
      %sub3A_423 = arith.subf %select_n3A_420, %sub3A_422 : vector<16xf32>
      %mul3A_424 = arith.mulf %sub3A_423, %sub3A_423 : vector<16xf32>
      %mul3A_425 = arith.constant 0.0703768358 : f32
      %mul3A_426 = vector.broadcast %mul3A_425 : f32 to vector<16xf32>
      %mul3A_427 = arith.mulf %mul3A_426, %sub3A_423 : vector<16xf32>
      %add3A_428 = arith.constant -0.115146101 : f32
      %add3A_429 = vector.broadcast %add3A_428 : f32 to vector<16xf32>
      %add3A_430 = arith.addf %mul3A_427, %add3A_429 : vector<16xf32>
      %mul3A_431 = arith.mulf %add3A_430, %sub3A_423 : vector<16xf32>
      %add3A_432 = arith.constant 0.116769984 : f32
      %add3A_433 = vector.broadcast %add3A_432 : f32 to vector<16xf32>
      %add3A_434 = arith.addf %mul3A_431, %add3A_433 : vector<16xf32>
      %mul3A_435 = arith.mulf %add3A_434, %sub3A_423 : vector<16xf32>
      %add3A_436 = arith.constant -0.12420141 : f32
      %add3A_437 = vector.broadcast %add3A_436 : f32 to vector<16xf32>
      %add3A_438 = arith.addf %mul3A_435, %add3A_437 : vector<16xf32>
      %mul3A_439 = arith.mulf %add3A_438, %sub3A_423 : vector<16xf32>
      %add3A_440 = arith.constant 0.142493233 : f32
      %add3A_441 = vector.broadcast %add3A_440 : f32 to vector<16xf32>
      %add3A_442 = arith.addf %mul3A_439, %add3A_441 : vector<16xf32>
      %mul3A_443 = arith.mulf %add3A_442, %sub3A_423 : vector<16xf32>
      %add3A_444 = arith.constant -0.166680574 : f32
      %add3A_445 = vector.broadcast %add3A_444 : f32 to vector<16xf32>
      %add3A_446 = arith.addf %mul3A_443, %add3A_445 : vector<16xf32>
      %mul3A_447 = arith.mulf %add3A_446, %sub3A_423 : vector<16xf32>
      %add3A_448 = arith.constant 0.200007141 : f32
      %add3A_449 = vector.broadcast %add3A_448 : f32 to vector<16xf32>
      %add3A_450 = arith.addf %mul3A_447, %add3A_449 : vector<16xf32>
      %mul3A_451 = arith.mulf %add3A_450, %sub3A_423 : vector<16xf32>
      %add3A_452 = arith.constant -0.24999994 : f32
      %add3A_453 = vector.broadcast %add3A_452 : f32 to vector<16xf32>
      %add3A_454 = arith.addf %mul3A_451, %add3A_453 : vector<16xf32>
      %mul3A_455 = arith.mulf %add3A_454, %sub3A_423 : vector<16xf32>
      %add3A_456 = arith.constant 0.333333313 : f32
      %add3A_457 = vector.broadcast %add3A_456 : f32 to vector<16xf32>
      %add3A_458 = arith.addf %mul3A_455, %add3A_457 : vector<16xf32>
      %convert_element_type3A = arith.sitofp %select_n3A : vector<16xi32> to vector<16xf32>
      %mul3A_459 = arith.mulf %sub3A_423, %mul3A_424 : vector<16xf32>
      %mul3A_460 = arith.mulf %mul3A_459, %add3A_458 : vector<16xf32>
      %mul3A_461 = arith.constant -2.12194442E-4 : f32
      %mul3A_462 = vector.broadcast %mul3A_461 : f32 to vector<16xf32>
      %mul3A_463 = arith.mulf %convert_element_type3A, %mul3A_462 : vector<16xf32>
      %add3A_464 = arith.addf %mul3A_460, %mul3A_463 : vector<16xf32>
      %mul3A_465 = arith.constant 5.000000e-01 : f32
      %mul3A_466 = vector.broadcast %mul3A_465 : f32 to vector<16xf32>
      %mul3A_467 = arith.mulf %mul3A_466, %mul3A_424 : vector<16xf32>
      %sub3A_468 = arith.subf %add3A_464, %mul3A_467 : vector<16xf32>
      %add3A_469 = arith.addf %sub3A_423, %sub3A_468 : vector<16xf32>
      %mul3A_470 = arith.constant 0.693359375 : f32
      %mul3A_471 = vector.broadcast %mul3A_470 : f32 to vector<16xf32>
      %mul3A_472 = arith.mulf %convert_element_type3A, %mul3A_471 : vector<16xf32>
      %add3A_473 = arith.addf %add3A_469, %mul3A_472 : vector<16xf32>
      %add3A_474 = arith.addf %max3A_401, %add3A_473 : vector<16xf32>
      %add3A_475 = arith.constant 9.99999997E-7 : f32
      %add3A_476 = vector.broadcast %add3A_475 : f32 to vector<16xf32>
      %add3A_477 = arith.addf %add3A_474, %add3A_476 : vector<16xf32>
      %abs3A_478 = math.absf %get3A_389 : vector<16xf32>
      %neg3A_479 = arith.constant 0.000000e+00 : f32
      %neg3A_480 = vector.broadcast %neg3A_479 : f32 to vector<16xf32>
      %neg3A_481 = arith.subf %neg3A_480, %abs3A_478 : vector<16xf32>
      %exp3A_482 = math.exp %neg3A_481 : vector<16xf32>
      %max3A_483 = arith.constant 0.000000e+00 : f32
      %max3A_484 = vector.broadcast %max3A_483 : f32 to vector<16xf32>
      %max3A_485 = arith.maximumf %get3A_389, %max3A_484 : vector<16xf32>
      %add3A_486 = arith.constant 1.000000e+00 : f32
      %add3A_487 = vector.broadcast %add3A_486 : f32 to vector<16xf32>
      %add3A_488 = arith.addf %add3A_487, %exp3A_482 : vector<16xf32>
      %bitcast3A_489 = vector.bitcast %add3A_488 : vector<16xf32> to vector<16xi32>
      %shift_right_arithmetic3A_490 = arith.constant 23 : i32
      %shift_right_arithmetic3A_491 = vector.broadcast %shift_right_arithmetic3A_490 : i32 to vector<16xi32>
      %shift_right_arithmetic3A_492 = arith.shrsi %bitcast3A_489, %shift_right_arithmetic3A_491 : vector<16xi32>
      %sub3A_493 = arith.constant 126 : i32
      %sub3A_494 = vector.broadcast %sub3A_493 : i32 to vector<16xi32>
      %sub3A_495 = arith.subi %shift_right_arithmetic3A_492, %sub3A_494 : vector<16xi32>
      %and3A_496 = arith.constant 8388607 : i32
      %and3A_497 = vector.broadcast %and3A_496 : i32 to vector<16xi32>
      %and3A_498 = arith.andi %bitcast3A_489, %and3A_497 : vector<16xi32>
      %or3A_499 = arith.constant 1056964608 : i32
      %or3A_500 = vector.broadcast %or3A_499 : i32 to vector<16xi32>
      %or3A_501 = arith.ori %and3A_498, %or3A_500 : vector<16xi32>
      %bitcast3A_502 = vector.bitcast %or3A_501 : vector<16xi32> to vector<16xf32>
      %lt3A_503 = arith.constant 0.707106769 : f32
      %lt3A_504 = vector.broadcast %lt3A_503 : f32 to vector<16xf32>
      %lt3A_505 = arith.cmpf olt, %bitcast3A_502, %lt3A_504 : vector<16xf32>
      %sub3A_506 = arith.constant 1 : i32
      %sub3A_507 = vector.broadcast %sub3A_506 : i32 to vector<16xi32>
      %sub3A_508 = arith.subi %sub3A_495, %sub3A_507 : vector<16xi32>
      %select_n3A_509 = arith.select %lt3A_505, %sub3A_508, %sub3A_495 : vector<16xi1>, vector<16xi32>
      %add3A_510 = arith.addf %bitcast3A_502, %bitcast3A_502 : vector<16xf32>
      %select_n3A_511 = arith.select %lt3A_505, %add3A_510, %bitcast3A_502 : vector<16xi1>, vector<16xf32>
      %sub3A_512 = arith.constant 1.000000e+00 : f32
      %sub3A_513 = vector.broadcast %sub3A_512 : f32 to vector<16xf32>
      %sub3A_514 = arith.subf %select_n3A_511, %sub3A_513 : vector<16xf32>
      %mul3A_515 = arith.mulf %sub3A_514, %sub3A_514 : vector<16xf32>
      %mul3A_516 = arith.constant 0.0703768358 : f32
      %mul3A_517 = vector.broadcast %mul3A_516 : f32 to vector<16xf32>
      %mul3A_518 = arith.mulf %mul3A_517, %sub3A_514 : vector<16xf32>
      %add3A_519 = arith.constant -0.115146101 : f32
      %add3A_520 = vector.broadcast %add3A_519 : f32 to vector<16xf32>
      %add3A_521 = arith.addf %mul3A_518, %add3A_520 : vector<16xf32>
      %mul3A_522 = arith.mulf %add3A_521, %sub3A_514 : vector<16xf32>
      %add3A_523 = arith.constant 0.116769984 : f32
      %add3A_524 = vector.broadcast %add3A_523 : f32 to vector<16xf32>
      %add3A_525 = arith.addf %mul3A_522, %add3A_524 : vector<16xf32>
      %mul3A_526 = arith.mulf %add3A_525, %sub3A_514 : vector<16xf32>
      %add3A_527 = arith.constant -0.12420141 : f32
      %add3A_528 = vector.broadcast %add3A_527 : f32 to vector<16xf32>
      %add3A_529 = arith.addf %mul3A_526, %add3A_528 : vector<16xf32>
      %mul3A_530 = arith.mulf %add3A_529, %sub3A_514 : vector<16xf32>
      %add3A_531 = arith.constant 0.142493233 : f32
      %add3A_532 = vector.broadcast %add3A_531 : f32 to vector<16xf32>
      %add3A_533 = arith.addf %mul3A_530, %add3A_532 : vector<16xf32>
      %mul3A_534 = arith.mulf %add3A_533, %sub3A_514 : vector<16xf32>
      %add3A_535 = arith.constant -0.166680574 : f32
      %add3A_536 = vector.broadcast %add3A_535 : f32 to vector<16xf32>
      %add3A_537 = arith.addf %mul3A_534, %add3A_536 : vector<16xf32>
      %mul3A_538 = arith.mulf %add3A_537, %sub3A_514 : vector<16xf32>
      %add3A_539 = arith.constant 0.200007141 : f32
      %add3A_540 = vector.broadcast %add3A_539 : f32 to vector<16xf32>
      %add3A_541 = arith.addf %mul3A_538, %add3A_540 : vector<16xf32>
      %mul3A_542 = arith.mulf %add3A_541, %sub3A_514 : vector<16xf32>
      %add3A_543 = arith.constant -0.24999994 : f32
      %add3A_544 = vector.broadcast %add3A_543 : f32 to vector<16xf32>
      %add3A_545 = arith.addf %mul3A_542, %add3A_544 : vector<16xf32>
      %mul3A_546 = arith.mulf %add3A_545, %sub3A_514 : vector<16xf32>
      %add3A_547 = arith.constant 0.333333313 : f32
      %add3A_548 = vector.broadcast %add3A_547 : f32 to vector<16xf32>
      %add3A_549 = arith.addf %mul3A_546, %add3A_548 : vector<16xf32>
      %convert_element_type3A_550 = arith.sitofp %select_n3A_509 : vector<16xi32> to vector<16xf32>
      %mul3A_551 = arith.mulf %sub3A_514, %mul3A_515 : vector<16xf32>
      %mul3A_552 = arith.mulf %mul3A_551, %add3A_549 : vector<16xf32>
      %mul3A_553 = arith.constant -2.12194442E-4 : f32
      %mul3A_554 = vector.broadcast %mul3A_553 : f32 to vector<16xf32>
      %mul3A_555 = arith.mulf %convert_element_type3A_550, %mul3A_554 : vector<16xf32>
      %add3A_556 = arith.addf %mul3A_552, %mul3A_555 : vector<16xf32>
      %mul3A_557 = arith.constant 5.000000e-01 : f32
      %mul3A_558 = vector.broadcast %mul3A_557 : f32 to vector<16xf32>
      %mul3A_559 = arith.mulf %mul3A_558, %mul3A_515 : vector<16xf32>
      %sub3A_560 = arith.subf %add3A_556, %mul3A_559 : vector<16xf32>
      %add3A_561 = arith.addf %sub3A_514, %sub3A_560 : vector<16xf32>
      %mul3A_562 = arith.constant 0.693359375 : f32
      %mul3A_563 = vector.broadcast %mul3A_562 : f32 to vector<16xf32>
      %mul3A_564 = arith.mulf %convert_element_type3A_550, %mul3A_563 : vector<16xf32>
      %add3A_565 = arith.addf %add3A_561, %mul3A_564 : vector<16xf32>
      %add3A_566 = arith.addf %max3A_485, %add3A_565 : vector<16xf32>
      %add3A_567 = arith.constant 9.99999997E-7 : f32
      %add3A_568 = vector.broadcast %add3A_567 : f32 to vector<16xf32>
      %add3A_569 = arith.addf %add3A_566, %add3A_568 : vector<16xf32>
      %sub3A_570 = arith.subf %get3A_393, %get3A_373 : vector<16xf32>
      %div3A = arith.divf %sub3A_570, %add3A_477 : vector<16xf32>
      %sub3A_571 = arith.subf %get3A_397, %get3A_377 : vector<16xf32>
      %mul3A_572 = arith.mulf %get3A_385, %div3A : vector<16xf32>
      %sub3A_573 = arith.subf %sub3A_571, %mul3A_572 : vector<16xf32>
      %div3A_574 = arith.divf %sub3A_573, %add3A_569 : vector<16xf32>
      %mul3A_575 = arith.mulf %div3A, %div3A : vector<16xf32>
      %mul3A_576 = arith.mulf %div3A_574, %div3A_574 : vector<16xf32>
      %add3A_577 = arith.addf %mul3A_575, %mul3A_576 : vector<16xf32>
      %mul3A_578 = arith.mulf %add3A_477, %add3A_569 : vector<16xf32>
      %bitcast3A_579 = vector.bitcast %mul3A_578 : vector<16xf32> to vector<16xi32>
      %shift_right_arithmetic3A_580 = arith.constant 23 : i32
      %shift_right_arithmetic3A_581 = vector.broadcast %shift_right_arithmetic3A_580 : i32 to vector<16xi32>
      %shift_right_arithmetic3A_582 = arith.shrsi %bitcast3A_579, %shift_right_arithmetic3A_581 : vector<16xi32>
      %sub3A_583 = arith.constant 126 : i32
      %sub3A_584 = vector.broadcast %sub3A_583 : i32 to vector<16xi32>
      %sub3A_585 = arith.subi %shift_right_arithmetic3A_582, %sub3A_584 : vector<16xi32>
      %and3A_586 = arith.constant 8388607 : i32
      %and3A_587 = vector.broadcast %and3A_586 : i32 to vector<16xi32>
      %and3A_588 = arith.andi %bitcast3A_579, %and3A_587 : vector<16xi32>
      %or3A_589 = arith.constant 1056964608 : i32
      %or3A_590 = vector.broadcast %or3A_589 : i32 to vector<16xi32>
      %or3A_591 = arith.ori %and3A_588, %or3A_590 : vector<16xi32>
      %bitcast3A_592 = vector.bitcast %or3A_591 : vector<16xi32> to vector<16xf32>
      %lt3A_593 = arith.constant 0.707106769 : f32
      %lt3A_594 = vector.broadcast %lt3A_593 : f32 to vector<16xf32>
      %lt3A_595 = arith.cmpf olt, %bitcast3A_592, %lt3A_594 : vector<16xf32>
      %sub3A_596 = arith.constant 1 : i32
      %sub3A_597 = vector.broadcast %sub3A_596 : i32 to vector<16xi32>
      %sub3A_598 = arith.subi %sub3A_585, %sub3A_597 : vector<16xi32>
      %select_n3A_599 = arith.select %lt3A_595, %sub3A_598, %sub3A_585 : vector<16xi1>, vector<16xi32>
      %add3A_600 = arith.addf %bitcast3A_592, %bitcast3A_592 : vector<16xf32>
      %select_n3A_601 = arith.select %lt3A_595, %add3A_600, %bitcast3A_592 : vector<16xi1>, vector<16xf32>
      %sub3A_602 = arith.constant 1.000000e+00 : f32
      %sub3A_603 = vector.broadcast %sub3A_602 : f32 to vector<16xf32>
      %sub3A_604 = arith.subf %select_n3A_601, %sub3A_603 : vector<16xf32>
      %mul3A_605 = arith.mulf %sub3A_604, %sub3A_604 : vector<16xf32>
      %mul3A_606 = arith.constant 0.0703768358 : f32
      %mul3A_607 = vector.broadcast %mul3A_606 : f32 to vector<16xf32>
      %mul3A_608 = arith.mulf %mul3A_607, %sub3A_604 : vector<16xf32>
      %add3A_609 = arith.constant -0.115146101 : f32
      %add3A_610 = vector.broadcast %add3A_609 : f32 to vector<16xf32>
      %add3A_611 = arith.addf %mul3A_608, %add3A_610 : vector<16xf32>
      %mul3A_612 = arith.mulf %add3A_611, %sub3A_604 : vector<16xf32>
      %add3A_613 = arith.constant 0.116769984 : f32
      %add3A_614 = vector.broadcast %add3A_613 : f32 to vector<16xf32>
      %add3A_615 = arith.addf %mul3A_612, %add3A_614 : vector<16xf32>
      %mul3A_616 = arith.mulf %add3A_615, %sub3A_604 : vector<16xf32>
      %add3A_617 = arith.constant -0.12420141 : f32
      %add3A_618 = vector.broadcast %add3A_617 : f32 to vector<16xf32>
      %add3A_619 = arith.addf %mul3A_616, %add3A_618 : vector<16xf32>
      %mul3A_620 = arith.mulf %add3A_619, %sub3A_604 : vector<16xf32>
      %add3A_621 = arith.constant 0.142493233 : f32
      %add3A_622 = vector.broadcast %add3A_621 : f32 to vector<16xf32>
      %add3A_623 = arith.addf %mul3A_620, %add3A_622 : vector<16xf32>
      %mul3A_624 = arith.mulf %add3A_623, %sub3A_604 : vector<16xf32>
      %add3A_625 = arith.constant -0.166680574 : f32
      %add3A_626 = vector.broadcast %add3A_625 : f32 to vector<16xf32>
      %add3A_627 = arith.addf %mul3A_624, %add3A_626 : vector<16xf32>
      %mul3A_628 = arith.mulf %add3A_627, %sub3A_604 : vector<16xf32>
      %add3A_629 = arith.constant 0.200007141 : f32
      %add3A_630 = vector.broadcast %add3A_629 : f32 to vector<16xf32>
      %add3A_631 = arith.addf %mul3A_628, %add3A_630 : vector<16xf32>
      %mul3A_632 = arith.mulf %add3A_631, %sub3A_604 : vector<16xf32>
      %add3A_633 = arith.constant -0.24999994 : f32
      %add3A_634 = vector.broadcast %add3A_633 : f32 to vector<16xf32>
      %add3A_635 = arith.addf %mul3A_632, %add3A_634 : vector<16xf32>
      %mul3A_636 = arith.mulf %add3A_635, %sub3A_604 : vector<16xf32>
      %add3A_637 = arith.constant 0.333333313 : f32
      %add3A_638 = vector.broadcast %add3A_637 : f32 to vector<16xf32>
      %add3A_639 = arith.addf %mul3A_636, %add3A_638 : vector<16xf32>
      %convert_element_type3A_640 = arith.sitofp %select_n3A_599 : vector<16xi32> to vector<16xf32>
      %mul3A_641 = arith.mulf %sub3A_604, %mul3A_605 : vector<16xf32>
      %mul3A_642 = arith.mulf %mul3A_641, %add3A_639 : vector<16xf32>
      %mul3A_643 = arith.constant -2.12194442E-4 : f32
      %mul3A_644 = vector.broadcast %mul3A_643 : f32 to vector<16xf32>
      %mul3A_645 = arith.mulf %convert_element_type3A_640, %mul3A_644 : vector<16xf32>
      %add3A_646 = arith.addf %mul3A_642, %mul3A_645 : vector<16xf32>
      %mul3A_647 = arith.constant 5.000000e-01 : f32
      %mul3A_648 = vector.broadcast %mul3A_647 : f32 to vector<16xf32>
      %mul3A_649 = arith.mulf %mul3A_648, %mul3A_605 : vector<16xf32>
      %sub3A_650 = arith.subf %add3A_646, %mul3A_649 : vector<16xf32>
      %add3A_651 = arith.addf %sub3A_604, %sub3A_650 : vector<16xf32>
      %mul3A_652 = arith.constant 0.693359375 : f32
      %mul3A_653 = vector.broadcast %mul3A_652 : f32 to vector<16xf32>
      %mul3A_654 = arith.mulf %convert_element_type3A_640, %mul3A_653 : vector<16xf32>
      %add3A_655 = arith.addf %add3A_651, %mul3A_654 : vector<16xf32>
      %mul3A_656 = arith.constant -5.000000e-01 : f32
      %mul3A_657 = vector.broadcast %mul3A_656 : f32 to vector<16xf32>
      %mul3A_658 = arith.mulf %mul3A_657, %add3A_577 : vector<16xf32>
      %sub3A_659 = arith.constant 1.83787704 : f32
      %sub3A_660 = vector.broadcast %sub3A_659 : f32 to vector<16xf32>
      %sub3A_661 = arith.subf %mul3A_658, %sub3A_660 : vector<16xf32>
      %sub3A_662 = arith.subf %sub3A_661, %add3A_655 : vector<16xf32>
      %swap3A = arith.constant 3 : i32
      %swap3A_663 = arith.index_cast %swap3A : i32 to index
      %swap3A_664 = arith.index_cast %mul3A_370 : i32 to index
      %swap3A_665 = tpu.vector_load %arg19[%swap3A_663, %swap3A_664] {strides = array<i32>} : memref<4x128xf32, #tpu.memory_space<vmem>>, vector<16xf32>,
      tpu.vector_store %arg19[%swap3A_663, %swap3A_664], %sub3A_662 {strides = array<i32>} : memref<4x128xf32, #tpu.memory_space<vmem>>, vector<16xf32>,
    }
    %scan3A_363 = arith.constant 8 : i32
    "tpu.region"() ({
      %run_scoped3A = tpu.sem_alloc : memref<!tpu.dma_semaphore, #tpu.memory_space<semaphore_mem>>
      %dma_start3A_364 = arith.constant 0 : i32
      %dma_start3A_365 = tpu.memref_slice %arg10[%mul3A_2, %dma_start3A_364] : memref<128x128xf32, #tpu.memory_space<hbm>> -> memref<4x128xf32, #tpu.memory_space<hbm>>
      %dma_start3A_366 = arith.constant 0 : i32
      %dma_start3A_367 = tpu.memref_slice %arg10[%mul3A_2, %dma_start3A_366] : memref<128x128xf32, #tpu.memory_space<hbm>> -> memref<4x128xf32, #tpu.memory_space<hbm>>
      tpu.enqueue_dma source(%arg19 : memref<4x128xf32, #tpu.memory_space<vmem>>) target(%dma_start3A_367 : memref<4x128xf32, #tpu.memory_space<hbm>>) target_semaphore(%run_scoped3A : memref<!tpu.dma_semaphore, #tpu.memory_space<semaphore_mem>>)
      %dma_wait3A_368 = arith.constant 0 : i32
      %dma_wait3A_369 = tpu.memref_slice %arg10[%mul3A_2, %dma_wait3A_368] : memref<128x128xf32, #tpu.memory_space<hbm>> -> memref<4x128xf32, #tpu.memory_space<hbm>>
      %dma_wait3A_370 = arith.constant 0 : i32
      %dma_wait3A_371 = tpu.memref_slice %arg10[%mul3A_2, %dma_wait3A_370] : memref<128x128xf32, #tpu.memory_space<hbm>> -> memref<4x128xf32, #tpu.memory_space<hbm>>
      tpu.wait_dma2 semaphore(%run_scoped3A : memref<!tpu.dma_semaphore, #tpu.memory_space<semaphore_mem>>) src(%arg19 : memref<4x128xf32, #tpu.memory_space<vmem>>) dst(%dma_wait3A_371 : memref<4x128xf32, #tpu.memory_space<hbm>>)
      tpu.yield
    }) : () -> ()
    return
  }
}

#map = affine_map<(d0, d1) -> (0, 0)>
#map1 = affine_map<(d0, d1) -> (0)>
module attributes {stable_mosaic.version = 14 : i64} {
  func.func @_sc_mean_body(%arg0: i32, %arg1: i32, %arg2: memref<128x128xi32, #tpu.memory_space<hbm>>, %arg3: memref<1000000xf32, #tpu.memory_space<hbm>>, %arg4: memref<1000000xf32, #tpu.memory_space<hbm>>, %arg5: memref<128x128xf32, #tpu.memory_space<hbm>>, %arg6: memref<128x128xf32, #tpu.memory_space<hbm>>, %arg7: memref<4x128xi32, #tpu.memory_space<vmem>>, %arg8: memref<4x128xf32, #tpu.memory_space<vmem>>, %arg9: memref<4x128xf32, #tpu.memory_space<vmem>>, %arg10: memref<!tpu.dma_semaphore, #tpu.memory_space<semaphore_mem>>) attributes {dimension_semantics = [#tpu.dimension_semantics<core_parallel>, #tpu.dimension_semantics<subcore_parallel>], iteration_bounds = array<i64: 2, 16>, scalar_prefetch = 0 : i64, scratch_operands = 4 : i64, tpu.core_type = #tpu.core_type<sc_vector_subcore>, window_params = [{transform_indices = #map}, {transform_indices = #map1}, {transform_indices = #map1}, {transform_indices = #map}, {transform_indices = #map}]} {
    %mul3A = arith.constant 16 : i32
    %mul3A_0 = arith.muli %arg0, %mul3A : i32
    %add3A = arith.addi %mul3A_0, %arg1 : i32
    %mul3A_1 = arith.constant 4 : i32
    %mul3A_2 = arith.muli %add3A, %mul3A_1 : i32
    "tpu.region"() ({
      %run_scoped3A = tpu.sem_alloc : memref<!tpu.dma_semaphore, #tpu.memory_space<semaphore_mem>>
      %dma_start3A_161 = arith.constant 0 : i32
      %dma_start3A_162 = tpu.memref_slice %arg2[%mul3A_2, %dma_start3A_161] : memref<128x128xi32, #tpu.memory_space<hbm>> -> memref<4x128xi32, #tpu.memory_space<hbm>>
      %dma_start3A_163 = arith.constant 0 : i32
      %dma_start3A_164 = tpu.memref_slice %arg2[%mul3A_2, %dma_start3A_163] : memref<128x128xi32, #tpu.memory_space<hbm>> -> memref<4x128xi32, #tpu.memory_space<hbm>>
      tpu.enqueue_dma source(%dma_start3A_164 : memref<4x128xi32, #tpu.memory_space<hbm>>) target(%arg7 : memref<4x128xi32, #tpu.memory_space<vmem>>) target_semaphore(%run_scoped3A : memref<!tpu.dma_semaphore, #tpu.memory_space<semaphore_mem>>)
      %dma_wait3A_165 = arith.constant 0 : i32
      %dma_wait3A_166 = tpu.memref_slice %arg2[%mul3A_2, %dma_wait3A_165] : memref<128x128xi32, #tpu.memory_space<hbm>> -> memref<4x128xi32, #tpu.memory_space<hbm>>
      %dma_wait3A_167 = arith.constant 0 : i32
      %dma_wait3A_168 = tpu.memref_slice %arg2[%mul3A_2, %dma_wait3A_167] : memref<128x128xi32, #tpu.memory_space<hbm>> -> memref<4x128xi32, #tpu.memory_space<hbm>>
      tpu.wait_dma2 semaphore(%run_scoped3A : memref<!tpu.dma_semaphore, #tpu.memory_space<semaphore_mem>>) src(%dma_wait3A_168 : memref<4x128xi32, #tpu.memory_space<hbm>>) dst(%arg7 : memref<4x128xi32, #tpu.memory_space<vmem>>)
      tpu.yield
    }) : () -> ()
    %dma_start3A = arith.constant 0 : i32
    %dma_start3A_3 = arith.constant 0 : i32
    %dma_start3A_4 = arith.constant 0 : i32
    %dma_start3A_5 = tpu.memref_slice %arg8[%dma_start3A_3, %dma_start3A_4] : memref<4x128xf32, #tpu.memory_space<vmem>> -> memref<1x128xf32, #tpu.memory_space<vmem>>
    %dma_start3A_6 = tpu.memref_squeeze %dma_start3A_5 : memref<1x128xf32, #tpu.memory_space<vmem>> -> memref<128xf32, #tpu.memory_space<vmem>>
    %dma_start3A_7 = arith.constant 0 : i32
    %dma_start3A_8 = tpu.memref_slice %arg7[%dma_start3A, %dma_start3A_7] : memref<4x128xi32, #tpu.memory_space<vmem>> -> memref<1x128xi32, #tpu.memory_space<vmem>>
    %dma_start3A_9 = tpu.memref_squeeze %dma_start3A_8 : memref<1x128xi32, #tpu.memory_space<vmem>> -> memref<128xi32, #tpu.memory_space<vmem>>
    %dma_start3A_10 = arith.constant 0 : i32
    %dma_start3A_11 = tpu.memref_slice %arg3[%dma_start3A_10] : memref<1000000xf32, #tpu.memory_space<hbm>> -> memref<1000000xf32, #tpu.memory_space<hbm>>
    tpu.enqueue_indirect_dma source(%dma_start3A_11 : memref<1000000xf32, #tpu.memory_space<hbm>>) target(%dma_start3A_6 : memref<128xf32, #tpu.memory_space<vmem>>) offsets(%dma_start3A_9 : memref<128xi32, #tpu.memory_space<vmem>>) semaphore(%arg10 : memref<!tpu.dma_semaphore, #tpu.memory_space<semaphore_mem>>)
    %dma_start3A_12 = arith.constant 0 : i32
    %dma_start3A_13 = arith.constant 0 : i32
    %dma_start3A_14 = arith.constant 0 : i32
    %dma_start3A_15 = tpu.memref_slice %arg9[%dma_start3A_13, %dma_start3A_14] : memref<4x128xf32, #tpu.memory_space<vmem>> -> memref<1x128xf32, #tpu.memory_space<vmem>>
    %dma_start3A_16 = tpu.memref_squeeze %dma_start3A_15 : memref<1x128xf32, #tpu.memory_space<vmem>> -> memref<128xf32, #tpu.memory_space<vmem>>
    %dma_start3A_17 = arith.constant 0 : i32
    %dma_start3A_18 = tpu.memref_slice %arg7[%dma_start3A_12, %dma_start3A_17] : memref<4x128xi32, #tpu.memory_space<vmem>> -> memref<1x128xi32, #tpu.memory_space<vmem>>
    %dma_start3A_19 = tpu.memref_squeeze %dma_start3A_18 : memref<1x128xi32, #tpu.memory_space<vmem>> -> memref<128xi32, #tpu.memory_space<vmem>>
    %dma_start3A_20 = arith.constant 0 : i32
    %dma_start3A_21 = tpu.memref_slice %arg4[%dma_start3A_20] : memref<1000000xf32, #tpu.memory_space<hbm>> -> memref<1000000xf32, #tpu.memory_space<hbm>>
    tpu.enqueue_indirect_dma source(%dma_start3A_21 : memref<1000000xf32, #tpu.memory_space<hbm>>) target(%dma_start3A_16 : memref<128xf32, #tpu.memory_space<vmem>>) offsets(%dma_start3A_19 : memref<128xi32, #tpu.memory_space<vmem>>) semaphore(%arg10 : memref<!tpu.dma_semaphore, #tpu.memory_space<semaphore_mem>>)
    %dma_start3A_22 = arith.constant 1 : i32
    %dma_start3A_23 = arith.constant 1 : i32
    %dma_start3A_24 = arith.constant 0 : i32
    %dma_start3A_25 = tpu.memref_slice %arg8[%dma_start3A_23, %dma_start3A_24] : memref<4x128xf32, #tpu.memory_space<vmem>> -> memref<1x128xf32, #tpu.memory_space<vmem>>
    %dma_start3A_26 = tpu.memref_squeeze %dma_start3A_25 : memref<1x128xf32, #tpu.memory_space<vmem>> -> memref<128xf32, #tpu.memory_space<vmem>>
    %dma_start3A_27 = arith.constant 0 : i32
    %dma_start3A_28 = tpu.memref_slice %arg7[%dma_start3A_22, %dma_start3A_27] : memref<4x128xi32, #tpu.memory_space<vmem>> -> memref<1x128xi32, #tpu.memory_space<vmem>>
    %dma_start3A_29 = tpu.memref_squeeze %dma_start3A_28 : memref<1x128xi32, #tpu.memory_space<vmem>> -> memref<128xi32, #tpu.memory_space<vmem>>
    %dma_start3A_30 = arith.constant 0 : i32
    %dma_start3A_31 = tpu.memref_slice %arg3[%dma_start3A_30] : memref<1000000xf32, #tpu.memory_space<hbm>> -> memref<1000000xf32, #tpu.memory_space<hbm>>
    tpu.enqueue_indirect_dma source(%dma_start3A_31 : memref<1000000xf32, #tpu.memory_space<hbm>>) target(%dma_start3A_26 : memref<128xf32, #tpu.memory_space<vmem>>) offsets(%dma_start3A_29 : memref<128xi32, #tpu.memory_space<vmem>>) semaphore(%arg10 : memref<!tpu.dma_semaphore, #tpu.memory_space<semaphore_mem>>)
    %dma_start3A_32 = arith.constant 1 : i32
    %dma_start3A_33 = arith.constant 1 : i32
    %dma_start3A_34 = arith.constant 0 : i32
    %dma_start3A_35 = tpu.memref_slice %arg9[%dma_start3A_33, %dma_start3A_34] : memref<4x128xf32, #tpu.memory_space<vmem>> -> memref<1x128xf32, #tpu.memory_space<vmem>>
    %dma_start3A_36 = tpu.memref_squeeze %dma_start3A_35 : memref<1x128xf32, #tpu.memory_space<vmem>> -> memref<128xf32, #tpu.memory_space<vmem>>
    %dma_start3A_37 = arith.constant 0 : i32
    %dma_start3A_38 = tpu.memref_slice %arg7[%dma_start3A_32, %dma_start3A_37] : memref<4x128xi32, #tpu.memory_space<vmem>> -> memref<1x128xi32, #tpu.memory_space<vmem>>
    %dma_start3A_39 = tpu.memref_squeeze %dma_start3A_38 : memref<1x128xi32, #tpu.memory_space<vmem>> -> memref<128xi32, #tpu.memory_space<vmem>>
    %dma_start3A_40 = arith.constant 0 : i32
    %dma_start3A_41 = tpu.memref_slice %arg4[%dma_start3A_40] : memref<1000000xf32, #tpu.memory_space<hbm>> -> memref<1000000xf32, #tpu.memory_space<hbm>>
    tpu.enqueue_indirect_dma source(%dma_start3A_41 : memref<1000000xf32, #tpu.memory_space<hbm>>) target(%dma_start3A_36 : memref<128xf32, #tpu.memory_space<vmem>>) offsets(%dma_start3A_39 : memref<128xi32, #tpu.memory_space<vmem>>) semaphore(%arg10 : memref<!tpu.dma_semaphore, #tpu.memory_space<semaphore_mem>>)
    %dma_start3A_42 = arith.constant 2 : i32
    %dma_start3A_43 = arith.constant 2 : i32
    %dma_start3A_44 = arith.constant 0 : i32
    %dma_start3A_45 = tpu.memref_slice %arg8[%dma_start3A_43, %dma_start3A_44] : memref<4x128xf32, #tpu.memory_space<vmem>> -> memref<1x128xf32, #tpu.memory_space<vmem>>
    %dma_start3A_46 = tpu.memref_squeeze %dma_start3A_45 : memref<1x128xf32, #tpu.memory_space<vmem>> -> memref<128xf32, #tpu.memory_space<vmem>>
    %dma_start3A_47 = arith.constant 0 : i32
    %dma_start3A_48 = tpu.memref_slice %arg7[%dma_start3A_42, %dma_start3A_47] : memref<4x128xi32, #tpu.memory_space<vmem>> -> memref<1x128xi32, #tpu.memory_space<vmem>>
    %dma_start3A_49 = tpu.memref_squeeze %dma_start3A_48 : memref<1x128xi32, #tpu.memory_space<vmem>> -> memref<128xi32, #tpu.memory_space<vmem>>
    %dma_start3A_50 = arith.constant 0 : i32
    %dma_start3A_51 = tpu.memref_slice %arg3[%dma_start3A_50] : memref<1000000xf32, #tpu.memory_space<hbm>> -> memref<1000000xf32, #tpu.memory_space<hbm>>
    tpu.enqueue_indirect_dma source(%dma_start3A_51 : memref<1000000xf32, #tpu.memory_space<hbm>>) target(%dma_start3A_46 : memref<128xf32, #tpu.memory_space<vmem>>) offsets(%dma_start3A_49 : memref<128xi32, #tpu.memory_space<vmem>>) semaphore(%arg10 : memref<!tpu.dma_semaphore, #tpu.memory_space<semaphore_mem>>)
    %dma_start3A_52 = arith.constant 2 : i32
    %dma_start3A_53 = arith.constant 2 : i32
    %dma_start3A_54 = arith.constant 0 : i32
    %dma_start3A_55 = tpu.memref_slice %arg9[%dma_start3A_53, %dma_start3A_54] : memref<4x128xf32, #tpu.memory_space<vmem>> -> memref<1x128xf32, #tpu.memory_space<vmem>>
    %dma_start3A_56 = tpu.memref_squeeze %dma_start3A_55 : memref<1x128xf32, #tpu.memory_space<vmem>> -> memref<128xf32, #tpu.memory_space<vmem>>
    %dma_start3A_57 = arith.constant 0 : i32
    %dma_start3A_58 = tpu.memref_slice %arg7[%dma_start3A_52, %dma_start3A_57] : memref<4x128xi32, #tpu.memory_space<vmem>> -> memref<1x128xi32, #tpu.memory_space<vmem>>
    %dma_start3A_59 = tpu.memref_squeeze %dma_start3A_58 : memref<1x128xi32, #tpu.memory_space<vmem>> -> memref<128xi32, #tpu.memory_space<vmem>>
    %dma_start3A_60 = arith.constant 0 : i32
    %dma_start3A_61 = tpu.memref_slice %arg4[%dma_start3A_60] : memref<1000000xf32, #tpu.memory_space<hbm>> -> memref<1000000xf32, #tpu.memory_space<hbm>>
    tpu.enqueue_indirect_dma source(%dma_start3A_61 : memref<1000000xf32, #tpu.memory_space<hbm>>) target(%dma_start3A_56 : memref<128xf32, #tpu.memory_space<vmem>>) offsets(%dma_start3A_59 : memref<128xi32, #tpu.memory_space<vmem>>) semaphore(%arg10 : memref<!tpu.dma_semaphore, #tpu.memory_space<semaphore_mem>>)
    %dma_start3A_62 = arith.constant 3 : i32
    %dma_start3A_63 = arith.constant 3 : i32
    %dma_start3A_64 = arith.constant 0 : i32
    %dma_start3A_65 = tpu.memref_slice %arg8[%dma_start3A_63, %dma_start3A_64] : memref<4x128xf32, #tpu.memory_space<vmem>> -> memref<1x128xf32, #tpu.memory_space<vmem>>
    %dma_start3A_66 = tpu.memref_squeeze %dma_start3A_65 : memref<1x128xf32, #tpu.memory_space<vmem>> -> memref<128xf32, #tpu.memory_space<vmem>>
    %dma_start3A_67 = arith.constant 0 : i32
    %dma_start3A_68 = tpu.memref_slice %arg7[%dma_start3A_62, %dma_start3A_67] : memref<4x128xi32, #tpu.memory_space<vmem>> -> memref<1x128xi32, #tpu.memory_space<vmem>>
    %dma_start3A_69 = tpu.memref_squeeze %dma_start3A_68 : memref<1x128xi32, #tpu.memory_space<vmem>> -> memref<128xi32, #tpu.memory_space<vmem>>
    %dma_start3A_70 = arith.constant 0 : i32
    %dma_start3A_71 = tpu.memref_slice %arg3[%dma_start3A_70] : memref<1000000xf32, #tpu.memory_space<hbm>> -> memref<1000000xf32, #tpu.memory_space<hbm>>
    tpu.enqueue_indirect_dma source(%dma_start3A_71 : memref<1000000xf32, #tpu.memory_space<hbm>>) target(%dma_start3A_66 : memref<128xf32, #tpu.memory_space<vmem>>) offsets(%dma_start3A_69 : memref<128xi32, #tpu.memory_space<vmem>>) semaphore(%arg10 : memref<!tpu.dma_semaphore, #tpu.memory_space<semaphore_mem>>)
    %dma_start3A_72 = arith.constant 3 : i32
    %dma_start3A_73 = arith.constant 3 : i32
    %dma_start3A_74 = arith.constant 0 : i32
    %dma_start3A_75 = tpu.memref_slice %arg9[%dma_start3A_73, %dma_start3A_74] : memref<4x128xf32, #tpu.memory_space<vmem>> -> memref<1x128xf32, #tpu.memory_space<vmem>>
    %dma_start3A_76 = tpu.memref_squeeze %dma_start3A_75 : memref<1x128xf32, #tpu.memory_space<vmem>> -> memref<128xf32, #tpu.memory_space<vmem>>
    %dma_start3A_77 = arith.constant 0 : i32
    %dma_start3A_78 = tpu.memref_slice %arg7[%dma_start3A_72, %dma_start3A_77] : memref<4x128xi32, #tpu.memory_space<vmem>> -> memref<1x128xi32, #tpu.memory_space<vmem>>
    %dma_start3A_79 = tpu.memref_squeeze %dma_start3A_78 : memref<1x128xi32, #tpu.memory_space<vmem>> -> memref<128xi32, #tpu.memory_space<vmem>>
    %dma_start3A_80 = arith.constant 0 : i32
    %dma_start3A_81 = tpu.memref_slice %arg4[%dma_start3A_80] : memref<1000000xf32, #tpu.memory_space<hbm>> -> memref<1000000xf32, #tpu.memory_space<hbm>>
    tpu.enqueue_indirect_dma source(%dma_start3A_81 : memref<1000000xf32, #tpu.memory_space<hbm>>) target(%dma_start3A_76 : memref<128xf32, #tpu.memory_space<vmem>>) offsets(%dma_start3A_79 : memref<128xi32, #tpu.memory_space<vmem>>) semaphore(%arg10 : memref<!tpu.dma_semaphore, #tpu.memory_space<semaphore_mem>>)
    %dma_wait3A = arith.constant 0 : i32
    %dma_wait3A_82 = arith.constant 0 : i32
    %dma_wait3A_83 = arith.constant 0 : i32
    %dma_wait3A_84 = tpu.memref_slice %arg8[%dma_wait3A_82, %dma_wait3A_83] : memref<4x128xf32, #tpu.memory_space<vmem>> -> memref<1x128xf32, #tpu.memory_space<vmem>>
    %dma_wait3A_85 = tpu.memref_squeeze %dma_wait3A_84 : memref<1x128xf32, #tpu.memory_space<vmem>> -> memref<128xf32, #tpu.memory_space<vmem>>
    %dma_wait3A_86 = arith.constant 0 : i32
    %dma_wait3A_87 = tpu.memref_slice %arg7[%dma_wait3A, %dma_wait3A_86] : memref<4x128xi32, #tpu.memory_space<vmem>> -> memref<1x128xi32, #tpu.memory_space<vmem>>
    %dma_wait3A_88 = tpu.memref_squeeze %dma_wait3A_87 : memref<1x128xi32, #tpu.memory_space<vmem>> -> memref<128xi32, #tpu.memory_space<vmem>>
    %dma_wait3A_89 = arith.constant 0 : i32
    %dma_wait3A_90 = tpu.memref_slice %arg3[%dma_wait3A_89] : memref<1000000xf32, #tpu.memory_space<hbm>> -> memref<1000000xf32, #tpu.memory_space<hbm>>
    tpu.wait_indirect_dma semaphore(%arg10 : memref<!tpu.dma_semaphore, #tpu.memory_space<semaphore_mem>>) src(%dma_wait3A_90 : memref<1000000xf32, #tpu.memory_space<hbm>>) dst(%dma_wait3A_85 : memref<128xf32, #tpu.memory_space<vmem>>)
    %dma_wait3A_91 = arith.constant 0 : i32
    %dma_wait3A_92 = arith.constant 0 : i32
    %dma_wait3A_93 = arith.constant 0 : i32
    %dma_wait3A_94 = tpu.memref_slice %arg9[%dma_wait3A_92, %dma_wait3A_93] : memref<4x128xf32, #tpu.memory_space<vmem>> -> memref<1x128xf32, #tpu.memory_space<vmem>>
    %dma_wait3A_95 = tpu.memref_squeeze %dma_wait3A_94 : memref<1x128xf32, #tpu.memory_space<vmem>> -> memref<128xf32, #tpu.memory_space<vmem>>
    %dma_wait3A_96 = arith.constant 0 : i32
    %dma_wait3A_97 = tpu.memref_slice %arg7[%dma_wait3A_91, %dma_wait3A_96] : memref<4x128xi32, #tpu.memory_space<vmem>> -> memref<1x128xi32, #tpu.memory_space<vmem>>
    %dma_wait3A_98 = tpu.memref_squeeze %dma_wait3A_97 : memref<1x128xi32, #tpu.memory_space<vmem>> -> memref<128xi32, #tpu.memory_space<vmem>>
    %dma_wait3A_99 = arith.constant 0 : i32
    %dma_wait3A_100 = tpu.memref_slice %arg4[%dma_wait3A_99] : memref<1000000xf32, #tpu.memory_space<hbm>> -> memref<1000000xf32, #tpu.memory_space<hbm>>
    tpu.wait_indirect_dma semaphore(%arg10 : memref<!tpu.dma_semaphore, #tpu.memory_space<semaphore_mem>>) src(%dma_wait3A_100 : memref<1000000xf32, #tpu.memory_space<hbm>>) dst(%dma_wait3A_95 : memref<128xf32, #tpu.memory_space<vmem>>)
    %dma_wait3A_101 = arith.constant 1 : i32
    %dma_wait3A_102 = arith.constant 1 : i32
    %dma_wait3A_103 = arith.constant 0 : i32
    %dma_wait3A_104 = tpu.memref_slice %arg8[%dma_wait3A_102, %dma_wait3A_103] : memref<4x128xf32, #tpu.memory_space<vmem>> -> memref<1x128xf32, #tpu.memory_space<vmem>>
    %dma_wait3A_105 = tpu.memref_squeeze %dma_wait3A_104 : memref<1x128xf32, #tpu.memory_space<vmem>> -> memref<128xf32, #tpu.memory_space<vmem>>
    %dma_wait3A_106 = arith.constant 0 : i32
    %dma_wait3A_107 = tpu.memref_slice %arg7[%dma_wait3A_101, %dma_wait3A_106] : memref<4x128xi32, #tpu.memory_space<vmem>> -> memref<1x128xi32, #tpu.memory_space<vmem>>
    %dma_wait3A_108 = tpu.memref_squeeze %dma_wait3A_107 : memref<1x128xi32, #tpu.memory_space<vmem>> -> memref<128xi32, #tpu.memory_space<vmem>>
    %dma_wait3A_109 = arith.constant 0 : i32
    %dma_wait3A_110 = tpu.memref_slice %arg3[%dma_wait3A_109] : memref<1000000xf32, #tpu.memory_space<hbm>> -> memref<1000000xf32, #tpu.memory_space<hbm>>
    tpu.wait_indirect_dma semaphore(%arg10 : memref<!tpu.dma_semaphore, #tpu.memory_space<semaphore_mem>>) src(%dma_wait3A_110 : memref<1000000xf32, #tpu.memory_space<hbm>>) dst(%dma_wait3A_105 : memref<128xf32, #tpu.memory_space<vmem>>)
    %dma_wait3A_111 = arith.constant 1 : i32
    %dma_wait3A_112 = arith.constant 1 : i32
    %dma_wait3A_113 = arith.constant 0 : i32
    %dma_wait3A_114 = tpu.memref_slice %arg9[%dma_wait3A_112, %dma_wait3A_113] : memref<4x128xf32, #tpu.memory_space<vmem>> -> memref<1x128xf32, #tpu.memory_space<vmem>>
    %dma_wait3A_115 = tpu.memref_squeeze %dma_wait3A_114 : memref<1x128xf32, #tpu.memory_space<vmem>> -> memref<128xf32, #tpu.memory_space<vmem>>
    %dma_wait3A_116 = arith.constant 0 : i32
    %dma_wait3A_117 = tpu.memref_slice %arg7[%dma_wait3A_111, %dma_wait3A_116] : memref<4x128xi32, #tpu.memory_space<vmem>> -> memref<1x128xi32, #tpu.memory_space<vmem>>
    %dma_wait3A_118 = tpu.memref_squeeze %dma_wait3A_117 : memref<1x128xi32, #tpu.memory_space<vmem>> -> memref<128xi32, #tpu.memory_space<vmem>>
    %dma_wait3A_119 = arith.constant 0 : i32
    %dma_wait3A_120 = tpu.memref_slice %arg4[%dma_wait3A_119] : memref<1000000xf32, #tpu.memory_space<hbm>> -> memref<1000000xf32, #tpu.memory_space<hbm>>
    tpu.wait_indirect_dma semaphore(%arg10 : memref<!tpu.dma_semaphore, #tpu.memory_space<semaphore_mem>>) src(%dma_wait3A_120 : memref<1000000xf32, #tpu.memory_space<hbm>>) dst(%dma_wait3A_115 : memref<128xf32, #tpu.memory_space<vmem>>)
    %dma_wait3A_121 = arith.constant 2 : i32
    %dma_wait3A_122 = arith.constant 2 : i32
    %dma_wait3A_123 = arith.constant 0 : i32
    %dma_wait3A_124 = tpu.memref_slice %arg8[%dma_wait3A_122, %dma_wait3A_123] : memref<4x128xf32, #tpu.memory_space<vmem>> -> memref<1x128xf32, #tpu.memory_space<vmem>>
    %dma_wait3A_125 = tpu.memref_squeeze %dma_wait3A_124 : memref<1x128xf32, #tpu.memory_space<vmem>> -> memref<128xf32, #tpu.memory_space<vmem>>
    %dma_wait3A_126 = arith.constant 0 : i32
    %dma_wait3A_127 = tpu.memref_slice %arg7[%dma_wait3A_121, %dma_wait3A_126] : memref<4x128xi32, #tpu.memory_space<vmem>> -> memref<1x128xi32, #tpu.memory_space<vmem>>
    %dma_wait3A_128 = tpu.memref_squeeze %dma_wait3A_127 : memref<1x128xi32, #tpu.memory_space<vmem>> -> memref<128xi32, #tpu.memory_space<vmem>>
    %dma_wait3A_129 = arith.constant 0 : i32
    %dma_wait3A_130 = tpu.memref_slice %arg3[%dma_wait3A_129] : memref<1000000xf32, #tpu.memory_space<hbm>> -> memref<1000000xf32, #tpu.memory_space<hbm>>
    tpu.wait_indirect_dma semaphore(%arg10 : memref<!tpu.dma_semaphore, #tpu.memory_space<semaphore_mem>>) src(%dma_wait3A_130 : memref<1000000xf32, #tpu.memory_space<hbm>>) dst(%dma_wait3A_125 : memref<128xf32, #tpu.memory_space<vmem>>)
    %dma_wait3A_131 = arith.constant 2 : i32
    %dma_wait3A_132 = arith.constant 2 : i32
    %dma_wait3A_133 = arith.constant 0 : i32
    %dma_wait3A_134 = tpu.memref_slice %arg9[%dma_wait3A_132, %dma_wait3A_133] : memref<4x128xf32, #tpu.memory_space<vmem>> -> memref<1x128xf32, #tpu.memory_space<vmem>>
    %dma_wait3A_135 = tpu.memref_squeeze %dma_wait3A_134 : memref<1x128xf32, #tpu.memory_space<vmem>> -> memref<128xf32, #tpu.memory_space<vmem>>
    %dma_wait3A_136 = arith.constant 0 : i32
    %dma_wait3A_137 = tpu.memref_slice %arg7[%dma_wait3A_131, %dma_wait3A_136] : memref<4x128xi32, #tpu.memory_space<vmem>> -> memref<1x128xi32, #tpu.memory_space<vmem>>
    %dma_wait3A_138 = tpu.memref_squeeze %dma_wait3A_137 : memref<1x128xi32, #tpu.memory_space<vmem>> -> memref<128xi32, #tpu.memory_space<vmem>>
    %dma_wait3A_139 = arith.constant 0 : i32
    %dma_wait3A_140 = tpu.memref_slice %arg4[%dma_wait3A_139] : memref<1000000xf32, #tpu.memory_space<hbm>> -> memref<1000000xf32, #tpu.memory_space<hbm>>
    tpu.wait_indirect_dma semaphore(%arg10 : memref<!tpu.dma_semaphore, #tpu.memory_space<semaphore_mem>>) src(%dma_wait3A_140 : memref<1000000xf32, #tpu.memory_space<hbm>>) dst(%dma_wait3A_135 : memref<128xf32, #tpu.memory_space<vmem>>)
    %dma_wait3A_141 = arith.constant 3 : i32
    %dma_wait3A_142 = arith.constant 3 : i32
    %dma_wait3A_143 = arith.constant 0 : i32
    %dma_wait3A_144 = tpu.memref_slice %arg8[%dma_wait3A_142, %dma_wait3A_143] : memref<4x128xf32, #tpu.memory_space<vmem>> -> memref<1x128xf32, #tpu.memory_space<vmem>>
    %dma_wait3A_145 = tpu.memref_squeeze %dma_wait3A_144 : memref<1x128xf32, #tpu.memory_space<vmem>> -> memref<128xf32, #tpu.memory_space<vmem>>
    %dma_wait3A_146 = arith.constant 0 : i32
    %dma_wait3A_147 = tpu.memref_slice %arg7[%dma_wait3A_141, %dma_wait3A_146] : memref<4x128xi32, #tpu.memory_space<vmem>> -> memref<1x128xi32, #tpu.memory_space<vmem>>
    %dma_wait3A_148 = tpu.memref_squeeze %dma_wait3A_147 : memref<1x128xi32, #tpu.memory_space<vmem>> -> memref<128xi32, #tpu.memory_space<vmem>>
    %dma_wait3A_149 = arith.constant 0 : i32
    %dma_wait3A_150 = tpu.memref_slice %arg3[%dma_wait3A_149] : memref<1000000xf32, #tpu.memory_space<hbm>> -> memref<1000000xf32, #tpu.memory_space<hbm>>
    tpu.wait_indirect_dma semaphore(%arg10 : memref<!tpu.dma_semaphore, #tpu.memory_space<semaphore_mem>>) src(%dma_wait3A_150 : memref<1000000xf32, #tpu.memory_space<hbm>>) dst(%dma_wait3A_145 : memref<128xf32, #tpu.memory_space<vmem>>)
    %dma_wait3A_151 = arith.constant 3 : i32
    %dma_wait3A_152 = arith.constant 3 : i32
    %dma_wait3A_153 = arith.constant 0 : i32
    %dma_wait3A_154 = tpu.memref_slice %arg9[%dma_wait3A_152, %dma_wait3A_153] : memref<4x128xf32, #tpu.memory_space<vmem>> -> memref<1x128xf32, #tpu.memory_space<vmem>>
    %dma_wait3A_155 = tpu.memref_squeeze %dma_wait3A_154 : memref<1x128xf32, #tpu.memory_space<vmem>> -> memref<128xf32, #tpu.memory_space<vmem>>
    %dma_wait3A_156 = arith.constant 0 : i32
    %dma_wait3A_157 = tpu.memref_slice %arg7[%dma_wait3A_151, %dma_wait3A_156] : memref<4x128xi32, #tpu.memory_space<vmem>> -> memref<1x128xi32, #tpu.memory_space<vmem>>
    %dma_wait3A_158 = tpu.memref_squeeze %dma_wait3A_157 : memref<1x128xi32, #tpu.memory_space<vmem>> -> memref<128xi32, #tpu.memory_space<vmem>>
    %dma_wait3A_159 = arith.constant 0 : i32
    %dma_wait3A_160 = tpu.memref_slice %arg4[%dma_wait3A_159] : memref<1000000xf32, #tpu.memory_space<hbm>> -> memref<1000000xf32, #tpu.memory_space<hbm>>
    tpu.wait_indirect_dma semaphore(%arg10 : memref<!tpu.dma_semaphore, #tpu.memory_space<semaphore_mem>>) src(%dma_wait3A_160 : memref<1000000xf32, #tpu.memory_space<hbm>>) dst(%dma_wait3A_155 : memref<128xf32, #tpu.memory_space<vmem>>)
    "tpu.region"() ({
      %run_scoped3A = tpu.sem_alloc : memref<!tpu.dma_semaphore, #tpu.memory_space<semaphore_mem>>
      %dma_start3A_161 = arith.constant 0 : i32
      %dma_start3A_162 = tpu.memref_slice %arg5[%mul3A_2, %dma_start3A_161] : memref<128x128xf32, #tpu.memory_space<hbm>> -> memref<4x128xf32, #tpu.memory_space<hbm>>
      %dma_start3A_163 = arith.constant 0 : i32
      %dma_start3A_164 = tpu.memref_slice %arg5[%mul3A_2, %dma_start3A_163] : memref<128x128xf32, #tpu.memory_space<hbm>> -> memref<4x128xf32, #tpu.memory_space<hbm>>
      tpu.enqueue_dma source(%arg8 : memref<4x128xf32, #tpu.memory_space<vmem>>) target(%dma_start3A_164 : memref<4x128xf32, #tpu.memory_space<hbm>>) target_semaphore(%run_scoped3A : memref<!tpu.dma_semaphore, #tpu.memory_space<semaphore_mem>>)
      %dma_wait3A_165 = arith.constant 0 : i32
      %dma_wait3A_166 = tpu.memref_slice %arg5[%mul3A_2, %dma_wait3A_165] : memref<128x128xf32, #tpu.memory_space<hbm>> -> memref<4x128xf32, #tpu.memory_space<hbm>>
      %dma_wait3A_167 = arith.constant 0 : i32
      %dma_wait3A_168 = tpu.memref_slice %arg5[%mul3A_2, %dma_wait3A_167] : memref<128x128xf32, #tpu.memory_space<hbm>> -> memref<4x128xf32, #tpu.memory_space<hbm>>
      tpu.wait_dma2 semaphore(%run_scoped3A : memref<!tpu.dma_semaphore, #tpu.memory_space<semaphore_mem>>) src(%arg8 : memref<4x128xf32, #tpu.memory_space<vmem>>) dst(%dma_wait3A_168 : memref<4x128xf32, #tpu.memory_space<hbm>>)
      tpu.yield
    }) : () -> ()
    "tpu.region"() ({
      %run_scoped3A = tpu.sem_alloc : memref<!tpu.dma_semaphore, #tpu.memory_space<semaphore_mem>>
      %dma_start3A_161 = arith.constant 0 : i32
      %dma_start3A_162 = tpu.memref_slice %arg6[%mul3A_2, %dma_start3A_161] : memref<128x128xf32, #tpu.memory_space<hbm>> -> memref<4x128xf32, #tpu.memory_space<hbm>>
      %dma_start3A_163 = arith.constant 0 : i32
      %dma_start3A_164 = tpu.memref_slice %arg6[%mul3A_2, %dma_start3A_163] : memref<128x128xf32, #tpu.memory_space<hbm>> -> memref<4x128xf32, #tpu.memory_space<hbm>>
      tpu.enqueue_dma source(%arg9 : memref<4x128xf32, #tpu.memory_space<vmem>>) target(%dma_start3A_164 : memref<4x128xf32, #tpu.memory_space<hbm>>) target_semaphore(%run_scoped3A : memref<!tpu.dma_semaphore, #tpu.memory_space<semaphore_mem>>)
      %dma_wait3A_165 = arith.constant 0 : i32
      %dma_wait3A_166 = tpu.memref_slice %arg6[%mul3A_2, %dma_wait3A_165] : memref<128x128xf32, #tpu.memory_space<hbm>> -> memref<4x128xf32, #tpu.memory_space<hbm>>
      %dma_wait3A_167 = arith.constant 0 : i32
      %dma_wait3A_168 = tpu.memref_slice %arg6[%mul3A_2, %dma_wait3A_167] : memref<128x128xf32, #tpu.memory_space<hbm>> -> memref<4x128xf32, #tpu.memory_space<hbm>>
      tpu.wait_dma2 semaphore(%run_scoped3A : memref<!tpu.dma_semaphore, #tpu.memory_space<semaphore_mem>>) src(%arg9 : memref<4x128xf32, #tpu.memory_space<vmem>>) dst(%dma_wait3A_168 : memref<4x128xf32, #tpu.memory_space<hbm>>)
      tpu.yield
    }) : () -> ()
    return
  }
}

</mosaic_0001>

<sc_bundles>
// kernel: _gmm_logprob_sc.4.cloned.1.call-start
scs
__scs_entry_jumppad:
0x0: {  	(pc) =	sbr.rel $0x88, $3  }
0x1: {  	(tag) =	ssettag $0x0;
	lr =	simm.s32 $0x1  }
0x2: {  	[smem:$0x3F99] =	sst lr;
	_ =	strace $0xD0000000  }
0x3: {  	_ = 	snop  }
0x4: {  	_ = 	snop  }
0x5: {  	_ = 	snop  }
0x6: {  	_ = 	snop  }
0x7: {  	_ = 	snop  }
__scs_overlays_trampoline_lowered:
0x8: {  	[smem:$0x3FA8] =	sst s0  }
0x9: {  	[smem:$0x3FA9] =	sst s1  }
0xa: {  	[smem:$0x3FAA] =	sst s2  }
0xb: {  	[smem:$0x3FAB] =	sst s3  }
0xc: {  	[smem:$0x3FAC] =	sst s4  }
0xd: {  	[smem:$0x3FAD] =	sst s5  }
0xe: {  	[smem:$0x3FAE] =	sst s6  }
0xf: {  	[smem:$0x3FAF] =	sst s7  }
0x10: {  	[smem:$0x3FB0] =	sst s8  }
0x11: {  	[smem:$0x3FB1] =	sst s9;
	s0 =	simm.s32 @!p0 $0x0  }
0x12: {  	s1 =	sld [smem:$0x3F97];
	s0 =	simm.s32 @p0 $0x1  }
0x13: {  	[smem:$0x3FB2] =	sst s0;
	s0 =	simm.s32 @!p1 $0x0  }
0x14: {  	s2 =	sld [smem:$0x3F96];
	s0 =	simm.s32 @p1 $0x1  }
0x15: {  	[smem:$0x3FB3] =	sst s0;
	s0 =	simm.s32 @!p2 $0x0  }
0x16: {  	s3 =	sld [smem:$0x3FDB];
	s0 =	simm.s32 @p2 $0x1  }
0x17: {  	s4 =	simm.s32 $0x1BF5;
	[smem:$0x3FB5] =	sst s0  }
0x18: {  	s0 =	sld [smem:$0x3F98];
	_ =	swait.ge [sflag:s4], $0x0  }
0x19: {  	s7 =	sld [smem:$0x3F99]  }
0x1a: {  	s8 =	sadd.s32 $0xFFFFE003, lr  }
0x1b: {  	s9 =	sadd.s32 $0xFFFFFEF7, lr;
	s5 =	simm.s32 $0xFFFFFFFF;
	p2 =	slt.u32 s8, $0xFFFFF086  }
0x1c: {  	p1 =	slt.u32 s9, $0xF7A;
	s5 =	simm.s32 @!p2 $0x0  }
0x1d: {  	s5 =	simm.s32 @p1 $0x1;
	p0 =	seq.s32 s7, s2  }
0x1e: {  	s7 =	smul.u32 @!p0 $0xF7A, s2;
	p2 =	seq.s32 @!p0 s5, $0x0  }
0x1f: {  	s9 =	smul.u32 $0xF7A, s1;
	s8 =	simm.s32 @!p0 $0x1BF5;
	p2 =	por !p2, p0  }
0x20: {  	[sflag:s8] =	ssyncset.s32 @!p0 $0xFFFFF086;
	s6 =	sadd.s32 @!p0 s3, s7;
	s7 =	simm.s32 @!p0 $0x108  }
0x21: {  	s3 =	sadd.s32 s3, s9;
	s6 =	sadd.s32 @!p0 $0x88, s6;
	s7 =	simm.s32 @p2 $0x1082  }
0x22: {  	[simem:s7], [sflag:s8] =	dma.local @!p0 [hbm:s6], $0xF7A  }
0x23: {  	s9 =	sor.u32 $0xD0000000, s2;
	s6 =	simm.s32 $0x108;
	_ =	swait.ge @!p0 [sflag:s8], $0x0  }
0x24: {  	s3 =	sadd.s32 $0x88, s3;
	s6 =	simm.s32 @!p1 $0x1082;
	[sflag:s4] =	ssyncset.s32 $0xFFFFF086  }
0x25: {  	[simem:s6], [sflag:s4] =	dma.local [hbm:s3], $0xF7A  }
0x26: {  	[smem:$0x3F99] =	sst s1;
	(tag) =	ssettag s2;
	_ =	strace s9  }
0x27: {  	s1 =	sld [smem:$0x3FA9]  }
0x28: {  	s2 =	sld [smem:$0x3FAA]  }
0x29: {  	s4 =	sld [smem:$0x3FAC]  }
0x2a: {  	p0 =	seq.s32 s5, $0x0;
	s5 =	sld [smem:$0x3FAD]  }
0x2b: {  	s6 =	sld [smem:$0x3FAE]  }
0x2c: {  	s7 =	sld [smem:$0x3FAF]  }
0x2d: {  	s3 =	simm.s32 $0x108;
	s8 =	sld [smem:$0x3FB0]  }
0x2e: {  	s3 =	simm.s32 @!p0 $0x1082;
	s9 =	sld [smem:$0x3FB1]  }
0x2f: {  	lr =	sadd.s32 s0, s3;
	s0 =	sld [smem:$0x3FA8]  }
0x30: {  	s3 =	sld [smem:$0x3FAB]  }
0x31: {  	[smem:$0x3FB4] =	sst s10  }
0x32: {  	s10 =	sld [smem:$0x3FB2];
	_ =	sdelay $0x3  }
0x33: {  	p0 =	seq.s32 s10, $0x1;
	s10 =	sld [smem:$0x3FB4];
	_ =	sdelay $0x3  }
0x34: {  	[smem:$0x3FB4] =	sst s10  }
0x35: {  	s10 =	sld [smem:$0x3FB3];
	_ =	sdelay $0x3  }
0x36: {  	p1 =	seq.s32 s10, $0x1;
	s10 =	sld [smem:$0x3FB4];
	_ =	sdelay $0x3  }
0x37: {  	[smem:$0x3FB4] =	sst s10  }
0x38: {  	s10 =	sld [smem:$0x3FB5]  }
0x39: {  	_ = 	snop;
	(pc) =	sbr.ind lr, $3  }
0x3a: {  	_ = 	snop  }
0x3b: {  	_ = 	snop  }
0x3c: {  	p2 =	seq.s32 s10, $0x1;
	s10 =	sld [smem:$0x3FB4]  }
0x3d: {  	_ =	shalt  }
0x3e: {  	_ =	shalt  }
0x3f: {  	_ =	shalt  }
0x40: {  	_ =	shalt  }
0x41: {  	_ =	shalt  }
0x42: {  	_ =	shalt  }
0x43: {  	_ =	shalt  }
0x44: {  	_ =	shalt  }
0x45: {  	_ =	shalt  }
0x46: {  	_ =	shalt  }
0x47: {  	_ =	shalt  }
0x48: {  	_ =	shalt  }
0x49: {  	_ =	shalt  }
0x4a: {  	_ =	shalt  }
0x4b: {  	_ =	shalt  }
0x4c: {  	_ =	shalt  }
0x4d: {  	_ =	shalt  }
0x4e: {  	_ =	shalt  }
0x4f: {  	_ =	shalt  }
0x50: {  	_ =	shalt  }
0x51: {  	_ =	shalt  }
0x52: {  	_ =	shalt  }
0x53: {  	_ =	shalt  }
0x54: {  	_ =	shalt  }
0x55: {  	_ =	shalt  }
0x56: {  	_ =	shalt  }
0x57: {  	_ =	shalt  }
0x58: {  	_ =	shalt  }
0x59: {  	_ =	shalt  }
0x5a: {  	_ =	shalt  }
0x5b: {  	_ =	shalt  }
0x5c: {  	_ =	shalt  }
0x5d: {  	_ =	shalt  }
0x5e: {  	_ =	shalt  }
0x5f: {  	_ =	shalt  }
0x60: {  	_ =	shalt  }
0x61: {  	_ =	shalt  }
0x62: {  	_ =	shalt  }
0x63: {  	_ =	shalt  }
0x64: {  	_ =	shalt  }
0x65: {  	_ =	shalt  }
0x66: {  	_ =	shalt  }
0x67: {  	_ =	shalt  }
0x68: {  	_ =	shalt  }
0x69: {  	_ =	shalt  }
0x6a: {  	_ =	shalt  }
0x6b: {  	_ =	shalt  }
0x6c: {  	_ =	shalt  }
0x6d: {  	_ =	shalt  }
0x6e: {  	_ =	shalt  }
0x6f: {  	_ =	shalt  }
0x70: {  	_ =	shalt  }
0x71: {  	_ =	shalt  }
0x72: {  	_ =	shalt  }
0x73: {  	_ =	shalt  }
0x74: {  	_ =	shalt  }
0x75: {  	_ =	shalt  }
0x76: {  	_ =	shalt  }
0x77: {  	_ =	shalt  }
0x78: {  	_ =	shalt  }
0x79: {  	_ =	shalt  }
0x7a: {  	_ =	shalt  }
0x7b: {  	_ =	shalt  }
0x7c: {  	_ =	shalt  }
0x7d: {  	_ =	shalt  }
0x7e: {  	_ =	shalt  }
0x7f: {  	_ =	shalt  }
0x80: {  	_ =	shalt  }
0x81: {  	_ =	shalt  }
0x82: {  	_ =	shalt  }
0x83: {  	_ =	shalt  }
0x84: {  	_ =	shalt  }
0x85: {  	_ =	shalt  }
0x86: {  	_ =	shalt  }
0x87: {  	_ =	shalt  }
.Lfunc_end0:
.L_simem_size_0:
called_computation_lowered:
.L_overlay_start_0:
0x88: {  	s2 =	sld [smem:$0x3FD9]  }
0x89: {  	s3 =	sld [smem:$0x3FFE];
	_ =	sdelay $0x1  }
0x8a: {  	s1 =	srdreg.scid  }
0x8b: {  	s0 =	sand.u32 $0x1, s1  }
0x8c: {  	s17 =	sshll.u32 s0, $0xA;
	s2 =	sadd.s32 s3, s2  }
0x8d: {  	s2 =	sadd.s32 s2, s17  }
0x8e: {  	[smem:$0x3FC0] =	sst s2  }
0x8f: {  	_ = 	snop  }
0x90: {  	s2 =	sld [smem:$0x3FC9]  }
0x91: {  	s18 =	sld [smem:$0x3FC6]  }
0x92: {  	s4 =	sld [smem:$0x3FC5];
	(tm) =	ssettm $0x1  }
0x93: {  	s5 =	sld [smem:$0x3FFB];
	_ =	sdelay $0x3  }
0x94: {  	_ =	strace s5  }
0x95: {  	s5 =	sld [smem:$0x3FFC];
	_ =	sdelay $0x3  }
0x96: {  	_ =	strace s5  }
0x97: {  	s5 =	sld [smem:$0x3FFD];
	_ =	sdelay $0x3  }
0x98: {  	_ =	strace s5  }
0x99: {  	_ =	strace $0x8FFFFFFF  }
0x9a: {  	s19 =	sld [smem:$0x3FDB];
	_ =	sdelay $0x1  }
0x9b: {  	s6 =	simm.s32 $_scs_section_size  }
0x9c: {  	s7 =	simm.s32 $_size__tile_overlayer_lowered;
	s8 =	simm.s32 $_tile_overlayer_lowered  }
0x9d: {  	s22 =	simm.s32 $0x1BFF;
	s21 =	sshll.u32 s8, $0x1;
	s5 =	sadd.s32 s6, s19  }
0x9e: {  	s9 =	simm.s32 $0x0;
	s20 =	sshll.u32 s7, $0x1;
	s7 =	sadd.s32 s21, s5  }
0x9f: {  	[timem:s9], [sflag:s22] =	dma.local [hbm:s7], s20  }
0xa0: {  	_ =	swait.ge [sflag:s22], s20  }
0xa1: {  	s6 =	ssub.s32 $0x0, s20;
	[sflag:s22] =	ssyncset.done $0x0  }
0xa2: {  	[sflag:s22] =	ssyncadd.s32 s6;
	_ =	sdelay $0x1  }
0xa3: {  	s23 =	simm.s32 $0x1B8B  }
0xa4: {  	_ =	swait.ge [sflag:s23], $0x1  }
0xa5: {  	[sflag:s23] =	ssyncset.done $0x0  }
0xa6: {  	s25 =	simm.s32 $0x1B8E;
	s24 =	sld [smem:$0x3FFE];
	[sflag:s23] =	ssyncadd.s32 $0xFFFFFFFF  }
0xa7: {  	s26 =	simm.s32 $execute0_lowered;
	[smem:$0x3FD2] =	sst s25  }
0xa8: {  	s7 =	sshll.u32 s26, $0x1;
	_ =	strace $0x80000046;
	[dreg:$0x1] =	wrdreg $0xFFFFFFFF  }
0xa9: {  	s28 =	simm.s32 $_size_execute0_lowered;
	s5 =	sadd.s32 s5, s7;
	[dreg:$0x0] =	wrdreg $0x0  }
0xaa: {  	s7 =	sshll.u32 s28, $0x1;
	[dreg:$0x2] =	wrdreg s5  }
0xab: {  	[dreg:$0x3] =	wrdreg s7  }
0xac: {  	[dreg:$0x4] =	wrdreg $0xC0  }
0xad: {  	_ =	task [dreg:s9], $0x5FFFF  }
0xae: {  	[dreg:$0x1] =	wrdreg $0xFFFFFFFF  }
0xaf: {  	[dreg:$0x0] =	wrdreg $0x60  }
0xb0: {  	[dreg:$0x2] =	wrdreg s2  }
0xb1: {  	[dreg:$0x3] =	wrdreg s18  }
0xb2: {  	[dreg:$0x4] =	wrdreg s4  }
0xb3: {  	[dreg:$0x5] =	wrdreg s24  }
0xb4: {  	[dreg:$0x6] =	wrdreg $0x9  }
0xb5: {  	_ =	task.clear_ibuf [dreg:s9], $0x7FFFF;
	_ =	strace $0x90000046  }
0xb6: {  	s29 =	simm.s32 $0x9;
	_ =	strace $0x80000048  }
0xb7: {  	_ =	swait.ge [sflag:s29], $0x1  }
0xb8: {  	[sflag:s29] =	ssyncadd.s32 $0xFFFFFFFF  }
0xb9: {  	_ =	strace $0x90000048  }
0xba: {  	_ =	sfence  }
0xbb: {  	s30 =	sld [smem:$0x0];
	_ =	sdelay $0x2  }
0xbc: {  	s31 =	sshll.u32 s1, $0xD;
	s1 =	sshrl.u32 s1, $0x2  }
0xbd: {  	s3 =	sand.u32 $0x4000, s31;
	s1 =	sadd.s32 s1, s30  }
0xbe: {  	s0 =	sor.u32 s3, s0;
	s1 =	sshll.u32 s1, $0x11  }
0xbf: {  	s0 =	sor.u32 s1, s0  }
0xc0: {  	s0 =	sadd.s32 $0x8F2B, s0  }
0xc1: {  	[sflag:s0] =	ssyncadd.remote.s32 $0x1  }
0xc2: {  	_ =	sfence.sel $0xFFFF  }
0xc3: {  	[dreg:$0x0] =	wrdreg $0xFFFFFFFF;
	(pc) =	sbr.abs _section_cstart, $3  }
0xc4: {  	[dreg:$0x1] =	wrdreg $0xFFFFFFFF  }
0xc5: {  	_ =	task.clear_ibuf [dreg:s9], $0x2FFFF;
	_ =	strace $0x9FFFFFFF  }
0xc6: {  	(tm) =	ssettm $0x7FFFFFFF  }
0xc7: {  	_ =	shalt  }
tec
execute0_lowered:
.L_overlay_start_1:
0x0: {  	(tag) =	ssettag $0x1  }
0x1: {  	s5 =	rddreg [dreg:$0x0]  }
0x2: {  	s2 =	rddreg [dreg:$0x1]  }
0x3: {  	s3 =	rddreg [dreg:$0x2]  }
0x4: {  	s19 =	rddreg [dreg:$0x3];
	s4 =	srdreg.scid  }
0x5: {  	s0 =	rddreg [dreg:$0x4];
	s1 =	stileid.u32;
	s20 =	sand.u32 $0x1, s4  }
0x6: {  	s4 =	simm.s32 $0x0;
	s7 =	sshll.u32 s1, $0x6;
	s6 =	sshll.u32 s20, $0xA  }
0x7: {  	[smem:$0x7FF] =	sst s4;
	s21 =	sor.u32 s7, s6  }
0x8: {  	_ =	strace $0x80000047;
	s6 =	sadd.s32 s5, s21;
	s5 =	simm.s32 $0x2  }
0x9: {  	[tilespmem:s4], [sflag:$0x2] =	stream.linear.gather [hbm4b:s6+s4], $0x200, $0x38;
	[tilespmem:$0x600] =	vst v63  }
0xa: {  	_ =	swait.ge [sflag:s5], $0x200  }
0xb: {  	[sflag:s5] =	ssyncset.done $0x0  }
0xc: {  	s8 =	simm.s32 $0x200;
	s7 =	simm.s32 $0x80;
	[sflag:s5] =	ssyncadd.s32 $0xFFFFFE00  }
0xd: {  	[tilespmem:s8], [sflag:$0x1] =	stream.indirect.gather [hbm4b:s2+s7], $0x1, s4, s7, $0xb8;
	[tilespmem:$0x600] =	vst v63  }
0xe: {  	s9 =	simm.s32 $0x400  }
0xf: {  	[tilespmem:s9], [sflag:$0x1] =	stream.indirect.gather [hbm4b:s3+s7], $0x1, s4, s7, $0xb8;
	[tilespmem:$0x600] =	vst v63  }
0x10: {  	s10 =	simm.s32 $0x280  }
0x11: {  	[tilespmem:s10], [sflag:$0x1] =	stream.indirect.gather [hbm4b:s2+s7], $0x1, s7, s7, $0xb8;
	[tilespmem:$0x600] =	vst v63  }
0x12: {  	s11 =	simm.s32 $0x480  }
0x13: {  	[tilespmem:s11], [sflag:$0x1] =	stream.indirect.gather [hbm4b:s3+s7], $0x1, s7, s7, $0xb8;
	[tilespmem:$0x600] =	vst v63  }
0x14: {  	s12 =	simm.s32 $0x100;
	s13 =	simm.s32 $0x300  }
0x15: {  	[tilespmem:s13], [sflag:$0x1] =	stream.indirect.gather [hbm4b:s2+s7], $0x1, s12, s7, $0xb8;
	[tilespmem:$0x600] =	vst v63  }
0x16: {  	s14 =	simm.s32 $0x500  }
0x17: {  	[tilespmem:s14], [sflag:$0x1] =	stream.indirect.gather [hbm4b:s3+s7], $0x1, s12, s7, $0xb8;
	[tilespmem:$0x600] =	vst v63  }
0x18: {  	s15 =	simm.s32 $0x180;
	s16 =	simm.s32 $0x380  }
0x19: {  	[tilespmem:s16], [sflag:$0x1] =	stream.indirect.gather [hbm4b:s2+s7], $0x1, s15, s7, $0xb8;
	[tilespmem:$0x600] =	vst v63  }
0x1a: {  	s17 =	simm.s32 $0x580;
	s18 =	simm.s32 $0x1  }
0x1b: {  	[tilespmem:s17], [sflag:$0x1] =	stream.indirect.gather [hbm4b:s3+s7], $0x1, s15, s7, $0xb8;
	[tilespmem:$0x600] =	vst v63  }
0x1c: {  	_ =	swait.ge [sflag:s18], $0x80  }
0x1d: {  	[sflag:s18] =	ssyncset.done $0x0  }
0x1e: {  	[sflag:s18] =	ssyncadd.s32 $0xFFFFFF80  }
0x1f: {  	_ =	swait.ge [sflag:s18], $0x80  }
0x20: {  	[sflag:s18] =	ssyncset.done $0x0  }
0x21: {  	[sflag:s18] =	ssyncadd.s32 $0xFFFFFF80  }
0x22: {  	_ =	swait.ge [sflag:s18], $0x80  }
0x23: {  	[sflag:s18] =	ssyncset.done $0x0  }
0x24: {  	[sflag:s18] =	ssyncadd.s32 $0xFFFFFF80  }
0x25: {  	_ =	swait.ge [sflag:s18], $0x80  }
0x26: {  	[sflag:s18] =	ssyncset.done $0x0  }
0x27: {  	[sflag:s18] =	ssyncadd.s32 $0xFFFFFF80  }
0x28: {  	_ =	swait.ge [sflag:s18], $0x80  }
0x29: {  	[sflag:s18] =	ssyncset.done $0x0  }
0x2a: {  	[sflag:s18] =	ssyncadd.s32 $0xFFFFFF80  }
0x2b: {  	_ =	swait.ge [sflag:s18], $0x80  }
0x2c: {  	[sflag:s18] =	ssyncset.done $0x0  }
0x2d: {  	[sflag:s18] =	ssyncadd.s32 $0xFFFFFF80  }
0x2e: {  	_ =	swait.ge [sflag:s18], $0x80  }
0x2f: {  	[sflag:s18] =	ssyncset.done $0x0  }
0x30: {  	s20 =	ssub.s32 $0x2, s20;
	[sflag:s18] =	ssyncadd.s32 $0xFFFFFF80  }
0x31: {  	s22 =	sshrl.u32 s20, $0x1;
	_ =	swait.ge [sflag:s18], $0x80  }
0x32: {  	s21 =	sadd.s32 s21, s19;
	s22 =	ssub.s32 s20, s22;
	[sflag:s18] =	ssyncset.done $0x0  }
0x33: {  	s19 =	sadd.s32 $0xC00, s21;
	s31 =	smax.u32 s22, $0x1;
	[sflag:s18] =	ssyncadd.s32 $0xFFFFFF80  }
0x34: {  	[hbm4b:s19+s4] =	stream.linear.scatter [tilespmem:s8], [sflag:$0x2], $0x200, $0x38;
	[tilespmem:$0x600] =	vst v63  }
0x35: {  	p0 =	sne.s32 s31, $0x1;
	_ =	swait.ge [sflag:s5], $0x200  }
.Ltmp0:
0x36: {  	[sflag:s5] =	ssyncset.done $0x0;
	(pc) =	sbr.rel @!p0 .LBB2_2-.Ltmp0, $4  }
0x37: {  	s20 =	sadd.s32 $0x1400, s21;
	[sflag:s5] =	ssyncadd.s32 $0xFFFFFE00  }
0x38: {  	[hbm4b:s20+s4] =	stream.linear.scatter [tilespmem:s9], [sflag:$0x2], $0x200, $0x38;
	[tilespmem:$0x600] =	vst v63  }
0x39: {  	_ =	swait.ge [sflag:s5], $0x200  }
0x3a: {  	s21 =	sadd.s32 $0xFFFFFFFF, s31;
	[sflag:s5] =	ssyncset.done $0x0  }
.LBB2_1:
0x3b: {  	p0 =	sne.s32 s21, $0x1;
	s21 =	sadd.s32 $0xFFFFFFFF, s21;
	[sflag:s5] =	ssyncadd.s32 $0xFFFFFE00  }
0x3c: {  	[tilespmem:s4], [sflag:$0x2] =	stream.linear.gather [hbm4b:s6+s4], $0x200, $0x38;
	[tilespmem:$0x600] =	vst v63  }
0x3d: {  	_ =	swait.ge [sflag:s5], $0x200  }
0x3e: {  	[sflag:s5] =	ssyncset.done $0x0  }
0x3f: {  	[sflag:s5] =	ssyncadd.s32 $0xFFFFFE00  }
0x40: {  	[tilespmem:s8], [sflag:$0x1] =	stream.indirect.gather [hbm4b:s2+s7], $0x1, s4, s7, $0xb8;
	[tilespmem:$0x600] =	vst v63  }
0x41: {  	_ = 	snop  }
0x42: {  	[tilespmem:s9], [sflag:$0x1] =	stream.indirect.gather [hbm4b:s3+s7], $0x1, s4, s7, $0xb8;
	[tilespmem:$0x600] =	vst v63  }
0x43: {  	_ = 	snop  }
0x44: {  	[tilespmem:s10], [sflag:$0x1] =	stream.indirect.gather [hbm4b:s2+s7], $0x1, s7, s7, $0xb8;
	[tilespmem:$0x600] =	vst v63  }
0x45: {  	_ = 	snop  }
0x46: {  	[tilespmem:s11], [sflag:$0x1] =	stream.indirect.gather [hbm4b:s3+s7], $0x1, s7, s7, $0xb8;
	[tilespmem:$0x600] =	vst v63  }
0x47: {  	_ = 	snop  }
0x48: {  	[tilespmem:s13], [sflag:$0x1] =	stream.indirect.gather [hbm4b:s2+s7], $0x1, s12, s7, $0xb8;
	[tilespmem:$0x600] =	vst v63  }
0x49: {  	_ = 	snop  }
0x4a: {  	[tilespmem:s14], [sflag:$0x1] =	stream.indirect.gather [hbm4b:s3+s7], $0x1, s12, s7, $0xb8;
	[tilespmem:$0x600] =	vst v63  }
0x4b: {  	_ = 	snop  }
0x4c: {  	[tilespmem:s16], [sflag:$0x1] =	stream.indirect.gather [hbm4b:s2+s7], $0x1, s15, s7, $0xb8;
	[tilespmem:$0x600] =	vst v63  }
0x4d: {  	_ = 	snop  }
0x4e: {  	[tilespmem:s17], [sflag:$0x1] =	stream.indirect.gather [hbm4b:s3+s7], $0x1, s15, s7, $0xb8;
	[tilespmem:$0x600] =	vst v63  }
0x4f: {  	_ =	swait.ge [sflag:s18], $0x80  }
0x50: {  	[sflag:s18] =	ssyncset.done $0x0  }
0x51: {  	[sflag:s18] =	ssyncadd.s32 $0xFFFFFF80  }
0x52: {  	_ =	swait.ge [sflag:s18], $0x80  }
0x53: {  	[sflag:s18] =	ssyncset.done $0x0  }
0x54: {  	[sflag:s18] =	ssyncadd.s32 $0xFFFFFF80  }
0x55: {  	_ =	swait.ge [sflag:s18], $0x80  }
0x56: {  	[sflag:s18] =	ssyncset.done $0x0  }
0x57: {  	[sflag:s18] =	ssyncadd.s32 $0xFFFFFF80  }
0x58: {  	_ =	swait.ge [sflag:s18], $0x80  }
0x59: {  	[sflag:s18] =	ssyncset.done $0x0  }
0x5a: {  	[sflag:s18] =	ssyncadd.s32 $0xFFFFFF80  }
0x5b: {  	_ =	swait.ge [sflag:s18], $0x80  }
0x5c: {  	[sflag:s18] =	ssyncset.done $0x0  }
0x5d: {  	[sflag:s18] =	ssyncadd.s32 $0xFFFFFF80  }
0x5e: {  	_ =	swait.ge [sflag:s18], $0x80  }
0x5f: {  	[sflag:s18] =	ssyncset.done $0x0  }
0x60: {  	[sflag:s18] =	ssyncadd.s32 $0xFFFFFF80  }
0x61: {  	_ =	swait.ge [sflag:s18], $0x80  }
0x62: {  	[sflag:s18] =	ssyncset.done $0x0  }
0x63: {  	[sflag:s18] =	ssyncadd.s32 $0xFFFFFF80  }
0x64: {  	_ =	swait.ge [sflag:s18], $0x80  }
0x65: {  	[sflag:s18] =	ssyncset.done $0x0  }
0x66: {  	[sflag:s18] =	ssyncadd.s32 $0xFFFFFF80  }
0x67: {  	[hbm4b:s19+s4] =	stream.linear.scatter [tilespmem:s8], [sflag:$0x2], $0x200, $0x38;
	[tilespmem:$0x600] =	vst v63  }
0x68: {  	_ =	swait.ge [sflag:s5], $0x200  }
.Ltmp1:
0x69: {  	[sflag:s5] =	ssyncset.done $0x0;
	(pc) =	sbr.rel @p0 .LBB2_1-.Ltmp1, $4  }
0x6a: {  	[sflag:s5] =	ssyncadd.s32 $0xFFFFFE00  }
0x6b: {  	[hbm4b:s20+s4] =	stream.linear.scatter [tilespmem:s9], [sflag:$0x2], $0x200, $0x38;
	[tilespmem:$0x600] =	vst v63  }
0x6c: {  	_ =	swait.ge [sflag:s5], $0x200  }
0x6d: {  	[sflag:s5] =	ssyncset.done $0x0  }
.LBB2_2:
0x6e: {  	[sflag:s5] =	ssyncadd.s32 $0xFFFFFE00  }
0x6f: {  	_ =	sfence.sel $0x180000  }
0x70: {  	[bflag:$0x0] =	sbarrier.arrive $0xFFFF  }
0x71: {  	p0 =	sne.s32 s1, $0x0;
	_ =	strace $0x90000047  }
0x72: {  	s0 =	sadd.s32 @!p0 $0x100000, s0;
	[bflag:$0x2] =	sbarrier.arrive $0xFFFF  }
0x73: {  	[sflag:s0] =	ssyncadd.tile.s32 @!p0 $0x1;
	_ =	shalt  }
.Lfunc_end2:
_tile_overlayer_lowered:
.L_overlay_start_2:
0x74: {  	(tag) =	ssettag $0x2  }
0x75: {  	s0 =	rddreg [dreg:$0x0];
	s2 =	stileid.u32  }
0x76: {  	s1 =	rddreg [dreg:$0x1];
	p0 =	sne.s32 s2, $0x0  }
0x77: {  	s3 =	rddreg [dreg:$0x2];
	[bflag:$0x3] =	sbarrier.arrive $0xFFFF;
	s2 =	simm.s32 @!p0 $0x1C02  }
0x78: {  	[timem:s3], [sflag:s2] =	dma.local @!p0 [hbm:s0], s1  }
0x79: {  	s0 =	simm.s32 @!p0 $0x2  }
0x7a: {  	_ =	swait.ge @!p0 [sflag:s0], s1  }
0x7b: {  	s1 =	ssub.s32 @!p0 $0x0, s1;
	[sflag:s0] =	ssyncset.done @!p0 $0x0  }
0x7c: {  	[sflag:s0] =	ssyncadd.s32 @!p0 s1  }
0x7d: {  	[bflag:$0x3] =	sbarrier.arrive $0xFFFF  }
0x7e: {  	_ =	shalt  }

// kernel: _gmm_logprob_sc.7.cloned.1.call-start
scs
__scs_entry_jumppad:
0x0: {  	(pc) =	sbr.rel $0x88, $3  }
0x1: {  	(tag) =	ssettag $0x0;
	lr =	simm.s32 $0x1  }
0x2: {  	[smem:$0x3F99] =	sst lr;
	_ =	strace $0xD0000000  }
0x3: {  	_ = 	snop  }
0x4: {  	_ = 	snop  }
0x5: {  	_ = 	snop  }
0x6: {  	_ = 	snop  }
0x7: {  	_ = 	snop  }
__scs_overlays_trampoline_lowered:
0x8: {  	[smem:$0x3FA8] =	sst s0  }
0x9: {  	[smem:$0x3FA9] =	sst s1  }
0xa: {  	[smem:$0x3FAA] =	sst s2  }
0xb: {  	[smem:$0x3FAB] =	sst s3  }
0xc: {  	[smem:$0x3FAC] =	sst s4  }
0xd: {  	[smem:$0x3FAD] =	sst s5  }
0xe: {  	[smem:$0x3FAE] =	sst s6  }
0xf: {  	[smem:$0x3FAF] =	sst s7  }
0x10: {  	[smem:$0x3FB0] =	sst s8  }
0x11: {  	[smem:$0x3FB1] =	sst s9;
	s0 =	simm.s32 @!p0 $0x0  }
0x12: {  	s1 =	sld [smem:$0x3F97];
	s0 =	simm.s32 @p0 $0x1  }
0x13: {  	[smem:$0x3FB2] =	sst s0;
	s0 =	simm.s32 @!p1 $0x0  }
0x14: {  	s2 =	sld [smem:$0x3F96];
	s0 =	simm.s32 @p1 $0x1  }
0x15: {  	[smem:$0x3FB3] =	sst s0;
	s0 =	simm.s32 @!p2 $0x0  }
0x16: {  	s3 =	sld [smem:$0x3FDB];
	s0 =	simm.s32 @p2 $0x1  }
0x17: {  	s4 =	simm.s32 $0x1BF5;
	[smem:$0x3FB5] =	sst s0  }
0x18: {  	s0 =	sld [smem:$0x3F98];
	_ =	swait.ge [sflag:s4], $0x0  }
0x19: {  	s7 =	sld [smem:$0x3F99]  }
0x1a: {  	s8 =	sadd.s32 $0xFFFFE003, lr  }
0x1b: {  	s9 =	sadd.s32 $0xFFFFFEF7, lr;
	s5 =	simm.s32 $0xFFFFFFFF;
	p2 =	slt.u32 s8, $0xFFFFF086  }
0x1c: {  	p1 =	slt.u32 s9, $0xF7A;
	s5 =	simm.s32 @!p2 $0x0  }
0x1d: {  	s5 =	simm.s32 @p1 $0x1;
	p0 =	seq.s32 s7, s2  }
0x1e: {  	s7 =	smul.u32 @!p0 $0xF7A, s2;
	p2 =	seq.s32 @!p0 s5, $0x0  }
0x1f: {  	s9 =	smul.u32 $0xF7A, s1;
	s8 =	simm.s32 @!p0 $0x1BF5;
	p2 =	por !p2, p0  }
0x20: {  	[sflag:s8] =	ssyncset.s32 @!p0 $0xFFFFF086;
	s6 =	sadd.s32 @!p0 s3, s7;
	s7 =	simm.s32 @!p0 $0x108  }
0x21: {  	s3 =	sadd.s32 s3, s9;
	s6 =	sadd.s32 @!p0 $0x88, s6;
	s7 =	simm.s32 @p2 $0x1082  }
0x22: {  	[simem:s7], [sflag:s8] =	dma.local @!p0 [hbm:s6], $0xF7A  }
0x23: {  	s9 =	sor.u32 $0xD0000000, s2;
	s6 =	simm.s32 $0x108;
	_ =	swait.ge @!p0 [sflag:s8], $0x0  }
0x24: {  	s3 =	sadd.s32 $0x88, s3;
	s6 =	simm.s32 @!p1 $0x1082;
	[sflag:s4] =	ssyncset.s32 $0xFFFFF086  }
0x25: {  	[simem:s6], [sflag:s4] =	dma.local [hbm:s3], $0xF7A  }
0x26: {  	[smem:$0x3F99] =	sst s1;
	(tag) =	ssettag s2;
	_ =	strace s9  }
0x27: {  	s1 =	sld [smem:$0x3FA9]  }
0x28: {  	s2 =	sld [smem:$0x3FAA]  }
0x29: {  	s4 =	sld [smem:$0x3FAC]  }
0x2a: {  	p0 =	seq.s32 s5, $0x0;
	s5 =	sld [smem:$0x3FAD]  }
0x2b: {  	s6 =	sld [smem:$0x3FAE]  }
0x2c: {  	s7 =	sld [smem:$0x3FAF]  }
0x2d: {  	s3 =	simm.s32 $0x108;
	s8 =	sld [smem:$0x3FB0]  }
0x2e: {  	s3 =	simm.s32 @!p0 $0x1082;
	s9 =	sld [smem:$0x3FB1]  }
0x2f: {  	lr =	sadd.s32 s0, s3;
	s0 =	sld [smem:$0x3FA8]  }
0x30: {  	s3 =	sld [smem:$0x3FAB]  }
0x31: {  	[smem:$0x3FB4] =	sst s10  }
0x32: {  	s10 =	sld [smem:$0x3FB2];
	_ =	sdelay $0x3  }
0x33: {  	p0 =	seq.s32 s10, $0x1;
	s10 =	sld [smem:$0x3FB4];
	_ =	sdelay $0x3  }
0x34: {  	[smem:$0x3FB4] =	sst s10  }
0x35: {  	s10 =	sld [smem:$0x3FB3];
	_ =	sdelay $0x3  }
0x36: {  	p1 =	seq.s32 s10, $0x1;
	s10 =	sld [smem:$0x3FB4];
	_ =	sdelay $0x3  }
0x37: {  	[smem:$0x3FB4] =	sst s10  }
0x38: {  	s10 =	sld [smem:$0x3FB5]  }
0x39: {  	_ = 	snop;
	(pc) =	sbr.ind lr, $3  }
0x3a: {  	_ = 	snop  }
0x3b: {  	_ = 	snop  }
0x3c: {  	p2 =	seq.s32 s10, $0x1;
	s10 =	sld [smem:$0x3FB4]  }
0x3d: {  	_ =	shalt  }
0x3e: {  	_ =	shalt  }
0x3f: {  	_ =	shalt  }
0x40: {  	_ =	shalt  }
0x41: {  	_ =	shalt  }
0x42: {  	_ =	shalt  }
0x43: {  	_ =	shalt  }
0x44: {  	_ =	shalt  }
0x45: {  	_ =	shalt  }
0x46: {  	_ =	shalt  }
0x47: {  	_ =	shalt  }
0x48: {  	_ =	shalt  }
0x49: {  	_ =	shalt  }
0x4a: {  	_ =	shalt  }
0x4b: {  	_ =	shalt  }
0x4c: {  	_ =	shalt  }
0x4d: {  	_ =	shalt  }
0x4e: {  	_ =	shalt  }
0x4f: {  	_ =	shalt  }
0x50: {  	_ =	shalt  }
0x51: {  	_ =	shalt  }
0x52: {  	_ =	shalt  }
0x53: {  	_ =	shalt  }
0x54: {  	_ =	shalt  }
0x55: {  	_ =	shalt  }
0x56: {  	_ =	shalt  }
0x57: {  	_ =	shalt  }
0x58: {  	_ =	shalt  }
0x59: {  	_ =	shalt  }
0x5a: {  	_ =	shalt  }
0x5b: {  	_ =	shalt  }
0x5c: {  	_ =	shalt  }
0x5d: {  	_ =	shalt  }
0x5e: {  	_ =	shalt  }
0x5f: {  	_ =	shalt  }
0x60: {  	_ =	shalt  }
0x61: {  	_ =	shalt  }
0x62: {  	_ =	shalt  }
0x63: {  	_ =	shalt  }
0x64: {  	_ =	shalt  }
0x65: {  	_ =	shalt  }
0x66: {  	_ =	shalt  }
0x67: {  	_ =	shalt  }
0x68: {  	_ =	shalt  }
0x69: {  	_ =	shalt  }
0x6a: {  	_ =	shalt  }
0x6b: {  	_ =	shalt  }
0x6c: {  	_ =	shalt  }
0x6d: {  	_ =	shalt  }
0x6e: {  	_ =	shalt  }
0x6f: {  	_ =	shalt  }
0x70: {  	_ =	shalt  }
0x71: {  	_ =	shalt  }
0x72: {  	_ =	shalt  }
0x73: {  	_ =	shalt  }
0x74: {  	_ =	shalt  }
0x75: {  	_ =	shalt  }
0x76: {  	_ =	shalt  }
0x77: {  	_ =	shalt  }
0x78: {  	_ =	shalt  }
0x79: {  	_ =	shalt  }
0x7a: {  	_ =	shalt  }
0x7b: {  	_ =	shalt  }
0x7c: {  	_ =	shalt  }
0x7d: {  	_ =	shalt  }
0x7e: {  	_ =	shalt  }
0x7f: {  	_ =	shalt  }
0x80: {  	_ =	shalt  }
0x81: {  	_ =	shalt  }
0x82: {  	_ =	shalt  }
0x83: {  	_ =	shalt  }
0x84: {  	_ =	shalt  }
0x85: {  	_ =	shalt  }
0x86: {  	_ =	shalt  }
0x87: {  	_ =	shalt  }
.Lfunc_end0:
.L_simem_size_0:
called_computation.1_lowered:
.L_overlay_start_0:
0x88: {  	s2 =	sld [smem:$0x3FD9]  }
0x89: {  	s3 =	sld [smem:$0x3FFE];
	_ =	sdelay $0x1  }
0x8a: {  	s1 =	srdreg.scid  }
0x8b: {  	s0 =	sand.u32 $0x1, s1  }
0x8c: {  	s17 =	sshll.u32 s0, $0xA;
	s2 =	sadd.s32 s3, s2  }
0x8d: {  	s2 =	sadd.s32 s2, s17  }
0x8e: {  	[smem:$0x3FC0] =	sst s2  }
0x8f: {  	_ = 	snop  }
0x90: {  	s2 =	sld [smem:$0x3FC9]  }
0x91: {  	s18 =	sld [smem:$0x3FC8]  }
0x92: {  	s4 =	sld [smem:$0x3FC7]  }
0x93: {  	s5 =	sld [smem:$0x3FC4]  }
0x94: {  	s6 =	sld [smem:$0x3FC3]  }
0x95: {  	s7 =	sld [smem:$0x3FC2]  }
0x96: {  	s8 =	sld [smem:$0x3FD0];
	(tm) =	ssettm $0x1  }
0x97: {  	s9 =	sld [smem:$0x3FFB];
	_ =	sdelay $0x3  }
0x98: {  	_ =	strace s9  }
0x99: {  	s9 =	sld [smem:$0x3FFC];
	_ =	sdelay $0x3  }
0x9a: {  	_ =	strace s9  }
0x9b: {  	s9 =	sld [smem:$0x3FFD];
	_ =	sdelay $0x3  }
0x9c: {  	_ =	strace s9  }
0x9d: {  	_ =	strace $0x8FFFFFFF  }
0x9e: {  	s19 =	sld [smem:$0x3FDB];
	_ =	sdelay $0x1  }
0x9f: {  	s10 =	simm.s32 $_scs_section_size  }
0xa0: {  	s11 =	simm.s32 $_size__tile_overlayer_lowered;
	s12 =	simm.s32 $_tile_overlayer_lowered  }
0xa1: {  	s22 =	simm.s32 $0x1BFF;
	s21 =	sshll.u32 s12, $0x1;
	s9 =	sadd.s32 s10, s19  }
0xa2: {  	s13 =	simm.s32 $0x0;
	s20 =	sshll.u32 s11, $0x1;
	s11 =	sadd.s32 s21, s9  }
0xa3: {  	[timem:s13], [sflag:s22] =	dma.local [hbm:s11], s20  }
0xa4: {  	_ =	swait.ge [sflag:s22], s20  }
0xa5: {  	s10 =	ssub.s32 $0x0, s20;
	[sflag:s22] =	ssyncset.done $0x0  }
0xa6: {  	[sflag:s22] =	ssyncadd.s32 s10;
	_ =	sdelay $0x1  }
0xa7: {  	s23 =	simm.s32 $0x1B8B  }
0xa8: {  	_ =	swait.ge [sflag:s23], $0x1  }
0xa9: {  	[sflag:s23] =	ssyncset.done $0x0  }
0xaa: {  	s25 =	simm.s32 $0x1B8E;
	s24 =	sld [smem:$0x3FFE];
	[sflag:s23] =	ssyncadd.s32 $0xFFFFFFFF  }
0xab: {  	s26 =	simm.s32 $execute0_lowered;
	[smem:$0x3FD2] =	sst s25  }
0xac: {  	s11 =	sshll.u32 s26, $0x1;
	_ =	strace $0x80000049;
	[dreg:$0x1] =	wrdreg $0xFFFFFFFF  }
0xad: {  	s28 =	simm.s32 $_size_execute0_lowered;
	s9 =	sadd.s32 s9, s11;
	[dreg:$0x0] =	wrdreg $0x0  }
0xae: {  	s11 =	sshll.u32 s28, $0x1;
	[dreg:$0x2] =	wrdreg s9  }
0xaf: {  	[dreg:$0x3] =	wrdreg s11  }
0xb0: {  	[dreg:$0x4] =	wrdreg $0xC0  }
0xb1: {  	_ =	task [dreg:s13], $0x5FFFF  }
0xb2: {  	[dreg:$0x1] =	wrdreg $0xFFFFFFFF  }
0xb3: {  	[dreg:$0x0] =	wrdreg $0x60  }
0xb4: {  	[dreg:$0x2] =	wrdreg s2  }
0xb5: {  	[dreg:$0x3] =	wrdreg s18  }
0xb6: {  	[dreg:$0x4] =	wrdreg s4  }
0xb7: {  	[dreg:$0x5] =	wrdreg s24  }
0xb8: {  	[dreg:$0x6] =	wrdreg s5  }
0xb9: {  	[dreg:$0x7] =	wrdreg s6  }
0xba: {  	[dreg:$0x8] =	wrdreg s7  }
0xbb: {  	[dreg:$0x9] =	wrdreg s8  }
0xbc: {  	[dreg:$0xa] =	wrdreg $0x9  }
0xbd: {  	_ =	task.clear_ibuf [dreg:s13], $0xBFFFF;
	_ =	strace $0x90000049  }
0xbe: {  	s29 =	simm.s32 $0x9;
	_ =	strace $0x8000004B  }
0xbf: {  	_ =	swait.ge [sflag:s29], $0x1  }
0xc0: {  	[sflag:s29] =	ssyncadd.s32 $0xFFFFFFFF  }
0xc1: {  	_ =	strace $0x9000004B  }
0xc2: {  	_ =	sfence  }
0xc3: {  	s30 =	sld [smem:$0x0];
	_ =	sdelay $0x2  }
0xc4: {  	s31 =	sshll.u32 s1, $0xD;
	s1 =	sshrl.u32 s1, $0x2  }
0xc5: {  	s3 =	sand.u32 $0x4000, s31;
	s1 =	sadd.s32 s1, s30  }
0xc6: {  	s0 =	sor.u32 s3, s0;
	s1 =	sshll.u32 s1, $0x11  }
0xc7: {  	s0 =	sor.u32 s1, s0  }
0xc8: {  	s0 =	sadd.s32 $0x8F2B, s0  }
0xc9: {  	[sflag:s0] =	ssyncadd.remote.s32 $0x1  }
0xca: {  	_ =	sfence.sel $0xFFFF  }
0xcb: {  	[dreg:$0x0] =	wrdreg $0xFFFFFFFF;
	(pc) =	sbr.abs _section_cstart, $3  }
0xcc: {  	[dreg:$0x1] =	wrdreg $0xFFFFFFFF  }
0xcd: {  	_ =	task.clear_ibuf [dreg:s13], $0x2FFFF;
	_ =	strace $0x9FFFFFFF  }
0xce: {  	(tm) =	ssettm $0x7FFFFFFF  }
0xcf: {  	_ =	shalt  }
tec
execute0_lowered:
.L_overlay_start_1:
0x0: {  	(tag) =	ssettag $0x1  }
0x1: {  	s0 =	rddreg [dreg:$0x0]  }
0x2: {  	s4 =	rddreg [dreg:$0x1]  }
0x3: {  	s8 =	rddreg [dreg:$0x2]  }
0x4: {  	s6 =	rddreg [dreg:$0x3]  }
0x5: {  	s1 =	rddreg [dreg:$0x4]  }
0x6: {  	s2 =	rddreg [dreg:$0x5]  }
0x7: {  	s3 =	rddreg [dreg:$0x6]  }
0x8: {  	s11 =	rddreg [dreg:$0x7];
	s5 =	simm.s32 $0x0;
	s7 =	srdreg.scid  }
0x9: {  	s10 =	stileid.u32;
	s18 =	simm.s32 $0x80;
	s25 =	simm.s32 $0x100  }
0xa: {  	s29 =	simm.s32 $0xB00;
	s30 =	simm.s32 $0x180;
	s31 =	simm.s32 $0x780  }
0xb: {  	s14 =	simm.s32 $0x5;
	s15 =	simm.s32 $0x1;
	s16 =	simm.s32 $0x2  }
0xc: {  	s17 =	simm.s32 $0x3;
	s19 =	simm.s32 $0x4;
	s20 =	simm.s32 $0x1000  }
0xd: {  	s21 =	simm.s32 $0x0;
	[smem:$0x7FF] =	sst s5;
	s7 =	sand.u32 $0x1, s7  }
0xe: {  	s10 =	sshll.u32 s10, $0x6;
	s9 =	sshll.u32 s7, $0xA;
	s7 =	ssub.s32 $0x2, s7  }
0xf: {  	_ =	strace $0x8000004A;
	s12 =	sor.u32 s10, s9;
	s28 =	sshrl.u32 s7, $0x1  }
0x10: {  	s10 =	sadd.s32 s12, s6;
	s13 =	ssub.s32 s7, s28;
	s6 =	sadd.s32 s0, s12  }
0x11: {  	s7 =	sadd.s32 s4, s12;
	s8 =	sadd.s32 s8, s12;
	s11 =	sadd.s32 s11, s12  }
0x12: {  	s0 =	simm.s32 $0x980;
	s4 =	simm.s32 $0xB80;
	s9 =	sadd.s32 $0xC00, s10  }
0x13: {  	v0 =	vimm.s32 $0xFFFFFF82;
	s10 =	sadd.s32 $0x1400, s10;
	s12 =	smax.u32 s13, $0x1;
	s13 =	simm.s32 $0x6  }
.LBB2_1:
0x14: {  	[tilespmem:s5], [sflag:$0x6] =	stream.linear.gather [hbm4b:s6+s5], $0x200, $0x38;
	[tilespmem:$0x1200] =	vst v63  }
0x15: {  	_ =	swait.ge [sflag:s13], $0x200  }
0x16: {  	[sflag:s13] =	ssyncset.done $0x0  }
0x17: {  	s22 =	simm.s32 $0xC00;
	[sflag:s13] =	ssyncadd.s32 $0xFFFFFE00  }
0x18: {  	[tilespmem:s22], [sflag:$0x5] =	stream.linear.gather [hbm4b:s7+s5], $0x200, $0x38;
	[tilespmem:$0x1200] =	vst v63  }
0x19: {  	s24 =	simm.s32 $0xE00  }
0x1a: {  	[tilespmem:s24], [sflag:$0x5] =	stream.linear.gather [hbm4b:s8+s5], $0x200, $0x38;
	[tilespmem:$0x1200] =	vst v63  }
0x1b: {  	s26 =	simm.s32 $0x200  }
0x1c: {  	[tilespmem:s26], [sflag:$0x5] =	stream.linear.gather [hbm4b:s9+s5], $0x200, $0x38;
	[tilespmem:$0x1200] =	vst v63  }
0x1d: {  	s28 =	simm.s32 $0x400  }
0x1e: {  	[tilespmem:s28], [sflag:$0x5] =	stream.linear.gather [hbm4b:s10+s5], $0x200, $0x38;
	[tilespmem:$0x1200] =	vst v63  }
0x1f: {  	s23 =	simm.s32 $0x600  }
0x20: {  	[tilespmem:s23], [sflag:$0x1] =	stream.indirect.gather [hbm4b:s1+s18], $0x1, s5, s18, $0xb8;
	[tilespmem:$0x1200] =	vst v63  }
0x21: {  	s24 =	simm.s32 $0x800  }
0x22: {  	[tilespmem:s24], [sflag:$0x1] =	stream.indirect.gather [hbm4b:s2+s18], $0x1, s5, s18, $0xb8;
	[tilespmem:$0x1200] =	vst v63  }
0x23: {  	s26 =	simm.s32 $0xA00  }
0x24: {  	[tilespmem:s26], [sflag:$0x1] =	stream.indirect.gather [hbm4b:s3+s18], $0x1, s5, s18, $0xb8;
	[tilespmem:$0x1200] =	vst v63  }
0x25: {  	s28 =	simm.s32 $0x680  }
0x26: {  	[tilespmem:s28], [sflag:$0x2] =	stream.indirect.gather [hbm4b:s1+s18], $0x1, s18, s18, $0xb8;
	[tilespmem:$0x1200] =	vst v63  }
0x27: {  	s23 =	simm.s32 $0x880  }
0x28: {  	[tilespmem:s23], [sflag:$0x2] =	stream.indirect.gather [hbm4b:s2+s18], $0x1, s18, s18, $0xb8;
	[tilespmem:$0x1200] =	vst v63  }
0x29: {  	s24 =	simm.s32 $0xA80  }
0x2a: {  	[tilespmem:s24], [sflag:$0x2] =	stream.indirect.gather [hbm4b:s3+s18], $0x1, s18, s18, $0xb8;
	[tilespmem:$0x1200] =	vst v63  }
0x2b: {  	s26 =	simm.s32 $0x700  }
0x2c: {  	[tilespmem:s26], [sflag:$0x3] =	stream.indirect.gather [hbm4b:s1+s18], $0x1, s25, s18, $0xb8;
	[tilespmem:$0x1200] =	vst v63  }
0x2d: {  	s28 =	simm.s32 $0x900  }
0x2e: {  	[tilespmem:s28], [sflag:$0x3] =	stream.indirect.gather [hbm4b:s2+s18], $0x1, s25, s18, $0xb8;
	[tilespmem:$0x1200] =	vst v63  }
0x2f: {  	_ = 	snop  }
0x30: {  	[tilespmem:s29], [sflag:$0x3] =	stream.indirect.gather [hbm4b:s3+s18], $0x1, s25, s18, $0xb8;
	[tilespmem:$0x1200] =	vst v63  }
0x31: {  	_ = 	snop  }
0x32: {  	[tilespmem:s31], [sflag:$0x4] =	stream.indirect.gather [hbm4b:s1+s18], $0x1, s30, s18, $0xb8;
	[tilespmem:$0x1200] =	vst v63  }
0x33: {  	_ = 	snop  }
0x34: {  	[tilespmem:s0], [sflag:$0x4] =	stream.indirect.gather [hbm4b:s2+s18], $0x1, s30, s18, $0xb8;
	[tilespmem:$0x1200] =	vst v63  }
0x35: {  	_ = 	snop  }
0x36: {  	[tilespmem:s4], [sflag:$0x4] =	stream.indirect.gather [hbm4b:s3+s18], $0x1, s30, s18, $0xb8;
	[tilespmem:$0x1200] =	vst v63  }
0x37: {  	_ =	swait.ge [sflag:s14], $0x200  }
0x38: {  	[sflag:s14] =	ssyncset.done $0x0  }
0x39: {  	[sflag:s14] =	ssyncadd.s32 $0xFFFFFE00  }
0x3a: {  	_ =	swait.ge [sflag:s14], $0x200  }
0x3b: {  	[sflag:s14] =	ssyncset.done $0x0  }
0x3c: {  	[sflag:s14] =	ssyncadd.s32 $0xFFFFFE00  }
0x3d: {  	_ =	swait.ge [sflag:s14], $0x200  }
0x3e: {  	[sflag:s14] =	ssyncset.done $0x0  }
0x3f: {  	[sflag:s14] =	ssyncadd.s32 $0xFFFFFE00  }
0x40: {  	_ =	swait.ge [sflag:s14], $0x200  }
0x41: {  	[sflag:s14] =	ssyncset.done $0x0  }
0x42: {  	[sflag:s14] =	ssyncadd.s32 $0xFFFFFE00  }
0x43: {  	_ =	swait.ge [sflag:s15], $0x80  }
0x44: {  	[sflag:s15] =	ssyncset.done $0x0  }
0x45: {  	[sflag:s15] =	ssyncadd.s32 $0xFFFFFF80  }
0x46: {  	_ =	swait.ge [sflag:s15], $0x80  }
0x47: {  	[sflag:s15] =	ssyncset.done $0x0  }
0x48: {  	[sflag:s15] =	ssyncadd.s32 $0xFFFFFF80  }
0x49: {  	_ =	swait.ge [sflag:s15], $0x80  }
0x4a: {  	[sflag:s15] =	ssyncset.done $0x0  }
0x4b: {  	s23 =	simm.s32 $0x0;
	[sflag:s15] =	ssyncadd.s32 $0xFFFFFF80  }
0x4c: {  	v1 =	vld [tilespmem:s23+$0x600]  }
0x4d: {  	v2 =	vld [tilespmem:s23+$0xA00];
	_ =	sdelay $0x3  }
0x4e: {  	v3 =	vand.u32 $0x7FFFFFFF, v1  }
0x4f: {  	v4 =	vand.u32 $0x7FFFFFFF, v2;
	v3 =	vsub.f32 $0.0e+00, v3  }
0x50: {  	v4 =	vsub.f32 $0.0e+00, v4  }
0x51: {  	v3 =	vmul.f32 $1.442695020e+00, v3  }
0x52: {  	v4 =	vmul.f32 $1.442695020e+00, v4  }
0x53: {  	(erf) = vpow2.f32 v3  }
0x54: {  	(erf) = vpow2.f32 v4;
	_ =	sdelay $0x7  }
0x55: {  	v3 =	vpop (erf)  }
0x56: {  	v5 =	vadd.f32 $1.000000000e+00, v3;
	v3 =	vpop (erf)  }
0x57: {  	v6 =	vadd.f32 $1.000000000e+00, v3  }
0x58: {  	v3 =	vand.u32 $0x7FFFFF, v5  }
0x59: {  	v3 =	vor.u32 $0x3F000000, v3;
	v4 =	vand.u32 $0x7FFFFF, v6  }
0x5a: {  	vm1 =	vlt.f32 v3, $7.071067690e-01;
	v4 =	vor.u32 $0x3F000000, v4  }
0x5b: {  	v7 =	vnsel vm1, $0x80000000, v3;
	vm0 =	vlt.f32 v4, $7.071067690e-01  }
0x5c: {  	v3 =	vadd.f32 v3, v7;
	v7 =	vnsel vm0, $0x80000000, v4  }
0x5d: {  	v4 =	vadd.f32 v4, v7  }
0x5e: {  	v7 =	vadd.f32 $-1.000000000e+00, v3  }
0x5f: {  	v8 =	vadd.f32 $-1.000000000e+00, v4  }
0x60: {  	v3 =	vmul.f32 $7.037683580e-02, v7  }
0x61: {  	v4 =	vmul.f32 $7.037683580e-02, v8  }
0x62: {  	v3 =	vadd.f32 $-1.151461010e-01, v3  }
0x63: {  	v4 =	vadd.f32 $-1.151461010e-01, v4  }
0x64: {  	v3 =	vmul.f32 v3, v7  }
0x65: {  	v4 =	vmul.f32 v4, v8  }
0x66: {  	v3 =	vadd.f32 $1.167699840e-01, v3  }
0x67: {  	v4 =	vadd.f32 $1.167699840e-01, v4  }
0x68: {  	v3 =	vmul.f32 v3, v7  }
0x69: {  	v4 =	vmul.f32 v4, v8  }
0x6a: {  	v3 =	vadd.f32 $-1.242014100e-01, v3  }
0x6b: {  	v4 =	vadd.f32 $-1.242014100e-01, v4  }
0x6c: {  	v3 =	vmul.f32 v3, v7  }
0x6d: {  	v4 =	vmul.f32 v4, v8  }
0x6e: {  	s22 =	simm.s32 $0x10;
	v9 =	vadd.f32 $1.424932330e-01, v3  }
0x6f: {  	v3 =	vld [tilespmem:s22+$0x600];
	v4 =	vadd.f32 $1.424932330e-01, v4  }
0x70: {  	v9 =	vmul.f32 v9, v7  }
0x71: {  	v10 =	vmul.f32 v4, v8;
	v4 =	vld [tilespmem:s22+$0xA00]  }
0x72: {  	v9 =	vadd.f32 $-1.666805740e-01, v9;
	_ =	sdelay $0x1  }
0x73: {  	v10 =	vadd.f32 $-1.666805740e-01, v10;
	v11 =	vand.u32 $0x7FFFFFFF, v3;
	v9 =	vmul.f32 v9, v7  }
0x74: {  	v11 =	vsub.f32 $0.0e+00, v11  }
0x75: {  	v10 =	vmul.f32 v10, v8;
	v12 =	vand.u32 $0x7FFFFFFF, v4;
	v9 =	vadd.f32 $2.000071410e-01, v9  }
0x76: {  	v5 =	vshra.s32 v5, $0x17;
	v12 =	vsub.f32 $0.0e+00, v12  }
0x77: {  	v11 =	vmul.f32 $1.442695020e+00, v11;
	v10 =	vadd.f32 $2.000071410e-01, v10;
	v9 =	vmul.f32 v9, v7  }
0x78: {  	v6 =	vshra.s32 v6, $0x17;
	v13 =	vsel vm1, $0xFFFFFF81, v0;
	v12 =	vmul.f32 $1.442695020e+00, v12  }
0x79: {  	(erf) = vpow2.f32 v11;
	v10 =	vmul.f32 v10, v8;
	v9 =	vadd.f32 $-2.499999400e-01, v9  }
0x7a: {  	v5 =	vadd.s32 v5, v13;
	v11 =	vmul.f32 v7, v7;
	(erf) = vpow2.f32 v12  }
0x7b: {  	v10 =	vadd.f32 $-2.499999400e-01, v10;
	v12 =	vsel vm0, $0xFFFFFF81, v0;
	v9 =	vmul.f32 v9, v7  }
0x7c: {  	v5 =	vcvt.s32.f32 v5;
	v13 =	vmul.f32 v8, v8;
	v6 =	vadd.s32 v6, v12  }
0x7d: {  	v12 =	vmul.f32 v11, v7;
	v10 =	vmul.f32 v10, v8;
	v9 =	vadd.f32 $3.333333130e-01, v9  }
0x7e: {  	v14 =	vmul.f32 v13, v8;
	v6 =	vcvt.s32.f32 v6  }
0x7f: {  	v10 =	vadd.f32 $3.333333130e-01, v10;
	v9 =	vmul.f32 v9, v12;
	v12 =	vmul.f32 $2.121944420e-04, v5;
	_ =	sdelay $0x1  }
0x80: {  	v15 =	vmul.f32 $2.121944420e-04, v6;
	v10 =	vmul.f32 v10, v14  }
0x81: {  	v11 =	vmul.f32 $5.000000000e-01, v11;
	v9 =	vsub.f32 v9, v12  }
0x82: {  	v2 =	vmax.f32 v2, $0.0e+00;
	v13 =	vmul.f32 $5.000000000e-01, v13;
	v10 =	vsub.f32 v10, v15;
	v12 =	vpop (erf)  }
0x83: {  	v1 =	vmax.f32 v1, $0.0e+00;
	v9 =	vsub.f32 v9, v11;
	v12 =	vadd.f32 $1.000000000e+00, v12;
	v14 =	vpop (erf)  }
0x84: {  	v6 =	vmul.f32 $6.933593750e-01, v6;
	v10 =	vsub.f32 v10, v13;
	v11 =	vadd.f32 $1.000000000e+00, v14  }
0x85: {  	v5 =	vmul.f32 $6.933593750e-01, v5;
	v7 =	vadd.f32 v9, v7;
	v13 =	vand.u32 $0x7FFFFF, v12  }
0x86: {  	v8 =	vadd.f32 v10, v8;
	v9 =	vor.u32 $0x3F000000, v13;
	v13 =	vand.u32 $0x7FFFFF, v11  }
0x87: {  	v5 =	vadd.f32 v7, v5;
	vm2 =	vlt.f32 v9, $7.071067690e-01;
	v10 =	vor.u32 $0x3F000000, v13  }
0x88: {  	v6 =	vadd.f32 v8, v6;
	v7 =	vnsel vm2, $0x80000000, v9;
	vm11 =	vlt.f32 v10, $7.071067690e-01  }
0x89: {  	v1 =	vadd.f32 v5, v1;
	v7 =	vadd.f32 v9, v7;
	v8 =	vnsel vm11, $0x80000000, v10  }
0x8a: {  	v14 =	vld [tilespmem:s23+$0x200];
	v2 =	vadd.f32 v6, v2;
	v5 =	vadd.f32 v10, v8  }
0x8b: {  	v13 =	vld [tilespmem:s23+$0xC00];
	v1 =	vadd.f32 $9.999999970e-07, v1;
	v6 =	vadd.f32 $-1.000000000e+00, v7  }
0x8c: {  	v7 =	vadd.f32 $9.999999970e-07, v2;
	v5 =	vadd.f32 $-1.000000000e+00, v5  }
0x8d: {  	(erf) = vrcp.f32 v1;
	v2 =	vmul.f32 $7.037683580e-02, v6  }
0x8e: {  	v9 =	vmul.f32 v7, v1;
	v8 =	vmul.f32 $7.037683580e-02, v5  }
0x8f: {  	v12 =	vshra.s32 v12, $0x17;
	v15 =	vsel vm2, $0xFFFFFF81, v0;
	v2 =	vadd.f32 $-1.151461010e-01, v2  }
0x90: {  	v13 =	vsub.f32 v13, v14;
	v10 =	vand.u32 $0x7FFFFF, v9;
	v8 =	vadd.f32 $-1.151461010e-01, v8  }
0x91: {  	(erf) = vrcp.f32 v7;
	v1 =	vmul.f32 v2, v6;
	v2 =	vor.u32 $0x3F000000, v10  }
0x92: {  	v24 =	vmul.f32 v5, v5;
	v8 =	vmul.f32 v8, v5;
	vm12 =	vlt.f32 v2, $7.071067690e-01  }
0x93: {  	v9 =	vshra.s32 v9, $0x17;
	v1 =	vadd.f32 $1.167699840e-01, v1;
	v10 =	vnsel vm12, $0x80000000, v2  }
0x94: {  	v21 =	vsel vm12, $0xFFFFFF81, v0;
	v8 =	vadd.f32 $1.167699840e-01, v8;
	v2 =	vadd.f32 v2, v10  }
0x95: {  	v26 =	vmul.f32 v24, v5;
	v9 =	vadd.s32 v9, v21;
	v1 =	vmul.f32 v1, v6  }
0x96: {  	v16 =	vld [tilespmem:s23+$0x800];
	v9 =	vcvt.s32.f32 v9;
	v8 =	vmul.f32 v8, v5;
	v10 =	vadd.f32 $-1.000000000e+00, v2  }
0x97: {  	v14 =	vpop (erf);
	v2 =	vshra.s32 v11, $0x17;
	v11 =	vadd.s32 v12, v15;
	v1 =	vadd.f32 $-1.242014100e-01, v1  }
0x98: {  	v17 =	vld [tilespmem:s23+$0x400];
	v13 =	vmul.f32 v14, v13;
	v8 =	vadd.f32 $-1.242014100e-01, v8;
	v18 =	vmul.f32 $7.037683580e-02, v10  }
0x99: {  	v19 =	vld [tilespmem:s22+$0x200];
	v12 =	vsel vm11, $0xFFFFFF81, v0;
	v11 =	vcvt.s32.f32 v11;
	v1 =	vmul.f32 v1, v6  }
0x9a: {  	s24 =	simm.s32 $0x20;
	v15 =	vld [tilespmem:s23+$0xE00];
	v2 =	vadd.s32 v2, v12;
	v8 =	vmul.f32 v8, v5;
	v18 =	vadd.f32 $-1.151461010e-01, v18  }
0x9b: {  	v20 =	vcvt.s32.f32 v2;
	v16 =	vmul.f32 v13, v16;
	v2 =	vadd.f32 $1.424932330e-01, v1;
	v1 =	vld [tilespmem:s24+$0x600]  }
0x9c: {  	v12 =	vld [tilespmem:s22+$0xC00];
	v13 =	vmul.f32 v13, v13;
	v8 =	vadd.f32 $1.424932330e-01, v8;
	v14 =	vmul.f32 v18, v10  }
0x9d: {  	v23 =	vmul.f32 $6.933593750e-01, v11;
	v22 =	vmul.f32 v2, v6;
	v2 =	vld [tilespmem:s24+$0xA00]  }
0x9e: {  	v11 =	vmul.f32 $2.121944420e-04, v11;
	v8 =	vmul.f32 v8, v5;
	v14 =	vadd.f32 $1.167699840e-01, v14  }
0x9f: {  	v15 =	vsub.f32 v15, v17;
	v18 =	vmul.f32 v10, v10;
	v17 =	vadd.f32 $-1.666805740e-01, v22  }
0xa0: {  	v8 =	vadd.f32 $-1.666805740e-01, v8;
	v14 =	vmul.f32 v14, v10;
	v22 =	vand.u32 $0x7FFFFFFF, v1  }
0xa1: {  	v12 =	vsub.f32 v12, v19;
	v17 =	vmul.f32 v17, v6;
	v7 =	vsub.f32 $0.0e+00, v22  }
0xa2: {  	v8 =	vmul.f32 v8, v5;
	v14 =	vadd.f32 $-1.242014100e-01, v14;
	v22 =	vand.u32 $0x7FFFFFFF, v2  }
0xa3: {  	v19 =	vmul.f32 $2.121944420e-04, v20;
	v17 =	vadd.f32 $2.000071410e-01, v17;
	v22 =	vsub.f32 $0.0e+00, v22  }
0xa4: {  	v7 =	vmul.f32 $1.442695020e+00, v7;
	v8 =	vadd.f32 $2.000071410e-01, v8;
	v14 =	vmul.f32 v14, v10  }
0xa5: {  	v17 =	vmul.f32 v17, v6;
	v22 =	vmul.f32 $1.442695020e+00, v22  }
0xa6: {  	(erf) = vpow2.f32 v7;
	v8 =	vmul.f32 v8, v5  }
0xa7: {  	v14 =	vadd.f32 $1.424932330e-01, v14;
	v7 =	vadd.f32 $-2.499999400e-01, v17;
	(erf) = vpow2.f32 v22  }
0xa8: {  	v15 =	vsub.f32 v15, v16;
	v22 =	vmul.f32 v6, v6;
	v8 =	vadd.f32 $-2.499999400e-01, v8  }
0xa9: {  	v21 =	vpop (erf);
	v14 =	vmul.f32 v14, v10;
	v7 =	vmul.f32 v7, v6  }
0xaa: {  	v15 =	vmul.f32 v15, v21;
	v8 =	vmul.f32 v8, v5  }
0xab: {  	v25 =	vmul.f32 v22, v6;
	v14 =	vadd.f32 $-1.666805740e-01, v14;
	v7 =	vadd.f32 $3.333333130e-01, v7  }
0xac: {  	v20 =	vmul.f32 $6.933593750e-01, v20;
	v15 =	vmul.f32 v15, v15;
	v8 =	vadd.f32 $3.333333130e-01, v8  }
0xad: {  	v3 =	vmax.f32 v3, $0.0e+00;
	v14 =	vmul.f32 v14, v10;
	v7 =	vmul.f32 v7, v25  }
0xae: {  	v4 =	vmax.f32 v4, $0.0e+00;
	v17 =	vmul.f32 $5.000000000e-01, v18;
	v8 =	vmul.f32 v8, v26  }
0xaf: {  	v14 =	vadd.f32 $2.000071410e-01, v14;
	v16 =	vpop (erf);
	v7 =	vsub.f32 v7, v11;
	v11 =	vmul.f32 $5.000000000e-01, v22  }
0xb0: {  	v16 =	vadd.f32 $1.000000000e+00, v16;
	v8 =	vsub.f32 v8, v19;
	v19 =	vmul.f32 $5.000000000e-01, v24;
	v62 =	vpop (erf)  }
0xb1: {  	v7 =	vsub.f32 v7, v11;
	v11 =	vmul.f32 v14, v10;
	v14 =	vadd.f32 $1.000000000e+00, v62  }
0xb2: {  	v8 =	vsub.f32 v8, v19;
	v19 =	vshra.s32 v16, $0x17;
	v16 =	vand.u32 $0x7FFFFF, v16  }
0xb3: {  	v6 =	vadd.f32 v7, v6;
	v7 =	vor.u32 $0x3F000000, v16;
	v16 =	vand.u32 $0x7FFFFF, v14  }
0xb4: {  	v5 =	vadd.f32 v8, v5;
	vm13 =	vlt.f32 v7, $7.071067690e-01;
	v8 =	vor.u32 $0x3F000000, v16  }
0xb5: {  	v6 =	vadd.f32 v6, v23;
	v16 =	vnsel vm13, $0x80000000, v7;
	vm14 =	vlt.f32 v8, $7.071067690e-01  }
0xb6: {  	v5 =	vadd.f32 v5, v20;
	v7 =	vadd.f32 v7, v16;
	v16 =	vnsel vm14, $0x80000000, v8  }
0xb7: {  	v18 =	vmul.f32 v18, v10;
	v3 =	vadd.f32 v6, v3;
	v6 =	vadd.f32 v8, v16  }
0xb8: {  	v8 =	vadd.f32 v5, v4;
	v5 =	vsel vm13, $0xFFFFFF81, v0;
	v4 =	vadd.f32 $-1.000000000e+00, v7  }
0xb9: {  	v3 =	vadd.f32 $9.999999970e-07, v3;
	v16 =	vadd.s32 v19, v5;
	v5 =	vadd.f32 $-1.000000000e+00, v6  }
0xba: {  	v22 =	vmul.f32 $6.933593750e-01, v9;
	v7 =	vadd.f32 $9.999999970e-07, v8;
	v8 =	vmul.f32 $7.037683580e-02, v4  }
0xbb: {  	v11 =	vadd.f32 $-2.499999400e-01, v11;
	(erf) = vrcp.f32 v3;
	v20 =	vmul.f32 $7.037683580e-02, v5  }
0xbc: {  	v9 =	vmul.f32 $2.121944420e-04, v9;
	v6 =	vmul.f32 v7, v3;
	v3 =	vadd.f32 $-1.151461010e-01, v8  }
0xbd: {  	v11 =	vmul.f32 v11, v10;
	v8 =	vcvt.s32.f32 v16;
	v16 =	vadd.f32 $-1.151461010e-01, v20  }
0xbe: {  	v14 =	vshra.s32 v14, $0x17;
	v20 =	vand.u32 $0x7FFFFF, v6;
	v3 =	vmul.f32 v3, v4  }
0xbf: {  	v11 =	vadd.f32 $3.333333130e-01, v11;
	v20 =	vor.u32 $0x3F000000, v20;
	v16 =	vmul.f32 v16, v5  }
0xc0: {  	v19 =	vsel vm14, $0xFFFFFF81, v0;
	vm15 =	vlt.f32 v20, $7.071067690e-01;
	v3 =	vadd.f32 $1.167699840e-01, v3  }
0xc1: {  	v11 =	vmul.f32 v11, v18;
	v21 =	vnsel vm15, $0x80000000, v20;
	v16 =	vadd.f32 $1.167699840e-01, v16  }
0xc2: {  	v14 =	vadd.s32 v14, v19;
	v19 =	vadd.f32 v20, v21;
	v20 =	vmul.f32 v3, v4  }
0xc3: {  	v15 =	vadd.f32 v15, v13;
	v18 =	vld [tilespmem:s22+$0x800];
	v9 =	vsub.f32 v11, v9;
	v11 =	vmul.f32 v16, v5  }
0xc4: {  	v16 =	vcvt.s32.f32 v14;
	v3 =	vadd.f32 $-1.000000000e+00, v19;
	v13 =	vpop (erf);
	v19 =	vadd.f32 $-1.242014100e-01, v20  }
0xc5: {  	v14 =	vld [tilespmem:s22+$0xE00];
	v13 =	vmul.f32 v13, v12;
	v12 =	vsub.f32 v9, v17;
	v11 =	vadd.f32 $-1.242014100e-01, v11  }
0xc6: {  	v20 =	vmul.f32 $5.000000000e-01, v15;
	v15 =	vld [tilespmem:s22+$0x400];
	v17 =	vmul.f32 $7.037683580e-02, v3  }
0xc7: {  	v19 =	vmul.f32 v19, v4;
	v12 =	vadd.f32 v12, v10;
	v23 =	vmul.f32 v11, v5;
	v11 =	vld [tilespmem:s24+$0xC00]  }
0xc8: {  	v9 =	vmul.f32 v13, v18;
	v18 =	vsub.f32 $-1.837877040e+00, v20;
	v63 =	vadd.f32 $-1.151461010e-01, v17;
	v17 =	vld [tilespmem:s24+$0x200]  }
0xc9: {  	v10 =	vmul.f32 v3, v3;
	v21 =	vadd.f32 $1.424932330e-01, v19;
	v19 =	vadd.f32 v12, v22  }
0xca: {  	s26 =	simm.s32 $0xC0;
	v22 =	vadd.f32 $1.424932330e-01, v23;
	v12 =	vsel vm15, $0xFFFFFF81, v0;
	v20 =	vmul.f32 v63, v3  }
.LBB2_2:
0xcb: {  	s28 =	sshra.s32 s26, $0x2;
	p0 =	sne.s32 s26, $0x1C0;
	s26 =	sadd.s32 $0x40, s26;
	v18 =	vsub.f32 v18, v19  }
0xcc: {  	v21 =	vmul.f32 v21, v4;
	v19 =	vld [tilespmem:s28+$0x600];
	v22 =	vmul.f32 v22, v5;
	v20 =	vadd.f32 $1.167699840e-01, v20  }
0xcd: {  	v24 =	vmul.f32 $6.933593750e-01, v8;
	v14 =	vsub.f32 v14, v15;
	v23 =	vld [tilespmem:s28+$0xA00];
	v11 =	vsub.f32 v11, v17;
	[tilespmem:s23+$0x1000] =	vst v18;
	s23 =	smov.u32 s22;
	s22 =	smov.u32 s24;
	s24 =	smov.u32 s28  }
0xce: {  	v15 =	vadd.f32 $-1.666805740e-01, v21;
	v17 =	vadd.f32 $-1.666805740e-01, v22;
	v18 =	vmul.f32 v20, v3  }
0xcf: {  	v21 =	vmul.f32 $2.121944420e-04, v16;
	v16 =	vmul.f32 $6.933593750e-01, v16;
	v20 =	vmax.f32 v2, $0.0e+00  }
0xd0: {  	v25 =	vmul.f32 v15, v4;
	v15 =	vmul.f32 v17, v5;
	v17 =	vadd.f32 $-1.242014100e-01, v18  }
0xd1: {  	v13 =	vmul.f32 v13, v13;
	v18 =	vand.u32 $0x7FFFFFFF, v19;
	(erf) = vrcp.f32 v7  }
0xd2: {  	v22 =	vadd.f32 $2.000071410e-01, v25;
	v7 =	vsub.f32 $0.0e+00, v18;
	v18 =	vand.u32 $0x7FFFFFFF, v23;
	v2 =	vmovc v23  }
0xd3: {  	v15 =	vadd.f32 $2.000071410e-01, v15;
	v17 =	vmul.f32 v17, v3;
	v18 =	vsub.f32 $0.0e+00, v18  }
0xd4: {  	v23 =	vmax.f32 v1, $0.0e+00;
	v1 =	vmovc v19;
	v22 =	vmul.f32 v22, v4;
	v7 =	vmul.f32 $1.442695020e+00, v7  }
0xd5: {  	v15 =	vmul.f32 v15, v5;
	v17 =	vadd.f32 $1.424932330e-01, v17;
	v18 =	vmul.f32 $1.442695020e+00, v18  }
0xd6: {  	v19 =	vmul.f32 $5.000000000e-01, v10;
	(erf) = vpow2.f32 v7;
	v7 =	vadd.f32 $-2.499999400e-01, v22  }
0xd7: {  	v15 =	vadd.f32 $-2.499999400e-01, v15;
	v17 =	vmul.f32 v17, v3;
	(erf) = vpow2.f32 v18  }
0xd8: {  	v6 =	vshra.s32 v6, $0x17;
	v18 =	vmul.f32 v4, v4;
	v7 =	vmul.f32 v7, v4  }
0xd9: {  	v22 =	vmul.f32 v5, v5;
	v15 =	vmul.f32 v15, v5;
	v17 =	vadd.f32 $-1.666805740e-01, v17  }
0xda: {  	v10 =	vmul.f32 v10, v3;
	v25 =	vmul.f32 v18, v4;
	v7 =	vadd.f32 $3.333333130e-01, v7;
	v26 =	vpop (erf)  }
0xdb: {  	v27 =	vmul.f32 v22, v5;
	v15 =	vadd.f32 $3.333333130e-01, v15;
	v17 =	vmul.f32 v17, v3  }
0xdc: {  	v8 =	vmul.f32 $2.121944420e-04, v8;
	v6 =	vadd.s32 v6, v12;
	v7 =	vmul.f32 v7, v25  }
0xdd: {  	v6 =	vcvt.s32.f32 v6;
	v12 =	vmul.f32 v15, v27;
	v15 =	vadd.f32 $2.000071410e-01, v17  }
0xde: {  	v9 =	vsub.f32 v14, v9;
	v7 =	vsub.f32 v7, v8;
	v8 =	vmul.f32 $5.000000000e-01, v18  }
0xdf: {  	v17 =	vmul.f32 $5.000000000e-01, v22;
	v22 =	vmul.f32 $6.933593750e-01, v6;
	v12 =	vsub.f32 v12, v21;
	v14 =	vpop (erf)  }
0xe0: {  	v14 =	vadd.f32 $1.000000000e+00, v14;
	v18 =	vpop (erf);
	v7 =	vsub.f32 v7, v8;
	v8 =	vmul.f32 v15, v3  }
0xe1: {  	v12 =	vsub.f32 v12, v17;
	v17 =	vmul.f32 $2.121944420e-04, v6;
	v15 =	vadd.f32 $1.000000000e+00, v18  }
0xe2: {  	v6 =	vshra.s32 v14, $0x17;
	v14 =	vand.u32 $0x7FFFFF, v14;
	v4 =	vadd.f32 v7, v4  }
0xe3: {  	v5 =	vadd.f32 v12, v5;
	v7 =	vor.u32 $0x3F000000, v14;
	v14 =	vand.u32 $0x7FFFFF, v15  }
0xe4: {  	vm0 =	vlt.f32 v7, $7.071067690e-01;
	v12 =	vor.u32 $0x3F000000, v14;
	v4 =	vadd.f32 v4, v24  }
0xe5: {  	v5 =	vadd.f32 v5, v16;
	v14 =	vnsel vm0, $0x80000000, v7;
	vm1 =	vlt.f32 v12, $7.071067690e-01  }
0xe6: {  	v7 =	vadd.f32 v7, v14;
	v14 =	vnsel vm1, $0x80000000, v12;
	v16 =	vadd.f32 v4, v23  }
0xe7: {  	v15 =	vshra.s32 v15, $0x17;
	v12 =	vadd.f32 v12, v14;
	v14 =	vadd.f32 v5, v20  }
0xe8: {  	v5 =	vsel vm0, $0xFFFFFF81, v0;
	v4 =	vadd.f32 $-1.000000000e+00, v7;
	v16 =	vadd.f32 $9.999999970e-07, v16  }
0xe9: {  	v18 =	vadd.s32 v6, v5;
	v5 =	vadd.f32 $-1.000000000e+00, v12;
	v7 =	vadd.f32 $9.999999970e-07, v14  }
0xea: {  	v8 =	vadd.f32 $-2.499999400e-01, v8;
	v12 =	vmul.f32 $7.037683580e-02, v4;
	(erf) = vrcp.f32 v16  }
0xeb: {  	v14 =	vsel vm1, $0xFFFFFF81, v0;
	v20 =	vmul.f32 $7.037683580e-02, v5;
	v6 =	vmul.f32 v7, v16  }
0xec: {  	v9 =	vmul.f32 v9, v26;
	v16 =	vmul.f32 v8, v3;
	v12 =	vadd.f32 $-1.151461010e-01, v12  }
0xed: {  	v8 =	vcvt.s32.f32 v18;
	v18 =	vadd.f32 $-1.151461010e-01, v20;
	v20 =	vand.u32 $0x7FFFFF, v6  }
0xee: {  	v16 =	vadd.f32 $3.333333130e-01, v16;
	v12 =	vmul.f32 v12, v4;
	v20 =	vor.u32 $0x3F000000, v20  }
0xef: {  	v9 =	vmul.f32 v9, v9;
	v18 =	vmul.f32 v18, v5;
	vm0 =	vlt.f32 v20, $7.071067690e-01  }
0xf0: {  	v10 =	vmul.f32 v16, v10;
	v12 =	vadd.f32 $1.167699840e-01, v12;
	v21 =	vnsel vm0, $0x80000000, v20  }
0xf1: {  	v14 =	vadd.s32 v15, v14;
	v15 =	vadd.f32 $1.167699840e-01, v18;
	v18 =	vld [tilespmem:s22+$0x800];
	v20 =	vadd.f32 v20, v21  }
0xf2: {  	v9 =	vadd.f32 v9, v13;
	v10 =	vsub.f32 v10, v17;
	v12 =	vmul.f32 v12, v4  }
0xf3: {  	v16 =	vcvt.s32.f32 v14;
	v15 =	vmul.f32 v15, v5;
	v20 =	vadd.f32 $-1.000000000e+00, v20;
	v13 =	vpop (erf)  }
0xf4: {  	v10 =	vsub.f32 v10, v19;
	v12 =	vadd.f32 $-1.242014100e-01, v12;
	v14 =	vld [tilespmem:s22+$0xE00];
	v13 =	vmul.f32 v13, v11  }
.Ltmp0:
0xf5: {  	v23 =	vmul.f32 $5.000000000e-01, v9;
	v19 =	vadd.f32 $-1.242014100e-01, v15;
	v15 =	vld [tilespmem:s22+$0x400];
	v21 =	vmul.f32 $7.037683580e-02, v20;
	(pc) =	sbr.rel @p0 .LBB2_2-.Ltmp0, $4  }
0xf6: {  	v24 =	vadd.f32 v10, v3;
	v3 =	vmovc v20;
	v11 =	vld [tilespmem:s24+$0xC00];
	v12 =	vmul.f32 v12, v4;
	v9 =	vmul.f32 v13, v18  }
0xf7: {  	v18 =	vsub.f32 $-1.837877040e+00, v23;
	v17 =	vld [tilespmem:s24+$0x200];
	v25 =	vmul.f32 v19, v5;
	v26 =	vadd.f32 $-1.151461010e-01, v21  }
0xf8: {  	v10 =	vmul.f32 v20, v3;
	v19 =	vadd.f32 v24, v22;
	v21 =	vadd.f32 $1.424932330e-01, v12  }
0xf9: {  	v12 =	vsel vm0, $0xFFFFFF81, v0;
	v22 =	vadd.f32 $1.424932330e-01, v25;
	v20 =	vmul.f32 v26, v3  }
0xfa: {  	_ = 	snop  }
0xfb: {  	v21 =	vmul.f32 v21, v4;
	v22 =	vmul.f32 v22, v5;
	_ =	sdelay $0x1  }
0xfc: {  	v21 =	vadd.f32 $-1.666805740e-01, v21;
	v22 =	vadd.f32 $-1.666805740e-01, v22;
	_ =	sdelay $0x1  }
0xfd: {  	v21 =	vmul.f32 v21, v4;
	v22 =	vmul.f32 v22, v5;
	_ =	sdelay $0x1  }
0xfe: {  	v21 =	vadd.f32 $2.000071410e-01, v21;
	v22 =	vadd.f32 $2.000071410e-01, v22;
	_ =	sdelay $0x1  }
0xff: {  	v21 =	vmul.f32 v21, v4;
	v22 =	vmul.f32 v22, v5;
	_ =	sdelay $0x1  }
0x100: {  	v21 =	vadd.f32 $-2.499999400e-01, v21;
	v22 =	vadd.f32 $-2.499999400e-01, v22  }
0x101: {  	v23 =	vmul.f32 v4, v4;
	v24 =	vmul.f32 v5, v5  }
0x102: {  	v21 =	vmul.f32 v21, v4;
	v22 =	vmul.f32 v22, v5  }
0x103: {  	v25 =	vmul.f32 v23, v4  }
0x104: {  	v26 =	vmul.f32 v24, v5;
	v21 =	vadd.f32 $3.333333130e-01, v21;
	v22 =	vadd.f32 $3.333333130e-01, v22  }
0x105: {  	v58 =	vmul.f32 $2.121944420e-04, v8;
	v27 =	vmul.f32 $2.121944420e-04, v16  }
0x106: {  	v21 =	vmul.f32 v21, v25;
	v22 =	vmul.f32 v22, v26  }
0x107: {  	v23 =	vmul.f32 $5.000000000e-01, v23  }
0x108: {  	v24 =	vmul.f32 $5.000000000e-01, v24;
	v21 =	vsub.f32 v21, v58;
	v22 =	vsub.f32 v22, v27;
	_ =	sdelay $0x1  }
0x109: {  	v21 =	vsub.f32 v21, v23;
	v22 =	vsub.f32 v22, v24  }
0x10a: {  	v8 =	vmul.f32 $6.933593750e-01, v8  }
0x10b: {  	v16 =	vmul.f32 $6.933593750e-01, v16;
	v4 =	vadd.f32 v21, v4;
	v5 =	vadd.f32 v22, v5;
	_ =	sdelay $0x1  }
0x10c: {  	v4 =	vadd.f32 v4, v8;
	v5 =	vadd.f32 v5, v16  }
0x10d: {  	v2 =	vmax.f32 v2, $0.0e+00;
	v1 =	vmax.f32 v1, $0.0e+00  }
0x10e: {  	v1 =	vadd.f32 v4, v1;
	v2 =	vadd.f32 v5, v2;
	_ =	sdelay $0x1  }
0x10f: {  	v1 =	vadd.f32 $9.999999970e-07, v1;
	v2 =	vadd.f32 $9.999999970e-07, v2;
	_ =	sdelay $0x1  }
0x110: {  	v4 =	vmul.f32 v2, v1;
	_ =	sdelay $0x1  }
0x111: {  	v5 =	vand.u32 $0x7FFFFF, v4  }
0x112: {  	v5 =	vor.u32 $0x3F000000, v5  }
0x113: {  	vm0 =	vlt.f32 v5, $7.071067690e-01  }
0x114: {  	v8 =	vnsel vm0, $0x80000000, v5  }
0x115: {  	v5 =	vadd.f32 v5, v8;
	_ =	sdelay $0x1  }
0x116: {  	v5 =	vadd.f32 $-1.000000000e+00, v5;
	_ =	sdelay $0x1  }
0x117: {  	v8 =	vmul.f32 $7.037683580e-02, v5;
	_ =	sdelay $0x1  }
0x118: {  	v8 =	vadd.f32 $-1.151461010e-01, v8;
	_ =	sdelay $0x1  }
0x119: {  	v8 =	vmul.f32 v8, v5  }
0x11a: {  	v16 =	vadd.f32 $1.167699840e-01, v20  }
0x11b: {  	v8 =	vadd.f32 $1.167699840e-01, v8  }
0x11c: {  	v16 =	vmul.f32 v16, v3  }
0x11d: {  	v8 =	vmul.f32 v8, v5  }
0x11e: {  	v16 =	vadd.f32 $-1.242014100e-01, v16  }
0x11f: {  	v8 =	vadd.f32 $-1.242014100e-01, v8  }
0x120: {  	v16 =	vmul.f32 v16, v3  }
0x121: {  	v8 =	vmul.f32 v8, v5  }
0x122: {  	(erf) = vrcp.f32 v7;
	v16 =	vadd.f32 $1.424932330e-01, v16  }
0x123: {  	(erf) = vrcp.f32 v1;
	v1 =	vadd.f32 $1.424932330e-01, v8  }
0x124: {  	v7 =	vmul.f32 v16, v3  }
0x125: {  	v1 =	vmul.f32 v1, v5  }
0x126: {  	v7 =	vadd.f32 $-1.666805740e-01, v7  }
0x127: {  	v8 =	vsub.f32 v18, v19;
	v1 =	vadd.f32 $-1.666805740e-01, v1  }
0x128: {  	v6 =	vshra.s32 v6, $0x17;
	v7 =	vmul.f32 v7, v3  }
0x129: {  	v6 =	vadd.s32 v6, v12;
	[tilespmem:s23+$0x1000] =	vst v8;
	v1 =	vmul.f32 v1, v5  }
0x12a: {  	v6 =	vcvt.s32.f32 v6;
	(erf) = vrcp.f32 v2;
	v7 =	vadd.f32 $2.000071410e-01, v7;
	v12 =	vld [tilespmem:s24+$0x800]  }
0x12b: {  	v2 =	vsub.f32 v14, v15;
	v14 =	vmul.f32 $5.000000000e-01, v10;
	v16 =	vld [tilespmem:s24+$0xE00];
	v1 =	vadd.f32 $2.000071410e-01, v1  }
0x12c: {  	v10 =	vmul.f32 v10, v3;
	v7 =	vmul.f32 v7, v3;
	v8 =	vsub.f32 v11, v17;
	v17 =	vld [tilespmem:s24+$0x400]  }
0x12d: {  	v2 =	vsub.f32 v2, v9;
	v11 =	vmul.f32 v13, v13;
	v13 =	vpop (erf);
	v1 =	vmul.f32 v1, v5  }
0x12e: {  	v9 =	vmul.f32 $2.121944420e-04, v6;
	v4 =	vshra.s32 v4, $0x17;
	v7 =	vadd.f32 $-2.499999400e-01, v7;
	v15 =	vpop (erf)  }
0x12f: {  	v18 =	vsel vm0, $0xFFFFFF81, v0;
	v8 =	vmul.f32 v15, v8;
	v1 =	vadd.f32 $-2.499999400e-01, v1  }
0x130: {  	v7 =	vmul.f32 v7, v3;
	v4 =	vadd.s32 v4, v18;
	v15 =	vmul.f32 v5, v5  }
0x131: {  	v12 =	vmul.f32 v8, v12;
	v16 =	vsub.f32 v16, v17;
	v1 =	vmul.f32 v1, v5  }
0x132: {  	v7 =	vadd.f32 $3.333333130e-01, v7;
	v4 =	vcvt.s32.f32 v4;
	v2 =	vmul.f32 v2, v13  }
0x133: {  	v13 =	vmul.f32 v15, v5;
	v12 =	vsub.f32 v16, v12;
	v1 =	vadd.f32 $3.333333130e-01, v1  }
0x134: {  	v7 =	vmul.f32 v7, v10;
	v10 =	vpop (erf);
	v16 =	vmul.f32 $2.121944420e-04, v4  }
0x135: {  	v10 =	vmul.f32 v12, v10;
	v1 =	vmul.f32 v1, v13  }
0x136: {  	v7 =	vsub.f32 v7, v9;
	v2 =	vmul.f32 v2, v2;
	v9 =	vmul.f32 $5.000000000e-01, v15  }
0x137: {  	v8 =	vmul.f32 v8, v8;
	v10 =	vmul.f32 v10, v10;
	v1 =	vsub.f32 v1, v16  }
0x138: {  	v7 =	vsub.f32 v7, v14;
	v2 =	vadd.f32 v2, v11  }
0x139: {  	v8 =	vadd.f32 v10, v8;
	v1 =	vsub.f32 v1, v9  }
0x13a: {  	v6 =	vmul.f32 $6.933593750e-01, v6;
	v3 =	vadd.f32 v7, v3;
	v2 =	vmul.f32 $5.000000000e-01, v2  }
0x13b: {  	v4 =	vmul.f32 $6.933593750e-01, v4;
	v7 =	vmul.f32 $5.000000000e-01, v8;
	v1 =	vadd.f32 v1, v5  }
0x13c: {  	v3 =	vadd.f32 v3, v6;
	v2 =	vsub.f32 $-1.837877040e+00, v2  }
0x13d: {  	v5 =	vsub.f32 $-1.837877040e+00, v7;
	v1 =	vadd.f32 v1, v4  }
0x13e: {  	v2 =	vsub.f32 v2, v3  }
0x13f: {  	v1 =	vsub.f32 v5, v1  }
0x140: {  	[tilespmem:s22+$0x1000] =	vst v2  }
0x141: {  	[tilespmem:s24+$0x1000] =	vst v1  }
0x142: {  	_ =	swait.ge [sflag:s16], $0x80  }
0x143: {  	[sflag:s16] =	ssyncset.done $0x0  }
0x144: {  	[sflag:s16] =	ssyncadd.s32 $0xFFFFFF80  }
0x145: {  	_ =	swait.ge [sflag:s16], $0x80  }
0x146: {  	[sflag:s16] =	ssyncset.done $0x0  }
0x147: {  	[sflag:s16] =	ssyncadd.s32 $0xFFFFFF80  }
0x148: {  	_ =	swait.ge [sflag:s16], $0x80  }
0x149: {  	[sflag:s16] =	ssyncset.done $0x0  }
0x14a: {  	s23 =	simm.s32 $0x80;
	[sflag:s16] =	ssyncadd.s32 $0xFFFFFF80  }
0x14b: {  	v1 =	vld [tilespmem:s23+$0x600]  }
0x14c: {  	v2 =	vld [tilespmem:s23+$0xA00];
	_ =	sdelay $0x3  }
0x14d: {  	v3 =	vand.u32 $0x7FFFFFFF, v1  }
0x14e: {  	v4 =	vand.u32 $0x7FFFFFFF, v2;
	v3 =	vsub.f32 $0.0e+00, v3  }
0x14f: {  	v4 =	vsub.f32 $0.0e+00, v4  }
0x150: {  	v3 =	vmul.f32 $1.442695020e+00, v3  }
0x151: {  	v4 =	vmul.f32 $1.442695020e+00, v4  }
0x152: {  	(erf) = vpow2.f32 v3  }
0x153: {  	(erf) = vpow2.f32 v4;
	_ =	sdelay $0x7  }
0x154: {  	v3 =	vpop (erf)  }
0x155: {  	v5 =	vadd.f32 $1.000000000e+00, v3;
	v3 =	vpop (erf)  }
0x156: {  	v6 =	vadd.f32 $1.000000000e+00, v3  }
0x157: {  	v3 =	vand.u32 $0x7FFFFF, v5  }
0x158: {  	v3 =	vor.u32 $0x3F000000, v3;
	v4 =	vand.u32 $0x7FFFFF, v6  }
0x159: {  	vm1 =	vlt.f32 v3, $7.071067690e-01;
	v4 =	vor.u32 $0x3F000000, v4  }
0x15a: {  	v7 =	vnsel vm1, $0x80000000, v3;
	vm10 =	vlt.f32 v4, $7.071067690e-01  }
0x15b: {  	v3 =	vadd.f32 v3, v7;
	v7 =	vnsel vm10, $0x80000000, v4  }
0x15c: {  	v4 =	vadd.f32 v4, v7  }
0x15d: {  	v7 =	vadd.f32 $-1.000000000e+00, v3  }
0x15e: {  	v8 =	vadd.f32 $-1.000000000e+00, v4  }
0x15f: {  	v3 =	vmul.f32 $7.037683580e-02, v7  }
0x160: {  	v4 =	vmul.f32 $7.037683580e-02, v8  }
0x161: {  	v3 =	vadd.f32 $-1.151461010e-01, v3  }
0x162: {  	v4 =	vadd.f32 $-1.151461010e-01, v4  }
0x163: {  	v3 =	vmul.f32 v3, v7  }
0x164: {  	v4 =	vmul.f32 v4, v8  }
0x165: {  	v3 =	vadd.f32 $1.167699840e-01, v3  }
0x166: {  	v4 =	vadd.f32 $1.167699840e-01, v4  }
0x167: {  	v3 =	vmul.f32 v3, v7  }
0x168: {  	v4 =	vmul.f32 v4, v8  }
0x169: {  	v3 =	vadd.f32 $-1.242014100e-01, v3  }
0x16a: {  	v4 =	vadd.f32 $-1.242014100e-01, v4  }
0x16b: {  	v3 =	vmul.f32 v3, v7  }
0x16c: {  	v4 =	vmul.f32 v4, v8  }
0x16d: {  	s22 =	simm.s32 $0x90;
	v9 =	vadd.f32 $1.424932330e-01, v3  }
0x16e: {  	v3 =	vld [tilespmem:s22+$0x600];
	v4 =	vadd.f32 $1.424932330e-01, v4  }
0x16f: {  	v9 =	vmul.f32 v9, v7  }
0x170: {  	v10 =	vmul.f32 v4, v8;
	v4 =	vld [tilespmem:s22+$0xA00]  }
0x171: {  	v9 =	vadd.f32 $-1.666805740e-01, v9;
	_ =	sdelay $0x1  }
0x172: {  	v10 =	vadd.f32 $-1.666805740e-01, v10;
	v11 =	vand.u32 $0x7FFFFFFF, v3;
	v9 =	vmul.f32 v9, v7  }
0x173: {  	v11 =	vsub.f32 $0.0e+00, v11  }
0x174: {  	v10 =	vmul.f32 v10, v8;
	v12 =	vand.u32 $0x7FFFFFFF, v4;
	v9 =	vadd.f32 $2.000071410e-01, v9  }
0x175: {  	v5 =	vshra.s32 v5, $0x17;
	v12 =	vsub.f32 $0.0e+00, v12  }
0x176: {  	v11 =	vmul.f32 $1.442695020e+00, v11;
	v10 =	vadd.f32 $2.000071410e-01, v10;
	v9 =	vmul.f32 v9, v7  }
0x177: {  	v6 =	vshra.s32 v6, $0x17;
	v13 =	vsel vm1, $0xFFFFFF81, v0;
	v12 =	vmul.f32 $1.442695020e+00, v12  }
0x178: {  	(erf) = vpow2.f32 v11;
	v10 =	vmul.f32 v10, v8;
	v9 =	vadd.f32 $-2.499999400e-01, v9  }
0x179: {  	v5 =	vadd.s32 v5, v13;
	v11 =	vmul.f32 v7, v7;
	(erf) = vpow2.f32 v12  }
0x17a: {  	v10 =	vadd.f32 $-2.499999400e-01, v10;
	v12 =	vsel vm10, $0xFFFFFF81, v0;
	v9 =	vmul.f32 v9, v7  }
0x17b: {  	v5 =	vcvt.s32.f32 v5;
	v13 =	vmul.f32 v8, v8;
	v6 =	vadd.s32 v6, v12  }
0x17c: {  	v12 =	vmul.f32 v11, v7;
	v10 =	vmul.f32 v10, v8;
	v9 =	vadd.f32 $3.333333130e-01, v9  }
0x17d: {  	v14 =	vmul.f32 v13, v8;
	v6 =	vcvt.s32.f32 v6  }
0x17e: {  	v10 =	vadd.f32 $3.333333130e-01, v10;
	v9 =	vmul.f32 v9, v12;
	v12 =	vmul.f32 $2.121944420e-04, v5;
	_ =	sdelay $0x1  }
0x17f: {  	v15 =	vmul.f32 $2.121944420e-04, v6;
	v10 =	vmul.f32 v10, v14  }
0x180: {  	v11 =	vmul.f32 $5.000000000e-01, v11;
	v9 =	vsub.f32 v9, v12  }
0x181: {  	v2 =	vmax.f32 v2, $0.0e+00;
	v13 =	vmul.f32 $5.000000000e-01, v13;
	v10 =	vsub.f32 v10, v15;
	v12 =	vpop (erf)  }
0x182: {  	v1 =	vmax.f32 v1, $0.0e+00;
	v9 =	vsub.f32 v9, v11;
	v12 =	vadd.f32 $1.000000000e+00, v12;
	v14 =	vpop (erf)  }
0x183: {  	v6 =	vmul.f32 $6.933593750e-01, v6;
	v10 =	vsub.f32 v10, v13;
	v11 =	vadd.f32 $1.000000000e+00, v14  }
0x184: {  	v5 =	vmul.f32 $6.933593750e-01, v5;
	v7 =	vadd.f32 v9, v7;
	v13 =	vand.u32 $0x7FFFFF, v12  }
0x185: {  	v8 =	vadd.f32 v10, v8;
	v9 =	vor.u32 $0x3F000000, v13;
	v13 =	vand.u32 $0x7FFFFF, v11  }
0x186: {  	v5 =	vadd.f32 v7, v5;
	vm2 =	vlt.f32 v9, $7.071067690e-01;
	v10 =	vor.u32 $0x3F000000, v13  }
0x187: {  	v6 =	vadd.f32 v8, v6;
	v7 =	vnsel vm2, $0x80000000, v9;
	vm11 =	vlt.f32 v10, $7.071067690e-01  }
0x188: {  	v1 =	vadd.f32 v5, v1;
	v7 =	vadd.f32 v9, v7;
	v8 =	vnsel vm11, $0x80000000, v10  }
0x189: {  	v14 =	vld [tilespmem:s23+$0x200];
	v2 =	vadd.f32 v6, v2;
	v5 =	vadd.f32 v10, v8  }
0x18a: {  	v13 =	vld [tilespmem:s23+$0xC00];
	v1 =	vadd.f32 $9.999999970e-07, v1;
	v6 =	vadd.f32 $-1.000000000e+00, v7  }
0x18b: {  	v7 =	vadd.f32 $9.999999970e-07, v2;
	v5 =	vadd.f32 $-1.000000000e+00, v5  }
0x18c: {  	(erf) = vrcp.f32 v1;
	v2 =	vmul.f32 $7.037683580e-02, v6  }
0x18d: {  	v9 =	vmul.f32 v7, v1;
	v8 =	vmul.f32 $7.037683580e-02, v5  }
0x18e: {  	v12 =	vshra.s32 v12, $0x17;
	v15 =	vsel vm2, $0xFFFFFF81, v0;
	v2 =	vadd.f32 $-1.151461010e-01, v2  }
0x18f: {  	v13 =	vsub.f32 v13, v14;
	v10 =	vand.u32 $0x7FFFFF, v9;
	v8 =	vadd.f32 $-1.151461010e-01, v8  }
0x190: {  	(erf) = vrcp.f32 v7;
	v1 =	vmul.f32 v2, v6;
	v2 =	vor.u32 $0x3F000000, v10  }
0x191: {  	v59 =	vmul.f32 v5, v5;
	v8 =	vmul.f32 v8, v5;
	vm12 =	vlt.f32 v2, $7.071067690e-01  }
0x192: {  	v9 =	vshra.s32 v9, $0x17;
	v1 =	vadd.f32 $1.167699840e-01, v1;
	v10 =	vnsel vm12, $0x80000000, v2  }
0x193: {  	v21 =	vsel vm12, $0xFFFFFF81, v0;
	v8 =	vadd.f32 $1.167699840e-01, v8;
	v2 =	vadd.f32 v2, v10  }
0x194: {  	v61 =	vmul.f32 v59, v5;
	v9 =	vadd.s32 v9, v21;
	v1 =	vmul.f32 v1, v6  }
0x195: {  	v16 =	vld [tilespmem:s23+$0x800];
	v9 =	vcvt.s32.f32 v9;
	v8 =	vmul.f32 v8, v5;
	v10 =	vadd.f32 $-1.000000000e+00, v2  }
0x196: {  	v14 =	vpop (erf);
	v2 =	vshra.s32 v11, $0x17;
	v11 =	vadd.s32 v12, v15;
	v1 =	vadd.f32 $-1.242014100e-01, v1  }
0x197: {  	v17 =	vld [tilespmem:s23+$0x400];
	v13 =	vmul.f32 v14, v13;
	v8 =	vadd.f32 $-1.242014100e-01, v8;
	v18 =	vmul.f32 $7.037683580e-02, v10  }
0x198: {  	v19 =	vld [tilespmem:s22+$0x200];
	v12 =	vsel vm11, $0xFFFFFF81, v0;
	v11 =	vcvt.s32.f32 v11;
	v1 =	vmul.f32 v1, v6  }
0x199: {  	s24 =	simm.s32 $0xA0;
	v15 =	vld [tilespmem:s23+$0xE00];
	v2 =	vadd.s32 v2, v12;
	v8 =	vmul.f32 v8, v5;
	v18 =	vadd.f32 $-1.151461010e-01, v18  }
0x19a: {  	v20 =	vcvt.s32.f32 v2;
	v16 =	vmul.f32 v13, v16;
	v2 =	vadd.f32 $1.424932330e-01, v1;
	v1 =	vld [tilespmem:s24+$0x600]  }
0x19b: {  	v12 =	vld [tilespmem:s22+$0xC00];
	v13 =	vmul.f32 v13, v13;
	v8 =	vadd.f32 $1.424932330e-01, v8;
	v14 =	vmul.f32 v18, v10  }
0x19c: {  	v23 =	vmul.f32 $6.933593750e-01, v11;
	v22 =	vmul.f32 v2, v6;
	v2 =	vld [tilespmem:s24+$0xA00]  }
0x19d: {  	v11 =	vmul.f32 $2.121944420e-04, v11;
	v8 =	vmul.f32 v8, v5;
	v14 =	vadd.f32 $1.167699840e-01, v14  }
0x19e: {  	v15 =	vsub.f32 v15, v17;
	v18 =	vmul.f32 v10, v10;
	v17 =	vadd.f32 $-1.666805740e-01, v22  }
0x19f: {  	v8 =	vadd.f32 $-1.666805740e-01, v8;
	v14 =	vmul.f32 v14, v10;
	v22 =	vand.u32 $0x7FFFFFFF, v1  }
0x1a0: {  	v12 =	vsub.f32 v12, v19;
	v17 =	vmul.f32 v17, v6;
	v7 =	vsub.f32 $0.0e+00, v22  }
0x1a1: {  	v8 =	vmul.f32 v8, v5;
	v14 =	vadd.f32 $-1.242014100e-01, v14;
	v22 =	vand.u32 $0x7FFFFFFF, v2  }
0x1a2: {  	v19 =	vmul.f32 $2.121944420e-04, v20;
	v17 =	vadd.f32 $2.000071410e-01, v17;
	v22 =	vsub.f32 $0.0e+00, v22  }
0x1a3: {  	v7 =	vmul.f32 $1.442695020e+00, v7;
	v8 =	vadd.f32 $2.000071410e-01, v8;
	v14 =	vmul.f32 v14, v10  }
0x1a4: {  	v17 =	vmul.f32 v17, v6;
	v22 =	vmul.f32 $1.442695020e+00, v22  }
0x1a5: {  	(erf) = vpow2.f32 v7;
	v8 =	vmul.f32 v8, v5  }
0x1a6: {  	v14 =	vadd.f32 $1.424932330e-01, v14;
	v7 =	vadd.f32 $-2.499999400e-01, v17;
	(erf) = vpow2.f32 v22  }
0x1a7: {  	v15 =	vsub.f32 v15, v16;
	v22 =	vmul.f32 v6, v6;
	v8 =	vadd.f32 $-2.499999400e-01, v8  }
0x1a8: {  	v21 =	vpop (erf);
	v14 =	vmul.f32 v14, v10;
	v7 =	vmul.f32 v7, v6  }
0x1a9: {  	v15 =	vmul.f32 v15, v21;
	v8 =	vmul.f32 v8, v5  }
0x1aa: {  	v60 =	vmul.f32 v22, v6;
	v14 =	vadd.f32 $-1.666805740e-01, v14;
	v7 =	vadd.f32 $3.333333130e-01, v7  }
0x1ab: {  	v20 =	vmul.f32 $6.933593750e-01, v20;
	v15 =	vmul.f32 v15, v15;
	v8 =	vadd.f32 $3.333333130e-01, v8  }
0x1ac: {  	v3 =	vmax.f32 v3, $0.0e+00;
	v14 =	vmul.f32 v14, v10;
	v7 =	vmul.f32 v7, v60  }
0x1ad: {  	v4 =	vmax.f32 v4, $0.0e+00;
	v17 =	vmul.f32 $5.000000000e-01, v18;
	v8 =	vmul.f32 v8, v61  }
0x1ae: {  	v14 =	vadd.f32 $2.000071410e-01, v14;
	v16 =	vpop (erf);
	v7 =	vsub.f32 v7, v11;
	v11 =	vmul.f32 $5.000000000e-01, v22  }
0x1af: {  	v16 =	vadd.f32 $1.000000000e+00, v16;
	v8 =	vsub.f32 v8, v19;
	v19 =	vmul.f32 $5.000000000e-01, v59;
	v62 =	vpop (erf)  }
0x1b0: {  	v7 =	vsub.f32 v7, v11;
	v11 =	vmul.f32 v14, v10;
	v14 =	vadd.f32 $1.000000000e+00, v62  }
0x1b1: {  	v8 =	vsub.f32 v8, v19;
	v19 =	vshra.s32 v16, $0x17;
	v16 =	vand.u32 $0x7FFFFF, v16  }
0x1b2: {  	v6 =	vadd.f32 v7, v6;
	v7 =	vor.u32 $0x3F000000, v16;
	v16 =	vand.u32 $0x7FFFFF, v14  }
0x1b3: {  	v5 =	vadd.f32 v8, v5;
	vm13 =	vlt.f32 v7, $7.071067690e-01;
	v8 =	vor.u32 $0x3F000000, v16  }
0x1b4: {  	v6 =	vadd.f32 v6, v23;
	v16 =	vnsel vm13, $0x80000000, v7;
	vm14 =	vlt.f32 v8, $7.071067690e-01  }
0x1b5: {  	v5 =	vadd.f32 v5, v20;
	v7 =	vadd.f32 v7, v16;
	v16 =	vnsel vm14, $0x80000000, v8  }
0x1b6: {  	v18 =	vmul.f32 v18, v10;
	v3 =	vadd.f32 v6, v3;
	v6 =	vadd.f32 v8, v16  }
0x1b7: {  	v8 =	vadd.f32 v5, v4;
	v5 =	vsel vm13, $0xFFFFFF81, v0;
	v4 =	vadd.f32 $-1.000000000e+00, v7  }
0x1b8: {  	v3 =	vadd.f32 $9.999999970e-07, v3;
	v16 =	vadd.s32 v19, v5;
	v5 =	vadd.f32 $-1.000000000e+00, v6  }
0x1b9: {  	v22 =	vmul.f32 $6.933593750e-01, v9;
	v7 =	vadd.f32 $9.999999970e-07, v8;
	v8 =	vmul.f32 $7.037683580e-02, v4  }
0x1ba: {  	v11 =	vadd.f32 $-2.499999400e-01, v11;
	(erf) = vrcp.f32 v3;
	v20 =	vmul.f32 $7.037683580e-02, v5  }
0x1bb: {  	v9 =	vmul.f32 $2.121944420e-04, v9;
	v6 =	vmul.f32 v7, v3;
	v3 =	vadd.f32 $-1.151461010e-01, v8  }
0x1bc: {  	v11 =	vmul.f32 v11, v10;
	v8 =	vcvt.s32.f32 v16;
	v16 =	vadd.f32 $-1.151461010e-01, v20  }
0x1bd: {  	v14 =	vshra.s32 v14, $0x17;
	v20 =	vand.u32 $0x7FFFFF, v6;
	v3 =	vmul.f32 v3, v4  }
0x1be: {  	v11 =	vadd.f32 $3.333333130e-01, v11;
	v20 =	vor.u32 $0x3F000000, v20;
	v16 =	vmul.f32 v16, v5  }
0x1bf: {  	v19 =	vsel vm14, $0xFFFFFF81, v0;
	vm15 =	vlt.f32 v20, $7.071067690e-01;
	v3 =	vadd.f32 $1.167699840e-01, v3  }
0x1c0: {  	v11 =	vmul.f32 v11, v18;
	v21 =	vnsel vm15, $0x80000000, v20;
	v16 =	vadd.f32 $1.167699840e-01, v16  }
0x1c1: {  	v14 =	vadd.s32 v14, v19;
	v19 =	vadd.f32 v20, v21;
	v20 =	vmul.f32 v3, v4  }
0x1c2: {  	v15 =	vadd.f32 v15, v13;
	v18 =	vld [tilespmem:s22+$0x800];
	v9 =	vsub.f32 v11, v9;
	v11 =	vmul.f32 v16, v5  }
0x1c3: {  	v16 =	vcvt.s32.f32 v14;
	v3 =	vadd.f32 $-1.000000000e+00, v19;
	v13 =	vpop (erf);
	v19 =	vadd.f32 $-1.242014100e-01, v20  }
0x1c4: {  	v14 =	vld [tilespmem:s22+$0xE00];
	v13 =	vmul.f32 v13, v12;
	v12 =	vsub.f32 v9, v17;
	v11 =	vadd.f32 $-1.242014100e-01, v11  }
0x1c5: {  	v20 =	vmul.f32 $5.000000000e-01, v15;
	v15 =	vld [tilespmem:s22+$0x400];
	v17 =	vmul.f32 $7.037683580e-02, v3  }
0x1c6: {  	v19 =	vmul.f32 v19, v4;
	v12 =	vadd.f32 v12, v10;
	v23 =	vmul.f32 v11, v5;
	v11 =	vld [tilespmem:s24+$0xC00]  }
0x1c7: {  	v9 =	vmul.f32 v13, v18;
	v18 =	vsub.f32 $-1.837877040e+00, v20;
	v63 =	vadd.f32 $-1.151461010e-01, v17;
	v17 =	vld [tilespmem:s24+$0x200]  }
0x1c8: {  	v10 =	vmul.f32 v3, v3;
	v21 =	vadd.f32 $1.424932330e-01, v19;
	v19 =	vadd.f32 v12, v22  }
0x1c9: {  	s26 =	simm.s32 $0x2C0;
	v22 =	vadd.f32 $1.424932330e-01, v23;
	v12 =	vsel vm15, $0xFFFFFF81, v0;
	v20 =	vmul.f32 v63, v3  }
.LBB2_4:
0x1ca: {  	s28 =	sshra.s32 s26, $0x2;
	p0 =	sne.s32 s26, $0x3C0;
	s26 =	sadd.s32 $0x40, s26;
	v18 =	vsub.f32 v18, v19  }
0x1cb: {  	v21 =	vmul.f32 v21, v4;
	v19 =	vld [tilespmem:s28+$0x600];
	v22 =	vmul.f32 v22, v5;
	v20 =	vadd.f32 $1.167699840e-01, v20  }
0x1cc: {  	v24 =	vmul.f32 $6.933593750e-01, v8;
	v14 =	vsub.f32 v14, v15;
	v23 =	vld [tilespmem:s28+$0xA00];
	v11 =	vsub.f32 v11, v17;
	[tilespmem:s23+$0x1000] =	vst v18;
	s23 =	smov.u32 s22;
	s22 =	smov.u32 s24;
	s24 =	smov.u32 s28  }
0x1cd: {  	v15 =	vadd.f32 $-1.666805740e-01, v21;
	v17 =	vadd.f32 $-1.666805740e-01, v22;
	v18 =	vmul.f32 v20, v3  }
0x1ce: {  	v21 =	vmul.f32 $2.121944420e-04, v16;
	v16 =	vmul.f32 $6.933593750e-01, v16;
	v20 =	vmax.f32 v2, $0.0e+00  }
0x1cf: {  	v25 =	vmul.f32 v15, v4;
	v15 =	vmul.f32 v17, v5;
	v17 =	vadd.f32 $-1.242014100e-01, v18  }
0x1d0: {  	v13 =	vmul.f32 v13, v13;
	v18 =	vand.u32 $0x7FFFFFFF, v19;
	(erf) = vrcp.f32 v7  }
0x1d1: {  	v22 =	vadd.f32 $2.000071410e-01, v25;
	v7 =	vsub.f32 $0.0e+00, v18;
	v18 =	vand.u32 $0x7FFFFFFF, v23;
	v2 =	vmovc v23  }
0x1d2: {  	v15 =	vadd.f32 $2.000071410e-01, v15;
	v17 =	vmul.f32 v17, v3;
	v18 =	vsub.f32 $0.0e+00, v18  }
0x1d3: {  	v23 =	vmax.f32 v1, $0.0e+00;
	v1 =	vmovc v19;
	v22 =	vmul.f32 v22, v4;
	v7 =	vmul.f32 $1.442695020e+00, v7  }
0x1d4: {  	v15 =	vmul.f32 v15, v5;
	v17 =	vadd.f32 $1.424932330e-01, v17;
	v18 =	vmul.f32 $1.442695020e+00, v18  }
0x1d5: {  	v19 =	vmul.f32 $5.000000000e-01, v10;
	(erf) = vpow2.f32 v7;
	v7 =	vadd.f32 $-2.499999400e-01, v22  }
0x1d6: {  	v15 =	vadd.f32 $-2.499999400e-01, v15;
	v17 =	vmul.f32 v17, v3;
	(erf) = vpow2.f32 v18  }
0x1d7: {  	v6 =	vshra.s32 v6, $0x17;
	v18 =	vmul.f32 v4, v4;
	v7 =	vmul.f32 v7, v4  }
0x1d8: {  	v22 =	vmul.f32 v5, v5;
	v15 =	vmul.f32 v15, v5;
	v17 =	vadd.f32 $-1.666805740e-01, v17  }
0x1d9: {  	v10 =	vmul.f32 v10, v3;
	v25 =	vmul.f32 v18, v4;
	v7 =	vadd.f32 $3.333333130e-01, v7;
	v26 =	vpop (erf)  }
0x1da: {  	v27 =	vmul.f32 v22, v5;
	v15 =	vadd.f32 $3.333333130e-01, v15;
	v17 =	vmul.f32 v17, v3  }
0x1db: {  	v8 =	vmul.f32 $2.121944420e-04, v8;
	v6 =	vadd.s32 v6, v12;
	v7 =	vmul.f32 v7, v25  }
0x1dc: {  	v6 =	vcvt.s32.f32 v6;
	v12 =	vmul.f32 v15, v27;
	v15 =	vadd.f32 $2.000071410e-01, v17  }
0x1dd: {  	v9 =	vsub.f32 v14, v9;
	v7 =	vsub.f32 v7, v8;
	v8 =	vmul.f32 $5.000000000e-01, v18  }
0x1de: {  	v17 =	vmul.f32 $5.000000000e-01, v22;
	v22 =	vmul.f32 $6.933593750e-01, v6;
	v12 =	vsub.f32 v12, v21;
	v14 =	vpop (erf)  }
0x1df: {  	v14 =	vadd.f32 $1.000000000e+00, v14;
	v18 =	vpop (erf);
	v7 =	vsub.f32 v7, v8;
	v8 =	vmul.f32 v15, v3  }
0x1e0: {  	v12 =	vsub.f32 v12, v17;
	v17 =	vmul.f32 $2.121944420e-04, v6;
	v15 =	vadd.f32 $1.000000000e+00, v18  }
0x1e1: {  	v6 =	vshra.s32 v14, $0x17;
	v14 =	vand.u32 $0x7FFFFF, v14;
	v4 =	vadd.f32 v7, v4  }
0x1e2: {  	v5 =	vadd.f32 v12, v5;
	v7 =	vor.u32 $0x3F000000, v14;
	v14 =	vand.u32 $0x7FFFFF, v15  }
0x1e3: {  	vm0 =	vlt.f32 v7, $7.071067690e-01;
	v12 =	vor.u32 $0x3F000000, v14;
	v4 =	vadd.f32 v4, v24  }
0x1e4: {  	v5 =	vadd.f32 v5, v16;
	v14 =	vnsel vm0, $0x80000000, v7;
	vm1 =	vlt.f32 v12, $7.071067690e-01  }
0x1e5: {  	v7 =	vadd.f32 v7, v14;
	v14 =	vnsel vm1, $0x80000000, v12;
	v16 =	vadd.f32 v4, v23  }
0x1e6: {  	v15 =	vshra.s32 v15, $0x17;
	v12 =	vadd.f32 v12, v14;
	v14 =	vadd.f32 v5, v20  }
0x1e7: {  	v5 =	vsel vm0, $0xFFFFFF81, v0;
	v4 =	vadd.f32 $-1.000000000e+00, v7;
	v16 =	vadd.f32 $9.999999970e-07, v16  }
0x1e8: {  	v18 =	vadd.s32 v6, v5;
	v5 =	vadd.f32 $-1.000000000e+00, v12;
	v7 =	vadd.f32 $9.999999970e-07, v14  }
0x1e9: {  	v8 =	vadd.f32 $-2.499999400e-01, v8;
	v12 =	vmul.f32 $7.037683580e-02, v4;
	(erf) = vrcp.f32 v16  }
0x1ea: {  	v14 =	vsel vm1, $0xFFFFFF81, v0;
	v20 =	vmul.f32 $7.037683580e-02, v5;
	v6 =	vmul.f32 v7, v16  }
0x1eb: {  	v9 =	vmul.f32 v9, v26;
	v16 =	vmul.f32 v8, v3;
	v12 =	vadd.f32 $-1.151461010e-01, v12  }
0x1ec: {  	v8 =	vcvt.s32.f32 v18;
	v18 =	vadd.f32 $-1.151461010e-01, v20;
	v20 =	vand.u32 $0x7FFFFF, v6  }
0x1ed: {  	v16 =	vadd.f32 $3.333333130e-01, v16;
	v12 =	vmul.f32 v12, v4;
	v20 =	vor.u32 $0x3F000000, v20  }
0x1ee: {  	v9 =	vmul.f32 v9, v9;
	v18 =	vmul.f32 v18, v5;
	vm0 =	vlt.f32 v20, $7.071067690e-01  }
0x1ef: {  	v10 =	vmul.f32 v16, v10;
	v12 =	vadd.f32 $1.167699840e-01, v12;
	v21 =	vnsel vm0, $0x80000000, v20  }
0x1f0: {  	v14 =	vadd.s32 v15, v14;
	v15 =	vadd.f32 $1.167699840e-01, v18;
	v18 =	vld [tilespmem:s22+$0x800];
	v20 =	vadd.f32 v20, v21  }
0x1f1: {  	v9 =	vadd.f32 v9, v13;
	v10 =	vsub.f32 v10, v17;
	v12 =	vmul.f32 v12, v4  }
0x1f2: {  	v16 =	vcvt.s32.f32 v14;
	v15 =	vmul.f32 v15, v5;
	v20 =	vadd.f32 $-1.000000000e+00, v20;
	v13 =	vpop (erf)  }
0x1f3: {  	v10 =	vsub.f32 v10, v19;
	v12 =	vadd.f32 $-1.242014100e-01, v12;
	v14 =	vld [tilespmem:s22+$0xE00];
	v13 =	vmul.f32 v13, v11  }
.Ltmp1:
0x1f4: {  	v23 =	vmul.f32 $5.000000000e-01, v9;
	v19 =	vadd.f32 $-1.242014100e-01, v15;
	v15 =	vld [tilespmem:s22+$0x400];
	v21 =	vmul.f32 $7.037683580e-02, v20;
	(pc) =	sbr.rel @p0 .LBB2_4-.Ltmp1, $4  }
0x1f5: {  	v24 =	vadd.f32 v10, v3;
	v3 =	vmovc v20;
	v11 =	vld [tilespmem:s24+$0xC00];
	v12 =	vmul.f32 v12, v4;
	v9 =	vmul.f32 v13, v18  }
0x1f6: {  	v18 =	vsub.f32 $-1.837877040e+00, v23;
	v17 =	vld [tilespmem:s24+$0x200];
	v25 =	vmul.f32 v19, v5;
	v26 =	vadd.f32 $-1.151461010e-01, v21  }
0x1f7: {  	v10 =	vmul.f32 v20, v3;
	v19 =	vadd.f32 v24, v22;
	v21 =	vadd.f32 $1.424932330e-01, v12  }
0x1f8: {  	v12 =	vsel vm0, $0xFFFFFF81, v0;
	v22 =	vadd.f32 $1.424932330e-01, v25;
	v20 =	vmul.f32 v26, v3  }
0x1f9: {  	_ = 	snop  }
0x1fa: {  	v21 =	vmul.f32 v21, v4;
	v22 =	vmul.f32 v22, v5;
	_ =	sdelay $0x1  }
0x1fb: {  	v21 =	vadd.f32 $-1.666805740e-01, v21;
	v22 =	vadd.f32 $-1.666805740e-01, v22;
	_ =	sdelay $0x1  }
0x1fc: {  	v21 =	vmul.f32 v21, v4;
	v22 =	vmul.f32 v22, v5;
	_ =	sdelay $0x1  }
0x1fd: {  	v21 =	vadd.f32 $2.000071410e-01, v21;
	v22 =	vadd.f32 $2.000071410e-01, v22;
	_ =	sdelay $0x1  }
0x1fe: {  	v21 =	vmul.f32 v21, v4;
	v22 =	vmul.f32 v22, v5;
	_ =	sdelay $0x1  }
0x1ff: {  	v21 =	vadd.f32 $-2.499999400e-01, v21;
	v22 =	vadd.f32 $-2.499999400e-01, v22  }
0x200: {  	v23 =	vmul.f32 v4, v4;
	v24 =	vmul.f32 v5, v5  }
0x201: {  	v21 =	vmul.f32 v21, v4;
	v22 =	vmul.f32 v22, v5  }
0x202: {  	v25 =	vmul.f32 v23, v4  }
0x203: {  	v26 =	vmul.f32 v24, v5;
	v21 =	vadd.f32 $3.333333130e-01, v21;
	v22 =	vadd.f32 $3.333333130e-01, v22  }
0x204: {  	v58 =	vmul.f32 $2.121944420e-04, v8;
	v27 =	vmul.f32 $2.121944420e-04, v16  }
0x205: {  	v21 =	vmul.f32 v21, v25;
	v22 =	vmul.f32 v22, v26  }
0x206: {  	v23 =	vmul.f32 $5.000000000e-01, v23  }
0x207: {  	v24 =	vmul.f32 $5.000000000e-01, v24;
	v21 =	vsub.f32 v21, v58;
	v22 =	vsub.f32 v22, v27;
	_ =	sdelay $0x1  }
0x208: {  	v21 =	vsub.f32 v21, v23;
	v22 =	vsub.f32 v22, v24  }
0x209: {  	v8 =	vmul.f32 $6.933593750e-01, v8  }
0x20a: {  	v16 =	vmul.f32 $6.933593750e-01, v16;
	v4 =	vadd.f32 v21, v4;
	v5 =	vadd.f32 v22, v5;
	_ =	sdelay $0x1  }
0x20b: {  	v4 =	vadd.f32 v4, v8;
	v5 =	vadd.f32 v5, v16  }
0x20c: {  	v2 =	vmax.f32 v2, $0.0e+00;
	v1 =	vmax.f32 v1, $0.0e+00  }
0x20d: {  	v1 =	vadd.f32 v4, v1;
	v2 =	vadd.f32 v5, v2;
	_ =	sdelay $0x1  }
0x20e: {  	v1 =	vadd.f32 $9.999999970e-07, v1;
	v2 =	vadd.f32 $9.999999970e-07, v2;
	_ =	sdelay $0x1  }
0x20f: {  	v4 =	vmul.f32 v2, v1;
	_ =	sdelay $0x1  }
0x210: {  	v5 =	vand.u32 $0x7FFFFF, v4  }
0x211: {  	v5 =	vor.u32 $0x3F000000, v5  }
0x212: {  	vm0 =	vlt.f32 v5, $7.071067690e-01  }
0x213: {  	v8 =	vnsel vm0, $0x80000000, v5  }
0x214: {  	v5 =	vadd.f32 v5, v8;
	_ =	sdelay $0x1  }
0x215: {  	v5 =	vadd.f32 $-1.000000000e+00, v5;
	_ =	sdelay $0x1  }
0x216: {  	v8 =	vmul.f32 $7.037683580e-02, v5;
	_ =	sdelay $0x1  }
0x217: {  	v8 =	vadd.f32 $-1.151461010e-01, v8;
	_ =	sdelay $0x1  }
0x218: {  	v8 =	vmul.f32 v8, v5  }
0x219: {  	v16 =	vadd.f32 $1.167699840e-01, v20  }
0x21a: {  	v8 =	vadd.f32 $1.167699840e-01, v8  }
0x21b: {  	v16 =	vmul.f32 v16, v3  }
0x21c: {  	v8 =	vmul.f32 v8, v5  }
0x21d: {  	v16 =	vadd.f32 $-1.242014100e-01, v16  }
0x21e: {  	v8 =	vadd.f32 $-1.242014100e-01, v8  }
0x21f: {  	v16 =	vmul.f32 v16, v3  }
0x220: {  	v8 =	vmul.f32 v8, v5  }
0x221: {  	(erf) = vrcp.f32 v7;
	v16 =	vadd.f32 $1.424932330e-01, v16  }
0x222: {  	(erf) = vrcp.f32 v1;
	v1 =	vadd.f32 $1.424932330e-01, v8  }
0x223: {  	v7 =	vmul.f32 v16, v3  }
0x224: {  	v1 =	vmul.f32 v1, v5  }
0x225: {  	v7 =	vadd.f32 $-1.666805740e-01, v7  }
0x226: {  	v8 =	vsub.f32 v18, v19;
	v1 =	vadd.f32 $-1.666805740e-01, v1  }
0x227: {  	v6 =	vshra.s32 v6, $0x17;
	v7 =	vmul.f32 v7, v3  }
0x228: {  	v6 =	vadd.s32 v6, v12;
	[tilespmem:s23+$0x1000] =	vst v8;
	v1 =	vmul.f32 v1, v5  }
0x229: {  	v6 =	vcvt.s32.f32 v6;
	(erf) = vrcp.f32 v2;
	v7 =	vadd.f32 $2.000071410e-01, v7;
	v12 =	vld [tilespmem:s24+$0x800]  }
0x22a: {  	v2 =	vsub.f32 v14, v15;
	v14 =	vmul.f32 $5.000000000e-01, v10;
	v16 =	vld [tilespmem:s24+$0xE00];
	v1 =	vadd.f32 $2.000071410e-01, v1  }
0x22b: {  	v10 =	vmul.f32 v10, v3;
	v7 =	vmul.f32 v7, v3;
	v8 =	vsub.f32 v11, v17;
	v17 =	vld [tilespmem:s24+$0x400]  }
0x22c: {  	v2 =	vsub.f32 v2, v9;
	v11 =	vmul.f32 v13, v13;
	v13 =	vpop (erf);
	v1 =	vmul.f32 v1, v5  }
0x22d: {  	v9 =	vmul.f32 $2.121944420e-04, v6;
	v4 =	vshra.s32 v4, $0x17;
	v7 =	vadd.f32 $-2.499999400e-01, v7;
	v15 =	vpop (erf)  }
0x22e: {  	v18 =	vsel vm0, $0xFFFFFF81, v0;
	v8 =	vmul.f32 v15, v8;
	v1 =	vadd.f32 $-2.499999400e-01, v1  }
0x22f: {  	v7 =	vmul.f32 v7, v3;
	v4 =	vadd.s32 v4, v18;
	v15 =	vmul.f32 v5, v5  }
0x230: {  	v12 =	vmul.f32 v8, v12;
	v16 =	vsub.f32 v16, v17;
	v1 =	vmul.f32 v1, v5  }
0x231: {  	v7 =	vadd.f32 $3.333333130e-01, v7;
	v4 =	vcvt.s32.f32 v4;
	v2 =	vmul.f32 v2, v13  }
0x232: {  	v13 =	vmul.f32 v15, v5;
	v12 =	vsub.f32 v16, v12;
	v1 =	vadd.f32 $3.333333130e-01, v1  }
0x233: {  	v7 =	vmul.f32 v7, v10;
	v10 =	vpop (erf);
	v16 =	vmul.f32 $2.121944420e-04, v4  }
0x234: {  	v10 =	vmul.f32 v12, v10;
	v1 =	vmul.f32 v1, v13  }
0x235: {  	v7 =	vsub.f32 v7, v9;
	v2 =	vmul.f32 v2, v2;
	v9 =	vmul.f32 $5.000000000e-01, v15  }
0x236: {  	v8 =	vmul.f32 v8, v8;
	v10 =	vmul.f32 v10, v10;
	v1 =	vsub.f32 v1, v16  }
0x237: {  	v7 =	vsub.f32 v7, v14;
	v2 =	vadd.f32 v2, v11  }
0x238: {  	v8 =	vadd.f32 v10, v8;
	v1 =	vsub.f32 v1, v9  }
0x239: {  	v6 =	vmul.f32 $6.933593750e-01, v6;
	v3 =	vadd.f32 v7, v3;
	v2 =	vmul.f32 $5.000000000e-01, v2  }
0x23a: {  	v4 =	vmul.f32 $6.933593750e-01, v4;
	v7 =	vmul.f32 $5.000000000e-01, v8;
	v1 =	vadd.f32 v1, v5  }
0x23b: {  	v3 =	vadd.f32 v3, v6;
	v2 =	vsub.f32 $-1.837877040e+00, v2  }
0x23c: {  	v5 =	vsub.f32 $-1.837877040e+00, v7;
	v1 =	vadd.f32 v1, v4  }
0x23d: {  	v2 =	vsub.f32 v2, v3  }
0x23e: {  	v1 =	vsub.f32 v5, v1  }
0x23f: {  	[tilespmem:s22+$0x1000] =	vst v2  }
0x240: {  	[tilespmem:s24+$0x1000] =	vst v1  }
0x241: {  	_ =	swait.ge [sflag:s17], $0x80  }
0x242: {  	[sflag:s17] =	ssyncset.done $0x0  }
0x243: {  	[sflag:s17] =	ssyncadd.s32 $0xFFFFFF80  }
0x244: {  	_ =	swait.ge [sflag:s17], $0x80  }
0x245: {  	[sflag:s17] =	ssyncset.done $0x0  }
0x246: {  	[sflag:s17] =	ssyncadd.s32 $0xFFFFFF80  }
0x247: {  	_ =	swait.ge [sflag:s17], $0x80  }
0x248: {  	[sflag:s17] =	ssyncset.done $0x0  }
0x249: {  	s23 =	simm.s32 $0x100;
	[sflag:s17] =	ssyncadd.s32 $0xFFFFFF80  }
0x24a: {  	v1 =	vld [tilespmem:s23+$0x600]  }
0x24b: {  	v2 =	vld [tilespmem:s23+$0xA00];
	_ =	sdelay $0x3  }
0x24c: {  	v3 =	vand.u32 $0x7FFFFFFF, v1  }
0x24d: {  	v4 =	vand.u32 $0x7FFFFFFF, v2;
	v3 =	vsub.f32 $0.0e+00, v3  }
0x24e: {  	v4 =	vsub.f32 $0.0e+00, v4  }
0x24f: {  	v3 =	vmul.f32 $1.442695020e+00, v3  }
0x250: {  	v4 =	vmul.f32 $1.442695020e+00, v4  }
0x251: {  	(erf) = vpow2.f32 v3  }
0x252: {  	(erf) = vpow2.f32 v4;
	_ =	sdelay $0x7  }
0x253: {  	v3 =	vpop (erf)  }
0x254: {  	v5 =	vadd.f32 $1.000000000e+00, v3;
	v3 =	vpop (erf)  }
0x255: {  	v6 =	vadd.f32 $1.000000000e+00, v3  }
0x256: {  	v3 =	vand.u32 $0x7FFFFF, v5  }
0x257: {  	v3 =	vor.u32 $0x3F000000, v3;
	v4 =	vand.u32 $0x7FFFFF, v6  }
0x258: {  	vm1 =	vlt.f32 v3, $7.071067690e-01;
	v4 =	vor.u32 $0x3F000000, v4  }
0x259: {  	v7 =	vnsel vm1, $0x80000000, v3;
	vm10 =	vlt.f32 v4, $7.071067690e-01  }
0x25a: {  	v3 =	vadd.f32 v3, v7;
	v7 =	vnsel vm10, $0x80000000, v4  }
0x25b: {  	v4 =	vadd.f32 v4, v7  }
0x25c: {  	v7 =	vadd.f32 $-1.000000000e+00, v3  }
0x25d: {  	v8 =	vadd.f32 $-1.000000000e+00, v4  }
0x25e: {  	v3 =	vmul.f32 $7.037683580e-02, v7  }
0x25f: {  	v4 =	vmul.f32 $7.037683580e-02, v8  }
0x260: {  	v3 =	vadd.f32 $-1.151461010e-01, v3  }
0x261: {  	v4 =	vadd.f32 $-1.151461010e-01, v4  }
0x262: {  	v3 =	vmul.f32 v3, v7  }
0x263: {  	v4 =	vmul.f32 v4, v8  }
0x264: {  	v3 =	vadd.f32 $1.167699840e-01, v3  }
0x265: {  	v4 =	vadd.f32 $1.167699840e-01, v4  }
0x266: {  	v3 =	vmul.f32 v3, v7  }
0x267: {  	v4 =	vmul.f32 v4, v8  }
0x268: {  	v3 =	vadd.f32 $-1.242014100e-01, v3  }
0x269: {  	v4 =	vadd.f32 $-1.242014100e-01, v4  }
0x26a: {  	v3 =	vmul.f32 v3, v7  }
0x26b: {  	v4 =	vmul.f32 v4, v8  }
0x26c: {  	s22 =	simm.s32 $0x110;
	v9 =	vadd.f32 $1.424932330e-01, v3  }
0x26d: {  	v3 =	vld [tilespmem:s22+$0x600];
	v4 =	vadd.f32 $1.424932330e-01, v4  }
0x26e: {  	v9 =	vmul.f32 v9, v7  }
0x26f: {  	v10 =	vmul.f32 v4, v8;
	v4 =	vld [tilespmem:s22+$0xA00]  }
0x270: {  	v9 =	vadd.f32 $-1.666805740e-01, v9;
	_ =	sdelay $0x1  }
0x271: {  	v10 =	vadd.f32 $-1.666805740e-01, v10;
	v11 =	vand.u32 $0x7FFFFFFF, v3;
	v9 =	vmul.f32 v9, v7  }
0x272: {  	v11 =	vsub.f32 $0.0e+00, v11  }
0x273: {  	v10 =	vmul.f32 v10, v8;
	v12 =	vand.u32 $0x7FFFFFFF, v4;
	v9 =	vadd.f32 $2.000071410e-01, v9  }
0x274: {  	v5 =	vshra.s32 v5, $0x17;
	v12 =	vsub.f32 $0.0e+00, v12  }
0x275: {  	v11 =	vmul.f32 $1.442695020e+00, v11;
	v10 =	vadd.f32 $2.000071410e-01, v10;
	v9 =	vmul.f32 v9, v7  }
0x276: {  	v6 =	vshra.s32 v6, $0x17;
	v13 =	vsel vm1, $0xFFFFFF81, v0;
	v12 =	vmul.f32 $1.442695020e+00, v12  }
0x277: {  	(erf) = vpow2.f32 v11;
	v10 =	vmul.f32 v10, v8;
	v9 =	vadd.f32 $-2.499999400e-01, v9  }
0x278: {  	v5 =	vadd.s32 v5, v13;
	v11 =	vmul.f32 v7, v7;
	(erf) = vpow2.f32 v12  }
0x279: {  	v10 =	vadd.f32 $-2.499999400e-01, v10;
	v12 =	vsel vm10, $0xFFFFFF81, v0;
	v9 =	vmul.f32 v9, v7  }
0x27a: {  	v5 =	vcvt.s32.f32 v5;
	v13 =	vmul.f32 v8, v8;
	v6 =	vadd.s32 v6, v12  }
0x27b: {  	v12 =	vmul.f32 v11, v7;
	v10 =	vmul.f32 v10, v8;
	v9 =	vadd.f32 $3.333333130e-01, v9  }
0x27c: {  	v14 =	vmul.f32 v13, v8;
	v6 =	vcvt.s32.f32 v6  }
0x27d: {  	v10 =	vadd.f32 $3.333333130e-01, v10;
	v9 =	vmul.f32 v9, v12;
	v12 =	vmul.f32 $2.121944420e-04, v5;
	_ =	sdelay $0x1  }
0x27e: {  	v15 =	vmul.f32 $2.121944420e-04, v6;
	v10 =	vmul.f32 v10, v14  }
0x27f: {  	v11 =	vmul.f32 $5.000000000e-01, v11;
	v9 =	vsub.f32 v9, v12  }
0x280: {  	v2 =	vmax.f32 v2, $0.0e+00;
	v13 =	vmul.f32 $5.000000000e-01, v13;
	v10 =	vsub.f32 v10, v15;
	v12 =	vpop (erf)  }
0x281: {  	v1 =	vmax.f32 v1, $0.0e+00;
	v9 =	vsub.f32 v9, v11;
	v12 =	vadd.f32 $1.000000000e+00, v12;
	v14 =	vpop (erf)  }
0x282: {  	v6 =	vmul.f32 $6.933593750e-01, v6;
	v10 =	vsub.f32 v10, v13;
	v11 =	vadd.f32 $1.000000000e+00, v14  }
0x283: {  	v5 =	vmul.f32 $6.933593750e-01, v5;
	v7 =	vadd.f32 v9, v7;
	v13 =	vand.u32 $0x7FFFFF, v12  }
0x284: {  	v8 =	vadd.f32 v10, v8;
	v9 =	vor.u32 $0x3F000000, v13;
	v13 =	vand.u32 $0x7FFFFF, v11  }
0x285: {  	v5 =	vadd.f32 v7, v5;
	vm2 =	vlt.f32 v9, $7.071067690e-01;
	v10 =	vor.u32 $0x3F000000, v13  }
0x286: {  	v6 =	vadd.f32 v8, v6;
	v7 =	vnsel vm2, $0x80000000, v9;
	vm11 =	vlt.f32 v10, $7.071067690e-01  }
0x287: {  	v1 =	vadd.f32 v5, v1;
	v7 =	vadd.f32 v9, v7;
	v8 =	vnsel vm11, $0x80000000, v10  }
0x288: {  	v14 =	vld [tilespmem:s23+$0x200];
	v2 =	vadd.f32 v6, v2;
	v5 =	vadd.f32 v10, v8  }
0x289: {  	v13 =	vld [tilespmem:s23+$0xC00];
	v1 =	vadd.f32 $9.999999970e-07, v1;
	v6 =	vadd.f32 $-1.000000000e+00, v7  }
0x28a: {  	v7 =	vadd.f32 $9.999999970e-07, v2;
	v5 =	vadd.f32 $-1.000000000e+00, v5  }
0x28b: {  	(erf) = vrcp.f32 v1;
	v2 =	vmul.f32 $7.037683580e-02, v6  }
0x28c: {  	v9 =	vmul.f32 v7, v1;
	v8 =	vmul.f32 $7.037683580e-02, v5  }
0x28d: {  	v12 =	vshra.s32 v12, $0x17;
	v15 =	vsel vm2, $0xFFFFFF81, v0;
	v2 =	vadd.f32 $-1.151461010e-01, v2  }
0x28e: {  	v13 =	vsub.f32 v13, v14;
	v10 =	vand.u32 $0x7FFFFF, v9;
	v8 =	vadd.f32 $-1.151461010e-01, v8  }
0x28f: {  	(erf) = vrcp.f32 v7;
	v1 =	vmul.f32 v2, v6;
	v2 =	vor.u32 $0x3F000000, v10  }
0x290: {  	v59 =	vmul.f32 v5, v5;
	v8 =	vmul.f32 v8, v5;
	vm12 =	vlt.f32 v2, $7.071067690e-01  }
0x291: {  	v9 =	vshra.s32 v9, $0x17;
	v1 =	vadd.f32 $1.167699840e-01, v1;
	v10 =	vnsel vm12, $0x80000000, v2  }
0x292: {  	v21 =	vsel vm12, $0xFFFFFF81, v0;
	v8 =	vadd.f32 $1.167699840e-01, v8;
	v2 =	vadd.f32 v2, v10  }
0x293: {  	v61 =	vmul.f32 v59, v5;
	v9 =	vadd.s32 v9, v21;
	v1 =	vmul.f32 v1, v6  }
0x294: {  	v16 =	vld [tilespmem:s23+$0x800];
	v9 =	vcvt.s32.f32 v9;
	v8 =	vmul.f32 v8, v5;
	v10 =	vadd.f32 $-1.000000000e+00, v2  }
0x295: {  	v14 =	vpop (erf);
	v2 =	vshra.s32 v11, $0x17;
	v11 =	vadd.s32 v12, v15;
	v1 =	vadd.f32 $-1.242014100e-01, v1  }
0x296: {  	v17 =	vld [tilespmem:s23+$0x400];
	v13 =	vmul.f32 v14, v13;
	v8 =	vadd.f32 $-1.242014100e-01, v8;
	v18 =	vmul.f32 $7.037683580e-02, v10  }
0x297: {  	v19 =	vld [tilespmem:s22+$0x200];
	v12 =	vsel vm11, $0xFFFFFF81, v0;
	v11 =	vcvt.s32.f32 v11;
	v1 =	vmul.f32 v1, v6  }
0x298: {  	s24 =	simm.s32 $0x120;
	v15 =	vld [tilespmem:s23+$0xE00];
	v2 =	vadd.s32 v2, v12;
	v8 =	vmul.f32 v8, v5;
	v18 =	vadd.f32 $-1.151461010e-01, v18  }
0x299: {  	v20 =	vcvt.s32.f32 v2;
	v16 =	vmul.f32 v13, v16;
	v2 =	vadd.f32 $1.424932330e-01, v1;
	v1 =	vld [tilespmem:s24+$0x600]  }
0x29a: {  	v12 =	vld [tilespmem:s22+$0xC00];
	v13 =	vmul.f32 v13, v13;
	v8 =	vadd.f32 $1.424932330e-01, v8;
	v14 =	vmul.f32 v18, v10  }
0x29b: {  	v23 =	vmul.f32 $6.933593750e-01, v11;
	v22 =	vmul.f32 v2, v6;
	v2 =	vld [tilespmem:s24+$0xA00]  }
0x29c: {  	v11 =	vmul.f32 $2.121944420e-04, v11;
	v8 =	vmul.f32 v8, v5;
	v14 =	vadd.f32 $1.167699840e-01, v14  }
0x29d: {  	v15 =	vsub.f32 v15, v17;
	v18 =	vmul.f32 v10, v10;
	v17 =	vadd.f32 $-1.666805740e-01, v22  }
0x29e: {  	v8 =	vadd.f32 $-1.666805740e-01, v8;
	v14 =	vmul.f32 v14, v10;
	v22 =	vand.u32 $0x7FFFFFFF, v1  }
0x29f: {  	v12 =	vsub.f32 v12, v19;
	v17 =	vmul.f32 v17, v6;
	v7 =	vsub.f32 $0.0e+00, v22  }
0x2a0: {  	v8 =	vmul.f32 v8, v5;
	v14 =	vadd.f32 $-1.242014100e-01, v14;
	v22 =	vand.u32 $0x7FFFFFFF, v2  }
0x2a1: {  	v19 =	vmul.f32 $2.121944420e-04, v20;
	v17 =	vadd.f32 $2.000071410e-01, v17;
	v22 =	vsub.f32 $0.0e+00, v22  }
0x2a2: {  	v7 =	vmul.f32 $1.442695020e+00, v7;
	v8 =	vadd.f32 $2.000071410e-01, v8;
	v14 =	vmul.f32 v14, v10  }
0x2a3: {  	v17 =	vmul.f32 v17, v6;
	v22 =	vmul.f32 $1.442695020e+00, v22  }
0x2a4: {  	(erf) = vpow2.f32 v7;
	v8 =	vmul.f32 v8, v5  }
0x2a5: {  	v14 =	vadd.f32 $1.424932330e-01, v14;
	v7 =	vadd.f32 $-2.499999400e-01, v17;
	(erf) = vpow2.f32 v22  }
0x2a6: {  	v15 =	vsub.f32 v15, v16;
	v22 =	vmul.f32 v6, v6;
	v8 =	vadd.f32 $-2.499999400e-01, v8  }
0x2a7: {  	v21 =	vpop (erf);
	v14 =	vmul.f32 v14, v10;
	v7 =	vmul.f32 v7, v6  }
0x2a8: {  	v15 =	vmul.f32 v15, v21;
	v8 =	vmul.f32 v8, v5  }
0x2a9: {  	v60 =	vmul.f32 v22, v6;
	v14 =	vadd.f32 $-1.666805740e-01, v14;
	v7 =	vadd.f32 $3.333333130e-01, v7  }
0x2aa: {  	v20 =	vmul.f32 $6.933593750e-01, v20;
	v15 =	vmul.f32 v15, v15;
	v8 =	vadd.f32 $3.333333130e-01, v8  }
0x2ab: {  	v3 =	vmax.f32 v3, $0.0e+00;
	v14 =	vmul.f32 v14, v10;
	v7 =	vmul.f32 v7, v60  }
0x2ac: {  	v4 =	vmax.f32 v4, $0.0e+00;
	v17 =	vmul.f32 $5.000000000e-01, v18;
	v8 =	vmul.f32 v8, v61  }
0x2ad: {  	v14 =	vadd.f32 $2.000071410e-01, v14;
	v16 =	vpop (erf);
	v7 =	vsub.f32 v7, v11;
	v11 =	vmul.f32 $5.000000000e-01, v22  }
0x2ae: {  	v16 =	vadd.f32 $1.000000000e+00, v16;
	v8 =	vsub.f32 v8, v19;
	v19 =	vmul.f32 $5.000000000e-01, v59;
	v62 =	vpop (erf)  }
0x2af: {  	v7 =	vsub.f32 v7, v11;
	v11 =	vmul.f32 v14, v10;
	v14 =	vadd.f32 $1.000000000e+00, v62  }
0x2b0: {  	v8 =	vsub.f32 v8, v19;
	v19 =	vshra.s32 v16, $0x17;
	v16 =	vand.u32 $0x7FFFFF, v16  }
0x2b1: {  	v6 =	vadd.f32 v7, v6;
	v7 =	vor.u32 $0x3F000000, v16;
	v16 =	vand.u32 $0x7FFFFF, v14  }
0x2b2: {  	v5 =	vadd.f32 v8, v5;
	vm13 =	vlt.f32 v7, $7.071067690e-01;
	v8 =	vor.u32 $0x3F000000, v16  }
0x2b3: {  	v6 =	vadd.f32 v6, v23;
	v16 =	vnsel vm13, $0x80000000, v7;
	vm14 =	vlt.f32 v8, $7.071067690e-01  }
0x2b4: {  	v5 =	vadd.f32 v5, v20;
	v7 =	vadd.f32 v7, v16;
	v16 =	vnsel vm14, $0x80000000, v8  }
0x2b5: {  	v18 =	vmul.f32 v18, v10;
	v3 =	vadd.f32 v6, v3;
	v6 =	vadd.f32 v8, v16  }
0x2b6: {  	v8 =	vadd.f32 v5, v4;
	v5 =	vsel vm13, $0xFFFFFF81, v0;
	v4 =	vadd.f32 $-1.000000000e+00, v7  }
0x2b7: {  	v3 =	vadd.f32 $9.999999970e-07, v3;
	v16 =	vadd.s32 v19, v5;
	v5 =	vadd.f32 $-1.000000000e+00, v6  }
0x2b8: {  	v22 =	vmul.f32 $6.933593750e-01, v9;
	v7 =	vadd.f32 $9.999999970e-07, v8;
	v8 =	vmul.f32 $7.037683580e-02, v4  }
0x2b9: {  	v11 =	vadd.f32 $-2.499999400e-01, v11;
	(erf) = vrcp.f32 v3;
	v20 =	vmul.f32 $7.037683580e-02, v5  }
0x2ba: {  	v9 =	vmul.f32 $2.121944420e-04, v9;
	v6 =	vmul.f32 v7, v3;
	v3 =	vadd.f32 $-1.151461010e-01, v8  }
0x2bb: {  	v11 =	vmul.f32 v11, v10;
	v8 =	vcvt.s32.f32 v16;
	v16 =	vadd.f32 $-1.151461010e-01, v20  }
0x2bc: {  	v14 =	vshra.s32 v14, $0x17;
	v20 =	vand.u32 $0x7FFFFF, v6;
	v3 =	vmul.f32 v3, v4  }
0x2bd: {  	v11 =	vadd.f32 $3.333333130e-01, v11;
	v20 =	vor.u32 $0x3F000000, v20;
	v16 =	vmul.f32 v16, v5  }
0x2be: {  	v19 =	vsel vm14, $0xFFFFFF81, v0;
	vm15 =	vlt.f32 v20, $7.071067690e-01;
	v3 =	vadd.f32 $1.167699840e-01, v3  }
0x2bf: {  	v11 =	vmul.f32 v11, v18;
	v21 =	vnsel vm15, $0x80000000, v20;
	v16 =	vadd.f32 $1.167699840e-01, v16  }
0x2c0: {  	v14 =	vadd.s32 v14, v19;
	v19 =	vadd.f32 v20, v21;
	v20 =	vmul.f32 v3, v4  }
0x2c1: {  	v15 =	vadd.f32 v15, v13;
	v18 =	vld [tilespmem:s22+$0x800];
	v9 =	vsub.f32 v11, v9;
	v11 =	vmul.f32 v16, v5  }
0x2c2: {  	v16 =	vcvt.s32.f32 v14;
	v3 =	vadd.f32 $-1.000000000e+00, v19;
	v13 =	vpop (erf);
	v19 =	vadd.f32 $-1.242014100e-01, v20  }
0x2c3: {  	v14 =	vld [tilespmem:s22+$0xE00];
	v13 =	vmul.f32 v13, v12;
	v12 =	vsub.f32 v9, v17;
	v11 =	vadd.f32 $-1.242014100e-01, v11  }
0x2c4: {  	v20 =	vmul.f32 $5.000000000e-01, v15;
	v15 =	vld [tilespmem:s22+$0x400];
	v17 =	vmul.f32 $7.037683580e-02, v3  }
0x2c5: {  	v19 =	vmul.f32 v19, v4;
	v12 =	vadd.f32 v12, v10;
	v23 =	vmul.f32 v11, v5;
	v11 =	vld [tilespmem:s24+$0xC00]  }
0x2c6: {  	v9 =	vmul.f32 v13, v18;
	v18 =	vsub.f32 $-1.837877040e+00, v20;
	v63 =	vadd.f32 $-1.151461010e-01, v17;
	v17 =	vld [tilespmem:s24+$0x200]  }
0x2c7: {  	v10 =	vmul.f32 v3, v3;
	v21 =	vadd.f32 $1.424932330e-01, v19;
	v19 =	vadd.f32 v12, v22  }
0x2c8: {  	s26 =	simm.s32 $0x4C0;
	v22 =	vadd.f32 $1.424932330e-01, v23;
	v12 =	vsel vm15, $0xFFFFFF81, v0;
	v20 =	vmul.f32 v63, v3  }
.LBB2_6:
0x2c9: {  	s28 =	sshra.s32 s26, $0x2;
	p0 =	sne.s32 s26, $0x5C0;
	s26 =	sadd.s32 $0x40, s26;
	v18 =	vsub.f32 v18, v19  }
0x2ca: {  	v21 =	vmul.f32 v21, v4;
	v19 =	vld [tilespmem:s28+$0x600];
	v22 =	vmul.f32 v22, v5;
	v20 =	vadd.f32 $1.167699840e-01, v20  }
0x2cb: {  	v24 =	vmul.f32 $6.933593750e-01, v8;
	v14 =	vsub.f32 v14, v15;
	v23 =	vld [tilespmem:s28+$0xA00];
	v11 =	vsub.f32 v11, v17;
	[tilespmem:s23+$0x1000] =	vst v18;
	s23 =	smov.u32 s22;
	s22 =	smov.u32 s24;
	s24 =	smov.u32 s28  }
0x2cc: {  	v15 =	vadd.f32 $-1.666805740e-01, v21;
	v17 =	vadd.f32 $-1.666805740e-01, v22;
	v18 =	vmul.f32 v20, v3  }
0x2cd: {  	v21 =	vmul.f32 $2.121944420e-04, v16;
	v16 =	vmul.f32 $6.933593750e-01, v16;
	v20 =	vmax.f32 v2, $0.0e+00  }
0x2ce: {  	v25 =	vmul.f32 v15, v4;
	v15 =	vmul.f32 v17, v5;
	v17 =	vadd.f32 $-1.242014100e-01, v18  }
0x2cf: {  	v13 =	vmul.f32 v13, v13;
	v18 =	vand.u32 $0x7FFFFFFF, v19;
	(erf) = vrcp.f32 v7  }
0x2d0: {  	v22 =	vadd.f32 $2.000071410e-01, v25;
	v7 =	vsub.f32 $0.0e+00, v18;
	v18 =	vand.u32 $0x7FFFFFFF, v23;
	v2 =	vmovc v23  }
0x2d1: {  	v15 =	vadd.f32 $2.000071410e-01, v15;
	v17 =	vmul.f32 v17, v3;
	v18 =	vsub.f32 $0.0e+00, v18  }
0x2d2: {  	v23 =	vmax.f32 v1, $0.0e+00;
	v1 =	vmovc v19;
	v22 =	vmul.f32 v22, v4;
	v7 =	vmul.f32 $1.442695020e+00, v7  }
0x2d3: {  	v15 =	vmul.f32 v15, v5;
	v17 =	vadd.f32 $1.424932330e-01, v17;
	v18 =	vmul.f32 $1.442695020e+00, v18  }
0x2d4: {  	v19 =	vmul.f32 $5.000000000e-01, v10;
	(erf) = vpow2.f32 v7;
	v7 =	vadd.f32 $-2.499999400e-01, v22  }
0x2d5: {  	v15 =	vadd.f32 $-2.499999400e-01, v15;
	v17 =	vmul.f32 v17, v3;
	(erf) = vpow2.f32 v18  }
0x2d6: {  	v6 =	vshra.s32 v6, $0x17;
	v18 =	vmul.f32 v4, v4;
	v7 =	vmul.f32 v7, v4  }
0x2d7: {  	v22 =	vmul.f32 v5, v5;
	v15 =	vmul.f32 v15, v5;
	v17 =	vadd.f32 $-1.666805740e-01, v17  }
0x2d8: {  	v10 =	vmul.f32 v10, v3;
	v25 =	vmul.f32 v18, v4;
	v7 =	vadd.f32 $3.333333130e-01, v7;
	v26 =	vpop (erf)  }
0x2d9: {  	v27 =	vmul.f32 v22, v5;
	v15 =	vadd.f32 $3.333333130e-01, v15;
	v17 =	vmul.f32 v17, v3  }
0x2da: {  	v8 =	vmul.f32 $2.121944420e-04, v8;
	v6 =	vadd.s32 v6, v12;
	v7 =	vmul.f32 v7, v25  }
0x2db: {  	v6 =	vcvt.s32.f32 v6;
	v12 =	vmul.f32 v15, v27;
	v15 =	vadd.f32 $2.000071410e-01, v17  }
0x2dc: {  	v9 =	vsub.f32 v14, v9;
	v7 =	vsub.f32 v7, v8;
	v8 =	vmul.f32 $5.000000000e-01, v18  }
0x2dd: {  	v17 =	vmul.f32 $5.000000000e-01, v22;
	v22 =	vmul.f32 $6.933593750e-01, v6;
	v12 =	vsub.f32 v12, v21;
	v14 =	vpop (erf)  }
0x2de: {  	v14 =	vadd.f32 $1.000000000e+00, v14;
	v18 =	vpop (erf);
	v7 =	vsub.f32 v7, v8;
	v8 =	vmul.f32 v15, v3  }
0x2df: {  	v12 =	vsub.f32 v12, v17;
	v17 =	vmul.f32 $2.121944420e-04, v6;
	v15 =	vadd.f32 $1.000000000e+00, v18  }
0x2e0: {  	v6 =	vshra.s32 v14, $0x17;
	v14 =	vand.u32 $0x7FFFFF, v14;
	v4 =	vadd.f32 v7, v4  }
0x2e1: {  	v5 =	vadd.f32 v12, v5;
	v7 =	vor.u32 $0x3F000000, v14;
	v14 =	vand.u32 $0x7FFFFF, v15  }
0x2e2: {  	vm0 =	vlt.f32 v7, $7.071067690e-01;
	v12 =	vor.u32 $0x3F000000, v14;
	v4 =	vadd.f32 v4, v24  }
0x2e3: {  	v5 =	vadd.f32 v5, v16;
	v14 =	vnsel vm0, $0x80000000, v7;
	vm1 =	vlt.f32 v12, $7.071067690e-01  }
0x2e4: {  	v7 =	vadd.f32 v7, v14;
	v14 =	vnsel vm1, $0x80000000, v12;
	v16 =	vadd.f32 v4, v23  }
0x2e5: {  	v15 =	vshra.s32 v15, $0x17;
	v12 =	vadd.f32 v12, v14;
	v14 =	vadd.f32 v5, v20  }
0x2e6: {  	v5 =	vsel vm0, $0xFFFFFF81, v0;
	v4 =	vadd.f32 $-1.000000000e+00, v7;
	v16 =	vadd.f32 $9.999999970e-07, v16  }
0x2e7: {  	v18 =	vadd.s32 v6, v5;
	v5 =	vadd.f32 $-1.000000000e+00, v12;
	v7 =	vadd.f32 $9.999999970e-07, v14  }
0x2e8: {  	v8 =	vadd.f32 $-2.499999400e-01, v8;
	v12 =	vmul.f32 $7.037683580e-02, v4;
	(erf) = vrcp.f32 v16  }
0x2e9: {  	v14 =	vsel vm1, $0xFFFFFF81, v0;
	v20 =	vmul.f32 $7.037683580e-02, v5;
	v6 =	vmul.f32 v7, v16  }
0x2ea: {  	v9 =	vmul.f32 v9, v26;
	v16 =	vmul.f32 v8, v3;
	v12 =	vadd.f32 $-1.151461010e-01, v12  }
0x2eb: {  	v8 =	vcvt.s32.f32 v18;
	v18 =	vadd.f32 $-1.151461010e-01, v20;
	v20 =	vand.u32 $0x7FFFFF, v6  }
0x2ec: {  	v16 =	vadd.f32 $3.333333130e-01, v16;
	v12 =	vmul.f32 v12, v4;
	v20 =	vor.u32 $0x3F000000, v20  }
0x2ed: {  	v9 =	vmul.f32 v9, v9;
	v18 =	vmul.f32 v18, v5;
	vm0 =	vlt.f32 v20, $7.071067690e-01  }
0x2ee: {  	v10 =	vmul.f32 v16, v10;
	v12 =	vadd.f32 $1.167699840e-01, v12;
	v21 =	vnsel vm0, $0x80000000, v20  }
0x2ef: {  	v14 =	vadd.s32 v15, v14;
	v15 =	vadd.f32 $1.167699840e-01, v18;
	v18 =	vld [tilespmem:s22+$0x800];
	v20 =	vadd.f32 v20, v21  }
0x2f0: {  	v9 =	vadd.f32 v9, v13;
	v10 =	vsub.f32 v10, v17;
	v12 =	vmul.f32 v12, v4  }
0x2f1: {  	v16 =	vcvt.s32.f32 v14;
	v15 =	vmul.f32 v15, v5;
	v20 =	vadd.f32 $-1.000000000e+00, v20;
	v13 =	vpop (erf)  }
0x2f2: {  	v10 =	vsub.f32 v10, v19;
	v12 =	vadd.f32 $-1.242014100e-01, v12;
	v14 =	vld [tilespmem:s22+$0xE00];
	v13 =	vmul.f32 v13, v11  }
.Ltmp2:
0x2f3: {  	v23 =	vmul.f32 $5.000000000e-01, v9;
	v19 =	vadd.f32 $-1.242014100e-01, v15;
	v15 =	vld [tilespmem:s22+$0x400];
	v21 =	vmul.f32 $7.037683580e-02, v20;
	(pc) =	sbr.rel @p0 .LBB2_6-.Ltmp2, $4  }
0x2f4: {  	v24 =	vadd.f32 v10, v3;
	v3 =	vmovc v20;
	v11 =	vld [tilespmem:s24+$0xC00];
	v12 =	vmul.f32 v12, v4;
	v9 =	vmul.f32 v13, v18  }
0x2f5: {  	v18 =	vsub.f32 $-1.837877040e+00, v23;
	v17 =	vld [tilespmem:s24+$0x200];
	v25 =	vmul.f32 v19, v5;
	v26 =	vadd.f32 $-1.151461010e-01, v21  }
0x2f6: {  	v10 =	vmul.f32 v20, v3;
	v19 =	vadd.f32 v24, v22;
	v21 =	vadd.f32 $1.424932330e-01, v12  }
0x2f7: {  	v12 =	vsel vm0, $0xFFFFFF81, v0;
	v22 =	vadd.f32 $1.424932330e-01, v25;
	v20 =	vmul.f32 v26, v3  }
0x2f8: {  	_ = 	snop  }
0x2f9: {  	v21 =	vmul.f32 v21, v4;
	v22 =	vmul.f32 v22, v5;
	_ =	sdelay $0x1  }
0x2fa: {  	v21 =	vadd.f32 $-1.666805740e-01, v21;
	v22 =	vadd.f32 $-1.666805740e-01, v22;
	_ =	sdelay $0x1  }
0x2fb: {  	v21 =	vmul.f32 v21, v4;
	v22 =	vmul.f32 v22, v5;
	_ =	sdelay $0x1  }
0x2fc: {  	v21 =	vadd.f32 $2.000071410e-01, v21;
	v22 =	vadd.f32 $2.000071410e-01, v22;
	_ =	sdelay $0x1  }
0x2fd: {  	v21 =	vmul.f32 v21, v4;
	v22 =	vmul.f32 v22, v5;
	_ =	sdelay $0x1  }
0x2fe: {  	v21 =	vadd.f32 $-2.499999400e-01, v21;
	v22 =	vadd.f32 $-2.499999400e-01, v22  }
0x2ff: {  	v23 =	vmul.f32 v4, v4;
	v24 =	vmul.f32 v5, v5  }
0x300: {  	v21 =	vmul.f32 v21, v4;
	v22 =	vmul.f32 v22, v5  }
0x301: {  	v25 =	vmul.f32 v23, v4  }
0x302: {  	v26 =	vmul.f32 v24, v5;
	v21 =	vadd.f32 $3.333333130e-01, v21;
	v22 =	vadd.f32 $3.333333130e-01, v22  }
0x303: {  	v58 =	vmul.f32 $2.121944420e-04, v8;
	v27 =	vmul.f32 $2.121944420e-04, v16  }
0x304: {  	v21 =	vmul.f32 v21, v25;
	v22 =	vmul.f32 v22, v26  }
0x305: {  	v23 =	vmul.f32 $5.000000000e-01, v23  }
0x306: {  	v24 =	vmul.f32 $5.000000000e-01, v24;
	v21 =	vsub.f32 v21, v58;
	v22 =	vsub.f32 v22, v27;
	_ =	sdelay $0x1  }
0x307: {  	v21 =	vsub.f32 v21, v23;
	v22 =	vsub.f32 v22, v24  }
0x308: {  	v8 =	vmul.f32 $6.933593750e-01, v8  }
0x309: {  	v16 =	vmul.f32 $6.933593750e-01, v16;
	v4 =	vadd.f32 v21, v4;
	v5 =	vadd.f32 v22, v5;
	_ =	sdelay $0x1  }
0x30a: {  	v4 =	vadd.f32 v4, v8;
	v5 =	vadd.f32 v5, v16  }
0x30b: {  	v2 =	vmax.f32 v2, $0.0e+00;
	v1 =	vmax.f32 v1, $0.0e+00  }
0x30c: {  	v1 =	vadd.f32 v4, v1;
	v2 =	vadd.f32 v5, v2;
	_ =	sdelay $0x1  }
0x30d: {  	v1 =	vadd.f32 $9.999999970e-07, v1;
	v2 =	vadd.f32 $9.999999970e-07, v2;
	_ =	sdelay $0x1  }
0x30e: {  	v4 =	vmul.f32 v2, v1;
	_ =	sdelay $0x1  }
0x30f: {  	v5 =	vand.u32 $0x7FFFFF, v4  }
0x310: {  	v5 =	vor.u32 $0x3F000000, v5  }
0x311: {  	vm0 =	vlt.f32 v5, $7.071067690e-01  }
0x312: {  	v8 =	vnsel vm0, $0x80000000, v5  }
0x313: {  	v5 =	vadd.f32 v5, v8;
	_ =	sdelay $0x1  }
0x314: {  	v5 =	vadd.f32 $-1.000000000e+00, v5;
	_ =	sdelay $0x1  }
0x315: {  	v8 =	vmul.f32 $7.037683580e-02, v5;
	_ =	sdelay $0x1  }
0x316: {  	v8 =	vadd.f32 $-1.151461010e-01, v8;
	_ =	sdelay $0x1  }
0x317: {  	v8 =	vmul.f32 v8, v5  }
0x318: {  	v16 =	vadd.f32 $1.167699840e-01, v20  }
0x319: {  	v8 =	vadd.f32 $1.167699840e-01, v8  }
0x31a: {  	v16 =	vmul.f32 v16, v3  }
0x31b: {  	v8 =	vmul.f32 v8, v5  }
0x31c: {  	v16 =	vadd.f32 $-1.242014100e-01, v16  }
0x31d: {  	v8 =	vadd.f32 $-1.242014100e-01, v8  }
0x31e: {  	v16 =	vmul.f32 v16, v3  }
0x31f: {  	v8 =	vmul.f32 v8, v5  }
0x320: {  	(erf) = vrcp.f32 v7;
	v16 =	vadd.f32 $1.424932330e-01, v16  }
0x321: {  	(erf) = vrcp.f32 v1;
	v1 =	vadd.f32 $1.424932330e-01, v8  }
0x322: {  	v7 =	vmul.f32 v16, v3  }
0x323: {  	v1 =	vmul.f32 v1, v5  }
0x324: {  	v7 =	vadd.f32 $-1.666805740e-01, v7  }
0x325: {  	v8 =	vsub.f32 v18, v19;
	v1 =	vadd.f32 $-1.666805740e-01, v1  }
0x326: {  	v6 =	vshra.s32 v6, $0x17;
	v7 =	vmul.f32 v7, v3  }
0x327: {  	v6 =	vadd.s32 v6, v12;
	[tilespmem:s23+$0x1000] =	vst v8;
	v1 =	vmul.f32 v1, v5  }
0x328: {  	v6 =	vcvt.s32.f32 v6;
	(erf) = vrcp.f32 v2;
	v7 =	vadd.f32 $2.000071410e-01, v7;
	v12 =	vld [tilespmem:s24+$0x800]  }
0x329: {  	v2 =	vsub.f32 v14, v15;
	v14 =	vmul.f32 $5.000000000e-01, v10;
	v16 =	vld [tilespmem:s24+$0xE00];
	v1 =	vadd.f32 $2.000071410e-01, v1  }
0x32a: {  	v10 =	vmul.f32 v10, v3;
	v7 =	vmul.f32 v7, v3;
	v8 =	vsub.f32 v11, v17;
	v17 =	vld [tilespmem:s24+$0x400]  }
0x32b: {  	v2 =	vsub.f32 v2, v9;
	v11 =	vmul.f32 v13, v13;
	v13 =	vpop (erf);
	v1 =	vmul.f32 v1, v5  }
0x32c: {  	v9 =	vmul.f32 $2.121944420e-04, v6;
	v4 =	vshra.s32 v4, $0x17;
	v7 =	vadd.f32 $-2.499999400e-01, v7;
	v15 =	vpop (erf)  }
0x32d: {  	v18 =	vsel vm0, $0xFFFFFF81, v0;
	v8 =	vmul.f32 v15, v8;
	v1 =	vadd.f32 $-2.499999400e-01, v1  }
0x32e: {  	v7 =	vmul.f32 v7, v3;
	v4 =	vadd.s32 v4, v18;
	v15 =	vmul.f32 v5, v5  }
0x32f: {  	v12 =	vmul.f32 v8, v12;
	v16 =	vsub.f32 v16, v17;
	v1 =	vmul.f32 v1, v5  }
0x330: {  	v7 =	vadd.f32 $3.333333130e-01, v7;
	v4 =	vcvt.s32.f32 v4;
	v2 =	vmul.f32 v2, v13  }
0x331: {  	v13 =	vmul.f32 v15, v5;
	v12 =	vsub.f32 v16, v12;
	v1 =	vadd.f32 $3.333333130e-01, v1  }
0x332: {  	v7 =	vmul.f32 v7, v10;
	v10 =	vpop (erf);
	v16 =	vmul.f32 $2.121944420e-04, v4  }
0x333: {  	v10 =	vmul.f32 v12, v10;
	v1 =	vmul.f32 v1, v13  }
0x334: {  	v7 =	vsub.f32 v7, v9;
	v2 =	vmul.f32 v2, v2;
	v9 =	vmul.f32 $5.000000000e-01, v15  }
0x335: {  	v8 =	vmul.f32 v8, v8;
	v10 =	vmul.f32 v10, v10;
	v1 =	vsub.f32 v1, v16  }
0x336: {  	v7 =	vsub.f32 v7, v14;
	v2 =	vadd.f32 v2, v11  }
0x337: {  	v8 =	vadd.f32 v10, v8;
	v1 =	vsub.f32 v1, v9  }
0x338: {  	v6 =	vmul.f32 $6.933593750e-01, v6;
	v3 =	vadd.f32 v7, v3;
	v2 =	vmul.f32 $5.000000000e-01, v2  }
0x339: {  	v4 =	vmul.f32 $6.933593750e-01, v4;
	v7 =	vmul.f32 $5.000000000e-01, v8;
	v1 =	vadd.f32 v1, v5  }
0x33a: {  	v3 =	vadd.f32 v3, v6;
	v2 =	vsub.f32 $-1.837877040e+00, v2  }
0x33b: {  	v5 =	vsub.f32 $-1.837877040e+00, v7;
	v1 =	vadd.f32 v1, v4  }
0x33c: {  	v2 =	vsub.f32 v2, v3  }
0x33d: {  	v1 =	vsub.f32 v5, v1  }
0x33e: {  	[tilespmem:s22+$0x1000] =	vst v2  }
0x33f: {  	[tilespmem:s24+$0x1000] =	vst v1  }
0x340: {  	_ =	swait.ge [sflag:s19], $0x80  }
0x341: {  	[sflag:s19] =	ssyncset.done $0x0  }
0x342: {  	[sflag:s19] =	ssyncadd.s32 $0xFFFFFF80  }
0x343: {  	_ =	swait.ge [sflag:s19], $0x80  }
0x344: {  	[sflag:s19] =	ssyncset.done $0x0  }
0x345: {  	[sflag:s19] =	ssyncadd.s32 $0xFFFFFF80  }
0x346: {  	_ =	swait.ge [sflag:s19], $0x80  }
0x347: {  	[sflag:s19] =	ssyncset.done $0x0  }
0x348: {  	s23 =	simm.s32 $0x180;
	[sflag:s19] =	ssyncadd.s32 $0xFFFFFF80  }
0x349: {  	v1 =	vld [tilespmem:s23+$0x600]  }
0x34a: {  	v2 =	vld [tilespmem:s23+$0xA00];
	_ =	sdelay $0x3  }
0x34b: {  	v3 =	vand.u32 $0x7FFFFFFF, v1  }
0x34c: {  	v4 =	vand.u32 $0x7FFFFFFF, v2;
	v3 =	vsub.f32 $0.0e+00, v3  }
0x34d: {  	v4 =	vsub.f32 $0.0e+00, v4  }
0x34e: {  	v3 =	vmul.f32 $1.442695020e+00, v3  }
0x34f: {  	v4 =	vmul.f32 $1.442695020e+00, v4  }
0x350: {  	(erf) = vpow2.f32 v3  }
0x351: {  	(erf) = vpow2.f32 v4;
	_ =	sdelay $0x7  }
0x352: {  	v3 =	vpop (erf)  }
0x353: {  	v5 =	vadd.f32 $1.000000000e+00, v3;
	v3 =	vpop (erf)  }
0x354: {  	v6 =	vadd.f32 $1.000000000e+00, v3  }
0x355: {  	v3 =	vand.u32 $0x7FFFFF, v5  }
0x356: {  	v3 =	vor.u32 $0x3F000000, v3;
	v4 =	vand.u32 $0x7FFFFF, v6  }
0x357: {  	vm1 =	vlt.f32 v3, $7.071067690e-01;
	v4 =	vor.u32 $0x3F000000, v4  }
0x358: {  	v7 =	vnsel vm1, $0x80000000, v3;
	vm10 =	vlt.f32 v4, $7.071067690e-01  }
0x359: {  	v3 =	vadd.f32 v3, v7;
	v7 =	vnsel vm10, $0x80000000, v4  }
0x35a: {  	v4 =	vadd.f32 v4, v7  }
0x35b: {  	v7 =	vadd.f32 $-1.000000000e+00, v3  }
0x35c: {  	v8 =	vadd.f32 $-1.000000000e+00, v4  }
0x35d: {  	v3 =	vmul.f32 $7.037683580e-02, v7  }
0x35e: {  	v4 =	vmul.f32 $7.037683580e-02, v8  }
0x35f: {  	v3 =	vadd.f32 $-1.151461010e-01, v3  }
0x360: {  	v4 =	vadd.f32 $-1.151461010e-01, v4  }
0x361: {  	v3 =	vmul.f32 v3, v7  }
0x362: {  	v4 =	vmul.f32 v4, v8  }
0x363: {  	v3 =	vadd.f32 $1.167699840e-01, v3  }
0x364: {  	v4 =	vadd.f32 $1.167699840e-01, v4  }
0x365: {  	v3 =	vmul.f32 v3, v7  }
0x366: {  	v4 =	vmul.f32 v4, v8  }
0x367: {  	v3 =	vadd.f32 $-1.242014100e-01, v3  }
0x368: {  	v4 =	vadd.f32 $-1.242014100e-01, v4  }
0x369: {  	v3 =	vmul.f32 v3, v7  }
0x36a: {  	v4 =	vmul.f32 v4, v8  }
0x36b: {  	s22 =	simm.s32 $0x190;
	v9 =	vadd.f32 $1.424932330e-01, v3  }
0x36c: {  	v3 =	vld [tilespmem:s22+$0x600];
	v4 =	vadd.f32 $1.424932330e-01, v4  }
0x36d: {  	v9 =	vmul.f32 v9, v7  }
0x36e: {  	v10 =	vmul.f32 v4, v8;
	v4 =	vld [tilespmem:s22+$0xA00]  }
0x36f: {  	v9 =	vadd.f32 $-1.666805740e-01, v9;
	_ =	sdelay $0x1  }
0x370: {  	v10 =	vadd.f32 $-1.666805740e-01, v10;
	v11 =	vand.u32 $0x7FFFFFFF, v3;
	v9 =	vmul.f32 v9, v7  }
0x371: {  	v11 =	vsub.f32 $0.0e+00, v11  }
0x372: {  	v10 =	vmul.f32 v10, v8;
	v12 =	vand.u32 $0x7FFFFFFF, v4;
	v9 =	vadd.f32 $2.000071410e-01, v9  }
0x373: {  	v5 =	vshra.s32 v5, $0x17;
	v12 =	vsub.f32 $0.0e+00, v12  }
0x374: {  	v11 =	vmul.f32 $1.442695020e+00, v11;
	v10 =	vadd.f32 $2.000071410e-01, v10;
	v9 =	vmul.f32 v9, v7  }
0x375: {  	v6 =	vshra.s32 v6, $0x17;
	v13 =	vsel vm1, $0xFFFFFF81, v0;
	v12 =	vmul.f32 $1.442695020e+00, v12  }
0x376: {  	(erf) = vpow2.f32 v11;
	v10 =	vmul.f32 v10, v8;
	v9 =	vadd.f32 $-2.499999400e-01, v9  }
0x377: {  	v5 =	vadd.s32 v5, v13;
	v11 =	vmul.f32 v7, v7;
	(erf) = vpow2.f32 v12  }
0x378: {  	v10 =	vadd.f32 $-2.499999400e-01, v10;
	v12 =	vsel vm10, $0xFFFFFF81, v0;
	v9 =	vmul.f32 v9, v7  }
0x379: {  	v5 =	vcvt.s32.f32 v5;
	v13 =	vmul.f32 v8, v8;
	v6 =	vadd.s32 v6, v12  }
0x37a: {  	v12 =	vmul.f32 v11, v7;
	v10 =	vmul.f32 v10, v8;
	v9 =	vadd.f32 $3.333333130e-01, v9  }
0x37b: {  	v14 =	vmul.f32 v13, v8;
	v6 =	vcvt.s32.f32 v6  }
0x37c: {  	v10 =	vadd.f32 $3.333333130e-01, v10;
	v9 =	vmul.f32 v9, v12;
	v12 =	vmul.f32 $2.121944420e-04, v5;
	_ =	sdelay $0x1  }
0x37d: {  	v15 =	vmul.f32 $2.121944420e-04, v6;
	v10 =	vmul.f32 v10, v14  }
0x37e: {  	v11 =	vmul.f32 $5.000000000e-01, v11;
	v9 =	vsub.f32 v9, v12  }
0x37f: {  	v2 =	vmax.f32 v2, $0.0e+00;
	v13 =	vmul.f32 $5.000000000e-01, v13;
	v10 =	vsub.f32 v10, v15;
	v12 =	vpop (erf)  }
0x380: {  	v1 =	vmax.f32 v1, $0.0e+00;
	v9 =	vsub.f32 v9, v11;
	v12 =	vadd.f32 $1.000000000e+00, v12;
	v14 =	vpop (erf)  }
0x381: {  	v6 =	vmul.f32 $6.933593750e-01, v6;
	v10 =	vsub.f32 v10, v13;
	v11 =	vadd.f32 $1.000000000e+00, v14  }
0x382: {  	v5 =	vmul.f32 $6.933593750e-01, v5;
	v7 =	vadd.f32 v9, v7;
	v13 =	vand.u32 $0x7FFFFF, v12  }
0x383: {  	v8 =	vadd.f32 v10, v8;
	v9 =	vor.u32 $0x3F000000, v13;
	v13 =	vand.u32 $0x7FFFFF, v11  }
0x384: {  	v5 =	vadd.f32 v7, v5;
	vm2 =	vlt.f32 v9, $7.071067690e-01;
	v10 =	vor.u32 $0x3F000000, v13  }
0x385: {  	v6 =	vadd.f32 v8, v6;
	v7 =	vnsel vm2, $0x80000000, v9;
	vm11 =	vlt.f32 v10, $7.071067690e-01  }
0x386: {  	v1 =	vadd.f32 v5, v1;
	v7 =	vadd.f32 v9, v7;
	v8 =	vnsel vm11, $0x80000000, v10  }
0x387: {  	v14 =	vld [tilespmem:s23+$0x200];
	v2 =	vadd.f32 v6, v2;
	v5 =	vadd.f32 v10, v8  }
0x388: {  	v13 =	vld [tilespmem:s23+$0xC00];
	v1 =	vadd.f32 $9.999999970e-07, v1;
	v6 =	vadd.f32 $-1.000000000e+00, v7  }
0x389: {  	v7 =	vadd.f32 $9.999999970e-07, v2;
	v5 =	vadd.f32 $-1.000000000e+00, v5  }
0x38a: {  	(erf) = vrcp.f32 v1;
	v2 =	vmul.f32 $7.037683580e-02, v6  }
0x38b: {  	v9 =	vmul.f32 v7, v1;
	v8 =	vmul.f32 $7.037683580e-02, v5  }
0x38c: {  	v12 =	vshra.s32 v12, $0x17;
	v15 =	vsel vm2, $0xFFFFFF81, v0;
	v2 =	vadd.f32 $-1.151461010e-01, v2  }
0x38d: {  	v13 =	vsub.f32 v13, v14;
	v10 =	vand.u32 $0x7FFFFF, v9;
	v8 =	vadd.f32 $-1.151461010e-01, v8  }
0x38e: {  	(erf) = vrcp.f32 v7;
	v1 =	vmul.f32 v2, v6;
	v2 =	vor.u32 $0x3F000000, v10  }
0x38f: {  	v59 =	vmul.f32 v5, v5;
	v8 =	vmul.f32 v8, v5;
	vm12 =	vlt.f32 v2, $7.071067690e-01  }
0x390: {  	v9 =	vshra.s32 v9, $0x17;
	v1 =	vadd.f32 $1.167699840e-01, v1;
	v10 =	vnsel vm12, $0x80000000, v2  }
0x391: {  	v21 =	vsel vm12, $0xFFFFFF81, v0;
	v8 =	vadd.f32 $1.167699840e-01, v8;
	v2 =	vadd.f32 v2, v10  }
0x392: {  	v61 =	vmul.f32 v59, v5;
	v9 =	vadd.s32 v9, v21;
	v1 =	vmul.f32 v1, v6  }
0x393: {  	v16 =	vld [tilespmem:s23+$0x800];
	v9 =	vcvt.s32.f32 v9;
	v8 =	vmul.f32 v8, v5;
	v10 =	vadd.f32 $-1.000000000e+00, v2  }
0x394: {  	v14 =	vpop (erf);
	v2 =	vshra.s32 v11, $0x17;
	v11 =	vadd.s32 v12, v15;
	v1 =	vadd.f32 $-1.242014100e-01, v1  }
0x395: {  	v17 =	vld [tilespmem:s23+$0x400];
	v13 =	vmul.f32 v14, v13;
	v8 =	vadd.f32 $-1.242014100e-01, v8;
	v18 =	vmul.f32 $7.037683580e-02, v10  }
0x396: {  	v19 =	vld [tilespmem:s22+$0x200];
	v12 =	vsel vm11, $0xFFFFFF81, v0;
	v11 =	vcvt.s32.f32 v11;
	v1 =	vmul.f32 v1, v6  }
0x397: {  	s24 =	simm.s32 $0x1A0;
	v15 =	vld [tilespmem:s23+$0xE00];
	v2 =	vadd.s32 v2, v12;
	v8 =	vmul.f32 v8, v5;
	v18 =	vadd.f32 $-1.151461010e-01, v18  }
0x398: {  	v20 =	vcvt.s32.f32 v2;
	v16 =	vmul.f32 v13, v16;
	v2 =	vadd.f32 $1.424932330e-01, v1;
	v1 =	vld [tilespmem:s24+$0x600]  }
0x399: {  	v12 =	vld [tilespmem:s22+$0xC00];
	v13 =	vmul.f32 v13, v13;
	v8 =	vadd.f32 $1.424932330e-01, v8;
	v14 =	vmul.f32 v18, v10  }
0x39a: {  	v23 =	vmul.f32 $6.933593750e-01, v11;
	v22 =	vmul.f32 v2, v6;
	v2 =	vld [tilespmem:s24+$0xA00]  }
0x39b: {  	v11 =	vmul.f32 $2.121944420e-04, v11;
	v8 =	vmul.f32 v8, v5;
	v14 =	vadd.f32 $1.167699840e-01, v14  }
0x39c: {  	v15 =	vsub.f32 v15, v17;
	v18 =	vmul.f32 v10, v10;
	v17 =	vadd.f32 $-1.666805740e-01, v22  }
0x39d: {  	v8 =	vadd.f32 $-1.666805740e-01, v8;
	v14 =	vmul.f32 v14, v10;
	v22 =	vand.u32 $0x7FFFFFFF, v1  }
0x39e: {  	v12 =	vsub.f32 v12, v19;
	v17 =	vmul.f32 v17, v6;
	v7 =	vsub.f32 $0.0e+00, v22  }
0x39f: {  	v8 =	vmul.f32 v8, v5;
	v14 =	vadd.f32 $-1.242014100e-01, v14;
	v22 =	vand.u32 $0x7FFFFFFF, v2  }
0x3a0: {  	v19 =	vmul.f32 $2.121944420e-04, v20;
	v17 =	vadd.f32 $2.000071410e-01, v17;
	v22 =	vsub.f32 $0.0e+00, v22  }
0x3a1: {  	v7 =	vmul.f32 $1.442695020e+00, v7;
	v8 =	vadd.f32 $2.000071410e-01, v8;
	v14 =	vmul.f32 v14, v10  }
0x3a2: {  	v17 =	vmul.f32 v17, v6;
	v22 =	vmul.f32 $1.442695020e+00, v22  }
0x3a3: {  	(erf) = vpow2.f32 v7;
	v8 =	vmul.f32 v8, v5  }
0x3a4: {  	v14 =	vadd.f32 $1.424932330e-01, v14;
	v7 =	vadd.f32 $-2.499999400e-01, v17;
	(erf) = vpow2.f32 v22  }
0x3a5: {  	v15 =	vsub.f32 v15, v16;
	v22 =	vmul.f32 v6, v6;
	v8 =	vadd.f32 $-2.499999400e-01, v8  }
0x3a6: {  	v21 =	vpop (erf);
	v14 =	vmul.f32 v14, v10;
	v7 =	vmul.f32 v7, v6  }
0x3a7: {  	v15 =	vmul.f32 v15, v21;
	v8 =	vmul.f32 v8, v5  }
0x3a8: {  	v60 =	vmul.f32 v22, v6;
	v14 =	vadd.f32 $-1.666805740e-01, v14;
	v7 =	vadd.f32 $3.333333130e-01, v7  }
0x3a9: {  	v20 =	vmul.f32 $6.933593750e-01, v20;
	v15 =	vmul.f32 v15, v15;
	v8 =	vadd.f32 $3.333333130e-01, v8  }
0x3aa: {  	v3 =	vmax.f32 v3, $0.0e+00;
	v14 =	vmul.f32 v14, v10;
	v7 =	vmul.f32 v7, v60  }
0x3ab: {  	v4 =	vmax.f32 v4, $0.0e+00;
	v17 =	vmul.f32 $5.000000000e-01, v18;
	v8 =	vmul.f32 v8, v61  }
0x3ac: {  	v14 =	vadd.f32 $2.000071410e-01, v14;
	v16 =	vpop (erf);
	v7 =	vsub.f32 v7, v11;
	v11 =	vmul.f32 $5.000000000e-01, v22  }
0x3ad: {  	v16 =	vadd.f32 $1.000000000e+00, v16;
	v8 =	vsub.f32 v8, v19;
	v19 =	vmul.f32 $5.000000000e-01, v59;
	v62 =	vpop (erf)  }
0x3ae: {  	v7 =	vsub.f32 v7, v11;
	v11 =	vmul.f32 v14, v10;
	v14 =	vadd.f32 $1.000000000e+00, v62  }
0x3af: {  	v8 =	vsub.f32 v8, v19;
	v19 =	vshra.s32 v16, $0x17;
	v16 =	vand.u32 $0x7FFFFF, v16  }
0x3b0: {  	v6 =	vadd.f32 v7, v6;
	v7 =	vor.u32 $0x3F000000, v16;
	v16 =	vand.u32 $0x7FFFFF, v14  }
0x3b1: {  	v5 =	vadd.f32 v8, v5;
	vm13 =	vlt.f32 v7, $7.071067690e-01;
	v8 =	vor.u32 $0x3F000000, v16  }
0x3b2: {  	v6 =	vadd.f32 v6, v23;
	v16 =	vnsel vm13, $0x80000000, v7;
	vm14 =	vlt.f32 v8, $7.071067690e-01  }
0x3b3: {  	v5 =	vadd.f32 v5, v20;
	v7 =	vadd.f32 v7, v16;
	v16 =	vnsel vm14, $0x80000000, v8  }
0x3b4: {  	v18 =	vmul.f32 v18, v10;
	v3 =	vadd.f32 v6, v3;
	v6 =	vadd.f32 v8, v16  }
0x3b5: {  	v8 =	vadd.f32 v5, v4;
	v5 =	vsel vm13, $0xFFFFFF81, v0;
	v4 =	vadd.f32 $-1.000000000e+00, v7  }
0x3b6: {  	v3 =	vadd.f32 $9.999999970e-07, v3;
	v16 =	vadd.s32 v19, v5;
	v5 =	vadd.f32 $-1.000000000e+00, v6  }
0x3b7: {  	v22 =	vmul.f32 $6.933593750e-01, v9;
	v7 =	vadd.f32 $9.999999970e-07, v8;
	v8 =	vmul.f32 $7.037683580e-02, v4  }
0x3b8: {  	v11 =	vadd.f32 $-2.499999400e-01, v11;
	(erf) = vrcp.f32 v3;
	v20 =	vmul.f32 $7.037683580e-02, v5  }
0x3b9: {  	v9 =	vmul.f32 $2.121944420e-04, v9;
	v6 =	vmul.f32 v7, v3;
	v3 =	vadd.f32 $-1.151461010e-01, v8  }
0x3ba: {  	v11 =	vmul.f32 v11, v10;
	v8 =	vcvt.s32.f32 v16;
	v16 =	vadd.f32 $-1.151461010e-01, v20  }
0x3bb: {  	v14 =	vshra.s32 v14, $0x17;
	v20 =	vand.u32 $0x7FFFFF, v6;
	v3 =	vmul.f32 v3, v4  }
0x3bc: {  	v11 =	vadd.f32 $3.333333130e-01, v11;
	v20 =	vor.u32 $0x3F000000, v20;
	v16 =	vmul.f32 v16, v5  }
0x3bd: {  	v19 =	vsel vm14, $0xFFFFFF81, v0;
	vm15 =	vlt.f32 v20, $7.071067690e-01;
	v3 =	vadd.f32 $1.167699840e-01, v3  }
0x3be: {  	v11 =	vmul.f32 v11, v18;
	v21 =	vnsel vm15, $0x80000000, v20;
	v16 =	vadd.f32 $1.167699840e-01, v16  }
0x3bf: {  	v14 =	vadd.s32 v14, v19;
	v19 =	vadd.f32 v20, v21;
	v20 =	vmul.f32 v3, v4  }
0x3c0: {  	v15 =	vadd.f32 v15, v13;
	v18 =	vld [tilespmem:s22+$0x800];
	v9 =	vsub.f32 v11, v9;
	v11 =	vmul.f32 v16, v5  }
0x3c1: {  	v16 =	vcvt.s32.f32 v14;
	v3 =	vadd.f32 $-1.000000000e+00, v19;
	v13 =	vpop (erf);
	v19 =	vadd.f32 $-1.242014100e-01, v20  }
0x3c2: {  	v14 =	vld [tilespmem:s22+$0xE00];
	v13 =	vmul.f32 v13, v12;
	v12 =	vsub.f32 v9, v17;
	v11 =	vadd.f32 $-1.242014100e-01, v11  }
0x3c3: {  	v20 =	vmul.f32 $5.000000000e-01, v15;
	v15 =	vld [tilespmem:s22+$0x400];
	v17 =	vmul.f32 $7.037683580e-02, v3  }
0x3c4: {  	v19 =	vmul.f32 v19, v4;
	v12 =	vadd.f32 v12, v10;
	v23 =	vmul.f32 v11, v5;
	v11 =	vld [tilespmem:s24+$0xC00]  }
0x3c5: {  	v9 =	vmul.f32 v13, v18;
	v18 =	vsub.f32 $-1.837877040e+00, v20;
	v63 =	vadd.f32 $-1.151461010e-01, v17;
	v17 =	vld [tilespmem:s24+$0x200]  }
0x3c6: {  	v10 =	vmul.f32 v3, v3;
	v21 =	vadd.f32 $1.424932330e-01, v19;
	v19 =	vadd.f32 v12, v22  }
0x3c7: {  	s26 =	simm.s32 $0x6C0;
	v22 =	vadd.f32 $1.424932330e-01, v23;
	v12 =	vsel vm15, $0xFFFFFF81, v0;
	v20 =	vmul.f32 v63, v3  }
.LBB2_8:
0x3c8: {  	s28 =	sshra.s32 s26, $0x2;
	p0 =	sne.s32 s26, $0x7C0;
	s26 =	sadd.s32 $0x40, s26;
	v18 =	vsub.f32 v18, v19  }
0x3c9: {  	v21 =	vmul.f32 v21, v4;
	v19 =	vld [tilespmem:s28+$0x600];
	v22 =	vmul.f32 v22, v5;
	v20 =	vadd.f32 $1.167699840e-01, v20  }
0x3ca: {  	v24 =	vmul.f32 $6.933593750e-01, v8;
	v14 =	vsub.f32 v14, v15;
	v23 =	vld [tilespmem:s28+$0xA00];
	v11 =	vsub.f32 v11, v17;
	[tilespmem:s23+$0x1000] =	vst v18;
	s23 =	smov.u32 s22;
	s22 =	smov.u32 s24;
	s24 =	smov.u32 s28  }
0x3cb: {  	v15 =	vadd.f32 $-1.666805740e-01, v21;
	v17 =	vadd.f32 $-1.666805740e-01, v22;
	v18 =	vmul.f32 v20, v3  }
0x3cc: {  	v21 =	vmul.f32 $2.121944420e-04, v16;
	v16 =	vmul.f32 $6.933593750e-01, v16;
	v20 =	vmax.f32 v2, $0.0e+00  }
0x3cd: {  	v25 =	vmul.f32 v15, v4;
	v15 =	vmul.f32 v17, v5;
	v17 =	vadd.f32 $-1.242014100e-01, v18  }
0x3ce: {  	v13 =	vmul.f32 v13, v13;
	v18 =	vand.u32 $0x7FFFFFFF, v19;
	(erf) = vrcp.f32 v7  }
0x3cf: {  	v22 =	vadd.f32 $2.000071410e-01, v25;
	v7 =	vsub.f32 $0.0e+00, v18;
	v18 =	vand.u32 $0x7FFFFFFF, v23;
	v2 =	vmovc v23  }
0x3d0: {  	v15 =	vadd.f32 $2.000071410e-01, v15;
	v17 =	vmul.f32 v17, v3;
	v18 =	vsub.f32 $0.0e+00, v18  }
0x3d1: {  	v23 =	vmax.f32 v1, $0.0e+00;
	v1 =	vmovc v19;
	v22 =	vmul.f32 v22, v4;
	v7 =	vmul.f32 $1.442695020e+00, v7  }
0x3d2: {  	v15 =	vmul.f32 v15, v5;
	v17 =	vadd.f32 $1.424932330e-01, v17;
	v18 =	vmul.f32 $1.442695020e+00, v18  }
0x3d3: {  	v19 =	vmul.f32 $5.000000000e-01, v10;
	(erf) = vpow2.f32 v7;
	v7 =	vadd.f32 $-2.499999400e-01, v22  }
0x3d4: {  	v15 =	vadd.f32 $-2.499999400e-01, v15;
	v17 =	vmul.f32 v17, v3;
	(erf) = vpow2.f32 v18  }
0x3d5: {  	v6 =	vshra.s32 v6, $0x17;
	v18 =	vmul.f32 v4, v4;
	v7 =	vmul.f32 v7, v4  }
0x3d6: {  	v22 =	vmul.f32 v5, v5;
	v15 =	vmul.f32 v15, v5;
	v17 =	vadd.f32 $-1.666805740e-01, v17  }
0x3d7: {  	v10 =	vmul.f32 v10, v3;
	v25 =	vmul.f32 v18, v4;
	v7 =	vadd.f32 $3.333333130e-01, v7;
	v26 =	vpop (erf)  }
0x3d8: {  	v27 =	vmul.f32 v22, v5;
	v15 =	vadd.f32 $3.333333130e-01, v15;
	v17 =	vmul.f32 v17, v3  }
0x3d9: {  	v8 =	vmul.f32 $2.121944420e-04, v8;
	v6 =	vadd.s32 v6, v12;
	v7 =	vmul.f32 v7, v25  }
0x3da: {  	v6 =	vcvt.s32.f32 v6;
	v12 =	vmul.f32 v15, v27;
	v15 =	vadd.f32 $2.000071410e-01, v17  }
0x3db: {  	v9 =	vsub.f32 v14, v9;
	v7 =	vsub.f32 v7, v8;
	v8 =	vmul.f32 $5.000000000e-01, v18  }
0x3dc: {  	v17 =	vmul.f32 $5.000000000e-01, v22;
	v22 =	vmul.f32 $6.933593750e-01, v6;
	v12 =	vsub.f32 v12, v21;
	v14 =	vpop (erf)  }
0x3dd: {  	v14 =	vadd.f32 $1.000000000e+00, v14;
	v18 =	vpop (erf);
	v7 =	vsub.f32 v7, v8;
	v8 =	vmul.f32 v15, v3  }
0x3de: {  	v12 =	vsub.f32 v12, v17;
	v17 =	vmul.f32 $2.121944420e-04, v6;
	v15 =	vadd.f32 $1.000000000e+00, v18  }
0x3df: {  	v6 =	vshra.s32 v14, $0x17;
	v14 =	vand.u32 $0x7FFFFF, v14;
	v4 =	vadd.f32 v7, v4  }
0x3e0: {  	v5 =	vadd.f32 v12, v5;
	v7 =	vor.u32 $0x3F000000, v14;
	v14 =	vand.u32 $0x7FFFFF, v15  }
0x3e1: {  	vm0 =	vlt.f32 v7, $7.071067690e-01;
	v12 =	vor.u32 $0x3F000000, v14;
	v4 =	vadd.f32 v4, v24  }
0x3e2: {  	v5 =	vadd.f32 v5, v16;
	v14 =	vnsel vm0, $0x80000000, v7;
	vm1 =	vlt.f32 v12, $7.071067690e-01  }
0x3e3: {  	v7 =	vadd.f32 v7, v14;
	v14 =	vnsel vm1, $0x80000000, v12;
	v16 =	vadd.f32 v4, v23  }
0x3e4: {  	v15 =	vshra.s32 v15, $0x17;
	v12 =	vadd.f32 v12, v14;
	v14 =	vadd.f32 v5, v20  }
0x3e5: {  	v5 =	vsel vm0, $0xFFFFFF81, v0;
	v4 =	vadd.f32 $-1.000000000e+00, v7;
	v16 =	vadd.f32 $9.999999970e-07, v16  }
0x3e6: {  	v18 =	vadd.s32 v6, v5;
	v5 =	vadd.f32 $-1.000000000e+00, v12;
	v7 =	vadd.f32 $9.999999970e-07, v14  }
0x3e7: {  	v8 =	vadd.f32 $-2.499999400e-01, v8;
	v12 =	vmul.f32 $7.037683580e-02, v4;
	(erf) = vrcp.f32 v16  }
0x3e8: {  	v14 =	vsel vm1, $0xFFFFFF81, v0;
	v20 =	vmul.f32 $7.037683580e-02, v5;
	v6 =	vmul.f32 v7, v16  }
0x3e9: {  	v9 =	vmul.f32 v9, v26;
	v16 =	vmul.f32 v8, v3;
	v12 =	vadd.f32 $-1.151461010e-01, v12  }
0x3ea: {  	v8 =	vcvt.s32.f32 v18;
	v18 =	vadd.f32 $-1.151461010e-01, v20;
	v20 =	vand.u32 $0x7FFFFF, v6  }
0x3eb: {  	v16 =	vadd.f32 $3.333333130e-01, v16;
	v12 =	vmul.f32 v12, v4;
	v20 =	vor.u32 $0x3F000000, v20  }
0x3ec: {  	v9 =	vmul.f32 v9, v9;
	v18 =	vmul.f32 v18, v5;
	vm0 =	vlt.f32 v20, $7.071067690e-01  }
0x3ed: {  	v10 =	vmul.f32 v16, v10;
	v12 =	vadd.f32 $1.167699840e-01, v12;
	v21 =	vnsel vm0, $0x80000000, v20  }
0x3ee: {  	v14 =	vadd.s32 v15, v14;
	v15 =	vadd.f32 $1.167699840e-01, v18;
	v18 =	vld [tilespmem:s22+$0x800];
	v20 =	vadd.f32 v20, v21  }
0x3ef: {  	v9 =	vadd.f32 v9, v13;
	v10 =	vsub.f32 v10, v17;
	v12 =	vmul.f32 v12, v4  }
0x3f0: {  	v16 =	vcvt.s32.f32 v14;
	v15 =	vmul.f32 v15, v5;
	v20 =	vadd.f32 $-1.000000000e+00, v20;
	v13 =	vpop (erf)  }
0x3f1: {  	v10 =	vsub.f32 v10, v19;
	v12 =	vadd.f32 $-1.242014100e-01, v12;
	v14 =	vld [tilespmem:s22+$0xE00];
	v13 =	vmul.f32 v13, v11  }
.Ltmp3:
0x3f2: {  	v23 =	vmul.f32 $5.000000000e-01, v9;
	v19 =	vadd.f32 $-1.242014100e-01, v15;
	v15 =	vld [tilespmem:s22+$0x400];
	v21 =	vmul.f32 $7.037683580e-02, v20;
	(pc) =	sbr.rel @p0 .LBB2_8-.Ltmp3, $4  }
0x3f3: {  	v24 =	vadd.f32 v10, v3;
	v3 =	vmovc v20;
	v11 =	vld [tilespmem:s24+$0xC00];
	v12 =	vmul.f32 v12, v4;
	v9 =	vmul.f32 v13, v18  }
0x3f4: {  	v18 =	vsub.f32 $-1.837877040e+00, v23;
	v17 =	vld [tilespmem:s24+$0x200];
	v25 =	vmul.f32 v19, v5;
	v26 =	vadd.f32 $-1.151461010e-01, v21  }
0x3f5: {  	v10 =	vmul.f32 v20, v3;
	v19 =	vadd.f32 v24, v22;
	v21 =	vadd.f32 $1.424932330e-01, v12  }
0x3f6: {  	v12 =	vsel vm0, $0xFFFFFF81, v0;
	v22 =	vadd.f32 $1.424932330e-01, v25;
	v20 =	vmul.f32 v26, v3  }
0x3f7: {  	_ = 	snop  }
0x3f8: {  	v21 =	vmul.f32 v21, v4;
	v22 =	vmul.f32 v22, v5;
	_ =	sdelay $0x1  }
0x3f9: {  	v21 =	vadd.f32 $-1.666805740e-01, v21;
	v22 =	vadd.f32 $-1.666805740e-01, v22;
	_ =	sdelay $0x1  }
0x3fa: {  	v21 =	vmul.f32 v21, v4;
	v22 =	vmul.f32 v22, v5;
	_ =	sdelay $0x1  }
0x3fb: {  	v21 =	vadd.f32 $2.000071410e-01, v21;
	v22 =	vadd.f32 $2.000071410e-01, v22;
	_ =	sdelay $0x1  }
0x3fc: {  	v21 =	vmul.f32 v21, v4;
	v22 =	vmul.f32 v22, v5;
	_ =	sdelay $0x1  }
0x3fd: {  	v21 =	vadd.f32 $-2.499999400e-01, v21;
	v22 =	vadd.f32 $-2.499999400e-01, v22  }
0x3fe: {  	v23 =	vmul.f32 v4, v4;
	v24 =	vmul.f32 v5, v5  }
0x3ff: {  	v21 =	vmul.f32 v21, v4;
	v22 =	vmul.f32 v22, v5  }
0x400: {  	v25 =	vmul.f32 v23, v4  }
0x401: {  	v26 =	vmul.f32 v24, v5;
	v21 =	vadd.f32 $3.333333130e-01, v21;
	v22 =	vadd.f32 $3.333333130e-01, v22  }
0x402: {  	v34 =	vmul.f32 $2.121944420e-04, v8;
	v35 =	vmul.f32 $2.121944420e-04, v16  }
0x403: {  	v21 =	vmul.f32 v21, v25;
	v22 =	vmul.f32 v22, v26  }
0x404: {  	v23 =	vmul.f32 $5.000000000e-01, v23  }
0x405: {  	v24 =	vmul.f32 $5.000000000e-01, v24;
	v21 =	vsub.f32 v21, v34;
	v22 =	vsub.f32 v22, v35;
	_ =	sdelay $0x1  }
0x406: {  	v21 =	vsub.f32 v21, v23;
	v22 =	vsub.f32 v22, v24  }
0x407: {  	v36 =	vmul.f32 $6.933593750e-01, v8  }
0x408: {  	v37 =	vmul.f32 $6.933593750e-01, v16;
	v38 =	vadd.f32 v21, v4;
	v39 =	vadd.f32 v22, v5;
	_ =	sdelay $0x1  }
0x409: {  	v4 =	vadd.f32 v38, v36;
	v5 =	vadd.f32 v39, v37  }
0x40a: {  	v2 =	vmax.f32 v2, $0.0e+00;
	v1 =	vmax.f32 v1, $0.0e+00  }
0x40b: {  	v1 =	vadd.f32 v4, v1;
	v2 =	vadd.f32 v5, v2;
	_ =	sdelay $0x1  }
0x40c: {  	v1 =	vadd.f32 $9.999999970e-07, v1;
	v2 =	vadd.f32 $9.999999970e-07, v2;
	_ =	sdelay $0x1  }
0x40d: {  	v40 =	vmul.f32 v2, v1;
	_ =	sdelay $0x1  }
0x40e: {  	v41 =	vand.u32 $0x7FFFFF, v40  }
0x40f: {  	v5 =	vor.u32 $0x3F000000, v41  }
0x410: {  	vm0 =	vlt.f32 v5, $7.071067690e-01  }
0x411: {  	v42 =	vnsel vm0, $0x80000000, v5  }
0x412: {  	v5 =	vadd.f32 v5, v42;
	_ =	sdelay $0x1  }
0x413: {  	v5 =	vadd.f32 $-1.000000000e+00, v5;
	_ =	sdelay $0x1  }
0x414: {  	v43 =	vmul.f32 $7.037683580e-02, v5;
	_ =	sdelay $0x1  }
0x415: {  	v8 =	vadd.f32 $-1.151461010e-01, v43;
	_ =	sdelay $0x1  }
0x416: {  	v44 =	vadd.f32 $1.167699840e-01, v20;
	v8 =	vmul.f32 v8, v5;
	_ =	sdelay $0x1  }
0x417: {  	v16 =	vmul.f32 v44, v3;
	v8 =	vadd.f32 $1.167699840e-01, v8;
	_ =	sdelay $0x1  }
0x418: {  	v16 =	vadd.f32 $-1.242014100e-01, v16;
	v8 =	vmul.f32 v8, v5;
	_ =	sdelay $0x1  }
0x419: {  	v16 =	vmul.f32 v16, v3;
	v8 =	vadd.f32 $-1.242014100e-01, v8;
	_ =	sdelay $0x1  }
0x41a: {  	v16 =	vadd.f32 $1.424932330e-01, v16;
	v8 =	vmul.f32 v8, v5  }
0x41b: {  	(erf) = vrcp.f32 v7  }
0x41c: {  	v45 =	vmul.f32 v16, v3;
	(erf) = vrcp.f32 v1;
	v1 =	vadd.f32 $1.424932330e-01, v8;
	_ =	sdelay $0x1  }
0x41d: {  	v46 =	vsub.f32 v18, v19;
	v7 =	vadd.f32 $-1.666805740e-01, v45;
	v1 =	vmul.f32 v1, v5;
	_ =	sdelay $0x1  }
0x41e: {  	[tilespmem:s23+$0x1000] =	vst v46;
	v7 =	vmul.f32 v7, v3;
	v1 =	vadd.f32 $-1.666805740e-01, v1  }
0x41f: {  	v51 =	vld [tilespmem:s24+$0xE00]  }
0x420: {  	v6 =	vshra.s32 v6, $0x17;
	v53 =	vld [tilespmem:s24+$0x400];
	v7 =	vadd.f32 $2.000071410e-01, v7;
	v1 =	vmul.f32 v1, v5  }
0x421: {  	v48 =	vmul.f32 v13, v13;
	v52 =	vmul.f32 $5.000000000e-01, v10;
	v6 =	vadd.s32 v6, v12  }
0x422: {  	v50 =	vpop (erf);
	v7 =	vmul.f32 v7, v3;
	(erf) = vrcp.f32 v2;
	v1 =	vadd.f32 $2.000071410e-01, v1  }
0x423: {  	v14 =	vsub.f32 v14, v15;
	v54 =	vmul.f32 v10, v3;
	v6 =	vcvt.s32.f32 v6;
	v49 =	vld [tilespmem:s24+$0x800]  }
0x424: {  	v47 =	vsub.f32 v11, v17;
	v7 =	vadd.f32 $-2.499999400e-01, v7;
	v1 =	vmul.f32 v1, v5  }
0x425: {  	v9 =	vsub.f32 v14, v9;
	v55 =	vmul.f32 $2.121944420e-04, v6;
	v16 =	vsub.f32 v51, v53;
	v2 =	vpop (erf)  }
0x426: {  	v7 =	vmul.f32 v7, v3;
	v2 =	vmul.f32 v2, v47;
	v1 =	vadd.f32 $-2.499999400e-01, v1  }
0x427: {  	v4 =	vshra.s32 v40, $0x17;
	v57 =	vsel vm0, $0xFFFFFF81, v0;
	v56 =	vmul.f32 v5, v5  }
0x428: {  	v4 =	vadd.s32 v4, v57;
	v12 =	vmul.f32 v2, v49;
	v1 =	vmul.f32 v1, v5  }
0x429: {  	v9 =	vmul.f32 v9, v50;
	v7 =	vadd.f32 $3.333333130e-01, v7;
	v4 =	vcvt.s32.f32 v4  }
0x42a: {  	v58 =	vmul.f32 v56, v5;
	v12 =	vsub.f32 v16, v12;
	v1 =	vadd.f32 $3.333333130e-01, v1  }
0x42b: {  	v7 =	vmul.f32 v7, v54;
	v59 =	vpop (erf);
	v60 =	vmul.f32 $2.121944420e-04, v4  }
0x42c: {  	v8 =	vmul.f32 v12, v59;
	v1 =	vmul.f32 v1, v58  }
0x42d: {  	v9 =	vmul.f32 v9, v9;
	v7 =	vsub.f32 v7, v55;
	v2 =	vmul.f32 v2, v2  }
0x42e: {  	v61 =	vmul.f32 $5.000000000e-01, v56;
	v8 =	vmul.f32 v8, v8;
	v1 =	vsub.f32 v1, v60  }
0x42f: {  	v9 =	vadd.f32 v9, v48;
	v7 =	vsub.f32 v7, v52  }
0x430: {  	v2 =	vadd.f32 v8, v2;
	v1 =	vsub.f32 v1, v61  }
0x431: {  	v6 =	vmul.f32 $6.933593750e-01, v6;
	v62 =	vmul.f32 $5.000000000e-01, v9;
	v3 =	vadd.f32 v7, v3  }
0x432: {  	v4 =	vmul.f32 $6.933593750e-01, v4;
	v2 =	vmul.f32 $5.000000000e-01, v2;
	v1 =	vadd.f32 v1, v5  }
0x433: {  	v63 =	vsub.f32 $-1.837877040e+00, v62;
	v3 =	vadd.f32 v3, v6  }
0x434: {  	v2 =	vsub.f32 $-1.837877040e+00, v2;
	v1 =	vadd.f32 v1, v4  }
0x435: {  	v3 =	vsub.f32 v63, v3  }
0x436: {  	s21 =	sadd.s32 $0x1, s21;
	v1 =	vsub.f32 v2, v1  }
0x437: {  	p0 =	sne.s32 s21, s12;
	[tilespmem:s22+$0x1000] =	vst v3  }
.Ltmp4:
0x438: {  	[tilespmem:s24+$0x1000] =	vst v1;
	(pc) =	sbr.rel @p0 .LBB2_1-.Ltmp4, $4  }
0x439: {  	[hbm4b:s11+s5] =	stream.linear.scatter [tilespmem:s20], [sflag:$0x6], $0x200, $0x38;
	[tilespmem:$0x1200] =	vst v63  }
0x43a: {  	_ =	swait.ge [sflag:s13], $0x200  }
0x43b: {  	[sflag:s13] =	ssyncset.done $0x0  }
0x43c: {  	[sflag:s13] =	ssyncadd.s32 $0xFFFFFE00  }
0x43d: {  	_ =	sfence.sel $0x180000  }
0x43e: {  	[bflag:$0x0] =	sbarrier.arrive $0xFFFF  }
0x43f: {  	_ =	strace $0x9000004A  }
0x440: {  	s0 =	stileid.u32;
	[bflag:$0x2] =	sbarrier.arrive $0xFFFF  }
0x441: {  	p0 =	sne.s32 s0, $0x0;
	s0 =	rddreg [dreg:$0x8]  }
0x442: {  	s0 =	sadd.s32 @!p0 $0x100000, s0  }
0x443: {  	[sflag:s0] =	ssyncadd.tile.s32 @!p0 $0x1;
	_ =	shalt  }
.Lfunc_end2:
_tile_overlayer_lowered:
.L_overlay_start_2:
0x444: {  	(tag) =	ssettag $0x2  }
0x445: {  	s0 =	rddreg [dreg:$0x0];
	s2 =	stileid.u32  }
0x446: {  	s1 =	rddreg [dreg:$0x1];
	p0 =	sne.s32 s2, $0x0  }
0x447: {  	s3 =	rddreg [dreg:$0x2];
	[bflag:$0x3] =	sbarrier.arrive $0xFFFF;
	s2 =	simm.s32 @!p0 $0x1C06  }
0x448: {  	[timem:s3], [sflag:s2] =	dma.local @!p0 [hbm:s0], s1  }
0x449: {  	s0 =	simm.s32 @!p0 $0x6  }
0x44a: {  	_ =	swait.ge @!p0 [sflag:s0], s1  }
0x44b: {  	s1 =	ssub.s32 @!p0 $0x0, s1;
	[sflag:s0] =	ssyncset.done @!p0 $0x0  }
0x44c: {  	[sflag:s0] =	ssyncadd.s32 @!p0 s1  }
0x44d: {  	[bflag:$0x3] =	sbarrier.arrive $0xFFFF  }
0x44e: {  	_ =	shalt  }

</sc_bundles>
